<compile_context>
chip_gen: v7x
topology: tpu7x:2x2x1
jax: 0.10.2.dev20260603
libtpu: 0.0.44.dev20260713+nightly
codegen_flags: <defaults>
</compile_context>

<pallas_src>
import functools

import jax
import jax.numpy as jnp
from jax import lax
from jax.experimental import pallas as pl
from jax.experimental.pallas import tpu as pltpu
from jax.experimental.pallas import tpu_sc as plsc

N_NODES = 10000
C = 128
N_EDGES = 320000

NC = 2
NS = 16
NW = NC * NS

K_CHUNK = 80
N_PHASE = 2
E_HALF = N_EDGES // N_PHASE
N_CHUNKS = E_HALF // K_CHUNK
CHUNKS_PER_W = -(-N_CHUNKS // NW)

ZROWS = 80
N_ZCHUNKS = N_NODES // ZROWS
ZCHUNKS_PER_TILE = -(-N_ZCHUNKS // NS)



_BE = 16000


_DN = (((0,), (0,)), ((), ()))


def _edge_weights_body(rt_ref, yt_ref, wr_ref, wy_ref, o_ref):
    kr = lax.dot_general(rt_ref[...], wr_ref[...], _DN,
                         preferred_element_type=jnp.float32)
    ky = lax.dot_general(yt_ref[...], wy_ref[...], _DN,
                         preferred_element_type=jnp.float32)
    o_ref[...] = kr * ky


def _edge_weights(RT, YT, W_R, W_Y, half):
    n_radial = RT.shape[0]
    n_sh = YT.shape[0]
    hb = E_HALF // _BE
    return pl.pallas_call(
        _edge_weights_body,
        grid=(hb,),
        in_specs=[
            pl.BlockSpec((n_radial, _BE), lambda i: (0, half * hb + i)),
            pl.BlockSpec((n_sh, _BE), lambda i: (0, half * hb + i)),
            pl.BlockSpec((n_radial, C), lambda i: (0, 0)),
            pl.BlockSpec((n_sh, C), lambda i: (0, 0)),
        ],
        out_specs=pl.BlockSpec((_BE, C), lambda i: (i, 0)),
        out_shape=jax.ShapeDtypeStruct((E_HALF, C), jnp.float32),
    )(RT, YT, W_R, W_Y)



_sc_mesh = plsc.VectorSubcoreMesh(
    core_axis_name="c", subcore_axis_name="s", num_cores=NC, num_subcores=NS
)


@functools.partial(
    pl.kernel,
    out_type=jax.ShapeDtypeStruct((NC, N_NODES, C), jnp.float32),
    mesh=_sc_mesh,
    scratch_types=[
        pltpu.VMEM((2, K_CHUNK), jnp.int32),
        pltpu.VMEM((2, K_CHUNK), jnp.int32),
        pltpu.VMEM((2, K_CHUNK), jnp.int32),
        pltpu.VMEM((2, K_CHUNK, C), jnp.float32),
        pltpu.VMEM((2, K_CHUNK, C), jnp.float32),
        pltpu.VMEM_SHARED((N_NODES, C), jnp.float32),
        pltpu.SemaphoreType.DMA,
        pltpu.SemaphoreType.DMA,
        pltpu.SemaphoreType.DMA,
        pltpu.SemaphoreType.DMA,
        pltpu.SemaphoreType.DMA,
        pltpu.SemaphoreType.DMA,
        pltpu.SemaphoreType.DMA,
        pltpu.SemaphoreType.DMA,
    ],
)
def _sc_gather_scatter(feat_hbm, ker_hbm, ia_hbm, ib_hbm, out_hbm,
                       ib_v, ia_v, ia_sc, feat_v, ker_v, acc,
                       si0, si1, sg0, sg1, sk0, sk1, ss0, ss1):
    cid = lax.axis_index("c")
    sid = lax.axis_index("s")
    wid = cid * NS + sid

    s_idx = (si0, si1)
    s_gat = (sg0, sg1)
    s_ker = (sk0, sk1)
    s_sct = (ss0, ss1)

    def d_ib(b, chunk):
        return pltpu.make_async_copy(
            ib_hbm.at[pl.ds(chunk * K_CHUNK, K_CHUNK)], ib_v.at[b], s_idx[b])

    def d_ia(b, chunk):
        return pltpu.make_async_copy(
            ia_hbm.at[pl.ds(chunk * K_CHUNK, K_CHUNK)], ia_v.at[b], s_idx[b])

    def d_gat(b):
        return pltpu.make_async_copy(feat_hbm.at[ib_v.at[b]], feat_v.at[b],
                                     s_gat[b])

    def d_ker(b, chunk):
        return pltpu.make_async_copy(
            ker_hbm.at[pl.ds(chunk * K_CHUNK, K_CHUNK)], ker_v.at[b], s_ker[b])

    def d_sct(b):
        return pltpu.make_async_copy(ker_v.at[b], acc.at[ia_sc.at[b]],
                                     s_sct[b])

    zero16 = jnp.zeros((16,), jnp.float32)

    def _zrow(r, carry):
        for c8 in range(C // 16):
            feat_v[0, r, pl.ds(c8 * 16, 16)] = zero16
        return carry

    lax.fori_loop(0, ZROWS, _zrow, 0)

    def _zchunk(j, carry):
        zc = sid + j * NS

        @pl.when(zc < N_ZCHUNKS)
        def _():
            pltpu.sync_copy(
                feat_v.at[0, pl.ds(0, ZROWS)],
                acc.at[pl.ds(zc * ZROWS, ZROWS)],
            )

        return carry

    lax.fori_loop(0, ZCHUNKS_PER_TILE, _zchunk, 0)
    plsc.subcore_barrier()

    c0 = wid
    d_ib(0, c0).start()
    d_ia(0, c0).start()
    d_ib(0, c0).wait()
    d_ia(0, c0).wait()
    d_gat(0).start()
    d_ker(0, c0).start()

    @pl.when(c0 + NW < N_CHUNKS)
    def _():
        d_ib(1, c0 + NW).start()
        d_ia(1, c0 + NW).start()

    def _step(i, s):
        o = 1 - s
        ci = wid + i * NW

        @pl.when(ci < N_CHUNKS)
        def _():
            cn = ci + NW
            cn2 = cn + NW
            d_gat(s).wait()
            d_ker(s, ci).wait()
            for g in range(K_CHUNK // 16):
                ia_sc[s, pl.ds(g * 16, 16)] = ia_v[s, pl.ds(g * 16, 16)]

            @pl.when(cn < N_CHUNKS)
            def _():
                d_ib(o, cn).wait()
                d_ia(o, cn).wait()

                @pl.when(i >= 1)
                def _():
                    d_sct(o).wait()

                d_gat(o).start()
                d_ker(o, cn).start()

            @pl.when(cn2 < N_CHUNKS)
            def _():
                d_ib(s, cn2).start()
                d_ia(s, cn2).start()

            def _row(r):
                for c8 in range(C // 16):
                    sl = pl.ds(c8 * 16, 16)
                    ker_v[s, r, sl] = ker_v[s, r, sl] * feat_v[s, r, sl]

            plsc.parallel_loop(0, K_CHUNK, unroll=4)(_row)
            d_sct(s).start(add=True)

    def _pair(it, carry):
        _step(it * 2, 0)
        _step(it * 2 + 1, 1)
        return carry

    lax.fori_loop(0, (CHUNKS_PER_W + 1) // 2, _pair, 0)

    lv = (N_CHUNKS - 1 - wid) // NW

    @pl.when(lv % 2 == 0)
    def _():
        @pl.when(lv >= 1)
        def _():
            d_sct(1).wait()

        d_sct(0).wait()

    @pl.when(lv % 2 == 1)
    def _():
        d_sct(0).wait()
        d_sct(1).wait()

    plsc.subcore_barrier()

    def _ochunk(j, carry):
        zc = sid + j * NS

        @pl.when(zc < N_ZCHUNKS)
        def _():
            pltpu.sync_copy(
                acc.at[pl.ds(zc * ZROWS, ZROWS)],
                out_hbm.at[cid, pl.ds(zc * ZROWS, ZROWS)],
            )

        return carry

    lax.fori_loop(0, ZCHUNKS_PER_TILE, _ochunk, 0)



_BN = 1000


def _combine_body(p_ref, q_ref, nn_ref, o_ref):
    o_ref[...] = (p_ref[0] + p_ref[1] + q_ref[0] + q_ref[1]) * nn_ref[...]


def _combine(parts, n_norm2d):
    return pl.pallas_call(
        _combine_body,
        grid=(N_NODES // _BN,),
        in_specs=[
            pl.BlockSpec((NC, _BN, C), lambda i: (0, i, 0)),
            pl.BlockSpec((NC, _BN, C), lambda i: (0, i, 0)),
            pl.BlockSpec((_BN, 1), lambda i: (i, 0)),
        ],
        out_specs=pl.BlockSpec((_BN, C), lambda i: (i, 0)),
        out_shape=jax.ShapeDtypeStruct((N_NODES, C), jnp.float32),
    )(*parts, n_norm2d)




def kernel(features, radial_basis_function_coefficients, Ys, n_norm, W_R, W_Y,
           map_ab_p_to_a, map_ab_p_to_b):
    ia = map_ab_p_to_a.astype(jnp.int32)
    ib = map_ab_p_to_b.astype(jnp.int32)
    RT = radial_basis_function_coefficients.T
    YT = Ys.T
    kers = [_edge_weights(RT, YT, W_R, W_Y, h) for h in range(N_PHASE)]
    parts = []
    for h in range(N_PHASE):
        sl = slice(h * E_HALF, (h + 1) * E_HALF)
        parts.append(_sc_gather_scatter(features, kers[h], ia[sl], ib[sl]))
    return _combine(parts, n_norm[:, None])

# --- scband reference (transcript-rebuilt; emitter-appended) ---
"""Pipeline reference for scband-periodic-convolution-with-kernel-33758442947104 (READ-ONLY COPY).

The authoritative reference and input builder live on the scoring server;
editing this copy changes nothing except your own understanding.
"""

import jax, jax.numpy as jnp
import numpy as np

N_NODES = 10000
N_EDGES = 320000
C = 128
N_RADIAL = 16
N_SH = 9


def setup_inputs(seed: int = 0) -> dict:
    key = jax.random.key(seed)
    ks = jax.random.split(key, 8)
    features = jax.random.normal(ks[0], (N_NODES, C), dtype=jnp.float32)
    R = jax.random.normal(ks[1], (N_EDGES, N_RADIAL), dtype=jnp.float32)
    Ys = jax.random.normal(ks[2], (N_EDGES, N_SH), dtype=jnp.float32)
    n_norm = jax.random.uniform(ks[3], (N_NODES,), dtype=jnp.float32, minval=0.5, maxval=1.5)
    W_R = jax.random.normal(ks[4], (N_RADIAL, C), dtype=jnp.float32) / np.sqrt(N_RADIAL)
    W_Y = jax.random.normal(ks[5], (N_SH, C), dtype=jnp.float32) / np.sqrt(N_SH)
    map_ab_p_to_a = jax.random.randint(ks[6], (N_EDGES,), 0, N_NODES, dtype=jnp.int64 if jax.config.jax_enable_x64 else jnp.int32)
    map_ab_p_to_b = jax.random.randint(ks[7], (N_EDGES,), 0, N_NODES, dtype=jnp.int64 if jax.config.jax_enable_x64 else jnp.int32)
    return {
        "features": features,
        "radial_basis_function_coefficients": R,
        "Ys": Ys,
        "n_norm": n_norm,
        "W_R": W_R,
        "W_Y": W_Y,
        "map_ab_p_to_a": map_ab_p_to_a,
        "map_ab_p_to_b": map_ab_p_to_b,
    }


def reference(features, radial_basis_function_coefficients, Ys, n_norm, W_R, W_Y, map_ab_p_to_a, map_ab_p_to_b):
    # Per-edge kernel: radial coefficients mixed into channels, modulated by
    # spherical harmonics of the edge direction (stage-one of pconv_with_kernel).
    kernel = (radial_basis_function_coefficients @ W_R) * (Ys @ W_Y)  # [E, C]
    # Gather source-node features along edges (map_ab_p_to_b = source node b of pair p)
    B = jnp.take(features, map_ab_p_to_b, axis=0) * kernel  # [E, C]
    # Scatter-add messages to destination nodes (map_ab_p_to_a = dest node a)
    F_next = jnp.zeros((features.shape[0], B.shape[1]), dtype=features.dtype)
    F_next = F_next.at[map_ab_p_to_a].add(B)
    # Per-node normalization (F_next.mul_(n_norm.unsqueeze(1)))
    F_next = F_next * n_norm[:, None]
    return F_next

if __name__ == "__main__":
    import jax
    _d = setup_inputs()
    print(jax.jit(kernel)(*tuple(_d.values())))

</pallas_src>

<mosaic_0001>
#map = affine_map<(d0, d1) -> (0, 0)>
#map1 = affine_map<(d0, d1) -> (0)>
#map2 = affine_map<(d0, d1) -> (0, 0, 0)>
module attributes {stable_mosaic.version = 14 : i64} {
  func.func @_sc_gather_scatter(%arg0: i32, %arg1: i32, %arg2: memref<10000x128xf32, #tpu.memory_space<hbm>>, %arg3: memref<160000x128xf32, #tpu.memory_space<hbm>>, %arg4: memref<160000xi32, #tpu.memory_space<hbm>>, %arg5: memref<160000xi32, #tpu.memory_space<hbm>>, %arg6: memref<2x10000x128xf32, #tpu.memory_space<hbm>>, %arg7: memref<2x80xi32, #tpu.memory_space<vmem>>, %arg8: memref<2x80xi32, #tpu.memory_space<vmem>>, %arg9: memref<2x80xi32, #tpu.memory_space<vmem>>, %arg10: memref<2x80x128xf32, #tpu.memory_space<vmem>>, %arg11: memref<2x80x128xf32, #tpu.memory_space<vmem>>, %arg12: memref<10000x128xf32, #tpu.memory_space<vmem_shared>>, %arg13: memref<!tpu.dma_semaphore, #tpu.memory_space<semaphore_mem>>, %arg14: memref<!tpu.dma_semaphore, #tpu.memory_space<semaphore_mem>>, %arg15: memref<!tpu.dma_semaphore, #tpu.memory_space<semaphore_mem>>, %arg16: memref<!tpu.dma_semaphore, #tpu.memory_space<semaphore_mem>>, %arg17: memref<!tpu.dma_semaphore, #tpu.memory_space<semaphore_mem>>, %arg18: memref<!tpu.dma_semaphore, #tpu.memory_space<semaphore_mem>>, %arg19: memref<!tpu.dma_semaphore, #tpu.memory_space<semaphore_mem>>, %arg20: memref<!tpu.dma_semaphore, #tpu.memory_space<semaphore_mem>>) attributes {dimension_semantics = [#tpu.dimension_semantics<core_parallel>, #tpu.dimension_semantics<subcore_parallel>], iteration_bounds = array<i64: 2, 16>, scalar_prefetch = 0 : i64, scratch_operands = 14 : i64, tpu.core_type = #tpu.core_type<sc_vector_subcore>, window_params = [{transform_indices = #map}, {transform_indices = #map}, {transform_indices = #map1}, {transform_indices = #map1}, {transform_indices = #map2}]} {
    %mul3A = arith.constant 16 : i32
    %mul3A_0 = arith.muli %arg0, %mul3A : i32
    %add3A = arith.addi %mul3A_0, %arg1 : i32
    %broadcast_in_dim3A = arith.constant 0.000000e+00 : f32
    %broadcast_in_dim3A_1 = vector.broadcast %broadcast_in_dim3A : f32 to vector<16xf32>
    %scan3A = arith.constant 0 : i32
    %scan3A_2 = arith.constant 0 : i32
    %scan3A_3 = arith.constant 80 : i32
    %scan3A_4 = arith.addi %scan3A_2, %scan3A_3 : i32
    %scan3A_5 = arith.constant 1 : i32
    scf.for %scan3A_158 = %scan3A_2 to %scan3A_4 step %scan3A_5  : i32 {
      %swap3A = arith.constant 0 : i32
      %swap3A_159 = arith.index_cast %swap3A : i32 to index
      %swap3A_160 = arith.index_cast %scan3A_158 : i32 to index
      %swap3A_161 = arith.constant 0 : index
      %swap3A_162 = tpu.vector_load %arg10[%swap3A_159, %swap3A_160, %swap3A_161] {strides = array<i32>} : memref<2x80x128xf32, #tpu.memory_space<vmem>>, vector<1x1x16xf32>,
      %swap3A_163 = vector.shape_cast %swap3A_162 : vector<1x1x16xf32> to vector<16xf32>
      %swap3A_164 = vector.shape_cast %broadcast_in_dim3A_1 : vector<16xf32> to vector<1x1x16xf32>
      tpu.vector_store %arg10[%swap3A_159, %swap3A_160, %swap3A_161], %swap3A_164 {strides = array<i32>} : memref<2x80x128xf32, #tpu.memory_space<vmem>>, vector<1x1x16xf32>,
      %swap3A_165 = arith.constant 0 : i32
      %swap3A_166 = arith.index_cast %swap3A_165 : i32 to index
      %swap3A_167 = arith.index_cast %scan3A_158 : i32 to index
      %swap3A_168 = arith.constant 16 : index
      %swap3A_169 = tpu.vector_load %arg10[%swap3A_166, %swap3A_167, %swap3A_168] {strides = array<i32>} : memref<2x80x128xf32, #tpu.memory_space<vmem>>, vector<1x1x16xf32>,
      %swap3A_170 = vector.shape_cast %swap3A_169 : vector<1x1x16xf32> to vector<16xf32>
      %swap3A_171 = vector.shape_cast %broadcast_in_dim3A_1 : vector<16xf32> to vector<1x1x16xf32>
      tpu.vector_store %arg10[%swap3A_166, %swap3A_167, %swap3A_168], %swap3A_171 {strides = array<i32>} : memref<2x80x128xf32, #tpu.memory_space<vmem>>, vector<1x1x16xf32>,
      %swap3A_172 = arith.constant 0 : i32
      %swap3A_173 = arith.index_cast %swap3A_172 : i32 to index
      %swap3A_174 = arith.index_cast %scan3A_158 : i32 to index
      %swap3A_175 = arith.constant 32 : index
      %swap3A_176 = tpu.vector_load %arg10[%swap3A_173, %swap3A_174, %swap3A_175] {strides = array<i32>} : memref<2x80x128xf32, #tpu.memory_space<vmem>>, vector<1x1x16xf32>,
      %swap3A_177 = vector.shape_cast %swap3A_176 : vector<1x1x16xf32> to vector<16xf32>
      %swap3A_178 = vector.shape_cast %broadcast_in_dim3A_1 : vector<16xf32> to vector<1x1x16xf32>
      tpu.vector_store %arg10[%swap3A_173, %swap3A_174, %swap3A_175], %swap3A_178 {strides = array<i32>} : memref<2x80x128xf32, #tpu.memory_space<vmem>>, vector<1x1x16xf32>,
      %swap3A_179 = arith.constant 0 : i32
      %swap3A_180 = arith.index_cast %swap3A_179 : i32 to index
      %swap3A_181 = arith.index_cast %scan3A_158 : i32 to index
      %swap3A_182 = arith.constant 48 : index
      %swap3A_183 = tpu.vector_load %arg10[%swap3A_180, %swap3A_181, %swap3A_182] {strides = array<i32>} : memref<2x80x128xf32, #tpu.memory_space<vmem>>, vector<1x1x16xf32>,
      %swap3A_184 = vector.shape_cast %swap3A_183 : vector<1x1x16xf32> to vector<16xf32>
      %swap3A_185 = vector.shape_cast %broadcast_in_dim3A_1 : vector<16xf32> to vector<1x1x16xf32>
      tpu.vector_store %arg10[%swap3A_180, %swap3A_181, %swap3A_182], %swap3A_185 {strides = array<i32>} : memref<2x80x128xf32, #tpu.memory_space<vmem>>, vector<1x1x16xf32>,
      %swap3A_186 = arith.constant 0 : i32
      %swap3A_187 = arith.index_cast %swap3A_186 : i32 to index
      %swap3A_188 = arith.index_cast %scan3A_158 : i32 to index
      %swap3A_189 = arith.constant 64 : index
      %swap3A_190 = tpu.vector_load %arg10[%swap3A_187, %swap3A_188, %swap3A_189] {strides = array<i32>} : memref<2x80x128xf32, #tpu.memory_space<vmem>>, vector<1x1x16xf32>,
      %swap3A_191 = vector.shape_cast %swap3A_190 : vector<1x1x16xf32> to vector<16xf32>
      %swap3A_192 = vector.shape_cast %broadcast_in_dim3A_1 : vector<16xf32> to vector<1x1x16xf32>
      tpu.vector_store %arg10[%swap3A_187, %swap3A_188, %swap3A_189], %swap3A_192 {strides = array<i32>} : memref<2x80x128xf32, #tpu.memory_space<vmem>>, vector<1x1x16xf32>,
      %swap3A_193 = arith.constant 0 : i32
      %swap3A_194 = arith.index_cast %swap3A_193 : i32 to index
      %swap3A_195 = arith.index_cast %scan3A_158 : i32 to index
      %swap3A_196 = arith.constant 80 : index
      %swap3A_197 = tpu.vector_load %arg10[%swap3A_194, %swap3A_195, %swap3A_196] {strides = array<i32>} : memref<2x80x128xf32, #tpu.memory_space<vmem>>, vector<1x1x16xf32>,
      %swap3A_198 = vector.shape_cast %swap3A_197 : vector<1x1x16xf32> to vector<16xf32>
      %swap3A_199 = vector.shape_cast %broadcast_in_dim3A_1 : vector<16xf32> to vector<1x1x16xf32>
      tpu.vector_store %arg10[%swap3A_194, %swap3A_195, %swap3A_196], %swap3A_199 {strides = array<i32>} : memref<2x80x128xf32, #tpu.memory_space<vmem>>, vector<1x1x16xf32>,
      %swap3A_200 = arith.constant 0 : i32
      %swap3A_201 = arith.index_cast %swap3A_200 : i32 to index
      %swap3A_202 = arith.index_cast %scan3A_158 : i32 to index
      %swap3A_203 = arith.constant 96 : index
      %swap3A_204 = tpu.vector_load %arg10[%swap3A_201, %swap3A_202, %swap3A_203] {strides = array<i32>} : memref<2x80x128xf32, #tpu.memory_space<vmem>>, vector<1x1x16xf32>,
      %swap3A_205 = vector.shape_cast %swap3A_204 : vector<1x1x16xf32> to vector<16xf32>
      %swap3A_206 = vector.shape_cast %broadcast_in_dim3A_1 : vector<16xf32> to vector<1x1x16xf32>
      tpu.vector_store %arg10[%swap3A_201, %swap3A_202, %swap3A_203], %swap3A_206 {strides = array<i32>} : memref<2x80x128xf32, #tpu.memory_space<vmem>>, vector<1x1x16xf32>,
      %swap3A_207 = arith.constant 0 : i32
      %swap3A_208 = arith.index_cast %swap3A_207 : i32 to index
      %swap3A_209 = arith.index_cast %scan3A_158 : i32 to index
      %swap3A_210 = arith.constant 112 : index
      %swap3A_211 = tpu.vector_load %arg10[%swap3A_208, %swap3A_209, %swap3A_210] {strides = array<i32>} : memref<2x80x128xf32, #tpu.memory_space<vmem>>, vector<1x1x16xf32>,
      %swap3A_212 = vector.shape_cast %swap3A_211 : vector<1x1x16xf32> to vector<16xf32>
      %swap3A_213 = vector.shape_cast %broadcast_in_dim3A_1 : vector<16xf32> to vector<1x1x16xf32>
      tpu.vector_store %arg10[%swap3A_208, %swap3A_209, %swap3A_210], %swap3A_213 {strides = array<i32>} : memref<2x80x128xf32, #tpu.memory_space<vmem>>, vector<1x1x16xf32>,
    }
    %scan3A_6 = arith.constant 80 : i32
    %scan3A_7 = arith.constant 0 : i32
    %scan3A_8 = arith.constant 0 : i32
    %scan3A_9 = arith.constant 8 : i32
    %scan3A_10 = arith.addi %scan3A_8, %scan3A_9 : i32
    %scan3A_11 = arith.constant 1 : i32
    scf.for %scan3A_158 = %scan3A_8 to %scan3A_10 step %scan3A_11  : i32 {
      %mul3A_159 = arith.constant 16 : i32
      %mul3A_160 = arith.muli %scan3A_158, %mul3A_159 : i32
      %add3A_161 = arith.addi %arg1, %mul3A_160 : i32
      %lt3A_162 = arith.constant 125 : i32
      %lt3A_163 = arith.cmpi slt, %add3A_161, %lt3A_162 : i32
      %convert_element_type3A_164 = arith.extui %lt3A_163 : i1 to i32
      %cond3A_165 = arith.constant 0 : i32
      %cond3A_166 = arith.cmpi ne, %convert_element_type3A_164, %cond3A_165 : i32
      scf.if %cond3A_166 {
        %mul3A_167 = arith.constant 80 : i32
        %mul3A_168 = arith.muli %add3A_161, %mul3A_167 : i32
        %run_scoped3A = arith.constant 0 : i32
        "tpu.region"() ({
          %run_scoped3A_169 = tpu.sem_alloc : memref<!tpu.dma_semaphore, #tpu.memory_space<semaphore_mem>>
          %dma_start3A_170 = arith.constant 0 : i32
          %dma_start3A_171 = arith.constant 0 : i32
          %dma_start3A_172 = tpu.memref_slice %arg10[%run_scoped3A, %dma_start3A_170, %dma_start3A_171] : memref<2x80x128xf32, #tpu.memory_space<vmem>> -> memref<1x80x128xf32, #tpu.memory_space<vmem>>
          %dma_start3A_173 = tpu.memref_squeeze %dma_start3A_172 : memref<1x80x128xf32, #tpu.memory_space<vmem>> -> memref<80x128xf32, #tpu.memory_space<vmem>>
          %dma_start3A_174 = arith.constant 0 : i32
          %dma_start3A_175 = tpu.memref_slice %arg12[%mul3A_168, %dma_start3A_174] : memref<10000x128xf32, #tpu.memory_space<vmem_shared>> -> memref<80x128xf32, #tpu.memory_space<vmem_shared>>
          %dma_start3A_176 = arith.constant 0 : i32
          %dma_start3A_177 = tpu.memref_slice %arg12[%mul3A_168, %dma_start3A_176] : memref<10000x128xf32, #tpu.memory_space<vmem_shared>> -> memref<80x128xf32, #tpu.memory_space<vmem_shared>>
          %dma_start3A_178 = arith.constant 0 : i32
          %dma_start3A_179 = arith.constant 0 : i32
          %dma_start3A_180 = tpu.memref_slice %arg10[%run_scoped3A, %dma_start3A_178, %dma_start3A_179] : memref<2x80x128xf32, #tpu.memory_space<vmem>> -> memref<1x80x128xf32, #tpu.memory_space<vmem>>
          %dma_start3A_181 = tpu.memref_squeeze %dma_start3A_180 : memref<1x80x128xf32, #tpu.memory_space<vmem>> -> memref<80x128xf32, #tpu.memory_space<vmem>>
          tpu.enqueue_dma source(%dma_start3A_181 : memref<80x128xf32, #tpu.memory_space<vmem>>) target(%dma_start3A_177 : memref<80x128xf32, #tpu.memory_space<vmem_shared>>) target_semaphore(%run_scoped3A_169 : memref<!tpu.dma_semaphore, #tpu.memory_space<semaphore_mem>>)
          %dma_wait3A_182 = arith.constant 0 : i32
          %dma_wait3A_183 = arith.constant 0 : i32
          %dma_wait3A_184 = tpu.memref_slice %arg10[%run_scoped3A, %dma_wait3A_182, %dma_wait3A_183] : memref<2x80x128xf32, #tpu.memory_space<vmem>> -> memref<1x80x128xf32, #tpu.memory_space<vmem>>
          %dma_wait3A_185 = tpu.memref_squeeze %dma_wait3A_184 : memref<1x80x128xf32, #tpu.memory_space<vmem>> -> memref<80x128xf32, #tpu.memory_space<vmem>>
          %dma_wait3A_186 = arith.constant 0 : i32
          %dma_wait3A_187 = tpu.memref_slice %arg12[%mul3A_168, %dma_wait3A_186] : memref<10000x128xf32, #tpu.memory_space<vmem_shared>> -> memref<80x128xf32, #tpu.memory_space<vmem_shared>>
          %dma_wait3A_188 = arith.constant 0 : i32
          %dma_wait3A_189 = tpu.memref_slice %arg12[%mul3A_168, %dma_wait3A_188] : memref<10000x128xf32, #tpu.memory_space<vmem_shared>> -> memref<80x128xf32, #tpu.memory_space<vmem_shared>>
          %dma_wait3A_190 = arith.constant 0 : i32
          %dma_wait3A_191 = arith.constant 0 : i32
          %dma_wait3A_192 = tpu.memref_slice %arg10[%run_scoped3A, %dma_wait3A_190, %dma_wait3A_191] : memref<2x80x128xf32, #tpu.memory_space<vmem>> -> memref<1x80x128xf32, #tpu.memory_space<vmem>>
          %dma_wait3A_193 = tpu.memref_squeeze %dma_wait3A_192 : memref<1x80x128xf32, #tpu.memory_space<vmem>> -> memref<80x128xf32, #tpu.memory_space<vmem>>
          tpu.wait_dma2 semaphore(%run_scoped3A_169 : memref<!tpu.dma_semaphore, #tpu.memory_space<semaphore_mem>>) src(%dma_wait3A_193 : memref<80x128xf32, #tpu.memory_space<vmem>>) dst(%dma_wait3A_189 : memref<80x128xf32, #tpu.memory_space<vmem_shared>>)
          tpu.yield
        }) : () -> ()
      } else {
      }
    }
    %scan3A_12 = arith.constant 8 : i32
    %barrier3A = arith.constant 0 : index
    tpu.barrier barrier_id(%barrier3A)
    %mul3A_13 = arith.constant 80 : i32
    %mul3A_14 = arith.muli %add3A, %mul3A_13 : i32
    %dma_start3A = arith.constant 0 : i32
    %dma_start3A_15 = arith.constant 0 : i32
    %dma_start3A_16 = tpu.memref_slice %arg7[%dma_start3A, %dma_start3A_15] : memref<2x80xi32, #tpu.memory_space<vmem>> -> memref<1x80xi32, #tpu.memory_space<vmem>>
    %dma_start3A_17 = tpu.memref_squeeze %dma_start3A_16 : memref<1x80xi32, #tpu.memory_space<vmem>> -> memref<80xi32, #tpu.memory_space<vmem>>
    %dma_start3A_18 = tpu.memref_slice %arg5[%mul3A_14] : memref<160000xi32, #tpu.memory_space<hbm>> -> memref<80xi32, #tpu.memory_space<hbm>>
    %dma_start3A_19 = arith.constant 0 : i32
    %dma_start3A_20 = tpu.memref_slice %arg7[%dma_start3A, %dma_start3A_19] : memref<2x80xi32, #tpu.memory_space<vmem>> -> memref<1x80xi32, #tpu.memory_space<vmem>>
    %dma_start3A_21 = tpu.memref_squeeze %dma_start3A_20 : memref<1x80xi32, #tpu.memory_space<vmem>> -> memref<80xi32, #tpu.memory_space<vmem>>
    %dma_start3A_22 = tpu.memref_slice %arg5[%mul3A_14] : memref<160000xi32, #tpu.memory_space<hbm>> -> memref<80xi32, #tpu.memory_space<hbm>>
    tpu.enqueue_dma source(%dma_start3A_22 : memref<80xi32, #tpu.memory_space<hbm>>) target(%dma_start3A_21 : memref<80xi32, #tpu.memory_space<vmem>>) target_semaphore(%arg13 : memref<!tpu.dma_semaphore, #tpu.memory_space<semaphore_mem>>)
    %mul3A_23 = arith.constant 80 : i32
    %mul3A_24 = arith.muli %add3A, %mul3A_23 : i32
    %dma_start3A_25 = arith.constant 0 : i32
    %dma_start3A_26 = arith.constant 0 : i32
    %dma_start3A_27 = tpu.memref_slice %arg8[%dma_start3A_25, %dma_start3A_26] : memref<2x80xi32, #tpu.memory_space<vmem>> -> memref<1x80xi32, #tpu.memory_space<vmem>>
    %dma_start3A_28 = tpu.memref_squeeze %dma_start3A_27 : memref<1x80xi32, #tpu.memory_space<vmem>> -> memref<80xi32, #tpu.memory_space<vmem>>
    %dma_start3A_29 = tpu.memref_slice %arg4[%mul3A_24] : memref<160000xi32, #tpu.memory_space<hbm>> -> memref<80xi32, #tpu.memory_space<hbm>>
    %dma_start3A_30 = arith.constant 0 : i32
    %dma_start3A_31 = tpu.memref_slice %arg8[%dma_start3A_25, %dma_start3A_30] : memref<2x80xi32, #tpu.memory_space<vmem>> -> memref<1x80xi32, #tpu.memory_space<vmem>>
    %dma_start3A_32 = tpu.memref_squeeze %dma_start3A_31 : memref<1x80xi32, #tpu.memory_space<vmem>> -> memref<80xi32, #tpu.memory_space<vmem>>
    %dma_start3A_33 = tpu.memref_slice %arg4[%mul3A_24] : memref<160000xi32, #tpu.memory_space<hbm>> -> memref<80xi32, #tpu.memory_space<hbm>>
    tpu.enqueue_dma source(%dma_start3A_33 : memref<80xi32, #tpu.memory_space<hbm>>) target(%dma_start3A_32 : memref<80xi32, #tpu.memory_space<vmem>>) target_semaphore(%arg13 : memref<!tpu.dma_semaphore, #tpu.memory_space<semaphore_mem>>)
    %mul3A_34 = arith.constant 80 : i32
    %mul3A_35 = arith.muli %add3A, %mul3A_34 : i32
    %dma_wait3A = arith.constant 0 : i32
    %dma_wait3A_36 = arith.constant 0 : i32
    %dma_wait3A_37 = tpu.memref_slice %arg7[%dma_wait3A, %dma_wait3A_36] : memref<2x80xi32, #tpu.memory_space<vmem>> -> memref<1x80xi32, #tpu.memory_space<vmem>>
    %dma_wait3A_38 = tpu.memref_squeeze %dma_wait3A_37 : memref<1x80xi32, #tpu.memory_space<vmem>> -> memref<80xi32, #tpu.memory_space<vmem>>
    %dma_wait3A_39 = tpu.memref_slice %arg5[%mul3A_35] : memref<160000xi32, #tpu.memory_space<hbm>> -> memref<80xi32, #tpu.memory_space<hbm>>
    %dma_wait3A_40 = arith.constant 0 : i32
    %dma_wait3A_41 = tpu.memref_slice %arg7[%dma_wait3A, %dma_wait3A_40] : memref<2x80xi32, #tpu.memory_space<vmem>> -> memref<1x80xi32, #tpu.memory_space<vmem>>
    %dma_wait3A_42 = tpu.memref_squeeze %dma_wait3A_41 : memref<1x80xi32, #tpu.memory_space<vmem>> -> memref<80xi32, #tpu.memory_space<vmem>>
    %dma_wait3A_43 = tpu.memref_slice %arg5[%mul3A_35] : memref<160000xi32, #tpu.memory_space<hbm>> -> memref<80xi32, #tpu.memory_space<hbm>>
    tpu.wait_dma2 semaphore(%arg13 : memref<!tpu.dma_semaphore, #tpu.memory_space<semaphore_mem>>) src(%dma_wait3A_43 : memref<80xi32, #tpu.memory_space<hbm>>) dst(%dma_wait3A_42 : memref<80xi32, #tpu.memory_space<vmem>>)
    %mul3A_44 = arith.constant 80 : i32
    %mul3A_45 = arith.muli %add3A, %mul3A_44 : i32
    %dma_wait3A_46 = arith.constant 0 : i32
    %dma_wait3A_47 = arith.constant 0 : i32
    %dma_wait3A_48 = tpu.memref_slice %arg8[%dma_wait3A_46, %dma_wait3A_47] : memref<2x80xi32, #tpu.memory_space<vmem>> -> memref<1x80xi32, #tpu.memory_space<vmem>>
    %dma_wait3A_49 = tpu.memref_squeeze %dma_wait3A_48 : memref<1x80xi32, #tpu.memory_space<vmem>> -> memref<80xi32, #tpu.memory_space<vmem>>
    %dma_wait3A_50 = tpu.memref_slice %arg4[%mul3A_45] : memref<160000xi32, #tpu.memory_space<hbm>> -> memref<80xi32, #tpu.memory_space<hbm>>
    %dma_wait3A_51 = arith.constant 0 : i32
    %dma_wait3A_52 = tpu.memref_slice %arg8[%dma_wait3A_46, %dma_wait3A_51] : memref<2x80xi32, #tpu.memory_space<vmem>> -> memref<1x80xi32, #tpu.memory_space<vmem>>
    %dma_wait3A_53 = tpu.memref_squeeze %dma_wait3A_52 : memref<1x80xi32, #tpu.memory_space<vmem>> -> memref<80xi32, #tpu.memory_space<vmem>>
    %dma_wait3A_54 = tpu.memref_slice %arg4[%mul3A_45] : memref<160000xi32, #tpu.memory_space<hbm>> -> memref<80xi32, #tpu.memory_space<hbm>>
    tpu.wait_dma2 semaphore(%arg13 : memref<!tpu.dma_semaphore, #tpu.memory_space<semaphore_mem>>) src(%dma_wait3A_54 : memref<80xi32, #tpu.memory_space<hbm>>) dst(%dma_wait3A_53 : memref<80xi32, #tpu.memory_space<vmem>>)
    %dma_start3A_55 = arith.constant 0 : i32
    %dma_start3A_56 = arith.constant 0 : i32
    %dma_start3A_57 = arith.constant 0 : i32
    %dma_start3A_58 = arith.constant 0 : i32
    %dma_start3A_59 = tpu.memref_slice %arg10[%dma_start3A_56, %dma_start3A_57, %dma_start3A_58] : memref<2x80x128xf32, #tpu.memory_space<vmem>> -> memref<1x80x128xf32, #tpu.memory_space<vmem>>
    %dma_start3A_60 = tpu.memref_squeeze %dma_start3A_59 : memref<1x80x128xf32, #tpu.memory_space<vmem>> -> memref<80x128xf32, #tpu.memory_space<vmem>>
    %dma_start3A_61 = arith.constant 0 : i32
    %dma_start3A_62 = tpu.memref_slice %arg7[%dma_start3A_55, %dma_start3A_61] : memref<2x80xi32, #tpu.memory_space<vmem>> -> memref<1x80xi32, #tpu.memory_space<vmem>>
    %dma_start3A_63 = tpu.memref_squeeze %dma_start3A_62 : memref<1x80xi32, #tpu.memory_space<vmem>> -> memref<80xi32, #tpu.memory_space<vmem>>
    %dma_start3A_64 = arith.constant 0 : i32
    %dma_start3A_65 = arith.constant 0 : i32
    %dma_start3A_66 = tpu.memref_slice %arg2[%dma_start3A_64, %dma_start3A_65] : memref<10000x128xf32, #tpu.memory_space<hbm>> -> memref<10000x128xf32, #tpu.memory_space<hbm>>
    tpu.enqueue_indirect_dma source(%dma_start3A_66 : memref<10000x128xf32, #tpu.memory_space<hbm>>) target(%dma_start3A_60 : memref<80x128xf32, #tpu.memory_space<vmem>>) offsets(%dma_start3A_63 : memref<80xi32, #tpu.memory_space<vmem>>) semaphore(%arg15 : memref<!tpu.dma_semaphore, #tpu.memory_space<semaphore_mem>>)
    %mul3A_67 = arith.constant 80 : i32
    %mul3A_68 = arith.muli %add3A, %mul3A_67 : i32
    %dma_start3A_69 = arith.constant 0 : i32
    %dma_start3A_70 = arith.constant 0 : i32
    %dma_start3A_71 = arith.constant 0 : i32
    %dma_start3A_72 = tpu.memref_slice %arg11[%dma_start3A_69, %dma_start3A_70, %dma_start3A_71] : memref<2x80x128xf32, #tpu.memory_space<vmem>> -> memref<1x80x128xf32, #tpu.memory_space<vmem>>
    %dma_start3A_73 = tpu.memref_squeeze %dma_start3A_72 : memref<1x80x128xf32, #tpu.memory_space<vmem>> -> memref<80x128xf32, #tpu.memory_space<vmem>>
    %dma_start3A_74 = arith.constant 0 : i32
    %dma_start3A_75 = tpu.memref_slice %arg3[%mul3A_68, %dma_start3A_74] : memref<160000x128xf32, #tpu.memory_space<hbm>> -> memref<80x128xf32, #tpu.memory_space<hbm>>
    %dma_start3A_76 = arith.constant 0 : i32
    %dma_start3A_77 = arith.constant 0 : i32
    %dma_start3A_78 = tpu.memref_slice %arg11[%dma_start3A_69, %dma_start3A_76, %dma_start3A_77] : memref<2x80x128xf32, #tpu.memory_space<vmem>> -> memref<1x80x128xf32, #tpu.memory_space<vmem>>
    %dma_start3A_79 = tpu.memref_squeeze %dma_start3A_78 : memref<1x80x128xf32, #tpu.memory_space<vmem>> -> memref<80x128xf32, #tpu.memory_space<vmem>>
    %dma_start3A_80 = arith.constant 0 : i32
    %dma_start3A_81 = tpu.memref_slice %arg3[%mul3A_68, %dma_start3A_80] : memref<160000x128xf32, #tpu.memory_space<hbm>> -> memref<80x128xf32, #tpu.memory_space<hbm>>
    tpu.enqueue_dma source(%dma_start3A_81 : memref<80x128xf32, #tpu.memory_space<hbm>>) target(%dma_start3A_79 : memref<80x128xf32, #tpu.memory_space<vmem>>) target_semaphore(%arg17 : memref<!tpu.dma_semaphore, #tpu.memory_space<semaphore_mem>>)
    %add3A_82 = arith.constant 32 : i32
    %add3A_83 = arith.addi %add3A, %add3A_82 : i32
    %lt3A = arith.constant 2000 : i32
    %lt3A_84 = arith.cmpi slt, %add3A_83, %lt3A : i32
    %convert_element_type3A = arith.extui %lt3A_84 : i1 to i32
    %cond3A = arith.constant 0 : i32
    %cond3A_85 = arith.cmpi ne, %convert_element_type3A, %cond3A : i32
    scf.if %cond3A_85 {
      %add3A_158 = arith.constant 32 : i32
      %add3A_159 = arith.addi %add3A, %add3A_158 : i32
      %mul3A_160 = arith.constant 80 : i32
      %mul3A_161 = arith.muli %add3A_159, %mul3A_160 : i32
      %dma_start3A_162 = arith.constant 1 : i32
      %dma_start3A_163 = arith.constant 0 : i32
      %dma_start3A_164 = tpu.memref_slice %arg7[%dma_start3A_162, %dma_start3A_163] : memref<2x80xi32, #tpu.memory_space<vmem>> -> memref<1x80xi32, #tpu.memory_space<vmem>>
      %dma_start3A_165 = tpu.memref_squeeze %dma_start3A_164 : memref<1x80xi32, #tpu.memory_space<vmem>> -> memref<80xi32, #tpu.memory_space<vmem>>
      %dma_start3A_166 = tpu.memref_slice %arg5[%mul3A_161] : memref<160000xi32, #tpu.memory_space<hbm>> -> memref<80xi32, #tpu.memory_space<hbm>>
      %dma_start3A_167 = arith.constant 0 : i32
      %dma_start3A_168 = tpu.memref_slice %arg7[%dma_start3A_162, %dma_start3A_167] : memref<2x80xi32, #tpu.memory_space<vmem>> -> memref<1x80xi32, #tpu.memory_space<vmem>>
      %dma_start3A_169 = tpu.memref_squeeze %dma_start3A_168 : memref<1x80xi32, #tpu.memory_space<vmem>> -> memref<80xi32, #tpu.memory_space<vmem>>
      %dma_start3A_170 = tpu.memref_slice %arg5[%mul3A_161] : memref<160000xi32, #tpu.memory_space<hbm>> -> memref<80xi32, #tpu.memory_space<hbm>>
      tpu.enqueue_dma source(%dma_start3A_170 : memref<80xi32, #tpu.memory_space<hbm>>) target(%dma_start3A_169 : memref<80xi32, #tpu.memory_space<vmem>>) target_semaphore(%arg14 : memref<!tpu.dma_semaphore, #tpu.memory_space<semaphore_mem>>)
      %add3A_171 = arith.constant 32 : i32
      %add3A_172 = arith.addi %add3A, %add3A_171 : i32
      %mul3A_173 = arith.constant 80 : i32
      %mul3A_174 = arith.muli %add3A_172, %mul3A_173 : i32
      %dma_start3A_175 = arith.constant 1 : i32
      %dma_start3A_176 = arith.constant 0 : i32
      %dma_start3A_177 = tpu.memref_slice %arg8[%dma_start3A_175, %dma_start3A_176] : memref<2x80xi32, #tpu.memory_space<vmem>> -> memref<1x80xi32, #tpu.memory_space<vmem>>
      %dma_start3A_178 = tpu.memref_squeeze %dma_start3A_177 : memref<1x80xi32, #tpu.memory_space<vmem>> -> memref<80xi32, #tpu.memory_space<vmem>>
      %dma_start3A_179 = tpu.memref_slice %arg4[%mul3A_174] : memref<160000xi32, #tpu.memory_space<hbm>> -> memref<80xi32, #tpu.memory_space<hbm>>
      %dma_start3A_180 = arith.constant 0 : i32
      %dma_start3A_181 = tpu.memref_slice %arg8[%dma_start3A_175, %dma_start3A_180] : memref<2x80xi32, #tpu.memory_space<vmem>> -> memref<1x80xi32, #tpu.memory_space<vmem>>
      %dma_start3A_182 = tpu.memref_squeeze %dma_start3A_181 : memref<1x80xi32, #tpu.memory_space<vmem>> -> memref<80xi32, #tpu.memory_space<vmem>>
      %dma_start3A_183 = tpu.memref_slice %arg4[%mul3A_174] : memref<160000xi32, #tpu.memory_space<hbm>> -> memref<80xi32, #tpu.memory_space<hbm>>
      tpu.enqueue_dma source(%dma_start3A_183 : memref<80xi32, #tpu.memory_space<hbm>>) target(%dma_start3A_182 : memref<80xi32, #tpu.memory_space<vmem>>) target_semaphore(%arg14 : memref<!tpu.dma_semaphore, #tpu.memory_space<semaphore_mem>>)
    } else {
    }
    %scan3A_86 = arith.constant 0 : i32
    %scan3A_87 = arith.constant 0 : i32
    %scan3A_88 = arith.constant 32 : i32
    %scan3A_89 = arith.addi %scan3A_87, %scan3A_88 : i32
    %scan3A_90 = arith.constant 1 : i32
    scf.for %scan3A_158 = %scan3A_87 to %scan3A_89 step %scan3A_90  : i32 {
      %mul3A_159 = arith.constant 2 : i32
      %mul3A_160 = arith.muli %scan3A_158, %mul3A_159 : i32
      %mul3A_161 = arith.constant 32 : i32
      %mul3A_162 = arith.muli %mul3A_160, %mul3A_161 : i32
      %add3A_163 = arith.addi %add3A, %mul3A_162 : i32
      %lt3A_164 = arith.constant 2000 : i32
      %lt3A_165 = arith.cmpi slt, %add3A_163, %lt3A_164 : i32
      %convert_element_type3A_166 = arith.extui %lt3A_165 : i1 to i32
      %cond3A_167 = arith.constant 0 : i32
      %cond3A_168 = arith.cmpi ne, %convert_element_type3A_166, %cond3A_167 : i32
      scf.if %cond3A_168 {
        %add3A_181 = arith.constant 32 : i32
        %add3A_182 = arith.addi %add3A_163, %add3A_181 : i32
        %add3A_183 = arith.constant 32 : i32
        %add3A_184 = arith.addi %add3A_182, %add3A_183 : i32
        %dma_wait3A_185 = arith.constant 0 : i32
        %dma_wait3A_186 = arith.constant 0 : i32
        %dma_wait3A_187 = arith.constant 0 : i32
        %dma_wait3A_188 = arith.constant 0 : i32
        %dma_wait3A_189 = tpu.memref_slice %arg10[%dma_wait3A_186, %dma_wait3A_187, %dma_wait3A_188] : memref<2x80x128xf32, #tpu.memory_space<vmem>> -> memref<1x80x128xf32, #tpu.memory_space<vmem>>
        %dma_wait3A_190 = tpu.memref_squeeze %dma_wait3A_189 : memref<1x80x128xf32, #tpu.memory_space<vmem>> -> memref<80x128xf32, #tpu.memory_space<vmem>>
        %dma_wait3A_191 = arith.constant 0 : i32
        %dma_wait3A_192 = tpu.memref_slice %arg7[%dma_wait3A_185, %dma_wait3A_191] : memref<2x80xi32, #tpu.memory_space<vmem>> -> memref<1x80xi32, #tpu.memory_space<vmem>>
        %dma_wait3A_193 = tpu.memref_squeeze %dma_wait3A_192 : memref<1x80xi32, #tpu.memory_space<vmem>> -> memref<80xi32, #tpu.memory_space<vmem>>
        %dma_wait3A_194 = arith.constant 0 : i32
        %dma_wait3A_195 = arith.constant 0 : i32
        %dma_wait3A_196 = tpu.memref_slice %arg2[%dma_wait3A_194, %dma_wait3A_195] : memref<10000x128xf32, #tpu.memory_space<hbm>> -> memref<10000x128xf32, #tpu.memory_space<hbm>>
        tpu.wait_indirect_dma semaphore(%arg15 : memref<!tpu.dma_semaphore, #tpu.memory_space<semaphore_mem>>) src(%dma_wait3A_196 : memref<10000x128xf32, #tpu.memory_space<hbm>>) dst(%dma_wait3A_190 : memref<80x128xf32, #tpu.memory_space<vmem>>)
        %mul3A_197 = arith.constant 80 : i32
        %mul3A_198 = arith.muli %add3A_163, %mul3A_197 : i32
        %dma_wait3A_199 = arith.constant 0 : i32
        %dma_wait3A_200 = arith.constant 0 : i32
        %dma_wait3A_201 = arith.constant 0 : i32
        %dma_wait3A_202 = tpu.memref_slice %arg11[%dma_wait3A_199, %dma_wait3A_200, %dma_wait3A_201] : memref<2x80x128xf32, #tpu.memory_space<vmem>> -> memref<1x80x128xf32, #tpu.memory_space<vmem>>
        %dma_wait3A_203 = tpu.memref_squeeze %dma_wait3A_202 : memref<1x80x128xf32, #tpu.memory_space<vmem>> -> memref<80x128xf32, #tpu.memory_space<vmem>>
        %dma_wait3A_204 = arith.constant 0 : i32
        %dma_wait3A_205 = tpu.memref_slice %arg3[%mul3A_198, %dma_wait3A_204] : memref<160000x128xf32, #tpu.memory_space<hbm>> -> memref<80x128xf32, #tpu.memory_space<hbm>>
        %dma_wait3A_206 = arith.constant 0 : i32
        %dma_wait3A_207 = arith.constant 0 : i32
        %dma_wait3A_208 = tpu.memref_slice %arg11[%dma_wait3A_199, %dma_wait3A_206, %dma_wait3A_207] : memref<2x80x128xf32, #tpu.memory_space<vmem>> -> memref<1x80x128xf32, #tpu.memory_space<vmem>>
        %dma_wait3A_209 = tpu.memref_squeeze %dma_wait3A_208 : memref<1x80x128xf32, #tpu.memory_space<vmem>> -> memref<80x128xf32, #tpu.memory_space<vmem>>
        %dma_wait3A_210 = arith.constant 0 : i32
        %dma_wait3A_211 = tpu.memref_slice %arg3[%mul3A_198, %dma_wait3A_210] : memref<160000x128xf32, #tpu.memory_space<hbm>> -> memref<80x128xf32, #tpu.memory_space<hbm>>
        tpu.wait_dma2 semaphore(%arg17 : memref<!tpu.dma_semaphore, #tpu.memory_space<semaphore_mem>>) src(%dma_wait3A_211 : memref<80x128xf32, #tpu.memory_space<hbm>>) dst(%dma_wait3A_209 : memref<80x128xf32, #tpu.memory_space<vmem>>)
        %get3A = arith.constant 0 : i32
        %get3A_212 = arith.index_cast %get3A : i32 to index
        %get3A_213 = arith.constant 0 : index
        %get3A_214 = tpu.vector_load %arg8[%get3A_212, %get3A_213] {strides = array<i32>} : memref<2x80xi32, #tpu.memory_space<vmem>>, vector<1x16xi32>,
        %get3A_215 = vector.shape_cast %get3A_214 : vector<1x16xi32> to vector<16xi32>
        %swap3A = arith.constant 0 : i32
        %swap3A_216 = arith.index_cast %swap3A : i32 to index
        %swap3A_217 = arith.constant 0 : index
        %swap3A_218 = tpu.vector_load %arg9[%swap3A_216, %swap3A_217] {strides = array<i32>} : memref<2x80xi32, #tpu.memory_space<vmem>>, vector<1x16xi32>,
        %swap3A_219 = vector.shape_cast %swap3A_218 : vector<1x16xi32> to vector<16xi32>
        %swap3A_220 = vector.shape_cast %get3A_215 : vector<16xi32> to vector<1x16xi32>
        tpu.vector_store %arg9[%swap3A_216, %swap3A_217], %swap3A_220 {strides = array<i32>} : memref<2x80xi32, #tpu.memory_space<vmem>>, vector<1x16xi32>,
        %get3A_221 = arith.constant 0 : i32
        %get3A_222 = arith.index_cast %get3A_221 : i32 to index
        %get3A_223 = arith.constant 16 : index
        %get3A_224 = tpu.vector_load %arg8[%get3A_222, %get3A_223] {strides = array<i32>} : memref<2x80xi32, #tpu.memory_space<vmem>>, vector<1x16xi32>,
        %get3A_225 = vector.shape_cast %get3A_224 : vector<1x16xi32> to vector<16xi32>
        %swap3A_226 = arith.constant 0 : i32
        %swap3A_227 = arith.index_cast %swap3A_226 : i32 to index
        %swap3A_228 = arith.constant 16 : index
        %swap3A_229 = tpu.vector_load %arg9[%swap3A_227, %swap3A_228] {strides = array<i32>} : memref<2x80xi32, #tpu.memory_space<vmem>>, vector<1x16xi32>,
        %swap3A_230 = vector.shape_cast %swap3A_229 : vector<1x16xi32> to vector<16xi32>
        %swap3A_231 = vector.shape_cast %get3A_225 : vector<16xi32> to vector<1x16xi32>
        tpu.vector_store %arg9[%swap3A_227, %swap3A_228], %swap3A_231 {strides = array<i32>} : memref<2x80xi32, #tpu.memory_space<vmem>>, vector<1x16xi32>,
        %get3A_232 = arith.constant 0 : i32
        %get3A_233 = arith.index_cast %get3A_232 : i32 to index
        %get3A_234 = arith.constant 32 : index
        %get3A_235 = tpu.vector_load %arg8[%get3A_233, %get3A_234] {strides = array<i32>} : memref<2x80xi32, #tpu.memory_space<vmem>>, vector<1x16xi32>,
        %get3A_236 = vector.shape_cast %get3A_235 : vector<1x16xi32> to vector<16xi32>
        %swap3A_237 = arith.constant 0 : i32
        %swap3A_238 = arith.index_cast %swap3A_237 : i32 to index
        %swap3A_239 = arith.constant 32 : index
        %swap3A_240 = tpu.vector_load %arg9[%swap3A_238, %swap3A_239] {strides = array<i32>} : memref<2x80xi32, #tpu.memory_space<vmem>>, vector<1x16xi32>,
        %swap3A_241 = vector.shape_cast %swap3A_240 : vector<1x16xi32> to vector<16xi32>
        %swap3A_242 = vector.shape_cast %get3A_236 : vector<16xi32> to vector<1x16xi32>
        tpu.vector_store %arg9[%swap3A_238, %swap3A_239], %swap3A_242 {strides = array<i32>} : memref<2x80xi32, #tpu.memory_space<vmem>>, vector<1x16xi32>,
        %get3A_243 = arith.constant 0 : i32
        %get3A_244 = arith.index_cast %get3A_243 : i32 to index
        %get3A_245 = arith.constant 48 : index
        %get3A_246 = tpu.vector_load %arg8[%get3A_244, %get3A_245] {strides = array<i32>} : memref<2x80xi32, #tpu.memory_space<vmem>>, vector<1x16xi32>,
        %get3A_247 = vector.shape_cast %get3A_246 : vector<1x16xi32> to vector<16xi32>
        %swap3A_248 = arith.constant 0 : i32
        %swap3A_249 = arith.index_cast %swap3A_248 : i32 to index
        %swap3A_250 = arith.constant 48 : index
        %swap3A_251 = tpu.vector_load %arg9[%swap3A_249, %swap3A_250] {strides = array<i32>} : memref<2x80xi32, #tpu.memory_space<vmem>>, vector<1x16xi32>,
        %swap3A_252 = vector.shape_cast %swap3A_251 : vector<1x16xi32> to vector<16xi32>
        %swap3A_253 = vector.shape_cast %get3A_247 : vector<16xi32> to vector<1x16xi32>
        tpu.vector_store %arg9[%swap3A_249, %swap3A_250], %swap3A_253 {strides = array<i32>} : memref<2x80xi32, #tpu.memory_space<vmem>>, vector<1x16xi32>,
        %get3A_254 = arith.constant 0 : i32
        %get3A_255 = arith.index_cast %get3A_254 : i32 to index
        %get3A_256 = arith.constant 64 : index
        %get3A_257 = tpu.vector_load %arg8[%get3A_255, %get3A_256] {strides = array<i32>} : memref<2x80xi32, #tpu.memory_space<vmem>>, vector<1x16xi32>,
        %get3A_258 = vector.shape_cast %get3A_257 : vector<1x16xi32> to vector<16xi32>
        %swap3A_259 = arith.constant 0 : i32
        %swap3A_260 = arith.index_cast %swap3A_259 : i32 to index
        %swap3A_261 = arith.constant 64 : index
        %swap3A_262 = tpu.vector_load %arg9[%swap3A_260, %swap3A_261] {strides = array<i32>} : memref<2x80xi32, #tpu.memory_space<vmem>>, vector<1x16xi32>,
        %swap3A_263 = vector.shape_cast %swap3A_262 : vector<1x16xi32> to vector<16xi32>
        %swap3A_264 = vector.shape_cast %get3A_258 : vector<16xi32> to vector<1x16xi32>
        tpu.vector_store %arg9[%swap3A_260, %swap3A_261], %swap3A_264 {strides = array<i32>} : memref<2x80xi32, #tpu.memory_space<vmem>>, vector<1x16xi32>,
        %lt3A_265 = arith.constant 2000 : i32
        %lt3A_266 = arith.cmpi slt, %add3A_182, %lt3A_265 : i32
        %convert_element_type3A_267 = arith.extui %lt3A_266 : i1 to i32
        %cond3A_268 = arith.constant 0 : i32
        %cond3A_269 = arith.cmpi ne, %convert_element_type3A_267, %cond3A_268 : i32
        scf.if %cond3A_269 {
          %mul3A_289 = arith.constant 80 : i32
          %mul3A_290 = arith.muli %add3A_182, %mul3A_289 : i32
          %dma_wait3A_291 = arith.constant 1 : i32
          %dma_wait3A_292 = arith.constant 0 : i32
          %dma_wait3A_293 = tpu.memref_slice %arg7[%dma_wait3A_291, %dma_wait3A_292] : memref<2x80xi32, #tpu.memory_space<vmem>> -> memref<1x80xi32, #tpu.memory_space<vmem>>
          %dma_wait3A_294 = tpu.memref_squeeze %dma_wait3A_293 : memref<1x80xi32, #tpu.memory_space<vmem>> -> memref<80xi32, #tpu.memory_space<vmem>>
          %dma_wait3A_295 = tpu.memref_slice %arg5[%mul3A_290] : memref<160000xi32, #tpu.memory_space<hbm>> -> memref<80xi32, #tpu.memory_space<hbm>>
          %dma_wait3A_296 = arith.constant 0 : i32
          %dma_wait3A_297 = tpu.memref_slice %arg7[%dma_wait3A_291, %dma_wait3A_296] : memref<2x80xi32, #tpu.memory_space<vmem>> -> memref<1x80xi32, #tpu.memory_space<vmem>>
          %dma_wait3A_298 = tpu.memref_squeeze %dma_wait3A_297 : memref<1x80xi32, #tpu.memory_space<vmem>> -> memref<80xi32, #tpu.memory_space<vmem>>
          %dma_wait3A_299 = tpu.memref_slice %arg5[%mul3A_290] : memref<160000xi32, #tpu.memory_space<hbm>> -> memref<80xi32, #tpu.memory_space<hbm>>
          tpu.wait_dma2 semaphore(%arg14 : memref<!tpu.dma_semaphore, #tpu.memory_space<semaphore_mem>>) src(%dma_wait3A_299 : memref<80xi32, #tpu.memory_space<hbm>>) dst(%dma_wait3A_298 : memref<80xi32, #tpu.memory_space<vmem>>)
          %mul3A_300 = arith.constant 80 : i32
          %mul3A_301 = arith.muli %add3A_182, %mul3A_300 : i32
          %dma_wait3A_302 = arith.constant 1 : i32
          %dma_wait3A_303 = arith.constant 0 : i32
          %dma_wait3A_304 = tpu.memref_slice %arg8[%dma_wait3A_302, %dma_wait3A_303] : memref<2x80xi32, #tpu.memory_space<vmem>> -> memref<1x80xi32, #tpu.memory_space<vmem>>
          %dma_wait3A_305 = tpu.memref_squeeze %dma_wait3A_304 : memref<1x80xi32, #tpu.memory_space<vmem>> -> memref<80xi32, #tpu.memory_space<vmem>>
          %dma_wait3A_306 = tpu.memref_slice %arg4[%mul3A_301] : memref<160000xi32, #tpu.memory_space<hbm>> -> memref<80xi32, #tpu.memory_space<hbm>>
          %dma_wait3A_307 = arith.constant 0 : i32
          %dma_wait3A_308 = tpu.memref_slice %arg8[%dma_wait3A_302, %dma_wait3A_307] : memref<2x80xi32, #tpu.memory_space<vmem>> -> memref<1x80xi32, #tpu.memory_space<vmem>>
          %dma_wait3A_309 = tpu.memref_squeeze %dma_wait3A_308 : memref<1x80xi32, #tpu.memory_space<vmem>> -> memref<80xi32, #tpu.memory_space<vmem>>
          %dma_wait3A_310 = tpu.memref_slice %arg4[%mul3A_301] : memref<160000xi32, #tpu.memory_space<hbm>> -> memref<80xi32, #tpu.memory_space<hbm>>
          tpu.wait_dma2 semaphore(%arg14 : memref<!tpu.dma_semaphore, #tpu.memory_space<semaphore_mem>>) src(%dma_wait3A_310 : memref<80xi32, #tpu.memory_space<hbm>>) dst(%dma_wait3A_309 : memref<80xi32, #tpu.memory_space<vmem>>)
          %ge3A = arith.constant 1 : i32
          %ge3A_311 = arith.cmpi sge, %mul3A_160, %ge3A : i32
          %convert_element_type3A_312 = arith.extui %ge3A_311 : i1 to i32
          %cond3A_313 = arith.constant 0 : i32
          %cond3A_314 = arith.cmpi ne, %convert_element_type3A_312, %cond3A_313 : i32
          scf.if %cond3A_314 {
            %dma_wait3A_342 = arith.constant 1 : i32
            %dma_wait3A_343 = arith.constant 1 : i32
            %dma_wait3A_344 = arith.constant 0 : i32
            %dma_wait3A_345 = arith.constant 0 : i32
            %dma_wait3A_346 = tpu.memref_slice %arg11[%dma_wait3A_342, %dma_wait3A_344, %dma_wait3A_345] : memref<2x80x128xf32, #tpu.memory_space<vmem>> -> memref<1x80x128xf32, #tpu.memory_space<vmem>>
            %dma_wait3A_347 = tpu.memref_squeeze %dma_wait3A_346 : memref<1x80x128xf32, #tpu.memory_space<vmem>> -> memref<80x128xf32, #tpu.memory_space<vmem>>
            %dma_wait3A_348 = arith.constant 0 : i32
            %dma_wait3A_349 = tpu.memref_slice %arg9[%dma_wait3A_343, %dma_wait3A_348] : memref<2x80xi32, #tpu.memory_space<vmem>> -> memref<1x80xi32, #tpu.memory_space<vmem>>
            %dma_wait3A_350 = tpu.memref_squeeze %dma_wait3A_349 : memref<1x80xi32, #tpu.memory_space<vmem>> -> memref<80xi32, #tpu.memory_space<vmem>>
            %dma_wait3A_351 = arith.constant 0 : i32
            %dma_wait3A_352 = arith.constant 0 : i32
            %dma_wait3A_353 = tpu.memref_slice %arg12[%dma_wait3A_351, %dma_wait3A_352] : memref<10000x128xf32, #tpu.memory_space<vmem_shared>> -> memref<10000x128xf32, #tpu.memory_space<vmem_shared>>
            tpu.wait_indirect_dma semaphore(%arg20 : memref<!tpu.dma_semaphore, #tpu.memory_space<semaphore_mem>>) src(%dma_wait3A_347 : memref<80x128xf32, #tpu.memory_space<vmem>>) dst(%dma_wait3A_353 : memref<10000x128xf32, #tpu.memory_space<vmem_shared>>)
          } else {
          }
          %dma_start3A_315 = arith.constant 1 : i32
          %dma_start3A_316 = arith.constant 1 : i32
          %dma_start3A_317 = arith.constant 0 : i32
          %dma_start3A_318 = arith.constant 0 : i32
          %dma_start3A_319 = tpu.memref_slice %arg10[%dma_start3A_316, %dma_start3A_317, %dma_start3A_318] : memref<2x80x128xf32, #tpu.memory_space<vmem>> -> memref<1x80x128xf32, #tpu.memory_space<vmem>>
          %dma_start3A_320 = tpu.memref_squeeze %dma_start3A_319 : memref<1x80x128xf32, #tpu.memory_space<vmem>> -> memref<80x128xf32, #tpu.memory_space<vmem>>
          %dma_start3A_321 = arith.constant 0 : i32
          %dma_start3A_322 = tpu.memref_slice %arg7[%dma_start3A_315, %dma_start3A_321] : memref<2x80xi32, #tpu.memory_space<vmem>> -> memref<1x80xi32, #tpu.memory_space<vmem>>
          %dma_start3A_323 = tpu.memref_squeeze %dma_start3A_322 : memref<1x80xi32, #tpu.memory_space<vmem>> -> memref<80xi32, #tpu.memory_space<vmem>>
          %dma_start3A_324 = arith.constant 0 : i32
          %dma_start3A_325 = arith.constant 0 : i32
          %dma_start3A_326 = tpu.memref_slice %arg2[%dma_start3A_324, %dma_start3A_325] : memref<10000x128xf32, #tpu.memory_space<hbm>> -> memref<10000x128xf32, #tpu.memory_space<hbm>>
          tpu.enqueue_indirect_dma source(%dma_start3A_326 : memref<10000x128xf32, #tpu.memory_space<hbm>>) target(%dma_start3A_320 : memref<80x128xf32, #tpu.memory_space<vmem>>) offsets(%dma_start3A_323 : memref<80xi32, #tpu.memory_space<vmem>>) semaphore(%arg16 : memref<!tpu.dma_semaphore, #tpu.memory_space<semaphore_mem>>)
          %mul3A_327 = arith.constant 80 : i32
          %mul3A_328 = arith.muli %add3A_182, %mul3A_327 : i32
          %dma_start3A_329 = arith.constant 1 : i32
          %dma_start3A_330 = arith.constant 0 : i32
          %dma_start3A_331 = arith.constant 0 : i32
          %dma_start3A_332 = tpu.memref_slice %arg11[%dma_start3A_329, %dma_start3A_330, %dma_start3A_331] : memref<2x80x128xf32, #tpu.memory_space<vmem>> -> memref<1x80x128xf32, #tpu.memory_space<vmem>>
          %dma_start3A_333 = tpu.memref_squeeze %dma_start3A_332 : memref<1x80x128xf32, #tpu.memory_space<vmem>> -> memref<80x128xf32, #tpu.memory_space<vmem>>
          %dma_start3A_334 = arith.constant 0 : i32
          %dma_start3A_335 = tpu.memref_slice %arg3[%mul3A_328, %dma_start3A_334] : memref<160000x128xf32, #tpu.memory_space<hbm>> -> memref<80x128xf32, #tpu.memory_space<hbm>>
          %dma_start3A_336 = arith.constant 0 : i32
          %dma_start3A_337 = arith.constant 0 : i32
          %dma_start3A_338 = tpu.memref_slice %arg11[%dma_start3A_329, %dma_start3A_336, %dma_start3A_337] : memref<2x80x128xf32, #tpu.memory_space<vmem>> -> memref<1x80x128xf32, #tpu.memory_space<vmem>>
          %dma_start3A_339 = tpu.memref_squeeze %dma_start3A_338 : memref<1x80x128xf32, #tpu.memory_space<vmem>> -> memref<80x128xf32, #tpu.memory_space<vmem>>
          %dma_start3A_340 = arith.constant 0 : i32
          %dma_start3A_341 = tpu.memref_slice %arg3[%mul3A_328, %dma_start3A_340] : memref<160000x128xf32, #tpu.memory_space<hbm>> -> memref<80x128xf32, #tpu.memory_space<hbm>>
          tpu.enqueue_dma source(%dma_start3A_341 : memref<80x128xf32, #tpu.memory_space<hbm>>) target(%dma_start3A_339 : memref<80x128xf32, #tpu.memory_space<vmem>>) target_semaphore(%arg18 : memref<!tpu.dma_semaphore, #tpu.memory_space<semaphore_mem>>)
        } else {
        }
        %lt3A_270 = arith.constant 2000 : i32
        %lt3A_271 = arith.cmpi slt, %add3A_184, %lt3A_270 : i32
        %convert_element_type3A_272 = arith.extui %lt3A_271 : i1 to i32
        %cond3A_273 = arith.constant 0 : i32
        %cond3A_274 = arith.cmpi ne, %convert_element_type3A_272, %cond3A_273 : i32
        scf.if %cond3A_274 {
          %mul3A_289 = arith.constant 80 : i32
          %mul3A_290 = arith.muli %add3A_184, %mul3A_289 : i32
          %dma_start3A_291 = arith.constant 0 : i32
          %dma_start3A_292 = arith.constant 0 : i32
          %dma_start3A_293 = tpu.memref_slice %arg7[%dma_start3A_291, %dma_start3A_292] : memref<2x80xi32, #tpu.memory_space<vmem>> -> memref<1x80xi32, #tpu.memory_space<vmem>>
          %dma_start3A_294 = tpu.memref_squeeze %dma_start3A_293 : memref<1x80xi32, #tpu.memory_space<vmem>> -> memref<80xi32, #tpu.memory_space<vmem>>
          %dma_start3A_295 = tpu.memref_slice %arg5[%mul3A_290] : memref<160000xi32, #tpu.memory_space<hbm>> -> memref<80xi32, #tpu.memory_space<hbm>>
          %dma_start3A_296 = arith.constant 0 : i32
          %dma_start3A_297 = tpu.memref_slice %arg7[%dma_start3A_291, %dma_start3A_296] : memref<2x80xi32, #tpu.memory_space<vmem>> -> memref<1x80xi32, #tpu.memory_space<vmem>>
          %dma_start3A_298 = tpu.memref_squeeze %dma_start3A_297 : memref<1x80xi32, #tpu.memory_space<vmem>> -> memref<80xi32, #tpu.memory_space<vmem>>
          %dma_start3A_299 = tpu.memref_slice %arg5[%mul3A_290] : memref<160000xi32, #tpu.memory_space<hbm>> -> memref<80xi32, #tpu.memory_space<hbm>>
          tpu.enqueue_dma source(%dma_start3A_299 : memref<80xi32, #tpu.memory_space<hbm>>) target(%dma_start3A_298 : memref<80xi32, #tpu.memory_space<vmem>>) target_semaphore(%arg13 : memref<!tpu.dma_semaphore, #tpu.memory_space<semaphore_mem>>)
          %mul3A_300 = arith.constant 80 : i32
          %mul3A_301 = arith.muli %add3A_184, %mul3A_300 : i32
          %dma_start3A_302 = arith.constant 0 : i32
          %dma_start3A_303 = arith.constant 0 : i32
          %dma_start3A_304 = tpu.memref_slice %arg8[%dma_start3A_302, %dma_start3A_303] : memref<2x80xi32, #tpu.memory_space<vmem>> -> memref<1x80xi32, #tpu.memory_space<vmem>>
          %dma_start3A_305 = tpu.memref_squeeze %dma_start3A_304 : memref<1x80xi32, #tpu.memory_space<vmem>> -> memref<80xi32, #tpu.memory_space<vmem>>
          %dma_start3A_306 = tpu.memref_slice %arg4[%mul3A_301] : memref<160000xi32, #tpu.memory_space<hbm>> -> memref<80xi32, #tpu.memory_space<hbm>>
          %dma_start3A_307 = arith.constant 0 : i32
          %dma_start3A_308 = tpu.memref_slice %arg8[%dma_start3A_302, %dma_start3A_307] : memref<2x80xi32, #tpu.memory_space<vmem>> -> memref<1x80xi32, #tpu.memory_space<vmem>>
          %dma_start3A_309 = tpu.memref_squeeze %dma_start3A_308 : memref<1x80xi32, #tpu.memory_space<vmem>> -> memref<80xi32, #tpu.memory_space<vmem>>
          %dma_start3A_310 = tpu.memref_slice %arg4[%mul3A_301] : memref<160000xi32, #tpu.memory_space<hbm>> -> memref<80xi32, #tpu.memory_space<hbm>>
          tpu.enqueue_dma source(%dma_start3A_310 : memref<80xi32, #tpu.memory_space<hbm>>) target(%dma_start3A_309 : memref<80xi32, #tpu.memory_space<vmem>>) target_semaphore(%arg13 : memref<!tpu.dma_semaphore, #tpu.memory_space<semaphore_mem>>)
        } else {
        }
        %parallel_loop3A = arith.constant 0 : i32
        %parallel_loop3A_275 = arith.constant 80 : i32
        %parallel_loop3A_276 = arith.constant 1 : i32
        scf.for %parallel_loop3A_289 = %parallel_loop3A to %parallel_loop3A_275 step %parallel_loop3A_276  : i32 {
          %parallel_loop3A_290 = arith.constant 0 : i32
          %parallel_loop3A_291 = arith.index_cast %parallel_loop3A_290 : i32 to index
          %parallel_loop3A_292 = arith.index_cast %parallel_loop3A_289 : i32 to index
          %parallel_loop3A_293 = arith.constant 0 : index
          %parallel_loop3A_294 = tpu.vector_load %arg11[%parallel_loop3A_291, %parallel_loop3A_292, %parallel_loop3A_293] {strides = array<i32>} : memref<2x80x128xf32, #tpu.memory_space<vmem>>, vector<1x1x16xf32>,
          %parallel_loop3A_295 = vector.shape_cast %parallel_loop3A_294 : vector<1x1x16xf32> to vector<16xf32>
          %parallel_loop3A_296 = arith.constant 0 : i32
          %parallel_loop3A_297 = arith.index_cast %parallel_loop3A_296 : i32 to index
          %parallel_loop3A_298 = arith.index_cast %parallel_loop3A_289 : i32 to index
          %parallel_loop3A_299 = arith.constant 0 : index
          %parallel_loop3A_300 = tpu.vector_load %arg10[%parallel_loop3A_297, %parallel_loop3A_298, %parallel_loop3A_299] {strides = array<i32>} : memref<2x80x128xf32, #tpu.memory_space<vmem>>, vector<1x1x16xf32>,
          %parallel_loop3A_301 = vector.shape_cast %parallel_loop3A_300 : vector<1x1x16xf32> to vector<16xf32>
          %parallel_loop3A_302 = arith.mulf %parallel_loop3A_295, %parallel_loop3A_301 : vector<16xf32>
          %parallel_loop3A_303 = arith.constant 0 : i32
          %parallel_loop3A_304 = arith.index_cast %parallel_loop3A_303 : i32 to index
          %parallel_loop3A_305 = arith.index_cast %parallel_loop3A_289 : i32 to index
          %parallel_loop3A_306 = arith.constant 0 : index
          %parallel_loop3A_307 = tpu.vector_load %arg11[%parallel_loop3A_304, %parallel_loop3A_305, %parallel_loop3A_306] {strides = array<i32>} : memref<2x80x128xf32, #tpu.memory_space<vmem>>, vector<1x1x16xf32>,
          %parallel_loop3A_308 = vector.shape_cast %parallel_loop3A_307 : vector<1x1x16xf32> to vector<16xf32>
          %parallel_loop3A_309 = vector.shape_cast %parallel_loop3A_302 : vector<16xf32> to vector<1x1x16xf32>
          tpu.vector_store %arg11[%parallel_loop3A_304, %parallel_loop3A_305, %parallel_loop3A_306], %parallel_loop3A_309 {strides = array<i32>} : memref<2x80x128xf32, #tpu.memory_space<vmem>>, vector<1x1x16xf32>,
          %parallel_loop3A_310 = arith.constant 0 : i32
          %parallel_loop3A_311 = arith.index_cast %parallel_loop3A_310 : i32 to index
          %parallel_loop3A_312 = arith.index_cast %parallel_loop3A_289 : i32 to index
          %parallel_loop3A_313 = arith.constant 16 : index
          %parallel_loop3A_314 = tpu.vector_load %arg11[%parallel_loop3A_311, %parallel_loop3A_312, %parallel_loop3A_313] {strides = array<i32>} : memref<2x80x128xf32, #tpu.memory_space<vmem>>, vector<1x1x16xf32>,
          %parallel_loop3A_315 = vector.shape_cast %parallel_loop3A_314 : vector<1x1x16xf32> to vector<16xf32>
          %parallel_loop3A_316 = arith.constant 0 : i32
          %parallel_loop3A_317 = arith.index_cast %parallel_loop3A_316 : i32 to index
          %parallel_loop3A_318 = arith.index_cast %parallel_loop3A_289 : i32 to index
          %parallel_loop3A_319 = arith.constant 16 : index
          %parallel_loop3A_320 = tpu.vector_load %arg10[%parallel_loop3A_317, %parallel_loop3A_318, %parallel_loop3A_319] {strides = array<i32>} : memref<2x80x128xf32, #tpu.memory_space<vmem>>, vector<1x1x16xf32>,
          %parallel_loop3A_321 = vector.shape_cast %parallel_loop3A_320 : vector<1x1x16xf32> to vector<16xf32>
          %parallel_loop3A_322 = arith.mulf %parallel_loop3A_315, %parallel_loop3A_321 : vector<16xf32>
          %parallel_loop3A_323 = arith.constant 0 : i32
          %parallel_loop3A_324 = arith.index_cast %parallel_loop3A_323 : i32 to index
          %parallel_loop3A_325 = arith.index_cast %parallel_loop3A_289 : i32 to index
          %parallel_loop3A_326 = arith.constant 16 : index
          %parallel_loop3A_327 = tpu.vector_load %arg11[%parallel_loop3A_324, %parallel_loop3A_325, %parallel_loop3A_326] {strides = array<i32>} : memref<2x80x128xf32, #tpu.memory_space<vmem>>, vector<1x1x16xf32>,
          %parallel_loop3A_328 = vector.shape_cast %parallel_loop3A_327 : vector<1x1x16xf32> to vector<16xf32>
          %parallel_loop3A_329 = vector.shape_cast %parallel_loop3A_322 : vector<16xf32> to vector<1x1x16xf32>
          tpu.vector_store %arg11[%parallel_loop3A_324, %parallel_loop3A_325, %parallel_loop3A_326], %parallel_loop3A_329 {strides = array<i32>} : memref<2x80x128xf32, #tpu.memory_space<vmem>>, vector<1x1x16xf32>,
          %parallel_loop3A_330 = arith.constant 0 : i32
          %parallel_loop3A_331 = arith.index_cast %parallel_loop3A_330 : i32 to index
          %parallel_loop3A_332 = arith.index_cast %parallel_loop3A_289 : i32 to index
          %parallel_loop3A_333 = arith.constant 32 : index
          %parallel_loop3A_334 = tpu.vector_load %arg11[%parallel_loop3A_331, %parallel_loop3A_332, %parallel_loop3A_333] {strides = array<i32>} : memref<2x80x128xf32, #tpu.memory_space<vmem>>, vector<1x1x16xf32>,
          %parallel_loop3A_335 = vector.shape_cast %parallel_loop3A_334 : vector<1x1x16xf32> to vector<16xf32>
          %parallel_loop3A_336 = arith.constant 0 : i32
          %parallel_loop3A_337 = arith.index_cast %parallel_loop3A_336 : i32 to index
          %parallel_loop3A_338 = arith.index_cast %parallel_loop3A_289 : i32 to index
          %parallel_loop3A_339 = arith.constant 32 : index
          %parallel_loop3A_340 = tpu.vector_load %arg10[%parallel_loop3A_337, %parallel_loop3A_338, %parallel_loop3A_339] {strides = array<i32>} : memref<2x80x128xf32, #tpu.memory_space<vmem>>, vector<1x1x16xf32>,
          %parallel_loop3A_341 = vector.shape_cast %parallel_loop3A_340 : vector<1x1x16xf32> to vector<16xf32>
          %parallel_loop3A_342 = arith.mulf %parallel_loop3A_335, %parallel_loop3A_341 : vector<16xf32>
          %parallel_loop3A_343 = arith.constant 0 : i32
          %parallel_loop3A_344 = arith.index_cast %parallel_loop3A_343 : i32 to index
          %parallel_loop3A_345 = arith.index_cast %parallel_loop3A_289 : i32 to index
          %parallel_loop3A_346 = arith.constant 32 : index
          %parallel_loop3A_347 = tpu.vector_load %arg11[%parallel_loop3A_344, %parallel_loop3A_345, %parallel_loop3A_346] {strides = array<i32>} : memref<2x80x128xf32, #tpu.memory_space<vmem>>, vector<1x1x16xf32>,
          %parallel_loop3A_348 = vector.shape_cast %parallel_loop3A_347 : vector<1x1x16xf32> to vector<16xf32>
          %parallel_loop3A_349 = vector.shape_cast %parallel_loop3A_342 : vector<16xf32> to vector<1x1x16xf32>
          tpu.vector_store %arg11[%parallel_loop3A_344, %parallel_loop3A_345, %parallel_loop3A_346], %parallel_loop3A_349 {strides = array<i32>} : memref<2x80x128xf32, #tpu.memory_space<vmem>>, vector<1x1x16xf32>,
          %parallel_loop3A_350 = arith.constant 0 : i32
          %parallel_loop3A_351 = arith.index_cast %parallel_loop3A_350 : i32 to index
          %parallel_loop3A_352 = arith.index_cast %parallel_loop3A_289 : i32 to index
          %parallel_loop3A_353 = arith.constant 48 : index
          %parallel_loop3A_354 = tpu.vector_load %arg11[%parallel_loop3A_351, %parallel_loop3A_352, %parallel_loop3A_353] {strides = array<i32>} : memref<2x80x128xf32, #tpu.memory_space<vmem>>, vector<1x1x16xf32>,
          %parallel_loop3A_355 = vector.shape_cast %parallel_loop3A_354 : vector<1x1x16xf32> to vector<16xf32>
          %parallel_loop3A_356 = arith.constant 0 : i32
          %parallel_loop3A_357 = arith.index_cast %parallel_loop3A_356 : i32 to index
          %parallel_loop3A_358 = arith.index_cast %parallel_loop3A_289 : i32 to index
          %parallel_loop3A_359 = arith.constant 48 : index
          %parallel_loop3A_360 = tpu.vector_load %arg10[%parallel_loop3A_357, %parallel_loop3A_358, %parallel_loop3A_359] {strides = array<i32>} : memref<2x80x128xf32, #tpu.memory_space<vmem>>, vector<1x1x16xf32>,
          %parallel_loop3A_361 = vector.shape_cast %parallel_loop3A_360 : vector<1x1x16xf32> to vector<16xf32>
          %parallel_loop3A_362 = arith.mulf %parallel_loop3A_355, %parallel_loop3A_361 : vector<16xf32>
          %parallel_loop3A_363 = arith.constant 0 : i32
          %parallel_loop3A_364 = arith.index_cast %parallel_loop3A_363 : i32 to index
          %parallel_loop3A_365 = arith.index_cast %parallel_loop3A_289 : i32 to index
          %parallel_loop3A_366 = arith.constant 48 : index
          %parallel_loop3A_367 = tpu.vector_load %arg11[%parallel_loop3A_364, %parallel_loop3A_365, %parallel_loop3A_366] {strides = array<i32>} : memref<2x80x128xf32, #tpu.memory_space<vmem>>, vector<1x1x16xf32>,
          %parallel_loop3A_368 = vector.shape_cast %parallel_loop3A_367 : vector<1x1x16xf32> to vector<16xf32>
          %parallel_loop3A_369 = vector.shape_cast %parallel_loop3A_362 : vector<16xf32> to vector<1x1x16xf32>
          tpu.vector_store %arg11[%parallel_loop3A_364, %parallel_loop3A_365, %parallel_loop3A_366], %parallel_loop3A_369 {strides = array<i32>} : memref<2x80x128xf32, #tpu.memory_space<vmem>>, vector<1x1x16xf32>,
          %parallel_loop3A_370 = arith.constant 0 : i32
          %parallel_loop3A_371 = arith.index_cast %parallel_loop3A_370 : i32 to index
          %parallel_loop3A_372 = arith.index_cast %parallel_loop3A_289 : i32 to index
          %parallel_loop3A_373 = arith.constant 64 : index
          %parallel_loop3A_374 = tpu.vector_load %arg11[%parallel_loop3A_371, %parallel_loop3A_372, %parallel_loop3A_373] {strides = array<i32>} : memref<2x80x128xf32, #tpu.memory_space<vmem>>, vector<1x1x16xf32>,
          %parallel_loop3A_375 = vector.shape_cast %parallel_loop3A_374 : vector<1x1x16xf32> to vector<16xf32>
          %parallel_loop3A_376 = arith.constant 0 : i32
          %parallel_loop3A_377 = arith.index_cast %parallel_loop3A_376 : i32 to index
          %parallel_loop3A_378 = arith.index_cast %parallel_loop3A_289 : i32 to index
          %parallel_loop3A_379 = arith.constant 64 : index
          %parallel_loop3A_380 = tpu.vector_load %arg10[%parallel_loop3A_377, %parallel_loop3A_378, %parallel_loop3A_379] {strides = array<i32>} : memref<2x80x128xf32, #tpu.memory_space<vmem>>, vector<1x1x16xf32>,
          %parallel_loop3A_381 = vector.shape_cast %parallel_loop3A_380 : vector<1x1x16xf32> to vector<16xf32>
          %parallel_loop3A_382 = arith.mulf %parallel_loop3A_375, %parallel_loop3A_381 : vector<16xf32>
          %parallel_loop3A_383 = arith.constant 0 : i32
          %parallel_loop3A_384 = arith.index_cast %parallel_loop3A_383 : i32 to index
          %parallel_loop3A_385 = arith.index_cast %parallel_loop3A_289 : i32 to index
          %parallel_loop3A_386 = arith.constant 64 : index
          %parallel_loop3A_387 = tpu.vector_load %arg11[%parallel_loop3A_384, %parallel_loop3A_385, %parallel_loop3A_386] {strides = array<i32>} : memref<2x80x128xf32, #tpu.memory_space<vmem>>, vector<1x1x16xf32>,
          %parallel_loop3A_388 = vector.shape_cast %parallel_loop3A_387 : vector<1x1x16xf32> to vector<16xf32>
          %parallel_loop3A_389 = vector.shape_cast %parallel_loop3A_382 : vector<16xf32> to vector<1x1x16xf32>
          tpu.vector_store %arg11[%parallel_loop3A_384, %parallel_loop3A_385, %parallel_loop3A_386], %parallel_loop3A_389 {strides = array<i32>} : memref<2x80x128xf32, #tpu.memory_space<vmem>>, vector<1x1x16xf32>,
          %parallel_loop3A_390 = arith.constant 0 : i32
          %parallel_loop3A_391 = arith.index_cast %parallel_loop3A_390 : i32 to index
          %parallel_loop3A_392 = arith.index_cast %parallel_loop3A_289 : i32 to index
          %parallel_loop3A_393 = arith.constant 80 : index
          %parallel_loop3A_394 = tpu.vector_load %arg11[%parallel_loop3A_391, %parallel_loop3A_392, %parallel_loop3A_393] {strides = array<i32>} : memref<2x80x128xf32, #tpu.memory_space<vmem>>, vector<1x1x16xf32>,
          %parallel_loop3A_395 = vector.shape_cast %parallel_loop3A_394 : vector<1x1x16xf32> to vector<16xf32>
          %parallel_loop3A_396 = arith.constant 0 : i32
          %parallel_loop3A_397 = arith.index_cast %parallel_loop3A_396 : i32 to index
          %parallel_loop3A_398 = arith.index_cast %parallel_loop3A_289 : i32 to index
          %parallel_loop3A_399 = arith.constant 80 : index
          %parallel_loop3A_400 = tpu.vector_load %arg10[%parallel_loop3A_397, %parallel_loop3A_398, %parallel_loop3A_399] {strides = array<i32>} : memref<2x80x128xf32, #tpu.memory_space<vmem>>, vector<1x1x16xf32>,
          %parallel_loop3A_401 = vector.shape_cast %parallel_loop3A_400 : vector<1x1x16xf32> to vector<16xf32>
          %parallel_loop3A_402 = arith.mulf %parallel_loop3A_395, %parallel_loop3A_401 : vector<16xf32>
          %parallel_loop3A_403 = arith.constant 0 : i32
          %parallel_loop3A_404 = arith.index_cast %parallel_loop3A_403 : i32 to index
          %parallel_loop3A_405 = arith.index_cast %parallel_loop3A_289 : i32 to index
          %parallel_loop3A_406 = arith.constant 80 : index
          %parallel_loop3A_407 = tpu.vector_load %arg11[%parallel_loop3A_404, %parallel_loop3A_405, %parallel_loop3A_406] {strides = array<i32>} : memref<2x80x128xf32, #tpu.memory_space<vmem>>, vector<1x1x16xf32>,
          %parallel_loop3A_408 = vector.shape_cast %parallel_loop3A_407 : vector<1x1x16xf32> to vector<16xf32>
          %parallel_loop3A_409 = vector.shape_cast %parallel_loop3A_402 : vector<16xf32> to vector<1x1x16xf32>
          tpu.vector_store %arg11[%parallel_loop3A_404, %parallel_loop3A_405, %parallel_loop3A_406], %parallel_loop3A_409 {strides = array<i32>} : memref<2x80x128xf32, #tpu.memory_space<vmem>>, vector<1x1x16xf32>,
          %parallel_loop3A_410 = arith.constant 0 : i32
          %parallel_loop3A_411 = arith.index_cast %parallel_loop3A_410 : i32 to index
          %parallel_loop3A_412 = arith.index_cast %parallel_loop3A_289 : i32 to index
          %parallel_loop3A_413 = arith.constant 96 : index
          %parallel_loop3A_414 = tpu.vector_load %arg11[%parallel_loop3A_411, %parallel_loop3A_412, %parallel_loop3A_413] {strides = array<i32>} : memref<2x80x128xf32, #tpu.memory_space<vmem>>, vector<1x1x16xf32>,
          %parallel_loop3A_415 = vector.shape_cast %parallel_loop3A_414 : vector<1x1x16xf32> to vector<16xf32>
          %parallel_loop3A_416 = arith.constant 0 : i32
          %parallel_loop3A_417 = arith.index_cast %parallel_loop3A_416 : i32 to index
          %parallel_loop3A_418 = arith.index_cast %parallel_loop3A_289 : i32 to index
          %parallel_loop3A_419 = arith.constant 96 : index
          %parallel_loop3A_420 = tpu.vector_load %arg10[%parallel_loop3A_417, %parallel_loop3A_418, %parallel_loop3A_419] {strides = array<i32>} : memref<2x80x128xf32, #tpu.memory_space<vmem>>, vector<1x1x16xf32>,
          %parallel_loop3A_421 = vector.shape_cast %parallel_loop3A_420 : vector<1x1x16xf32> to vector<16xf32>
          %parallel_loop3A_422 = arith.mulf %parallel_loop3A_415, %parallel_loop3A_421 : vector<16xf32>
          %parallel_loop3A_423 = arith.constant 0 : i32
          %parallel_loop3A_424 = arith.index_cast %parallel_loop3A_423 : i32 to index
          %parallel_loop3A_425 = arith.index_cast %parallel_loop3A_289 : i32 to index
          %parallel_loop3A_426 = arith.constant 96 : index
          %parallel_loop3A_427 = tpu.vector_load %arg11[%parallel_loop3A_424, %parallel_loop3A_425, %parallel_loop3A_426] {strides = array<i32>} : memref<2x80x128xf32, #tpu.memory_space<vmem>>, vector<1x1x16xf32>,
          %parallel_loop3A_428 = vector.shape_cast %parallel_loop3A_427 : vector<1x1x16xf32> to vector<16xf32>
          %parallel_loop3A_429 = vector.shape_cast %parallel_loop3A_422 : vector<16xf32> to vector<1x1x16xf32>
          tpu.vector_store %arg11[%parallel_loop3A_424, %parallel_loop3A_425, %parallel_loop3A_426], %parallel_loop3A_429 {strides = array<i32>} : memref<2x80x128xf32, #tpu.memory_space<vmem>>, vector<1x1x16xf32>,
          %parallel_loop3A_430 = arith.constant 0 : i32
          %parallel_loop3A_431 = arith.index_cast %parallel_loop3A_430 : i32 to index
          %parallel_loop3A_432 = arith.index_cast %parallel_loop3A_289 : i32 to index
          %parallel_loop3A_433 = arith.constant 112 : index
          %parallel_loop3A_434 = tpu.vector_load %arg11[%parallel_loop3A_431, %parallel_loop3A_432, %parallel_loop3A_433] {strides = array<i32>} : memref<2x80x128xf32, #tpu.memory_space<vmem>>, vector<1x1x16xf32>,
          %parallel_loop3A_435 = vector.shape_cast %parallel_loop3A_434 : vector<1x1x16xf32> to vector<16xf32>
          %parallel_loop3A_436 = arith.constant 0 : i32
          %parallel_loop3A_437 = arith.index_cast %parallel_loop3A_436 : i32 to index
          %parallel_loop3A_438 = arith.index_cast %parallel_loop3A_289 : i32 to index
          %parallel_loop3A_439 = arith.constant 112 : index
          %parallel_loop3A_440 = tpu.vector_load %arg10[%parallel_loop3A_437, %parallel_loop3A_438, %parallel_loop3A_439] {strides = array<i32>} : memref<2x80x128xf32, #tpu.memory_space<vmem>>, vector<1x1x16xf32>,
          %parallel_loop3A_441 = vector.shape_cast %parallel_loop3A_440 : vector<1x1x16xf32> to vector<16xf32>
          %parallel_loop3A_442 = arith.mulf %parallel_loop3A_435, %parallel_loop3A_441 : vector<16xf32>
          %parallel_loop3A_443 = arith.constant 0 : i32
          %parallel_loop3A_444 = arith.index_cast %parallel_loop3A_443 : i32 to index
          %parallel_loop3A_445 = arith.index_cast %parallel_loop3A_289 : i32 to index
          %parallel_loop3A_446 = arith.constant 112 : index
          %parallel_loop3A_447 = tpu.vector_load %arg11[%parallel_loop3A_444, %parallel_loop3A_445, %parallel_loop3A_446] {strides = array<i32>} : memref<2x80x128xf32, #tpu.memory_space<vmem>>, vector<1x1x16xf32>,
          %parallel_loop3A_448 = vector.shape_cast %parallel_loop3A_447 : vector<1x1x16xf32> to vector<16xf32>
          %parallel_loop3A_449 = vector.shape_cast %parallel_loop3A_442 : vector<16xf32> to vector<1x1x16xf32>
          tpu.vector_store %arg11[%parallel_loop3A_444, %parallel_loop3A_445, %parallel_loop3A_446], %parallel_loop3A_449 {strides = array<i32>} : memref<2x80x128xf32, #tpu.memory_space<vmem>>, vector<1x1x16xf32>,
        } {sc.loop_unroll_factor = 4 : i64, sc.parallel_access}
        %dma_start3A_277 = arith.constant 0 : i32
        %dma_start3A_278 = arith.constant 0 : i32
        %dma_start3A_279 = arith.constant 0 : i32
        %dma_start3A_280 = arith.constant 0 : i32
        %dma_start3A_281 = tpu.memref_slice %arg11[%dma_start3A_277, %dma_start3A_279, %dma_start3A_280] : memref<2x80x128xf32, #tpu.memory_space<vmem>> -> memref<1x80x128xf32, #tpu.memory_space<vmem>>
        %dma_start3A_282 = tpu.memref_squeeze %dma_start3A_281 : memref<1x80x128xf32, #tpu.memory_space<vmem>> -> memref<80x128xf32, #tpu.memory_space<vmem>>
        %dma_start3A_283 = arith.constant 0 : i32
        %dma_start3A_284 = tpu.memref_slice %arg9[%dma_start3A_278, %dma_start3A_283] : memref<2x80xi32, #tpu.memory_space<vmem>> -> memref<1x80xi32, #tpu.memory_space<vmem>>
        %dma_start3A_285 = tpu.memref_squeeze %dma_start3A_284 : memref<1x80xi32, #tpu.memory_space<vmem>> -> memref<80xi32, #tpu.memory_space<vmem>>
        %dma_start3A_286 = arith.constant 0 : i32
        %dma_start3A_287 = arith.constant 0 : i32
        %dma_start3A_288 = tpu.memref_slice %arg12[%dma_start3A_286, %dma_start3A_287] : memref<10000x128xf32, #tpu.memory_space<vmem_shared>> -> memref<10000x128xf32, #tpu.memory_space<vmem_shared>>
        tpu.enqueue_indirect_dma source(%dma_start3A_282 : memref<80x128xf32, #tpu.memory_space<vmem>>) target(%dma_start3A_288 : memref<10000x128xf32, #tpu.memory_space<vmem_shared>>) offsets(%dma_start3A_285 : memref<80xi32, #tpu.memory_space<vmem>>) semaphore(%arg19 : memref<!tpu.dma_semaphore, #tpu.memory_space<semaphore_mem>>) {add = true}
      } else {
      }
      %mul3A_169 = arith.constant 2 : i32
      %mul3A_170 = arith.muli %scan3A_158, %mul3A_169 : i32
      %add3A_171 = arith.constant 1 : i32
      %add3A_172 = arith.addi %mul3A_170, %add3A_171 : i32
      %mul3A_173 = arith.constant 32 : i32
      %mul3A_174 = arith.muli %add3A_172, %mul3A_173 : i32
      %add3A_175 = arith.addi %add3A, %mul3A_174 : i32
      %lt3A_176 = arith.constant 2000 : i32
      %lt3A_177 = arith.cmpi slt, %add3A_175, %lt3A_176 : i32
      %convert_element_type3A_178 = arith.extui %lt3A_177 : i1 to i32
      %cond3A_179 = arith.constant 0 : i32
      %cond3A_180 = arith.cmpi ne, %convert_element_type3A_178, %cond3A_179 : i32
      scf.if %cond3A_180 {
        %add3A_181 = arith.constant 32 : i32
        %add3A_182 = arith.addi %add3A_175, %add3A_181 : i32
        %add3A_183 = arith.constant 32 : i32
        %add3A_184 = arith.addi %add3A_182, %add3A_183 : i32
        %dma_wait3A_185 = arith.constant 1 : i32
        %dma_wait3A_186 = arith.constant 1 : i32
        %dma_wait3A_187 = arith.constant 0 : i32
        %dma_wait3A_188 = arith.constant 0 : i32
        %dma_wait3A_189 = tpu.memref_slice %arg10[%dma_wait3A_186, %dma_wait3A_187, %dma_wait3A_188] : memref<2x80x128xf32, #tpu.memory_space<vmem>> -> memref<1x80x128xf32, #tpu.memory_space<vmem>>
        %dma_wait3A_190 = tpu.memref_squeeze %dma_wait3A_189 : memref<1x80x128xf32, #tpu.memory_space<vmem>> -> memref<80x128xf32, #tpu.memory_space<vmem>>
        %dma_wait3A_191 = arith.constant 0 : i32
        %dma_wait3A_192 = tpu.memref_slice %arg7[%dma_wait3A_185, %dma_wait3A_191] : memref<2x80xi32, #tpu.memory_space<vmem>> -> memref<1x80xi32, #tpu.memory_space<vmem>>
        %dma_wait3A_193 = tpu.memref_squeeze %dma_wait3A_192 : memref<1x80xi32, #tpu.memory_space<vmem>> -> memref<80xi32, #tpu.memory_space<vmem>>
        %dma_wait3A_194 = arith.constant 0 : i32
        %dma_wait3A_195 = arith.constant 0 : i32
        %dma_wait3A_196 = tpu.memref_slice %arg2[%dma_wait3A_194, %dma_wait3A_195] : memref<10000x128xf32, #tpu.memory_space<hbm>> -> memref<10000x128xf32, #tpu.memory_space<hbm>>
        tpu.wait_indirect_dma semaphore(%arg16 : memref<!tpu.dma_semaphore, #tpu.memory_space<semaphore_mem>>) src(%dma_wait3A_196 : memref<10000x128xf32, #tpu.memory_space<hbm>>) dst(%dma_wait3A_190 : memref<80x128xf32, #tpu.memory_space<vmem>>)
        %mul3A_197 = arith.constant 80 : i32
        %mul3A_198 = arith.muli %add3A_175, %mul3A_197 : i32
        %dma_wait3A_199 = arith.constant 1 : i32
        %dma_wait3A_200 = arith.constant 0 : i32
        %dma_wait3A_201 = arith.constant 0 : i32
        %dma_wait3A_202 = tpu.memref_slice %arg11[%dma_wait3A_199, %dma_wait3A_200, %dma_wait3A_201] : memref<2x80x128xf32, #tpu.memory_space<vmem>> -> memref<1x80x128xf32, #tpu.memory_space<vmem>>
        %dma_wait3A_203 = tpu.memref_squeeze %dma_wait3A_202 : memref<1x80x128xf32, #tpu.memory_space<vmem>> -> memref<80x128xf32, #tpu.memory_space<vmem>>
        %dma_wait3A_204 = arith.constant 0 : i32
        %dma_wait3A_205 = tpu.memref_slice %arg3[%mul3A_198, %dma_wait3A_204] : memref<160000x128xf32, #tpu.memory_space<hbm>> -> memref<80x128xf32, #tpu.memory_space<hbm>>
        %dma_wait3A_206 = arith.constant 0 : i32
        %dma_wait3A_207 = arith.constant 0 : i32
        %dma_wait3A_208 = tpu.memref_slice %arg11[%dma_wait3A_199, %dma_wait3A_206, %dma_wait3A_207] : memref<2x80x128xf32, #tpu.memory_space<vmem>> -> memref<1x80x128xf32, #tpu.memory_space<vmem>>
        %dma_wait3A_209 = tpu.memref_squeeze %dma_wait3A_208 : memref<1x80x128xf32, #tpu.memory_space<vmem>> -> memref<80x128xf32, #tpu.memory_space<vmem>>
        %dma_wait3A_210 = arith.constant 0 : i32
        %dma_wait3A_211 = tpu.memref_slice %arg3[%mul3A_198, %dma_wait3A_210] : memref<160000x128xf32, #tpu.memory_space<hbm>> -> memref<80x128xf32, #tpu.memory_space<hbm>>
        tpu.wait_dma2 semaphore(%arg18 : memref<!tpu.dma_semaphore, #tpu.memory_space<semaphore_mem>>) src(%dma_wait3A_211 : memref<80x128xf32, #tpu.memory_space<hbm>>) dst(%dma_wait3A_209 : memref<80x128xf32, #tpu.memory_space<vmem>>)
        %get3A = arith.constant 1 : i32
        %get3A_212 = arith.index_cast %get3A : i32 to index
        %get3A_213 = arith.constant 0 : index
        %get3A_214 = tpu.vector_load %arg8[%get3A_212, %get3A_213] {strides = array<i32>} : memref<2x80xi32, #tpu.memory_space<vmem>>, vector<1x16xi32>,
        %get3A_215 = vector.shape_cast %get3A_214 : vector<1x16xi32> to vector<16xi32>
        %swap3A = arith.constant 1 : i32
        %swap3A_216 = arith.index_cast %swap3A : i32 to index
        %swap3A_217 = arith.constant 0 : index
        %swap3A_218 = tpu.vector_load %arg9[%swap3A_216, %swap3A_217] {strides = array<i32>} : memref<2x80xi32, #tpu.memory_space<vmem>>, vector<1x16xi32>,
        %swap3A_219 = vector.shape_cast %swap3A_218 : vector<1x16xi32> to vector<16xi32>
        %swap3A_220 = vector.shape_cast %get3A_215 : vector<16xi32> to vector<1x16xi32>
        tpu.vector_store %arg9[%swap3A_216, %swap3A_217], %swap3A_220 {strides = array<i32>} : memref<2x80xi32, #tpu.memory_space<vmem>>, vector<1x16xi32>,
        %get3A_221 = arith.constant 1 : i32
        %get3A_222 = arith.index_cast %get3A_221 : i32 to index
        %get3A_223 = arith.constant 16 : index
        %get3A_224 = tpu.vector_load %arg8[%get3A_222, %get3A_223] {strides = array<i32>} : memref<2x80xi32, #tpu.memory_space<vmem>>, vector<1x16xi32>,
        %get3A_225 = vector.shape_cast %get3A_224 : vector<1x16xi32> to vector<16xi32>
        %swap3A_226 = arith.constant 1 : i32
        %swap3A_227 = arith.index_cast %swap3A_226 : i32 to index
        %swap3A_228 = arith.constant 16 : index
        %swap3A_229 = tpu.vector_load %arg9[%swap3A_227, %swap3A_228] {strides = array<i32>} : memref<2x80xi32, #tpu.memory_space<vmem>>, vector<1x16xi32>,
        %swap3A_230 = vector.shape_cast %swap3A_229 : vector<1x16xi32> to vector<16xi32>
        %swap3A_231 = vector.shape_cast %get3A_225 : vector<16xi32> to vector<1x16xi32>
        tpu.vector_store %arg9[%swap3A_227, %swap3A_228], %swap3A_231 {strides = array<i32>} : memref<2x80xi32, #tpu.memory_space<vmem>>, vector<1x16xi32>,
        %get3A_232 = arith.constant 1 : i32
        %get3A_233 = arith.index_cast %get3A_232 : i32 to index
        %get3A_234 = arith.constant 32 : index
        %get3A_235 = tpu.vector_load %arg8[%get3A_233, %get3A_234] {strides = array<i32>} : memref<2x80xi32, #tpu.memory_space<vmem>>, vector<1x16xi32>,
        %get3A_236 = vector.shape_cast %get3A_235 : vector<1x16xi32> to vector<16xi32>
        %swap3A_237 = arith.constant 1 : i32
        %swap3A_238 = arith.index_cast %swap3A_237 : i32 to index
        %swap3A_239 = arith.constant 32 : index
        %swap3A_240 = tpu.vector_load %arg9[%swap3A_238, %swap3A_239] {strides = array<i32>} : memref<2x80xi32, #tpu.memory_space<vmem>>, vector<1x16xi32>,
        %swap3A_241 = vector.shape_cast %swap3A_240 : vector<1x16xi32> to vector<16xi32>
        %swap3A_242 = vector.shape_cast %get3A_236 : vector<16xi32> to vector<1x16xi32>
        tpu.vector_store %arg9[%swap3A_238, %swap3A_239], %swap3A_242 {strides = array<i32>} : memref<2x80xi32, #tpu.memory_space<vmem>>, vector<1x16xi32>,
        %get3A_243 = arith.constant 1 : i32
        %get3A_244 = arith.index_cast %get3A_243 : i32 to index
        %get3A_245 = arith.constant 48 : index
        %get3A_246 = tpu.vector_load %arg8[%get3A_244, %get3A_245] {strides = array<i32>} : memref<2x80xi32, #tpu.memory_space<vmem>>, vector<1x16xi32>,
        %get3A_247 = vector.shape_cast %get3A_246 : vector<1x16xi32> to vector<16xi32>
        %swap3A_248 = arith.constant 1 : i32
        %swap3A_249 = arith.index_cast %swap3A_248 : i32 to index
        %swap3A_250 = arith.constant 48 : index
        %swap3A_251 = tpu.vector_load %arg9[%swap3A_249, %swap3A_250] {strides = array<i32>} : memref<2x80xi32, #tpu.memory_space<vmem>>, vector<1x16xi32>,
        %swap3A_252 = vector.shape_cast %swap3A_251 : vector<1x16xi32> to vector<16xi32>
        %swap3A_253 = vector.shape_cast %get3A_247 : vector<16xi32> to vector<1x16xi32>
        tpu.vector_store %arg9[%swap3A_249, %swap3A_250], %swap3A_253 {strides = array<i32>} : memref<2x80xi32, #tpu.memory_space<vmem>>, vector<1x16xi32>,
        %get3A_254 = arith.constant 1 : i32
        %get3A_255 = arith.index_cast %get3A_254 : i32 to index
        %get3A_256 = arith.constant 64 : index
        %get3A_257 = tpu.vector_load %arg8[%get3A_255, %get3A_256] {strides = array<i32>} : memref<2x80xi32, #tpu.memory_space<vmem>>, vector<1x16xi32>,
        %get3A_258 = vector.shape_cast %get3A_257 : vector<1x16xi32> to vector<16xi32>
        %swap3A_259 = arith.constant 1 : i32
        %swap3A_260 = arith.index_cast %swap3A_259 : i32 to index
        %swap3A_261 = arith.constant 64 : index
        %swap3A_262 = tpu.vector_load %arg9[%swap3A_260, %swap3A_261] {strides = array<i32>} : memref<2x80xi32, #tpu.memory_space<vmem>>, vector<1x16xi32>,
        %swap3A_263 = vector.shape_cast %swap3A_262 : vector<1x16xi32> to vector<16xi32>
        %swap3A_264 = vector.shape_cast %get3A_258 : vector<16xi32> to vector<1x16xi32>
        tpu.vector_store %arg9[%swap3A_260, %swap3A_261], %swap3A_264 {strides = array<i32>} : memref<2x80xi32, #tpu.memory_space<vmem>>, vector<1x16xi32>,
        %lt3A_265 = arith.constant 2000 : i32
        %lt3A_266 = arith.cmpi slt, %add3A_182, %lt3A_265 : i32
        %convert_element_type3A_267 = arith.extui %lt3A_266 : i1 to i32
        %cond3A_268 = arith.constant 0 : i32
        %cond3A_269 = arith.cmpi ne, %convert_element_type3A_267, %cond3A_268 : i32
        scf.if %cond3A_269 {
          %mul3A_289 = arith.constant 80 : i32
          %mul3A_290 = arith.muli %add3A_182, %mul3A_289 : i32
          %dma_wait3A_291 = arith.constant 0 : i32
          %dma_wait3A_292 = arith.constant 0 : i32
          %dma_wait3A_293 = tpu.memref_slice %arg7[%dma_wait3A_291, %dma_wait3A_292] : memref<2x80xi32, #tpu.memory_space<vmem>> -> memref<1x80xi32, #tpu.memory_space<vmem>>
          %dma_wait3A_294 = tpu.memref_squeeze %dma_wait3A_293 : memref<1x80xi32, #tpu.memory_space<vmem>> -> memref<80xi32, #tpu.memory_space<vmem>>
          %dma_wait3A_295 = tpu.memref_slice %arg5[%mul3A_290] : memref<160000xi32, #tpu.memory_space<hbm>> -> memref<80xi32, #tpu.memory_space<hbm>>
          %dma_wait3A_296 = arith.constant 0 : i32
          %dma_wait3A_297 = tpu.memref_slice %arg7[%dma_wait3A_291, %dma_wait3A_296] : memref<2x80xi32, #tpu.memory_space<vmem>> -> memref<1x80xi32, #tpu.memory_space<vmem>>
          %dma_wait3A_298 = tpu.memref_squeeze %dma_wait3A_297 : memref<1x80xi32, #tpu.memory_space<vmem>> -> memref<80xi32, #tpu.memory_space<vmem>>
          %dma_wait3A_299 = tpu.memref_slice %arg5[%mul3A_290] : memref<160000xi32, #tpu.memory_space<hbm>> -> memref<80xi32, #tpu.memory_space<hbm>>
          tpu.wait_dma2 semaphore(%arg13 : memref<!tpu.dma_semaphore, #tpu.memory_space<semaphore_mem>>) src(%dma_wait3A_299 : memref<80xi32, #tpu.memory_space<hbm>>) dst(%dma_wait3A_298 : memref<80xi32, #tpu.memory_space<vmem>>)
          %mul3A_300 = arith.constant 80 : i32
          %mul3A_301 = arith.muli %add3A_182, %mul3A_300 : i32
          %dma_wait3A_302 = arith.constant 0 : i32
          %dma_wait3A_303 = arith.constant 0 : i32
          %dma_wait3A_304 = tpu.memref_slice %arg8[%dma_wait3A_302, %dma_wait3A_303] : memref<2x80xi32, #tpu.memory_space<vmem>> -> memref<1x80xi32, #tpu.memory_space<vmem>>
          %dma_wait3A_305 = tpu.memref_squeeze %dma_wait3A_304 : memref<1x80xi32, #tpu.memory_space<vmem>> -> memref<80xi32, #tpu.memory_space<vmem>>
          %dma_wait3A_306 = tpu.memref_slice %arg4[%mul3A_301] : memref<160000xi32, #tpu.memory_space<hbm>> -> memref<80xi32, #tpu.memory_space<hbm>>
          %dma_wait3A_307 = arith.constant 0 : i32
          %dma_wait3A_308 = tpu.memref_slice %arg8[%dma_wait3A_302, %dma_wait3A_307] : memref<2x80xi32, #tpu.memory_space<vmem>> -> memref<1x80xi32, #tpu.memory_space<vmem>>
          %dma_wait3A_309 = tpu.memref_squeeze %dma_wait3A_308 : memref<1x80xi32, #tpu.memory_space<vmem>> -> memref<80xi32, #tpu.memory_space<vmem>>
          %dma_wait3A_310 = tpu.memref_slice %arg4[%mul3A_301] : memref<160000xi32, #tpu.memory_space<hbm>> -> memref<80xi32, #tpu.memory_space<hbm>>
          tpu.wait_dma2 semaphore(%arg13 : memref<!tpu.dma_semaphore, #tpu.memory_space<semaphore_mem>>) src(%dma_wait3A_310 : memref<80xi32, #tpu.memory_space<hbm>>) dst(%dma_wait3A_309 : memref<80xi32, #tpu.memory_space<vmem>>)
          %ge3A = arith.constant 1 : i32
          %ge3A_311 = arith.cmpi sge, %add3A_172, %ge3A : i32
          %convert_element_type3A_312 = arith.extui %ge3A_311 : i1 to i32
          %cond3A_313 = arith.constant 0 : i32
          %cond3A_314 = arith.cmpi ne, %convert_element_type3A_312, %cond3A_313 : i32
          scf.if %cond3A_314 {
            %dma_wait3A_342 = arith.constant 0 : i32
            %dma_wait3A_343 = arith.constant 0 : i32
            %dma_wait3A_344 = arith.constant 0 : i32
            %dma_wait3A_345 = arith.constant 0 : i32
            %dma_wait3A_346 = tpu.memref_slice %arg11[%dma_wait3A_342, %dma_wait3A_344, %dma_wait3A_345] : memref<2x80x128xf32, #tpu.memory_space<vmem>> -> memref<1x80x128xf32, #tpu.memory_space<vmem>>
            %dma_wait3A_347 = tpu.memref_squeeze %dma_wait3A_346 : memref<1x80x128xf32, #tpu.memory_space<vmem>> -> memref<80x128xf32, #tpu.memory_space<vmem>>
            %dma_wait3A_348 = arith.constant 0 : i32
            %dma_wait3A_349 = tpu.memref_slice %arg9[%dma_wait3A_343, %dma_wait3A_348] : memref<2x80xi32, #tpu.memory_space<vmem>> -> memref<1x80xi32, #tpu.memory_space<vmem>>
            %dma_wait3A_350 = tpu.memref_squeeze %dma_wait3A_349 : memref<1x80xi32, #tpu.memory_space<vmem>> -> memref<80xi32, #tpu.memory_space<vmem>>
            %dma_wait3A_351 = arith.constant 0 : i32
            %dma_wait3A_352 = arith.constant 0 : i32
            %dma_wait3A_353 = tpu.memref_slice %arg12[%dma_wait3A_351, %dma_wait3A_352] : memref<10000x128xf32, #tpu.memory_space<vmem_shared>> -> memref<10000x128xf32, #tpu.memory_space<vmem_shared>>
            tpu.wait_indirect_dma semaphore(%arg19 : memref<!tpu.dma_semaphore, #tpu.memory_space<semaphore_mem>>) src(%dma_wait3A_347 : memref<80x128xf32, #tpu.memory_space<vmem>>) dst(%dma_wait3A_353 : memref<10000x128xf32, #tpu.memory_space<vmem_shared>>)
          } else {
          }
          %dma_start3A_315 = arith.constant 0 : i32
          %dma_start3A_316 = arith.constant 0 : i32
          %dma_start3A_317 = arith.constant 0 : i32
          %dma_start3A_318 = arith.constant 0 : i32
          %dma_start3A_319 = tpu.memref_slice %arg10[%dma_start3A_316, %dma_start3A_317, %dma_start3A_318] : memref<2x80x128xf32, #tpu.memory_space<vmem>> -> memref<1x80x128xf32, #tpu.memory_space<vmem>>
          %dma_start3A_320 = tpu.memref_squeeze %dma_start3A_319 : memref<1x80x128xf32, #tpu.memory_space<vmem>> -> memref<80x128xf32, #tpu.memory_space<vmem>>
          %dma_start3A_321 = arith.constant 0 : i32
          %dma_start3A_322 = tpu.memref_slice %arg7[%dma_start3A_315, %dma_start3A_321] : memref<2x80xi32, #tpu.memory_space<vmem>> -> memref<1x80xi32, #tpu.memory_space<vmem>>
          %dma_start3A_323 = tpu.memref_squeeze %dma_start3A_322 : memref<1x80xi32, #tpu.memory_space<vmem>> -> memref<80xi32, #tpu.memory_space<vmem>>
          %dma_start3A_324 = arith.constant 0 : i32
          %dma_start3A_325 = arith.constant 0 : i32
          %dma_start3A_326 = tpu.memref_slice %arg2[%dma_start3A_324, %dma_start3A_325] : memref<10000x128xf32, #tpu.memory_space<hbm>> -> memref<10000x128xf32, #tpu.memory_space<hbm>>
          tpu.enqueue_indirect_dma source(%dma_start3A_326 : memref<10000x128xf32, #tpu.memory_space<hbm>>) target(%dma_start3A_320 : memref<80x128xf32, #tpu.memory_space<vmem>>) offsets(%dma_start3A_323 : memref<80xi32, #tpu.memory_space<vmem>>) semaphore(%arg15 : memref<!tpu.dma_semaphore, #tpu.memory_space<semaphore_mem>>)
          %mul3A_327 = arith.constant 80 : i32
          %mul3A_328 = arith.muli %add3A_182, %mul3A_327 : i32
          %dma_start3A_329 = arith.constant 0 : i32
          %dma_start3A_330 = arith.constant 0 : i32
          %dma_start3A_331 = arith.constant 0 : i32
          %dma_start3A_332 = tpu.memref_slice %arg11[%dma_start3A_329, %dma_start3A_330, %dma_start3A_331] : memref<2x80x128xf32, #tpu.memory_space<vmem>> -> memref<1x80x128xf32, #tpu.memory_space<vmem>>
          %dma_start3A_333 = tpu.memref_squeeze %dma_start3A_332 : memref<1x80x128xf32, #tpu.memory_space<vmem>> -> memref<80x128xf32, #tpu.memory_space<vmem>>
          %dma_start3A_334 = arith.constant 0 : i32
          %dma_start3A_335 = tpu.memref_slice %arg3[%mul3A_328, %dma_start3A_334] : memref<160000x128xf32, #tpu.memory_space<hbm>> -> memref<80x128xf32, #tpu.memory_space<hbm>>
          %dma_start3A_336 = arith.constant 0 : i32
          %dma_start3A_337 = arith.constant 0 : i32
          %dma_start3A_338 = tpu.memref_slice %arg11[%dma_start3A_329, %dma_start3A_336, %dma_start3A_337] : memref<2x80x128xf32, #tpu.memory_space<vmem>> -> memref<1x80x128xf32, #tpu.memory_space<vmem>>
          %dma_start3A_339 = tpu.memref_squeeze %dma_start3A_338 : memref<1x80x128xf32, #tpu.memory_space<vmem>> -> memref<80x128xf32, #tpu.memory_space<vmem>>
          %dma_start3A_340 = arith.constant 0 : i32
          %dma_start3A_341 = tpu.memref_slice %arg3[%mul3A_328, %dma_start3A_340] : memref<160000x128xf32, #tpu.memory_space<hbm>> -> memref<80x128xf32, #tpu.memory_space<hbm>>
          tpu.enqueue_dma source(%dma_start3A_341 : memref<80x128xf32, #tpu.memory_space<hbm>>) target(%dma_start3A_339 : memref<80x128xf32, #tpu.memory_space<vmem>>) target_semaphore(%arg17 : memref<!tpu.dma_semaphore, #tpu.memory_space<semaphore_mem>>)
        } else {
        }
        %lt3A_270 = arith.constant 2000 : i32
        %lt3A_271 = arith.cmpi slt, %add3A_184, %lt3A_270 : i32
        %convert_element_type3A_272 = arith.extui %lt3A_271 : i1 to i32
        %cond3A_273 = arith.constant 0 : i32
        %cond3A_274 = arith.cmpi ne, %convert_element_type3A_272, %cond3A_273 : i32
        scf.if %cond3A_274 {
          %mul3A_289 = arith.constant 80 : i32
          %mul3A_290 = arith.muli %add3A_184, %mul3A_289 : i32
          %dma_start3A_291 = arith.constant 1 : i32
          %dma_start3A_292 = arith.constant 0 : i32
          %dma_start3A_293 = tpu.memref_slice %arg7[%dma_start3A_291, %dma_start3A_292] : memref<2x80xi32, #tpu.memory_space<vmem>> -> memref<1x80xi32, #tpu.memory_space<vmem>>
          %dma_start3A_294 = tpu.memref_squeeze %dma_start3A_293 : memref<1x80xi32, #tpu.memory_space<vmem>> -> memref<80xi32, #tpu.memory_space<vmem>>
          %dma_start3A_295 = tpu.memref_slice %arg5[%mul3A_290] : memref<160000xi32, #tpu.memory_space<hbm>> -> memref<80xi32, #tpu.memory_space<hbm>>
          %dma_start3A_296 = arith.constant 0 : i32
          %dma_start3A_297 = tpu.memref_slice %arg7[%dma_start3A_291, %dma_start3A_296] : memref<2x80xi32, #tpu.memory_space<vmem>> -> memref<1x80xi32, #tpu.memory_space<vmem>>
          %dma_start3A_298 = tpu.memref_squeeze %dma_start3A_297 : memref<1x80xi32, #tpu.memory_space<vmem>> -> memref<80xi32, #tpu.memory_space<vmem>>
          %dma_start3A_299 = tpu.memref_slice %arg5[%mul3A_290] : memref<160000xi32, #tpu.memory_space<hbm>> -> memref<80xi32, #tpu.memory_space<hbm>>
          tpu.enqueue_dma source(%dma_start3A_299 : memref<80xi32, #tpu.memory_space<hbm>>) target(%dma_start3A_298 : memref<80xi32, #tpu.memory_space<vmem>>) target_semaphore(%arg14 : memref<!tpu.dma_semaphore, #tpu.memory_space<semaphore_mem>>)
          %mul3A_300 = arith.constant 80 : i32
          %mul3A_301 = arith.muli %add3A_184, %mul3A_300 : i32
          %dma_start3A_302 = arith.constant 1 : i32
          %dma_start3A_303 = arith.constant 0 : i32
          %dma_start3A_304 = tpu.memref_slice %arg8[%dma_start3A_302, %dma_start3A_303] : memref<2x80xi32, #tpu.memory_space<vmem>> -> memref<1x80xi32, #tpu.memory_space<vmem>>
          %dma_start3A_305 = tpu.memref_squeeze %dma_start3A_304 : memref<1x80xi32, #tpu.memory_space<vmem>> -> memref<80xi32, #tpu.memory_space<vmem>>
          %dma_start3A_306 = tpu.memref_slice %arg4[%mul3A_301] : memref<160000xi32, #tpu.memory_space<hbm>> -> memref<80xi32, #tpu.memory_space<hbm>>
          %dma_start3A_307 = arith.constant 0 : i32
          %dma_start3A_308 = tpu.memref_slice %arg8[%dma_start3A_302, %dma_start3A_307] : memref<2x80xi32, #tpu.memory_space<vmem>> -> memref<1x80xi32, #tpu.memory_space<vmem>>
          %dma_start3A_309 = tpu.memref_squeeze %dma_start3A_308 : memref<1x80xi32, #tpu.memory_space<vmem>> -> memref<80xi32, #tpu.memory_space<vmem>>
          %dma_start3A_310 = tpu.memref_slice %arg4[%mul3A_301] : memref<160000xi32, #tpu.memory_space<hbm>> -> memref<80xi32, #tpu.memory_space<hbm>>
          tpu.enqueue_dma source(%dma_start3A_310 : memref<80xi32, #tpu.memory_space<hbm>>) target(%dma_start3A_309 : memref<80xi32, #tpu.memory_space<vmem>>) target_semaphore(%arg14 : memref<!tpu.dma_semaphore, #tpu.memory_space<semaphore_mem>>)
        } else {
        }
        %parallel_loop3A = arith.constant 0 : i32
        %parallel_loop3A_275 = arith.constant 80 : i32
        %parallel_loop3A_276 = arith.constant 1 : i32
        scf.for %parallel_loop3A_289 = %parallel_loop3A to %parallel_loop3A_275 step %parallel_loop3A_276  : i32 {
          %parallel_loop3A_290 = arith.constant 1 : i32
          %parallel_loop3A_291 = arith.index_cast %parallel_loop3A_290 : i32 to index
          %parallel_loop3A_292 = arith.index_cast %parallel_loop3A_289 : i32 to index
          %parallel_loop3A_293 = arith.constant 0 : index
          %parallel_loop3A_294 = tpu.vector_load %arg11[%parallel_loop3A_291, %parallel_loop3A_292, %parallel_loop3A_293] {strides = array<i32>} : memref<2x80x128xf32, #tpu.memory_space<vmem>>, vector<1x1x16xf32>,
          %parallel_loop3A_295 = vector.shape_cast %parallel_loop3A_294 : vector<1x1x16xf32> to vector<16xf32>
          %parallel_loop3A_296 = arith.constant 1 : i32
          %parallel_loop3A_297 = arith.index_cast %parallel_loop3A_296 : i32 to index
          %parallel_loop3A_298 = arith.index_cast %parallel_loop3A_289 : i32 to index
          %parallel_loop3A_299 = arith.constant 0 : index
          %parallel_loop3A_300 = tpu.vector_load %arg10[%parallel_loop3A_297, %parallel_loop3A_298, %parallel_loop3A_299] {strides = array<i32>} : memref<2x80x128xf32, #tpu.memory_space<vmem>>, vector<1x1x16xf32>,
          %parallel_loop3A_301 = vector.shape_cast %parallel_loop3A_300 : vector<1x1x16xf32> to vector<16xf32>
          %parallel_loop3A_302 = arith.mulf %parallel_loop3A_295, %parallel_loop3A_301 : vector<16xf32>
          %parallel_loop3A_303 = arith.constant 1 : i32
          %parallel_loop3A_304 = arith.index_cast %parallel_loop3A_303 : i32 to index
          %parallel_loop3A_305 = arith.index_cast %parallel_loop3A_289 : i32 to index
          %parallel_loop3A_306 = arith.constant 0 : index
          %parallel_loop3A_307 = tpu.vector_load %arg11[%parallel_loop3A_304, %parallel_loop3A_305, %parallel_loop3A_306] {strides = array<i32>} : memref<2x80x128xf32, #tpu.memory_space<vmem>>, vector<1x1x16xf32>,
          %parallel_loop3A_308 = vector.shape_cast %parallel_loop3A_307 : vector<1x1x16xf32> to vector<16xf32>
          %parallel_loop3A_309 = vector.shape_cast %parallel_loop3A_302 : vector<16xf32> to vector<1x1x16xf32>
          tpu.vector_store %arg11[%parallel_loop3A_304, %parallel_loop3A_305, %parallel_loop3A_306], %parallel_loop3A_309 {strides = array<i32>} : memref<2x80x128xf32, #tpu.memory_space<vmem>>, vector<1x1x16xf32>,
          %parallel_loop3A_310 = arith.constant 1 : i32
          %parallel_loop3A_311 = arith.index_cast %parallel_loop3A_310 : i32 to index
          %parallel_loop3A_312 = arith.index_cast %parallel_loop3A_289 : i32 to index
          %parallel_loop3A_313 = arith.constant 16 : index
          %parallel_loop3A_314 = tpu.vector_load %arg11[%parallel_loop3A_311, %parallel_loop3A_312, %parallel_loop3A_313] {strides = array<i32>} : memref<2x80x128xf32, #tpu.memory_space<vmem>>, vector<1x1x16xf32>,
          %parallel_loop3A_315 = vector.shape_cast %parallel_loop3A_314 : vector<1x1x16xf32> to vector<16xf32>
          %parallel_loop3A_316 = arith.constant 1 : i32
          %parallel_loop3A_317 = arith.index_cast %parallel_loop3A_316 : i32 to index
          %parallel_loop3A_318 = arith.index_cast %parallel_loop3A_289 : i32 to index
          %parallel_loop3A_319 = arith.constant 16 : index
          %parallel_loop3A_320 = tpu.vector_load %arg10[%parallel_loop3A_317, %parallel_loop3A_318, %parallel_loop3A_319] {strides = array<i32>} : memref<2x80x128xf32, #tpu.memory_space<vmem>>, vector<1x1x16xf32>,
          %parallel_loop3A_321 = vector.shape_cast %parallel_loop3A_320 : vector<1x1x16xf32> to vector<16xf32>
          %parallel_loop3A_322 = arith.mulf %parallel_loop3A_315, %parallel_loop3A_321 : vector<16xf32>
          %parallel_loop3A_323 = arith.constant 1 : i32
          %parallel_loop3A_324 = arith.index_cast %parallel_loop3A_323 : i32 to index
          %parallel_loop3A_325 = arith.index_cast %parallel_loop3A_289 : i32 to index
          %parallel_loop3A_326 = arith.constant 16 : index
          %parallel_loop3A_327 = tpu.vector_load %arg11[%parallel_loop3A_324, %parallel_loop3A_325, %parallel_loop3A_326] {strides = array<i32>} : memref<2x80x128xf32, #tpu.memory_space<vmem>>, vector<1x1x16xf32>,
          %parallel_loop3A_328 = vector.shape_cast %parallel_loop3A_327 : vector<1x1x16xf32> to vector<16xf32>
          %parallel_loop3A_329 = vector.shape_cast %parallel_loop3A_322 : vector<16xf32> to vector<1x1x16xf32>
          tpu.vector_store %arg11[%parallel_loop3A_324, %parallel_loop3A_325, %parallel_loop3A_326], %parallel_loop3A_329 {strides = array<i32>} : memref<2x80x128xf32, #tpu.memory_space<vmem>>, vector<1x1x16xf32>,
          %parallel_loop3A_330 = arith.constant 1 : i32
          %parallel_loop3A_331 = arith.index_cast %parallel_loop3A_330 : i32 to index
          %parallel_loop3A_332 = arith.index_cast %parallel_loop3A_289 : i32 to index
          %parallel_loop3A_333 = arith.constant 32 : index
          %parallel_loop3A_334 = tpu.vector_load %arg11[%parallel_loop3A_331, %parallel_loop3A_332, %parallel_loop3A_333] {strides = array<i32>} : memref<2x80x128xf32, #tpu.memory_space<vmem>>, vector<1x1x16xf32>,
          %parallel_loop3A_335 = vector.shape_cast %parallel_loop3A_334 : vector<1x1x16xf32> to vector<16xf32>
          %parallel_loop3A_336 = arith.constant 1 : i32
          %parallel_loop3A_337 = arith.index_cast %parallel_loop3A_336 : i32 to index
          %parallel_loop3A_338 = arith.index_cast %parallel_loop3A_289 : i32 to index
          %parallel_loop3A_339 = arith.constant 32 : index
          %parallel_loop3A_340 = tpu.vector_load %arg10[%parallel_loop3A_337, %parallel_loop3A_338, %parallel_loop3A_339] {strides = array<i32>} : memref<2x80x128xf32, #tpu.memory_space<vmem>>, vector<1x1x16xf32>,
          %parallel_loop3A_341 = vector.shape_cast %parallel_loop3A_340 : vector<1x1x16xf32> to vector<16xf32>
          %parallel_loop3A_342 = arith.mulf %parallel_loop3A_335, %parallel_loop3A_341 : vector<16xf32>
          %parallel_loop3A_343 = arith.constant 1 : i32
          %parallel_loop3A_344 = arith.index_cast %parallel_loop3A_343 : i32 to index
          %parallel_loop3A_345 = arith.index_cast %parallel_loop3A_289 : i32 to index
          %parallel_loop3A_346 = arith.constant 32 : index
          %parallel_loop3A_347 = tpu.vector_load %arg11[%parallel_loop3A_344, %parallel_loop3A_345, %parallel_loop3A_346] {strides = array<i32>} : memref<2x80x128xf32, #tpu.memory_space<vmem>>, vector<1x1x16xf32>,
          %parallel_loop3A_348 = vector.shape_cast %parallel_loop3A_347 : vector<1x1x16xf32> to vector<16xf32>
          %parallel_loop3A_349 = vector.shape_cast %parallel_loop3A_342 : vector<16xf32> to vector<1x1x16xf32>
          tpu.vector_store %arg11[%parallel_loop3A_344, %parallel_loop3A_345, %parallel_loop3A_346], %parallel_loop3A_349 {strides = array<i32>} : memref<2x80x128xf32, #tpu.memory_space<vmem>>, vector<1x1x16xf32>,
          %parallel_loop3A_350 = arith.constant 1 : i32
          %parallel_loop3A_351 = arith.index_cast %parallel_loop3A_350 : i32 to index
          %parallel_loop3A_352 = arith.index_cast %parallel_loop3A_289 : i32 to index
          %parallel_loop3A_353 = arith.constant 48 : index
          %parallel_loop3A_354 = tpu.vector_load %arg11[%parallel_loop3A_351, %parallel_loop3A_352, %parallel_loop3A_353] {strides = array<i32>} : memref<2x80x128xf32, #tpu.memory_space<vmem>>, vector<1x1x16xf32>,
          %parallel_loop3A_355 = vector.shape_cast %parallel_loop3A_354 : vector<1x1x16xf32> to vector<16xf32>
          %parallel_loop3A_356 = arith.constant 1 : i32
          %parallel_loop3A_357 = arith.index_cast %parallel_loop3A_356 : i32 to index
          %parallel_loop3A_358 = arith.index_cast %parallel_loop3A_289 : i32 to index
          %parallel_loop3A_359 = arith.constant 48 : index
          %parallel_loop3A_360 = tpu.vector_load %arg10[%parallel_loop3A_357, %parallel_loop3A_358, %parallel_loop3A_359] {strides = array<i32>} : memref<2x80x128xf32, #tpu.memory_space<vmem>>, vector<1x1x16xf32>,
          %parallel_loop3A_361 = vector.shape_cast %parallel_loop3A_360 : vector<1x1x16xf32> to vector<16xf32>
          %parallel_loop3A_362 = arith.mulf %parallel_loop3A_355, %parallel_loop3A_361 : vector<16xf32>
          %parallel_loop3A_363 = arith.constant 1 : i32
          %parallel_loop3A_364 = arith.index_cast %parallel_loop3A_363 : i32 to index
          %parallel_loop3A_365 = arith.index_cast %parallel_loop3A_289 : i32 to index
          %parallel_loop3A_366 = arith.constant 48 : index
          %parallel_loop3A_367 = tpu.vector_load %arg11[%parallel_loop3A_364, %parallel_loop3A_365, %parallel_loop3A_366] {strides = array<i32>} : memref<2x80x128xf32, #tpu.memory_space<vmem>>, vector<1x1x16xf32>,
          %parallel_loop3A_368 = vector.shape_cast %parallel_loop3A_367 : vector<1x1x16xf32> to vector<16xf32>
          %parallel_loop3A_369 = vector.shape_cast %parallel_loop3A_362 : vector<16xf32> to vector<1x1x16xf32>
          tpu.vector_store %arg11[%parallel_loop3A_364, %parallel_loop3A_365, %parallel_loop3A_366], %parallel_loop3A_369 {strides = array<i32>} : memref<2x80x128xf32, #tpu.memory_space<vmem>>, vector<1x1x16xf32>,
          %parallel_loop3A_370 = arith.constant 1 : i32
          %parallel_loop3A_371 = arith.index_cast %parallel_loop3A_370 : i32 to index
          %parallel_loop3A_372 = arith.index_cast %parallel_loop3A_289 : i32 to index
          %parallel_loop3A_373 = arith.constant 64 : index
          %parallel_loop3A_374 = tpu.vector_load %arg11[%parallel_loop3A_371, %parallel_loop3A_372, %parallel_loop3A_373] {strides = array<i32>} : memref<2x80x128xf32, #tpu.memory_space<vmem>>, vector<1x1x16xf32>,
          %parallel_loop3A_375 = vector.shape_cast %parallel_loop3A_374 : vector<1x1x16xf32> to vector<16xf32>
          %parallel_loop3A_376 = arith.constant 1 : i32
          %parallel_loop3A_377 = arith.index_cast %parallel_loop3A_376 : i32 to index
          %parallel_loop3A_378 = arith.index_cast %parallel_loop3A_289 : i32 to index
          %parallel_loop3A_379 = arith.constant 64 : index
          %parallel_loop3A_380 = tpu.vector_load %arg10[%parallel_loop3A_377, %parallel_loop3A_378, %parallel_loop3A_379] {strides = array<i32>} : memref<2x80x128xf32, #tpu.memory_space<vmem>>, vector<1x1x16xf32>,
          %parallel_loop3A_381 = vector.shape_cast %parallel_loop3A_380 : vector<1x1x16xf32> to vector<16xf32>
          %parallel_loop3A_382 = arith.mulf %parallel_loop3A_375, %parallel_loop3A_381 : vector<16xf32>
          %parallel_loop3A_383 = arith.constant 1 : i32
          %parallel_loop3A_384 = arith.index_cast %parallel_loop3A_383 : i32 to index
          %parallel_loop3A_385 = arith.index_cast %parallel_loop3A_289 : i32 to index
          %parallel_loop3A_386 = arith.constant 64 : index
          %parallel_loop3A_387 = tpu.vector_load %arg11[%parallel_loop3A_384, %parallel_loop3A_385, %parallel_loop3A_386] {strides = array<i32>} : memref<2x80x128xf32, #tpu.memory_space<vmem>>, vector<1x1x16xf32>,
          %parallel_loop3A_388 = vector.shape_cast %parallel_loop3A_387 : vector<1x1x16xf32> to vector<16xf32>
          %parallel_loop3A_389 = vector.shape_cast %parallel_loop3A_382 : vector<16xf32> to vector<1x1x16xf32>
          tpu.vector_store %arg11[%parallel_loop3A_384, %parallel_loop3A_385, %parallel_loop3A_386], %parallel_loop3A_389 {strides = array<i32>} : memref<2x80x128xf32, #tpu.memory_space<vmem>>, vector<1x1x16xf32>,
          %parallel_loop3A_390 = arith.constant 1 : i32
          %parallel_loop3A_391 = arith.index_cast %parallel_loop3A_390 : i32 to index
          %parallel_loop3A_392 = arith.index_cast %parallel_loop3A_289 : i32 to index
          %parallel_loop3A_393 = arith.constant 80 : index
          %parallel_loop3A_394 = tpu.vector_load %arg11[%parallel_loop3A_391, %parallel_loop3A_392, %parallel_loop3A_393] {strides = array<i32>} : memref<2x80x128xf32, #tpu.memory_space<vmem>>, vector<1x1x16xf32>,
          %parallel_loop3A_395 = vector.shape_cast %parallel_loop3A_394 : vector<1x1x16xf32> to vector<16xf32>
          %parallel_loop3A_396 = arith.constant 1 : i32
          %parallel_loop3A_397 = arith.index_cast %parallel_loop3A_396 : i32 to index
          %parallel_loop3A_398 = arith.index_cast %parallel_loop3A_289 : i32 to index
          %parallel_loop3A_399 = arith.constant 80 : index
          %parallel_loop3A_400 = tpu.vector_load %arg10[%parallel_loop3A_397, %parallel_loop3A_398, %parallel_loop3A_399] {strides = array<i32>} : memref<2x80x128xf32, #tpu.memory_space<vmem>>, vector<1x1x16xf32>,
          %parallel_loop3A_401 = vector.shape_cast %parallel_loop3A_400 : vector<1x1x16xf32> to vector<16xf32>
          %parallel_loop3A_402 = arith.mulf %parallel_loop3A_395, %parallel_loop3A_401 : vector<16xf32>
          %parallel_loop3A_403 = arith.constant 1 : i32
          %parallel_loop3A_404 = arith.index_cast %parallel_loop3A_403 : i32 to index
          %parallel_loop3A_405 = arith.index_cast %parallel_loop3A_289 : i32 to index
          %parallel_loop3A_406 = arith.constant 80 : index
          %parallel_loop3A_407 = tpu.vector_load %arg11[%parallel_loop3A_404, %parallel_loop3A_405, %parallel_loop3A_406] {strides = array<i32>} : memref<2x80x128xf32, #tpu.memory_space<vmem>>, vector<1x1x16xf32>,
          %parallel_loop3A_408 = vector.shape_cast %parallel_loop3A_407 : vector<1x1x16xf32> to vector<16xf32>
          %parallel_loop3A_409 = vector.shape_cast %parallel_loop3A_402 : vector<16xf32> to vector<1x1x16xf32>
          tpu.vector_store %arg11[%parallel_loop3A_404, %parallel_loop3A_405, %parallel_loop3A_406], %parallel_loop3A_409 {strides = array<i32>} : memref<2x80x128xf32, #tpu.memory_space<vmem>>, vector<1x1x16xf32>,
          %parallel_loop3A_410 = arith.constant 1 : i32
          %parallel_loop3A_411 = arith.index_cast %parallel_loop3A_410 : i32 to index
          %parallel_loop3A_412 = arith.index_cast %parallel_loop3A_289 : i32 to index
          %parallel_loop3A_413 = arith.constant 96 : index
          %parallel_loop3A_414 = tpu.vector_load %arg11[%parallel_loop3A_411, %parallel_loop3A_412, %parallel_loop3A_413] {strides = array<i32>} : memref<2x80x128xf32, #tpu.memory_space<vmem>>, vector<1x1x16xf32>,
          %parallel_loop3A_415 = vector.shape_cast %parallel_loop3A_414 : vector<1x1x16xf32> to vector<16xf32>
          %parallel_loop3A_416 = arith.constant 1 : i32
          %parallel_loop3A_417 = arith.index_cast %parallel_loop3A_416 : i32 to index
          %parallel_loop3A_418 = arith.index_cast %parallel_loop3A_289 : i32 to index
          %parallel_loop3A_419 = arith.constant 96 : index
          %parallel_loop3A_420 = tpu.vector_load %arg10[%parallel_loop3A_417, %parallel_loop3A_418, %parallel_loop3A_419] {strides = array<i32>} : memref<2x80x128xf32, #tpu.memory_space<vmem>>, vector<1x1x16xf32>,
          %parallel_loop3A_421 = vector.shape_cast %parallel_loop3A_420 : vector<1x1x16xf32> to vector<16xf32>
          %parallel_loop3A_422 = arith.mulf %parallel_loop3A_415, %parallel_loop3A_421 : vector<16xf32>
          %parallel_loop3A_423 = arith.constant 1 : i32
          %parallel_loop3A_424 = arith.index_cast %parallel_loop3A_423 : i32 to index
          %parallel_loop3A_425 = arith.index_cast %parallel_loop3A_289 : i32 to index
          %parallel_loop3A_426 = arith.constant 96 : index
          %parallel_loop3A_427 = tpu.vector_load %arg11[%parallel_loop3A_424, %parallel_loop3A_425, %parallel_loop3A_426] {strides = array<i32>} : memref<2x80x128xf32, #tpu.memory_space<vmem>>, vector<1x1x16xf32>,
          %parallel_loop3A_428 = vector.shape_cast %parallel_loop3A_427 : vector<1x1x16xf32> to vector<16xf32>
          %parallel_loop3A_429 = vector.shape_cast %parallel_loop3A_422 : vector<16xf32> to vector<1x1x16xf32>
          tpu.vector_store %arg11[%parallel_loop3A_424, %parallel_loop3A_425, %parallel_loop3A_426], %parallel_loop3A_429 {strides = array<i32>} : memref<2x80x128xf32, #tpu.memory_space<vmem>>, vector<1x1x16xf32>,
          %parallel_loop3A_430 = arith.constant 1 : i32
          %parallel_loop3A_431 = arith.index_cast %parallel_loop3A_430 : i32 to index
          %parallel_loop3A_432 = arith.index_cast %parallel_loop3A_289 : i32 to index
          %parallel_loop3A_433 = arith.constant 112 : index
          %parallel_loop3A_434 = tpu.vector_load %arg11[%parallel_loop3A_431, %parallel_loop3A_432, %parallel_loop3A_433] {strides = array<i32>} : memref<2x80x128xf32, #tpu.memory_space<vmem>>, vector<1x1x16xf32>,
          %parallel_loop3A_435 = vector.shape_cast %parallel_loop3A_434 : vector<1x1x16xf32> to vector<16xf32>
          %parallel_loop3A_436 = arith.constant 1 : i32
          %parallel_loop3A_437 = arith.index_cast %parallel_loop3A_436 : i32 to index
          %parallel_loop3A_438 = arith.index_cast %parallel_loop3A_289 : i32 to index
          %parallel_loop3A_439 = arith.constant 112 : index
          %parallel_loop3A_440 = tpu.vector_load %arg10[%parallel_loop3A_437, %parallel_loop3A_438, %parallel_loop3A_439] {strides = array<i32>} : memref<2x80x128xf32, #tpu.memory_space<vmem>>, vector<1x1x16xf32>,
          %parallel_loop3A_441 = vector.shape_cast %parallel_loop3A_440 : vector<1x1x16xf32> to vector<16xf32>
          %parallel_loop3A_442 = arith.mulf %parallel_loop3A_435, %parallel_loop3A_441 : vector<16xf32>
          %parallel_loop3A_443 = arith.constant 1 : i32
          %parallel_loop3A_444 = arith.index_cast %parallel_loop3A_443 : i32 to index
          %parallel_loop3A_445 = arith.index_cast %parallel_loop3A_289 : i32 to index
          %parallel_loop3A_446 = arith.constant 112 : index
          %parallel_loop3A_447 = tpu.vector_load %arg11[%parallel_loop3A_444, %parallel_loop3A_445, %parallel_loop3A_446] {strides = array<i32>} : memref<2x80x128xf32, #tpu.memory_space<vmem>>, vector<1x1x16xf32>,
          %parallel_loop3A_448 = vector.shape_cast %parallel_loop3A_447 : vector<1x1x16xf32> to vector<16xf32>
          %parallel_loop3A_449 = vector.shape_cast %parallel_loop3A_442 : vector<16xf32> to vector<1x1x16xf32>
          tpu.vector_store %arg11[%parallel_loop3A_444, %parallel_loop3A_445, %parallel_loop3A_446], %parallel_loop3A_449 {strides = array<i32>} : memref<2x80x128xf32, #tpu.memory_space<vmem>>, vector<1x1x16xf32>,
        } {sc.loop_unroll_factor = 4 : i64, sc.parallel_access}
        %dma_start3A_277 = arith.constant 1 : i32
        %dma_start3A_278 = arith.constant 1 : i32
        %dma_start3A_279 = arith.constant 0 : i32
        %dma_start3A_280 = arith.constant 0 : i32
        %dma_start3A_281 = tpu.memref_slice %arg11[%dma_start3A_277, %dma_start3A_279, %dma_start3A_280] : memref<2x80x128xf32, #tpu.memory_space<vmem>> -> memref<1x80x128xf32, #tpu.memory_space<vmem>>
        %dma_start3A_282 = tpu.memref_squeeze %dma_start3A_281 : memref<1x80x128xf32, #tpu.memory_space<vmem>> -> memref<80x128xf32, #tpu.memory_space<vmem>>
        %dma_start3A_283 = arith.constant 0 : i32
        %dma_start3A_284 = tpu.memref_slice %arg9[%dma_start3A_278, %dma_start3A_283] : memref<2x80xi32, #tpu.memory_space<vmem>> -> memref<1x80xi32, #tpu.memory_space<vmem>>
        %dma_start3A_285 = tpu.memref_squeeze %dma_start3A_284 : memref<1x80xi32, #tpu.memory_space<vmem>> -> memref<80xi32, #tpu.memory_space<vmem>>
        %dma_start3A_286 = arith.constant 0 : i32
        %dma_start3A_287 = arith.constant 0 : i32
        %dma_start3A_288 = tpu.memref_slice %arg12[%dma_start3A_286, %dma_start3A_287] : memref<10000x128xf32, #tpu.memory_space<vmem_shared>> -> memref<10000x128xf32, #tpu.memory_space<vmem_shared>>
        tpu.enqueue_indirect_dma source(%dma_start3A_282 : memref<80x128xf32, #tpu.memory_space<vmem>>) target(%dma_start3A_288 : memref<10000x128xf32, #tpu.memory_space<vmem_shared>>) offsets(%dma_start3A_285 : memref<80xi32, #tpu.memory_space<vmem>>) semaphore(%arg20 : memref<!tpu.dma_semaphore, #tpu.memory_space<semaphore_mem>>) {add = true}
      } else {
      }
    }
    %scan3A_91 = arith.constant 32 : i32
    %sub3A = arith.constant 1999 : i32
    %sub3A_92 = arith.subi %sub3A, %add3A : i32
    %jit3A = arith.constant 32 : i32
    %div3A = arith.divsi %sub3A_92, %jit3A : i32
    %sign3A = arith.constant 0 : i32
    %sign3A_93 = arith.cmpi sgt, %sub3A_92, %sign3A : i32
    %sign3A_94 = arith.extui %sign3A_93 : i1 to i32
    %sign3A_95 = arith.constant 0 : i32
    %sign3A_96 = arith.cmpi slt, %sub3A_92, %sign3A_95 : i32
    %sign3A_97 = arith.extui %sign3A_96 : i1 to i32
    %sign3A_98 = arith.subi %sign3A_94, %sign3A_97 : i32
    %sign3A_99 = arith.constant 0 : i32
    %sign3A_100 = arith.cmpi sgt, %jit3A, %sign3A_99 : i32
    %sign3A_101 = arith.extui %sign3A_100 : i1 to i32
    %sign3A_102 = arith.constant 0 : i32
    %sign3A_103 = arith.cmpi slt, %jit3A, %sign3A_102 : i32
    %sign3A_104 = arith.extui %sign3A_103 : i1 to i32
    %sign3A_105 = arith.subi %sign3A_101, %sign3A_104 : i32
    %ne3A = arith.cmpi ne, %sign3A_98, %sign3A_105 : i32
    %rem3A = arith.remsi %sub3A_92, %jit3A : i32
    %ne3A_106 = arith.constant 0 : i32
    %ne3A_107 = arith.cmpi ne, %rem3A, %ne3A_106 : i32
    %and3A = arith.andi %ne3A, %ne3A_107 : i1
    %sub3A_108 = arith.constant 1 : i32
    %sub3A_109 = arith.subi %div3A, %sub3A_108 : i32
    %select_n3A = arith.select %and3A, %sub3A_109, %div3A : i32
    %jit3A_110 = arith.constant 2 : i32
    %eq3A = arith.constant 0 : i32
    %eq3A_111 = arith.cmpi eq, %jit3A_110, %eq3A : i32
    %jit3A_112 = arith.constant 1 : i32
    %select_n3A_113 = arith.select %eq3A_111, %jit3A_112, %jit3A_110 : i32
    %rem3A_114 = arith.remsi %select_n3A, %select_n3A_113 : i32
    %ne3A_115 = arith.constant 0 : i32
    %ne3A_116 = arith.cmpi ne, %rem3A_114, %ne3A_115 : i32
    %lt3A_117 = arith.constant 0 : i32
    %lt3A_118 = arith.cmpi slt, %rem3A_114, %lt3A_117 : i32
    %lt3A_119 = arith.constant 0 : i32
    %lt3A_120 = arith.cmpi slt, %select_n3A_113, %lt3A_119 : i32
    %ne3A_121 = arith.xori %lt3A_118, %lt3A_120 : i1
    %and3A_122 = arith.andi %ne3A_121, %ne3A_116 : i1
    %add3A_123 = arith.addi %rem3A_114, %select_n3A_113 : i32
    %select_n3A_124 = arith.select %and3A_122, %add3A_123, %rem3A_114 : i32
    %eq3A_125 = arith.constant 0 : i32
    %eq3A_126 = arith.cmpi eq, %select_n3A_124, %eq3A_125 : i32
    %convert_element_type3A_127 = arith.extui %eq3A_126 : i1 to i32
    %cond3A_128 = arith.constant 0 : i32
    %cond3A_129 = arith.cmpi ne, %convert_element_type3A_127, %cond3A_128 : i32
    scf.if %cond3A_129 {
      %ge3A = arith.constant 1 : i32
      %ge3A_158 = arith.cmpi sge, %select_n3A, %ge3A : i32
      %convert_element_type3A_159 = arith.extui %ge3A_158 : i1 to i32
      %cond3A_160 = arith.constant 0 : i32
      %cond3A_161 = arith.cmpi ne, %convert_element_type3A_159, %cond3A_160 : i32
      scf.if %cond3A_161 {
        %dma_wait3A_174 = arith.constant 1 : i32
        %dma_wait3A_175 = arith.constant 1 : i32
        %dma_wait3A_176 = arith.constant 0 : i32
        %dma_wait3A_177 = arith.constant 0 : i32
        %dma_wait3A_178 = tpu.memref_slice %arg11[%dma_wait3A_174, %dma_wait3A_176, %dma_wait3A_177] : memref<2x80x128xf32, #tpu.memory_space<vmem>> -> memref<1x80x128xf32, #tpu.memory_space<vmem>>
        %dma_wait3A_179 = tpu.memref_squeeze %dma_wait3A_178 : memref<1x80x128xf32, #tpu.memory_space<vmem>> -> memref<80x128xf32, #tpu.memory_space<vmem>>
        %dma_wait3A_180 = arith.constant 0 : i32
        %dma_wait3A_181 = tpu.memref_slice %arg9[%dma_wait3A_175, %dma_wait3A_180] : memref<2x80xi32, #tpu.memory_space<vmem>> -> memref<1x80xi32, #tpu.memory_space<vmem>>
        %dma_wait3A_182 = tpu.memref_squeeze %dma_wait3A_181 : memref<1x80xi32, #tpu.memory_space<vmem>> -> memref<80xi32, #tpu.memory_space<vmem>>
        %dma_wait3A_183 = arith.constant 0 : i32
        %dma_wait3A_184 = arith.constant 0 : i32
        %dma_wait3A_185 = tpu.memref_slice %arg12[%dma_wait3A_183, %dma_wait3A_184] : memref<10000x128xf32, #tpu.memory_space<vmem_shared>> -> memref<10000x128xf32, #tpu.memory_space<vmem_shared>>
        tpu.wait_indirect_dma semaphore(%arg20 : memref<!tpu.dma_semaphore, #tpu.memory_space<semaphore_mem>>) src(%dma_wait3A_179 : memref<80x128xf32, #tpu.memory_space<vmem>>) dst(%dma_wait3A_185 : memref<10000x128xf32, #tpu.memory_space<vmem_shared>>)
      } else {
      }
      %dma_wait3A_162 = arith.constant 0 : i32
      %dma_wait3A_163 = arith.constant 0 : i32
      %dma_wait3A_164 = arith.constant 0 : i32
      %dma_wait3A_165 = arith.constant 0 : i32
      %dma_wait3A_166 = tpu.memref_slice %arg11[%dma_wait3A_162, %dma_wait3A_164, %dma_wait3A_165] : memref<2x80x128xf32, #tpu.memory_space<vmem>> -> memref<1x80x128xf32, #tpu.memory_space<vmem>>
      %dma_wait3A_167 = tpu.memref_squeeze %dma_wait3A_166 : memref<1x80x128xf32, #tpu.memory_space<vmem>> -> memref<80x128xf32, #tpu.memory_space<vmem>>
      %dma_wait3A_168 = arith.constant 0 : i32
      %dma_wait3A_169 = tpu.memref_slice %arg9[%dma_wait3A_163, %dma_wait3A_168] : memref<2x80xi32, #tpu.memory_space<vmem>> -> memref<1x80xi32, #tpu.memory_space<vmem>>
      %dma_wait3A_170 = tpu.memref_squeeze %dma_wait3A_169 : memref<1x80xi32, #tpu.memory_space<vmem>> -> memref<80xi32, #tpu.memory_space<vmem>>
      %dma_wait3A_171 = arith.constant 0 : i32
      %dma_wait3A_172 = arith.constant 0 : i32
      %dma_wait3A_173 = tpu.memref_slice %arg12[%dma_wait3A_171, %dma_wait3A_172] : memref<10000x128xf32, #tpu.memory_space<vmem_shared>> -> memref<10000x128xf32, #tpu.memory_space<vmem_shared>>
      tpu.wait_indirect_dma semaphore(%arg19 : memref<!tpu.dma_semaphore, #tpu.memory_space<semaphore_mem>>) src(%dma_wait3A_167 : memref<80x128xf32, #tpu.memory_space<vmem>>) dst(%dma_wait3A_173 : memref<10000x128xf32, #tpu.memory_space<vmem_shared>>)
    } else {
    }
    %jit3A_130 = arith.constant 2 : i32
    %eq3A_131 = arith.constant 0 : i32
    %eq3A_132 = arith.cmpi eq, %jit3A_130, %eq3A_131 : i32
    %jit3A_133 = arith.constant 1 : i32
    %select_n3A_134 = arith.select %eq3A_132, %jit3A_133, %jit3A_130 : i32
    %rem3A_135 = arith.remsi %select_n3A, %select_n3A_134 : i32
    %ne3A_136 = arith.constant 0 : i32
    %ne3A_137 = arith.cmpi ne, %rem3A_135, %ne3A_136 : i32
    %lt3A_138 = arith.constant 0 : i32
    %lt3A_139 = arith.cmpi slt, %rem3A_135, %lt3A_138 : i32
    %lt3A_140 = arith.constant 0 : i32
    %lt3A_141 = arith.cmpi slt, %select_n3A_134, %lt3A_140 : i32
    %ne3A_142 = arith.xori %lt3A_139, %lt3A_141 : i1
    %and3A_143 = arith.andi %ne3A_142, %ne3A_137 : i1
    %add3A_144 = arith.addi %rem3A_135, %select_n3A_134 : i32
    %select_n3A_145 = arith.select %and3A_143, %add3A_144, %rem3A_135 : i32
    %eq3A_146 = arith.constant 1 : i32
    %eq3A_147 = arith.cmpi eq, %select_n3A_145, %eq3A_146 : i32
    %convert_element_type3A_148 = arith.extui %eq3A_147 : i1 to i32
    %cond3A_149 = arith.constant 0 : i32
    %cond3A_150 = arith.cmpi ne, %convert_element_type3A_148, %cond3A_149 : i32
    scf.if %cond3A_150 {
      %dma_wait3A_158 = arith.constant 0 : i32
      %dma_wait3A_159 = arith.constant 0 : i32
      %dma_wait3A_160 = arith.constant 0 : i32
      %dma_wait3A_161 = arith.constant 0 : i32
      %dma_wait3A_162 = tpu.memref_slice %arg11[%dma_wait3A_158, %dma_wait3A_160, %dma_wait3A_161] : memref<2x80x128xf32, #tpu.memory_space<vmem>> -> memref<1x80x128xf32, #tpu.memory_space<vmem>>
      %dma_wait3A_163 = tpu.memref_squeeze %dma_wait3A_162 : memref<1x80x128xf32, #tpu.memory_space<vmem>> -> memref<80x128xf32, #tpu.memory_space<vmem>>
      %dma_wait3A_164 = arith.constant 0 : i32
      %dma_wait3A_165 = tpu.memref_slice %arg9[%dma_wait3A_159, %dma_wait3A_164] : memref<2x80xi32, #tpu.memory_space<vmem>> -> memref<1x80xi32, #tpu.memory_space<vmem>>
      %dma_wait3A_166 = tpu.memref_squeeze %dma_wait3A_165 : memref<1x80xi32, #tpu.memory_space<vmem>> -> memref<80xi32, #tpu.memory_space<vmem>>
      %dma_wait3A_167 = arith.constant 0 : i32
      %dma_wait3A_168 = arith.constant 0 : i32
      %dma_wait3A_169 = tpu.memref_slice %arg12[%dma_wait3A_167, %dma_wait3A_168] : memref<10000x128xf32, #tpu.memory_space<vmem_shared>> -> memref<10000x128xf32, #tpu.memory_space<vmem_shared>>
      tpu.wait_indirect_dma semaphore(%arg19 : memref<!tpu.dma_semaphore, #tpu.memory_space<semaphore_mem>>) src(%dma_wait3A_163 : memref<80x128xf32, #tpu.memory_space<vmem>>) dst(%dma_wait3A_169 : memref<10000x128xf32, #tpu.memory_space<vmem_shared>>)
      %dma_wait3A_170 = arith.constant 1 : i32
      %dma_wait3A_171 = arith.constant 1 : i32
      %dma_wait3A_172 = arith.constant 0 : i32
      %dma_wait3A_173 = arith.constant 0 : i32
      %dma_wait3A_174 = tpu.memref_slice %arg11[%dma_wait3A_170, %dma_wait3A_172, %dma_wait3A_173] : memref<2x80x128xf32, #tpu.memory_space<vmem>> -> memref<1x80x128xf32, #tpu.memory_space<vmem>>
      %dma_wait3A_175 = tpu.memref_squeeze %dma_wait3A_174 : memref<1x80x128xf32, #tpu.memory_space<vmem>> -> memref<80x128xf32, #tpu.memory_space<vmem>>
      %dma_wait3A_176 = arith.constant 0 : i32
      %dma_wait3A_177 = tpu.memref_slice %arg9[%dma_wait3A_171, %dma_wait3A_176] : memref<2x80xi32, #tpu.memory_space<vmem>> -> memref<1x80xi32, #tpu.memory_space<vmem>>
      %dma_wait3A_178 = tpu.memref_squeeze %dma_wait3A_177 : memref<1x80xi32, #tpu.memory_space<vmem>> -> memref<80xi32, #tpu.memory_space<vmem>>
      %dma_wait3A_179 = arith.constant 0 : i32
      %dma_wait3A_180 = arith.constant 0 : i32
      %dma_wait3A_181 = tpu.memref_slice %arg12[%dma_wait3A_179, %dma_wait3A_180] : memref<10000x128xf32, #tpu.memory_space<vmem_shared>> -> memref<10000x128xf32, #tpu.memory_space<vmem_shared>>
      tpu.wait_indirect_dma semaphore(%arg20 : memref<!tpu.dma_semaphore, #tpu.memory_space<semaphore_mem>>) src(%dma_wait3A_175 : memref<80x128xf32, #tpu.memory_space<vmem>>) dst(%dma_wait3A_181 : memref<10000x128xf32, #tpu.memory_space<vmem_shared>>)
    } else {
    }
    %barrier3A_151 = arith.constant 0 : index
    tpu.barrier barrier_id(%barrier3A_151)
    %scan3A_152 = arith.constant 0 : i32
    %scan3A_153 = arith.constant 0 : i32
    %scan3A_154 = arith.constant 8 : i32
    %scan3A_155 = arith.addi %scan3A_153, %scan3A_154 : i32
    %scan3A_156 = arith.constant 1 : i32
    scf.for %scan3A_158 = %scan3A_153 to %scan3A_155 step %scan3A_156  : i32 {
      %mul3A_159 = arith.constant 16 : i32
      %mul3A_160 = arith.muli %scan3A_158, %mul3A_159 : i32
      %add3A_161 = arith.addi %arg1, %mul3A_160 : i32
      %lt3A_162 = arith.constant 125 : i32
      %lt3A_163 = arith.cmpi slt, %add3A_161, %lt3A_162 : i32
      %convert_element_type3A_164 = arith.extui %lt3A_163 : i1 to i32
      %cond3A_165 = arith.constant 0 : i32
      %cond3A_166 = arith.cmpi ne, %convert_element_type3A_164, %cond3A_165 : i32
      scf.if %cond3A_166 {
        %mul3A_167 = arith.constant 80 : i32
        %mul3A_168 = arith.muli %add3A_161, %mul3A_167 : i32
        %mul3A_169 = arith.constant 80 : i32
        %mul3A_170 = arith.muli %add3A_161, %mul3A_169 : i32
        "tpu.region"() ({
          %run_scoped3A = tpu.sem_alloc : memref<!tpu.dma_semaphore, #tpu.memory_space<semaphore_mem>>
          %dma_start3A_171 = arith.constant 0 : i32
          %dma_start3A_172 = tpu.memref_slice %arg6[%arg0, %mul3A_170, %dma_start3A_171] : memref<2x10000x128xf32, #tpu.memory_space<hbm>> -> memref<1x80x128xf32, #tpu.memory_space<hbm>>
          %dma_start3A_173 = tpu.memref_squeeze %dma_start3A_172 : memref<1x80x128xf32, #tpu.memory_space<hbm>> -> memref<80x128xf32, #tpu.memory_space<hbm>>
          %dma_start3A_174 = arith.constant 0 : i32
          %dma_start3A_175 = tpu.memref_slice %arg12[%mul3A_168, %dma_start3A_174] : memref<10000x128xf32, #tpu.memory_space<vmem_shared>> -> memref<80x128xf32, #tpu.memory_space<vmem_shared>>
          tpu.enqueue_dma source(%dma_start3A_175 : memref<80x128xf32, #tpu.memory_space<vmem_shared>>) target(%dma_start3A_173 : memref<80x128xf32, #tpu.memory_space<hbm>>) target_semaphore(%run_scoped3A : memref<!tpu.dma_semaphore, #tpu.memory_space<semaphore_mem>>)
          %dma_wait3A_176 = arith.constant 0 : i32
          %dma_wait3A_177 = tpu.memref_slice %arg6[%arg0, %mul3A_170, %dma_wait3A_176] : memref<2x10000x128xf32, #tpu.memory_space<hbm>> -> memref<1x80x128xf32, #tpu.memory_space<hbm>>
          %dma_wait3A_178 = tpu.memref_squeeze %dma_wait3A_177 : memref<1x80x128xf32, #tpu.memory_space<hbm>> -> memref<80x128xf32, #tpu.memory_space<hbm>>
          %dma_wait3A_179 = arith.constant 0 : i32
          %dma_wait3A_180 = tpu.memref_slice %arg12[%mul3A_168, %dma_wait3A_179] : memref<10000x128xf32, #tpu.memory_space<vmem_shared>> -> memref<80x128xf32, #tpu.memory_space<vmem_shared>>
          tpu.wait_dma2 semaphore(%run_scoped3A : memref<!tpu.dma_semaphore, #tpu.memory_space<semaphore_mem>>) src(%dma_wait3A_180 : memref<80x128xf32, #tpu.memory_space<vmem_shared>>) dst(%dma_wait3A_178 : memref<80x128xf32, #tpu.memory_space<hbm>>)
          tpu.yield
        }) : () -> ()
      } else {
      }
    }
    %scan3A_157 = arith.constant 8 : i32
    return
  }
}

#map = affine_map<(d0, d1) -> (0, 0)>
#map1 = affine_map<(d0, d1) -> (0)>
#map2 = affine_map<(d0, d1) -> (0, 0, 0)>
module attributes {stable_mosaic.version = 14 : i64} {
  func.func @_sc_gather_scatter(%arg0: i32, %arg1: i32, %arg2: memref<10000x128xf32, #tpu.memory_space<hbm>>, %arg3: memref<160000x128xf32, #tpu.memory_space<hbm>>, %arg4: memref<160000xi32, #tpu.memory_space<hbm>>, %arg5: memref<160000xi32, #tpu.memory_space<hbm>>, %arg6: memref<2x10000x128xf32, #tpu.memory_space<hbm>>, %arg7: memref<2x80xi32, #tpu.memory_space<vmem>>, %arg8: memref<2x80xi32, #tpu.memory_space<vmem>>, %arg9: memref<2x80xi32, #tpu.memory_space<vmem>>, %arg10: memref<2x80x128xf32, #tpu.memory_space<vmem>>, %arg11: memref<2x80x128xf32, #tpu.memory_space<vmem>>, %arg12: memref<10000x128xf32, #tpu.memory_space<vmem_shared>>, %arg13: memref<!tpu.dma_semaphore, #tpu.memory_space<semaphore_mem>>, %arg14: memref<!tpu.dma_semaphore, #tpu.memory_space<semaphore_mem>>, %arg15: memref<!tpu.dma_semaphore, #tpu.memory_space<semaphore_mem>>, %arg16: memref<!tpu.dma_semaphore, #tpu.memory_space<semaphore_mem>>, %arg17: memref<!tpu.dma_semaphore, #tpu.memory_space<semaphore_mem>>, %arg18: memref<!tpu.dma_semaphore, #tpu.memory_space<semaphore_mem>>, %arg19: memref<!tpu.dma_semaphore, #tpu.memory_space<semaphore_mem>>, %arg20: memref<!tpu.dma_semaphore, #tpu.memory_space<semaphore_mem>>) attributes {dimension_semantics = [#tpu.dimension_semantics<core_parallel>, #tpu.dimension_semantics<subcore_parallel>], iteration_bounds = array<i64: 2, 16>, scalar_prefetch = 0 : i64, scratch_operands = 14 : i64, tpu.core_type = #tpu.core_type<sc_vector_subcore>, window_params = [{transform_indices = #map}, {transform_indices = #map}, {transform_indices = #map1}, {transform_indices = #map1}, {transform_indices = #map2}]} {
    %mul3A = arith.constant 16 : i32
    %mul3A_0 = arith.muli %arg0, %mul3A : i32
    %add3A = arith.addi %mul3A_0, %arg1 : i32
    %broadcast_in_dim3A = arith.constant 0.000000e+00 : f32
    %broadcast_in_dim3A_1 = vector.broadcast %broadcast_in_dim3A : f32 to vector<16xf32>
    %scan3A = arith.constant 0 : i32
    %scan3A_2 = arith.constant 0 : i32
    %scan3A_3 = arith.constant 80 : i32
    %scan3A_4 = arith.addi %scan3A_2, %scan3A_3 : i32
    %scan3A_5 = arith.constant 1 : i32
    scf.for %scan3A_158 = %scan3A_2 to %scan3A_4 step %scan3A_5  : i32 {
      %swap3A = arith.constant 0 : i32
      %swap3A_159 = arith.index_cast %swap3A : i32 to index
      %swap3A_160 = arith.index_cast %scan3A_158 : i32 to index
      %swap3A_161 = arith.constant 0 : index
      %swap3A_162 = tpu.vector_load %arg10[%swap3A_159, %swap3A_160, %swap3A_161] {strides = array<i32>} : memref<2x80x128xf32, #tpu.memory_space<vmem>>, vector<1x1x16xf32>,
      %swap3A_163 = vector.shape_cast %swap3A_162 : vector<1x1x16xf32> to vector<16xf32>
      %swap3A_164 = vector.shape_cast %broadcast_in_dim3A_1 : vector<16xf32> to vector<1x1x16xf32>
      tpu.vector_store %arg10[%swap3A_159, %swap3A_160, %swap3A_161], %swap3A_164 {strides = array<i32>} : memref<2x80x128xf32, #tpu.memory_space<vmem>>, vector<1x1x16xf32>,
      %swap3A_165 = arith.constant 0 : i32
      %swap3A_166 = arith.index_cast %swap3A_165 : i32 to index
      %swap3A_167 = arith.index_cast %scan3A_158 : i32 to index
      %swap3A_168 = arith.constant 16 : index
      %swap3A_169 = tpu.vector_load %arg10[%swap3A_166, %swap3A_167, %swap3A_168] {strides = array<i32>} : memref<2x80x128xf32, #tpu.memory_space<vmem>>, vector<1x1x16xf32>,
      %swap3A_170 = vector.shape_cast %swap3A_169 : vector<1x1x16xf32> to vector<16xf32>
      %swap3A_171 = vector.shape_cast %broadcast_in_dim3A_1 : vector<16xf32> to vector<1x1x16xf32>
      tpu.vector_store %arg10[%swap3A_166, %swap3A_167, %swap3A_168], %swap3A_171 {strides = array<i32>} : memref<2x80x128xf32, #tpu.memory_space<vmem>>, vector<1x1x16xf32>,
      %swap3A_172 = arith.constant 0 : i32
      %swap3A_173 = arith.index_cast %swap3A_172 : i32 to index
      %swap3A_174 = arith.index_cast %scan3A_158 : i32 to index
      %swap3A_175 = arith.constant 32 : index
      %swap3A_176 = tpu.vector_load %arg10[%swap3A_173, %swap3A_174, %swap3A_175] {strides = array<i32>} : memref<2x80x128xf32, #tpu.memory_space<vmem>>, vector<1x1x16xf32>,
      %swap3A_177 = vector.shape_cast %swap3A_176 : vector<1x1x16xf32> to vector<16xf32>
      %swap3A_178 = vector.shape_cast %broadcast_in_dim3A_1 : vector<16xf32> to vector<1x1x16xf32>
      tpu.vector_store %arg10[%swap3A_173, %swap3A_174, %swap3A_175], %swap3A_178 {strides = array<i32>} : memref<2x80x128xf32, #tpu.memory_space<vmem>>, vector<1x1x16xf32>,
      %swap3A_179 = arith.constant 0 : i32
      %swap3A_180 = arith.index_cast %swap3A_179 : i32 to index
      %swap3A_181 = arith.index_cast %scan3A_158 : i32 to index
      %swap3A_182 = arith.constant 48 : index
      %swap3A_183 = tpu.vector_load %arg10[%swap3A_180, %swap3A_181, %swap3A_182] {strides = array<i32>} : memref<2x80x128xf32, #tpu.memory_space<vmem>>, vector<1x1x16xf32>,
      %swap3A_184 = vector.shape_cast %swap3A_183 : vector<1x1x16xf32> to vector<16xf32>
      %swap3A_185 = vector.shape_cast %broadcast_in_dim3A_1 : vector<16xf32> to vector<1x1x16xf32>
      tpu.vector_store %arg10[%swap3A_180, %swap3A_181, %swap3A_182], %swap3A_185 {strides = array<i32>} : memref<2x80x128xf32, #tpu.memory_space<vmem>>, vector<1x1x16xf32>,
      %swap3A_186 = arith.constant 0 : i32
      %swap3A_187 = arith.index_cast %swap3A_186 : i32 to index
      %swap3A_188 = arith.index_cast %scan3A_158 : i32 to index
      %swap3A_189 = arith.constant 64 : index
      %swap3A_190 = tpu.vector_load %arg10[%swap3A_187, %swap3A_188, %swap3A_189] {strides = array<i32>} : memref<2x80x128xf32, #tpu.memory_space<vmem>>, vector<1x1x16xf32>,
      %swap3A_191 = vector.shape_cast %swap3A_190 : vector<1x1x16xf32> to vector<16xf32>
      %swap3A_192 = vector.shape_cast %broadcast_in_dim3A_1 : vector<16xf32> to vector<1x1x16xf32>
      tpu.vector_store %arg10[%swap3A_187, %swap3A_188, %swap3A_189], %swap3A_192 {strides = array<i32>} : memref<2x80x128xf32, #tpu.memory_space<vmem>>, vector<1x1x16xf32>,
      %swap3A_193 = arith.constant 0 : i32
      %swap3A_194 = arith.index_cast %swap3A_193 : i32 to index
      %swap3A_195 = arith.index_cast %scan3A_158 : i32 to index
      %swap3A_196 = arith.constant 80 : index
      %swap3A_197 = tpu.vector_load %arg10[%swap3A_194, %swap3A_195, %swap3A_196] {strides = array<i32>} : memref<2x80x128xf32, #tpu.memory_space<vmem>>, vector<1x1x16xf32>,
      %swap3A_198 = vector.shape_cast %swap3A_197 : vector<1x1x16xf32> to vector<16xf32>
      %swap3A_199 = vector.shape_cast %broadcast_in_dim3A_1 : vector<16xf32> to vector<1x1x16xf32>
      tpu.vector_store %arg10[%swap3A_194, %swap3A_195, %swap3A_196], %swap3A_199 {strides = array<i32>} : memref<2x80x128xf32, #tpu.memory_space<vmem>>, vector<1x1x16xf32>,
      %swap3A_200 = arith.constant 0 : i32
      %swap3A_201 = arith.index_cast %swap3A_200 : i32 to index
      %swap3A_202 = arith.index_cast %scan3A_158 : i32 to index
      %swap3A_203 = arith.constant 96 : index
      %swap3A_204 = tpu.vector_load %arg10[%swap3A_201, %swap3A_202, %swap3A_203] {strides = array<i32>} : memref<2x80x128xf32, #tpu.memory_space<vmem>>, vector<1x1x16xf32>,
      %swap3A_205 = vector.shape_cast %swap3A_204 : vector<1x1x16xf32> to vector<16xf32>
      %swap3A_206 = vector.shape_cast %broadcast_in_dim3A_1 : vector<16xf32> to vector<1x1x16xf32>
      tpu.vector_store %arg10[%swap3A_201, %swap3A_202, %swap3A_203], %swap3A_206 {strides = array<i32>} : memref<2x80x128xf32, #tpu.memory_space<vmem>>, vector<1x1x16xf32>,
      %swap3A_207 = arith.constant 0 : i32
      %swap3A_208 = arith.index_cast %swap3A_207 : i32 to index
      %swap3A_209 = arith.index_cast %scan3A_158 : i32 to index
      %swap3A_210 = arith.constant 112 : index
      %swap3A_211 = tpu.vector_load %arg10[%swap3A_208, %swap3A_209, %swap3A_210] {strides = array<i32>} : memref<2x80x128xf32, #tpu.memory_space<vmem>>, vector<1x1x16xf32>,
      %swap3A_212 = vector.shape_cast %swap3A_211 : vector<1x1x16xf32> to vector<16xf32>
      %swap3A_213 = vector.shape_cast %broadcast_in_dim3A_1 : vector<16xf32> to vector<1x1x16xf32>
      tpu.vector_store %arg10[%swap3A_208, %swap3A_209, %swap3A_210], %swap3A_213 {strides = array<i32>} : memref<2x80x128xf32, #tpu.memory_space<vmem>>, vector<1x1x16xf32>,
    }
    %scan3A_6 = arith.constant 80 : i32
    %scan3A_7 = arith.constant 0 : i32
    %scan3A_8 = arith.constant 0 : i32
    %scan3A_9 = arith.constant 8 : i32
    %scan3A_10 = arith.addi %scan3A_8, %scan3A_9 : i32
    %scan3A_11 = arith.constant 1 : i32
    scf.for %scan3A_158 = %scan3A_8 to %scan3A_10 step %scan3A_11  : i32 {
      %mul3A_159 = arith.constant 16 : i32
      %mul3A_160 = arith.muli %scan3A_158, %mul3A_159 : i32
      %add3A_161 = arith.addi %arg1, %mul3A_160 : i32
      %lt3A_162 = arith.constant 125 : i32
      %lt3A_163 = arith.cmpi slt, %add3A_161, %lt3A_162 : i32
      %convert_element_type3A_164 = arith.extui %lt3A_163 : i1 to i32
      %cond3A_165 = arith.constant 0 : i32
      %cond3A_166 = arith.cmpi ne, %convert_element_type3A_164, %cond3A_165 : i32
      scf.if %cond3A_166 {
        %mul3A_167 = arith.constant 80 : i32
        %mul3A_168 = arith.muli %add3A_161, %mul3A_167 : i32
        %run_scoped3A = arith.constant 0 : i32
        "tpu.region"() ({
          %run_scoped3A_169 = tpu.sem_alloc : memref<!tpu.dma_semaphore, #tpu.memory_space<semaphore_mem>>
          %dma_start3A_170 = arith.constant 0 : i32
          %dma_start3A_171 = arith.constant 0 : i32
          %dma_start3A_172 = tpu.memref_slice %arg10[%run_scoped3A, %dma_start3A_170, %dma_start3A_171] : memref<2x80x128xf32, #tpu.memory_space<vmem>> -> memref<1x80x128xf32, #tpu.memory_space<vmem>>
          %dma_start3A_173 = tpu.memref_squeeze %dma_start3A_172 : memref<1x80x128xf32, #tpu.memory_space<vmem>> -> memref<80x128xf32, #tpu.memory_space<vmem>>
          %dma_start3A_174 = arith.constant 0 : i32
          %dma_start3A_175 = tpu.memref_slice %arg12[%mul3A_168, %dma_start3A_174] : memref<10000x128xf32, #tpu.memory_space<vmem_shared>> -> memref<80x128xf32, #tpu.memory_space<vmem_shared>>
          %dma_start3A_176 = arith.constant 0 : i32
          %dma_start3A_177 = tpu.memref_slice %arg12[%mul3A_168, %dma_start3A_176] : memref<10000x128xf32, #tpu.memory_space<vmem_shared>> -> memref<80x128xf32, #tpu.memory_space<vmem_shared>>
          %dma_start3A_178 = arith.constant 0 : i32
          %dma_start3A_179 = arith.constant 0 : i32
          %dma_start3A_180 = tpu.memref_slice %arg10[%run_scoped3A, %dma_start3A_178, %dma_start3A_179] : memref<2x80x128xf32, #tpu.memory_space<vmem>> -> memref<1x80x128xf32, #tpu.memory_space<vmem>>
          %dma_start3A_181 = tpu.memref_squeeze %dma_start3A_180 : memref<1x80x128xf32, #tpu.memory_space<vmem>> -> memref<80x128xf32, #tpu.memory_space<vmem>>
          tpu.enqueue_dma source(%dma_start3A_181 : memref<80x128xf32, #tpu.memory_space<vmem>>) target(%dma_start3A_177 : memref<80x128xf32, #tpu.memory_space<vmem_shared>>) target_semaphore(%run_scoped3A_169 : memref<!tpu.dma_semaphore, #tpu.memory_space<semaphore_mem>>)
          %dma_wait3A_182 = arith.constant 0 : i32
          %dma_wait3A_183 = arith.constant 0 : i32
          %dma_wait3A_184 = tpu.memref_slice %arg10[%run_scoped3A, %dma_wait3A_182, %dma_wait3A_183] : memref<2x80x128xf32, #tpu.memory_space<vmem>> -> memref<1x80x128xf32, #tpu.memory_space<vmem>>
          %dma_wait3A_185 = tpu.memref_squeeze %dma_wait3A_184 : memref<1x80x128xf32, #tpu.memory_space<vmem>> -> memref<80x128xf32, #tpu.memory_space<vmem>>
          %dma_wait3A_186 = arith.constant 0 : i32
          %dma_wait3A_187 = tpu.memref_slice %arg12[%mul3A_168, %dma_wait3A_186] : memref<10000x128xf32, #tpu.memory_space<vmem_shared>> -> memref<80x128xf32, #tpu.memory_space<vmem_shared>>
          %dma_wait3A_188 = arith.constant 0 : i32
          %dma_wait3A_189 = tpu.memref_slice %arg12[%mul3A_168, %dma_wait3A_188] : memref<10000x128xf32, #tpu.memory_space<vmem_shared>> -> memref<80x128xf32, #tpu.memory_space<vmem_shared>>
          %dma_wait3A_190 = arith.constant 0 : i32
          %dma_wait3A_191 = arith.constant 0 : i32
          %dma_wait3A_192 = tpu.memref_slice %arg10[%run_scoped3A, %dma_wait3A_190, %dma_wait3A_191] : memref<2x80x128xf32, #tpu.memory_space<vmem>> -> memref<1x80x128xf32, #tpu.memory_space<vmem>>
          %dma_wait3A_193 = tpu.memref_squeeze %dma_wait3A_192 : memref<1x80x128xf32, #tpu.memory_space<vmem>> -> memref<80x128xf32, #tpu.memory_space<vmem>>
          tpu.wait_dma2 semaphore(%run_scoped3A_169 : memref<!tpu.dma_semaphore, #tpu.memory_space<semaphore_mem>>) src(%dma_wait3A_193 : memref<80x128xf32, #tpu.memory_space<vmem>>) dst(%dma_wait3A_189 : memref<80x128xf32, #tpu.memory_space<vmem_shared>>)
          tpu.yield
        }) : () -> ()
      } else {
      }
    }
    %scan3A_12 = arith.constant 8 : i32
    %barrier3A = arith.constant 0 : index
    tpu.barrier barrier_id(%barrier3A)
    %mul3A_13 = arith.constant 80 : i32
    %mul3A_14 = arith.muli %add3A, %mul3A_13 : i32
    %dma_start3A = arith.constant 0 : i32
    %dma_start3A_15 = arith.constant 0 : i32
    %dma_start3A_16 = tpu.memref_slice %arg7[%dma_start3A, %dma_start3A_15] : memref<2x80xi32, #tpu.memory_space<vmem>> -> memref<1x80xi32, #tpu.memory_space<vmem>>
    %dma_start3A_17 = tpu.memref_squeeze %dma_start3A_16 : memref<1x80xi32, #tpu.memory_space<vmem>> -> memref<80xi32, #tpu.memory_space<vmem>>
    %dma_start3A_18 = tpu.memref_slice %arg5[%mul3A_14] : memref<160000xi32, #tpu.memory_space<hbm>> -> memref<80xi32, #tpu.memory_space<hbm>>
    %dma_start3A_19 = arith.constant 0 : i32
    %dma_start3A_20 = tpu.memref_slice %arg7[%dma_start3A, %dma_start3A_19] : memref<2x80xi32, #tpu.memory_space<vmem>> -> memref<1x80xi32, #tpu.memory_space<vmem>>
    %dma_start3A_21 = tpu.memref_squeeze %dma_start3A_20 : memref<1x80xi32, #tpu.memory_space<vmem>> -> memref<80xi32, #tpu.memory_space<vmem>>
    %dma_start3A_22 = tpu.memref_slice %arg5[%mul3A_14] : memref<160000xi32, #tpu.memory_space<hbm>> -> memref<80xi32, #tpu.memory_space<hbm>>
    tpu.enqueue_dma source(%dma_start3A_22 : memref<80xi32, #tpu.memory_space<hbm>>) target(%dma_start3A_21 : memref<80xi32, #tpu.memory_space<vmem>>) target_semaphore(%arg13 : memref<!tpu.dma_semaphore, #tpu.memory_space<semaphore_mem>>)
    %mul3A_23 = arith.constant 80 : i32
    %mul3A_24 = arith.muli %add3A, %mul3A_23 : i32
    %dma_start3A_25 = arith.constant 0 : i32
    %dma_start3A_26 = arith.constant 0 : i32
    %dma_start3A_27 = tpu.memref_slice %arg8[%dma_start3A_25, %dma_start3A_26] : memref<2x80xi32, #tpu.memory_space<vmem>> -> memref<1x80xi32, #tpu.memory_space<vmem>>
    %dma_start3A_28 = tpu.memref_squeeze %dma_start3A_27 : memref<1x80xi32, #tpu.memory_space<vmem>> -> memref<80xi32, #tpu.memory_space<vmem>>
    %dma_start3A_29 = tpu.memref_slice %arg4[%mul3A_24] : memref<160000xi32, #tpu.memory_space<hbm>> -> memref<80xi32, #tpu.memory_space<hbm>>
    %dma_start3A_30 = arith.constant 0 : i32
    %dma_start3A_31 = tpu.memref_slice %arg8[%dma_start3A_25, %dma_start3A_30] : memref<2x80xi32, #tpu.memory_space<vmem>> -> memref<1x80xi32, #tpu.memory_space<vmem>>
    %dma_start3A_32 = tpu.memref_squeeze %dma_start3A_31 : memref<1x80xi32, #tpu.memory_space<vmem>> -> memref<80xi32, #tpu.memory_space<vmem>>
    %dma_start3A_33 = tpu.memref_slice %arg4[%mul3A_24] : memref<160000xi32, #tpu.memory_space<hbm>> -> memref<80xi32, #tpu.memory_space<hbm>>
    tpu.enqueue_dma source(%dma_start3A_33 : memref<80xi32, #tpu.memory_space<hbm>>) target(%dma_start3A_32 : memref<80xi32, #tpu.memory_space<vmem>>) target_semaphore(%arg13 : memref<!tpu.dma_semaphore, #tpu.memory_space<semaphore_mem>>)
    %mul3A_34 = arith.constant 80 : i32
    %mul3A_35 = arith.muli %add3A, %mul3A_34 : i32
    %dma_wait3A = arith.constant 0 : i32
    %dma_wait3A_36 = arith.constant 0 : i32
    %dma_wait3A_37 = tpu.memref_slice %arg7[%dma_wait3A, %dma_wait3A_36] : memref<2x80xi32, #tpu.memory_space<vmem>> -> memref<1x80xi32, #tpu.memory_space<vmem>>
    %dma_wait3A_38 = tpu.memref_squeeze %dma_wait3A_37 : memref<1x80xi32, #tpu.memory_space<vmem>> -> memref<80xi32, #tpu.memory_space<vmem>>
    %dma_wait3A_39 = tpu.memref_slice %arg5[%mul3A_35] : memref<160000xi32, #tpu.memory_space<hbm>> -> memref<80xi32, #tpu.memory_space<hbm>>
    %dma_wait3A_40 = arith.constant 0 : i32
    %dma_wait3A_41 = tpu.memref_slice %arg7[%dma_wait3A, %dma_wait3A_40] : memref<2x80xi32, #tpu.memory_space<vmem>> -> memref<1x80xi32, #tpu.memory_space<vmem>>
    %dma_wait3A_42 = tpu.memref_squeeze %dma_wait3A_41 : memref<1x80xi32, #tpu.memory_space<vmem>> -> memref<80xi32, #tpu.memory_space<vmem>>
    %dma_wait3A_43 = tpu.memref_slice %arg5[%mul3A_35] : memref<160000xi32, #tpu.memory_space<hbm>> -> memref<80xi32, #tpu.memory_space<hbm>>
    tpu.wait_dma2 semaphore(%arg13 : memref<!tpu.dma_semaphore, #tpu.memory_space<semaphore_mem>>) src(%dma_wait3A_43 : memref<80xi32, #tpu.memory_space<hbm>>) dst(%dma_wait3A_42 : memref<80xi32, #tpu.memory_space<vmem>>)
    %mul3A_44 = arith.constant 80 : i32
    %mul3A_45 = arith.muli %add3A, %mul3A_44 : i32
    %dma_wait3A_46 = arith.constant 0 : i32
    %dma_wait3A_47 = arith.constant 0 : i32
    %dma_wait3A_48 = tpu.memref_slice %arg8[%dma_wait3A_46, %dma_wait3A_47] : memref<2x80xi32, #tpu.memory_space<vmem>> -> memref<1x80xi32, #tpu.memory_space<vmem>>
    %dma_wait3A_49 = tpu.memref_squeeze %dma_wait3A_48 : memref<1x80xi32, #tpu.memory_space<vmem>> -> memref<80xi32, #tpu.memory_space<vmem>>
    %dma_wait3A_50 = tpu.memref_slice %arg4[%mul3A_45] : memref<160000xi32, #tpu.memory_space<hbm>> -> memref<80xi32, #tpu.memory_space<hbm>>
    %dma_wait3A_51 = arith.constant 0 : i32
    %dma_wait3A_52 = tpu.memref_slice %arg8[%dma_wait3A_46, %dma_wait3A_51] : memref<2x80xi32, #tpu.memory_space<vmem>> -> memref<1x80xi32, #tpu.memory_space<vmem>>
    %dma_wait3A_53 = tpu.memref_squeeze %dma_wait3A_52 : memref<1x80xi32, #tpu.memory_space<vmem>> -> memref<80xi32, #tpu.memory_space<vmem>>
    %dma_wait3A_54 = tpu.memref_slice %arg4[%mul3A_45] : memref<160000xi32, #tpu.memory_space<hbm>> -> memref<80xi32, #tpu.memory_space<hbm>>
    tpu.wait_dma2 semaphore(%arg13 : memref<!tpu.dma_semaphore, #tpu.memory_space<semaphore_mem>>) src(%dma_wait3A_54 : memref<80xi32, #tpu.memory_space<hbm>>) dst(%dma_wait3A_53 : memref<80xi32, #tpu.memory_space<vmem>>)
    %dma_start3A_55 = arith.constant 0 : i32
    %dma_start3A_56 = arith.constant 0 : i32
    %dma_start3A_57 = arith.constant 0 : i32
    %dma_start3A_58 = arith.constant 0 : i32
    %dma_start3A_59 = tpu.memref_slice %arg10[%dma_start3A_56, %dma_start3A_57, %dma_start3A_58] : memref<2x80x128xf32, #tpu.memory_space<vmem>> -> memref<1x80x128xf32, #tpu.memory_space<vmem>>
    %dma_start3A_60 = tpu.memref_squeeze %dma_start3A_59 : memref<1x80x128xf32, #tpu.memory_space<vmem>> -> memref<80x128xf32, #tpu.memory_space<vmem>>
    %dma_start3A_61 = arith.constant 0 : i32
    %dma_start3A_62 = tpu.memref_slice %arg7[%dma_start3A_55, %dma_start3A_61] : memref<2x80xi32, #tpu.memory_space<vmem>> -> memref<1x80xi32, #tpu.memory_space<vmem>>
    %dma_start3A_63 = tpu.memref_squeeze %dma_start3A_62 : memref<1x80xi32, #tpu.memory_space<vmem>> -> memref<80xi32, #tpu.memory_space<vmem>>
    %dma_start3A_64 = arith.constant 0 : i32
    %dma_start3A_65 = arith.constant 0 : i32
    %dma_start3A_66 = tpu.memref_slice %arg2[%dma_start3A_64, %dma_start3A_65] : memref<10000x128xf32, #tpu.memory_space<hbm>> -> memref<10000x128xf32, #tpu.memory_space<hbm>>
    tpu.enqueue_indirect_dma source(%dma_start3A_66 : memref<10000x128xf32, #tpu.memory_space<hbm>>) target(%dma_start3A_60 : memref<80x128xf32, #tpu.memory_space<vmem>>) offsets(%dma_start3A_63 : memref<80xi32, #tpu.memory_space<vmem>>) semaphore(%arg15 : memref<!tpu.dma_semaphore, #tpu.memory_space<semaphore_mem>>)
    %mul3A_67 = arith.constant 80 : i32
    %mul3A_68 = arith.muli %add3A, %mul3A_67 : i32
    %dma_start3A_69 = arith.constant 0 : i32
    %dma_start3A_70 = arith.constant 0 : i32
    %dma_start3A_71 = arith.constant 0 : i32
    %dma_start3A_72 = tpu.memref_slice %arg11[%dma_start3A_69, %dma_start3A_70, %dma_start3A_71] : memref<2x80x128xf32, #tpu.memory_space<vmem>> -> memref<1x80x128xf32, #tpu.memory_space<vmem>>
    %dma_start3A_73 = tpu.memref_squeeze %dma_start3A_72 : memref<1x80x128xf32, #tpu.memory_space<vmem>> -> memref<80x128xf32, #tpu.memory_space<vmem>>
    %dma_start3A_74 = arith.constant 0 : i32
    %dma_start3A_75 = tpu.memref_slice %arg3[%mul3A_68, %dma_start3A_74] : memref<160000x128xf32, #tpu.memory_space<hbm>> -> memref<80x128xf32, #tpu.memory_space<hbm>>
    %dma_start3A_76 = arith.constant 0 : i32
    %dma_start3A_77 = arith.constant 0 : i32
    %dma_start3A_78 = tpu.memref_slice %arg11[%dma_start3A_69, %dma_start3A_76, %dma_start3A_77] : memref<2x80x128xf32, #tpu.memory_space<vmem>> -> memref<1x80x128xf32, #tpu.memory_space<vmem>>
    %dma_start3A_79 = tpu.memref_squeeze %dma_start3A_78 : memref<1x80x128xf32, #tpu.memory_space<vmem>> -> memref<80x128xf32, #tpu.memory_space<vmem>>
    %dma_start3A_80 = arith.constant 0 : i32
    %dma_start3A_81 = tpu.memref_slice %arg3[%mul3A_68, %dma_start3A_80] : memref<160000x128xf32, #tpu.memory_space<hbm>> -> memref<80x128xf32, #tpu.memory_space<hbm>>
    tpu.enqueue_dma source(%dma_start3A_81 : memref<80x128xf32, #tpu.memory_space<hbm>>) target(%dma_start3A_79 : memref<80x128xf32, #tpu.memory_space<vmem>>) target_semaphore(%arg17 : memref<!tpu.dma_semaphore, #tpu.memory_space<semaphore_mem>>)
    %add3A_82 = arith.constant 32 : i32
    %add3A_83 = arith.addi %add3A, %add3A_82 : i32
    %lt3A = arith.constant 2000 : i32
    %lt3A_84 = arith.cmpi slt, %add3A_83, %lt3A : i32
    %convert_element_type3A = arith.extui %lt3A_84 : i1 to i32
    %cond3A = arith.constant 0 : i32
    %cond3A_85 = arith.cmpi ne, %convert_element_type3A, %cond3A : i32
    scf.if %cond3A_85 {
      %add3A_158 = arith.constant 32 : i32
      %add3A_159 = arith.addi %add3A, %add3A_158 : i32
      %mul3A_160 = arith.constant 80 : i32
      %mul3A_161 = arith.muli %add3A_159, %mul3A_160 : i32
      %dma_start3A_162 = arith.constant 1 : i32
      %dma_start3A_163 = arith.constant 0 : i32
      %dma_start3A_164 = tpu.memref_slice %arg7[%dma_start3A_162, %dma_start3A_163] : memref<2x80xi32, #tpu.memory_space<vmem>> -> memref<1x80xi32, #tpu.memory_space<vmem>>
      %dma_start3A_165 = tpu.memref_squeeze %dma_start3A_164 : memref<1x80xi32, #tpu.memory_space<vmem>> -> memref<80xi32, #tpu.memory_space<vmem>>
      %dma_start3A_166 = tpu.memref_slice %arg5[%mul3A_161] : memref<160000xi32, #tpu.memory_space<hbm>> -> memref<80xi32, #tpu.memory_space<hbm>>
      %dma_start3A_167 = arith.constant 0 : i32
      %dma_start3A_168 = tpu.memref_slice %arg7[%dma_start3A_162, %dma_start3A_167] : memref<2x80xi32, #tpu.memory_space<vmem>> -> memref<1x80xi32, #tpu.memory_space<vmem>>
      %dma_start3A_169 = tpu.memref_squeeze %dma_start3A_168 : memref<1x80xi32, #tpu.memory_space<vmem>> -> memref<80xi32, #tpu.memory_space<vmem>>
      %dma_start3A_170 = tpu.memref_slice %arg5[%mul3A_161] : memref<160000xi32, #tpu.memory_space<hbm>> -> memref<80xi32, #tpu.memory_space<hbm>>
      tpu.enqueue_dma source(%dma_start3A_170 : memref<80xi32, #tpu.memory_space<hbm>>) target(%dma_start3A_169 : memref<80xi32, #tpu.memory_space<vmem>>) target_semaphore(%arg14 : memref<!tpu.dma_semaphore, #tpu.memory_space<semaphore_mem>>)
      %add3A_171 = arith.constant 32 : i32
      %add3A_172 = arith.addi %add3A, %add3A_171 : i32
      %mul3A_173 = arith.constant 80 : i32
      %mul3A_174 = arith.muli %add3A_172, %mul3A_173 : i32
      %dma_start3A_175 = arith.constant 1 : i32
      %dma_start3A_176 = arith.constant 0 : i32
      %dma_start3A_177 = tpu.memref_slice %arg8[%dma_start3A_175, %dma_start3A_176] : memref<2x80xi32, #tpu.memory_space<vmem>> -> memref<1x80xi32, #tpu.memory_space<vmem>>
      %dma_start3A_178 = tpu.memref_squeeze %dma_start3A_177 : memref<1x80xi32, #tpu.memory_space<vmem>> -> memref<80xi32, #tpu.memory_space<vmem>>
      %dma_start3A_179 = tpu.memref_slice %arg4[%mul3A_174] : memref<160000xi32, #tpu.memory_space<hbm>> -> memref<80xi32, #tpu.memory_space<hbm>>
      %dma_start3A_180 = arith.constant 0 : i32
      %dma_start3A_181 = tpu.memref_slice %arg8[%dma_start3A_175, %dma_start3A_180] : memref<2x80xi32, #tpu.memory_space<vmem>> -> memref<1x80xi32, #tpu.memory_space<vmem>>
      %dma_start3A_182 = tpu.memref_squeeze %dma_start3A_181 : memref<1x80xi32, #tpu.memory_space<vmem>> -> memref<80xi32, #tpu.memory_space<vmem>>
      %dma_start3A_183 = tpu.memref_slice %arg4[%mul3A_174] : memref<160000xi32, #tpu.memory_space<hbm>> -> memref<80xi32, #tpu.memory_space<hbm>>
      tpu.enqueue_dma source(%dma_start3A_183 : memref<80xi32, #tpu.memory_space<hbm>>) target(%dma_start3A_182 : memref<80xi32, #tpu.memory_space<vmem>>) target_semaphore(%arg14 : memref<!tpu.dma_semaphore, #tpu.memory_space<semaphore_mem>>)
    } else {
    }
    %scan3A_86 = arith.constant 0 : i32
    %scan3A_87 = arith.constant 0 : i32
    %scan3A_88 = arith.constant 32 : i32
    %scan3A_89 = arith.addi %scan3A_87, %scan3A_88 : i32
    %scan3A_90 = arith.constant 1 : i32
    scf.for %scan3A_158 = %scan3A_87 to %scan3A_89 step %scan3A_90  : i32 {
      %mul3A_159 = arith.constant 2 : i32
      %mul3A_160 = arith.muli %scan3A_158, %mul3A_159 : i32
      %mul3A_161 = arith.constant 32 : i32
      %mul3A_162 = arith.muli %mul3A_160, %mul3A_161 : i32
      %add3A_163 = arith.addi %add3A, %mul3A_162 : i32
      %lt3A_164 = arith.constant 2000 : i32
      %lt3A_165 = arith.cmpi slt, %add3A_163, %lt3A_164 : i32
      %convert_element_type3A_166 = arith.extui %lt3A_165 : i1 to i32
      %cond3A_167 = arith.constant 0 : i32
      %cond3A_168 = arith.cmpi ne, %convert_element_type3A_166, %cond3A_167 : i32
      scf.if %cond3A_168 {
        %add3A_181 = arith.constant 32 : i32
        %add3A_182 = arith.addi %add3A_163, %add3A_181 : i32
        %add3A_183 = arith.constant 32 : i32
        %add3A_184 = arith.addi %add3A_182, %add3A_183 : i32
        %dma_wait3A_185 = arith.constant 0 : i32
        %dma_wait3A_186 = arith.constant 0 : i32
        %dma_wait3A_187 = arith.constant 0 : i32
        %dma_wait3A_188 = arith.constant 0 : i32
        %dma_wait3A_189 = tpu.memref_slice %arg10[%dma_wait3A_186, %dma_wait3A_187, %dma_wait3A_188] : memref<2x80x128xf32, #tpu.memory_space<vmem>> -> memref<1x80x128xf32, #tpu.memory_space<vmem>>
        %dma_wait3A_190 = tpu.memref_squeeze %dma_wait3A_189 : memref<1x80x128xf32, #tpu.memory_space<vmem>> -> memref<80x128xf32, #tpu.memory_space<vmem>>
        %dma_wait3A_191 = arith.constant 0 : i32
        %dma_wait3A_192 = tpu.memref_slice %arg7[%dma_wait3A_185, %dma_wait3A_191] : memref<2x80xi32, #tpu.memory_space<vmem>> -> memref<1x80xi32, #tpu.memory_space<vmem>>
        %dma_wait3A_193 = tpu.memref_squeeze %dma_wait3A_192 : memref<1x80xi32, #tpu.memory_space<vmem>> -> memref<80xi32, #tpu.memory_space<vmem>>
        %dma_wait3A_194 = arith.constant 0 : i32
        %dma_wait3A_195 = arith.constant 0 : i32
        %dma_wait3A_196 = tpu.memref_slice %arg2[%dma_wait3A_194, %dma_wait3A_195] : memref<10000x128xf32, #tpu.memory_space<hbm>> -> memref<10000x128xf32, #tpu.memory_space<hbm>>
        tpu.wait_indirect_dma semaphore(%arg15 : memref<!tpu.dma_semaphore, #tpu.memory_space<semaphore_mem>>) src(%dma_wait3A_196 : memref<10000x128xf32, #tpu.memory_space<hbm>>) dst(%dma_wait3A_190 : memref<80x128xf32, #tpu.memory_space<vmem>>)
        %mul3A_197 = arith.constant 80 : i32
        %mul3A_198 = arith.muli %add3A_163, %mul3A_197 : i32
        %dma_wait3A_199 = arith.constant 0 : i32
        %dma_wait3A_200 = arith.constant 0 : i32
        %dma_wait3A_201 = arith.constant 0 : i32
        %dma_wait3A_202 = tpu.memref_slice %arg11[%dma_wait3A_199, %dma_wait3A_200, %dma_wait3A_201] : memref<2x80x128xf32, #tpu.memory_space<vmem>> -> memref<1x80x128xf32, #tpu.memory_space<vmem>>
        %dma_wait3A_203 = tpu.memref_squeeze %dma_wait3A_202 : memref<1x80x128xf32, #tpu.memory_space<vmem>> -> memref<80x128xf32, #tpu.memory_space<vmem>>
        %dma_wait3A_204 = arith.constant 0 : i32
        %dma_wait3A_205 = tpu.memref_slice %arg3[%mul3A_198, %dma_wait3A_204] : memref<160000x128xf32, #tpu.memory_space<hbm>> -> memref<80x128xf32, #tpu.memory_space<hbm>>
        %dma_wait3A_206 = arith.constant 0 : i32
        %dma_wait3A_207 = arith.constant 0 : i32
        %dma_wait3A_208 = tpu.memref_slice %arg11[%dma_wait3A_199, %dma_wait3A_206, %dma_wait3A_207] : memref<2x80x128xf32, #tpu.memory_space<vmem>> -> memref<1x80x128xf32, #tpu.memory_space<vmem>>
        %dma_wait3A_209 = tpu.memref_squeeze %dma_wait3A_208 : memref<1x80x128xf32, #tpu.memory_space<vmem>> -> memref<80x128xf32, #tpu.memory_space<vmem>>
        %dma_wait3A_210 = arith.constant 0 : i32
        %dma_wait3A_211 = tpu.memref_slice %arg3[%mul3A_198, %dma_wait3A_210] : memref<160000x128xf32, #tpu.memory_space<hbm>> -> memref<80x128xf32, #tpu.memory_space<hbm>>
        tpu.wait_dma2 semaphore(%arg17 : memref<!tpu.dma_semaphore, #tpu.memory_space<semaphore_mem>>) src(%dma_wait3A_211 : memref<80x128xf32, #tpu.memory_space<hbm>>) dst(%dma_wait3A_209 : memref<80x128xf32, #tpu.memory_space<vmem>>)
        %get3A = arith.constant 0 : i32
        %get3A_212 = arith.index_cast %get3A : i32 to index
        %get3A_213 = arith.constant 0 : index
        %get3A_214 = tpu.vector_load %arg8[%get3A_212, %get3A_213] {strides = array<i32>} : memref<2x80xi32, #tpu.memory_space<vmem>>, vector<1x16xi32>,
        %get3A_215 = vector.shape_cast %get3A_214 : vector<1x16xi32> to vector<16xi32>
        %swap3A = arith.constant 0 : i32
        %swap3A_216 = arith.index_cast %swap3A : i32 to index
        %swap3A_217 = arith.constant 0 : index
        %swap3A_218 = tpu.vector_load %arg9[%swap3A_216, %swap3A_217] {strides = array<i32>} : memref<2x80xi32, #tpu.memory_space<vmem>>, vector<1x16xi32>,
        %swap3A_219 = vector.shape_cast %swap3A_218 : vector<1x16xi32> to vector<16xi32>
        %swap3A_220 = vector.shape_cast %get3A_215 : vector<16xi32> to vector<1x16xi32>
        tpu.vector_store %arg9[%swap3A_216, %swap3A_217], %swap3A_220 {strides = array<i32>} : memref<2x80xi32, #tpu.memory_space<vmem>>, vector<1x16xi32>,
        %get3A_221 = arith.constant 0 : i32
        %get3A_222 = arith.index_cast %get3A_221 : i32 to index
        %get3A_223 = arith.constant 16 : index
        %get3A_224 = tpu.vector_load %arg8[%get3A_222, %get3A_223] {strides = array<i32>} : memref<2x80xi32, #tpu.memory_space<vmem>>, vector<1x16xi32>,
        %get3A_225 = vector.shape_cast %get3A_224 : vector<1x16xi32> to vector<16xi32>
        %swap3A_226 = arith.constant 0 : i32
        %swap3A_227 = arith.index_cast %swap3A_226 : i32 to index
        %swap3A_228 = arith.constant 16 : index
        %swap3A_229 = tpu.vector_load %arg9[%swap3A_227, %swap3A_228] {strides = array<i32>} : memref<2x80xi32, #tpu.memory_space<vmem>>, vector<1x16xi32>,
        %swap3A_230 = vector.shape_cast %swap3A_229 : vector<1x16xi32> to vector<16xi32>
        %swap3A_231 = vector.shape_cast %get3A_225 : vector<16xi32> to vector<1x16xi32>
        tpu.vector_store %arg9[%swap3A_227, %swap3A_228], %swap3A_231 {strides = array<i32>} : memref<2x80xi32, #tpu.memory_space<vmem>>, vector<1x16xi32>,
        %get3A_232 = arith.constant 0 : i32
        %get3A_233 = arith.index_cast %get3A_232 : i32 to index
        %get3A_234 = arith.constant 32 : index
        %get3A_235 = tpu.vector_load %arg8[%get3A_233, %get3A_234] {strides = array<i32>} : memref<2x80xi32, #tpu.memory_space<vmem>>, vector<1x16xi32>,
        %get3A_236 = vector.shape_cast %get3A_235 : vector<1x16xi32> to vector<16xi32>
        %swap3A_237 = arith.constant 0 : i32
        %swap3A_238 = arith.index_cast %swap3A_237 : i32 to index
        %swap3A_239 = arith.constant 32 : index
        %swap3A_240 = tpu.vector_load %arg9[%swap3A_238, %swap3A_239] {strides = array<i32>} : memref<2x80xi32, #tpu.memory_space<vmem>>, vector<1x16xi32>,
        %swap3A_241 = vector.shape_cast %swap3A_240 : vector<1x16xi32> to vector<16xi32>
        %swap3A_242 = vector.shape_cast %get3A_236 : vector<16xi32> to vector<1x16xi32>
        tpu.vector_store %arg9[%swap3A_238, %swap3A_239], %swap3A_242 {strides = array<i32>} : memref<2x80xi32, #tpu.memory_space<vmem>>, vector<1x16xi32>,
        %get3A_243 = arith.constant 0 : i32
        %get3A_244 = arith.index_cast %get3A_243 : i32 to index
        %get3A_245 = arith.constant 48 : index
        %get3A_246 = tpu.vector_load %arg8[%get3A_244, %get3A_245] {strides = array<i32>} : memref<2x80xi32, #tpu.memory_space<vmem>>, vector<1x16xi32>,
        %get3A_247 = vector.shape_cast %get3A_246 : vector<1x16xi32> to vector<16xi32>
        %swap3A_248 = arith.constant 0 : i32
        %swap3A_249 = arith.index_cast %swap3A_248 : i32 to index
        %swap3A_250 = arith.constant 48 : index
        %swap3A_251 = tpu.vector_load %arg9[%swap3A_249, %swap3A_250] {strides = array<i32>} : memref<2x80xi32, #tpu.memory_space<vmem>>, vector<1x16xi32>,
        %swap3A_252 = vector.shape_cast %swap3A_251 : vector<1x16xi32> to vector<16xi32>
        %swap3A_253 = vector.shape_cast %get3A_247 : vector<16xi32> to vector<1x16xi32>
        tpu.vector_store %arg9[%swap3A_249, %swap3A_250], %swap3A_253 {strides = array<i32>} : memref<2x80xi32, #tpu.memory_space<vmem>>, vector<1x16xi32>,
        %get3A_254 = arith.constant 0 : i32
        %get3A_255 = arith.index_cast %get3A_254 : i32 to index
        %get3A_256 = arith.constant 64 : index
        %get3A_257 = tpu.vector_load %arg8[%get3A_255, %get3A_256] {strides = array<i32>} : memref<2x80xi32, #tpu.memory_space<vmem>>, vector<1x16xi32>,
        %get3A_258 = vector.shape_cast %get3A_257 : vector<1x16xi32> to vector<16xi32>
        %swap3A_259 = arith.constant 0 : i32
        %swap3A_260 = arith.index_cast %swap3A_259 : i32 to index
        %swap3A_261 = arith.constant 64 : index
        %swap3A_262 = tpu.vector_load %arg9[%swap3A_260, %swap3A_261] {strides = array<i32>} : memref<2x80xi32, #tpu.memory_space<vmem>>, vector<1x16xi32>,
        %swap3A_263 = vector.shape_cast %swap3A_262 : vector<1x16xi32> to vector<16xi32>
        %swap3A_264 = vector.shape_cast %get3A_258 : vector<16xi32> to vector<1x16xi32>
        tpu.vector_store %arg9[%swap3A_260, %swap3A_261], %swap3A_264 {strides = array<i32>} : memref<2x80xi32, #tpu.memory_space<vmem>>, vector<1x16xi32>,
        %lt3A_265 = arith.constant 2000 : i32
        %lt3A_266 = arith.cmpi slt, %add3A_182, %lt3A_265 : i32
        %convert_element_type3A_267 = arith.extui %lt3A_266 : i1 to i32
        %cond3A_268 = arith.constant 0 : i32
        %cond3A_269 = arith.cmpi ne, %convert_element_type3A_267, %cond3A_268 : i32
        scf.if %cond3A_269 {
          %mul3A_289 = arith.constant 80 : i32
          %mul3A_290 = arith.muli %add3A_182, %mul3A_289 : i32
          %dma_wait3A_291 = arith.constant 1 : i32
          %dma_wait3A_292 = arith.constant 0 : i32
          %dma_wait3A_293 = tpu.memref_slice %arg7[%dma_wait3A_291, %dma_wait3A_292] : memref<2x80xi32, #tpu.memory_space<vmem>> -> memref<1x80xi32, #tpu.memory_space<vmem>>
          %dma_wait3A_294 = tpu.memref_squeeze %dma_wait3A_293 : memref<1x80xi32, #tpu.memory_space<vmem>> -> memref<80xi32, #tpu.memory_space<vmem>>
          %dma_wait3A_295 = tpu.memref_slice %arg5[%mul3A_290] : memref<160000xi32, #tpu.memory_space<hbm>> -> memref<80xi32, #tpu.memory_space<hbm>>
          %dma_wait3A_296 = arith.constant 0 : i32
          %dma_wait3A_297 = tpu.memref_slice %arg7[%dma_wait3A_291, %dma_wait3A_296] : memref<2x80xi32, #tpu.memory_space<vmem>> -> memref<1x80xi32, #tpu.memory_space<vmem>>
          %dma_wait3A_298 = tpu.memref_squeeze %dma_wait3A_297 : memref<1x80xi32, #tpu.memory_space<vmem>> -> memref<80xi32, #tpu.memory_space<vmem>>
          %dma_wait3A_299 = tpu.memref_slice %arg5[%mul3A_290] : memref<160000xi32, #tpu.memory_space<hbm>> -> memref<80xi32, #tpu.memory_space<hbm>>
          tpu.wait_dma2 semaphore(%arg14 : memref<!tpu.dma_semaphore, #tpu.memory_space<semaphore_mem>>) src(%dma_wait3A_299 : memref<80xi32, #tpu.memory_space<hbm>>) dst(%dma_wait3A_298 : memref<80xi32, #tpu.memory_space<vmem>>)
          %mul3A_300 = arith.constant 80 : i32
          %mul3A_301 = arith.muli %add3A_182, %mul3A_300 : i32
          %dma_wait3A_302 = arith.constant 1 : i32
          %dma_wait3A_303 = arith.constant 0 : i32
          %dma_wait3A_304 = tpu.memref_slice %arg8[%dma_wait3A_302, %dma_wait3A_303] : memref<2x80xi32, #tpu.memory_space<vmem>> -> memref<1x80xi32, #tpu.memory_space<vmem>>
          %dma_wait3A_305 = tpu.memref_squeeze %dma_wait3A_304 : memref<1x80xi32, #tpu.memory_space<vmem>> -> memref<80xi32, #tpu.memory_space<vmem>>
          %dma_wait3A_306 = tpu.memref_slice %arg4[%mul3A_301] : memref<160000xi32, #tpu.memory_space<hbm>> -> memref<80xi32, #tpu.memory_space<hbm>>
          %dma_wait3A_307 = arith.constant 0 : i32
          %dma_wait3A_308 = tpu.memref_slice %arg8[%dma_wait3A_302, %dma_wait3A_307] : memref<2x80xi32, #tpu.memory_space<vmem>> -> memref<1x80xi32, #tpu.memory_space<vmem>>
          %dma_wait3A_309 = tpu.memref_squeeze %dma_wait3A_308 : memref<1x80xi32, #tpu.memory_space<vmem>> -> memref<80xi32, #tpu.memory_space<vmem>>
          %dma_wait3A_310 = tpu.memref_slice %arg4[%mul3A_301] : memref<160000xi32, #tpu.memory_space<hbm>> -> memref<80xi32, #tpu.memory_space<hbm>>
          tpu.wait_dma2 semaphore(%arg14 : memref<!tpu.dma_semaphore, #tpu.memory_space<semaphore_mem>>) src(%dma_wait3A_310 : memref<80xi32, #tpu.memory_space<hbm>>) dst(%dma_wait3A_309 : memref<80xi32, #tpu.memory_space<vmem>>)
          %ge3A = arith.constant 1 : i32
          %ge3A_311 = arith.cmpi sge, %mul3A_160, %ge3A : i32
          %convert_element_type3A_312 = arith.extui %ge3A_311 : i1 to i32
          %cond3A_313 = arith.constant 0 : i32
          %cond3A_314 = arith.cmpi ne, %convert_element_type3A_312, %cond3A_313 : i32
          scf.if %cond3A_314 {
            %dma_wait3A_342 = arith.constant 1 : i32
            %dma_wait3A_343 = arith.constant 1 : i32
            %dma_wait3A_344 = arith.constant 0 : i32
            %dma_wait3A_345 = arith.constant 0 : i32
            %dma_wait3A_346 = tpu.memref_slice %arg11[%dma_wait3A_342, %dma_wait3A_344, %dma_wait3A_345] : memref<2x80x128xf32, #tpu.memory_space<vmem>> -> memref<1x80x128xf32, #tpu.memory_space<vmem>>
            %dma_wait3A_347 = tpu.memref_squeeze %dma_wait3A_346 : memref<1x80x128xf32, #tpu.memory_space<vmem>> -> memref<80x128xf32, #tpu.memory_space<vmem>>
            %dma_wait3A_348 = arith.constant 0 : i32
            %dma_wait3A_349 = tpu.memref_slice %arg9[%dma_wait3A_343, %dma_wait3A_348] : memref<2x80xi32, #tpu.memory_space<vmem>> -> memref<1x80xi32, #tpu.memory_space<vmem>>
            %dma_wait3A_350 = tpu.memref_squeeze %dma_wait3A_349 : memref<1x80xi32, #tpu.memory_space<vmem>> -> memref<80xi32, #tpu.memory_space<vmem>>
            %dma_wait3A_351 = arith.constant 0 : i32
            %dma_wait3A_352 = arith.constant 0 : i32
            %dma_wait3A_353 = tpu.memref_slice %arg12[%dma_wait3A_351, %dma_wait3A_352] : memref<10000x128xf32, #tpu.memory_space<vmem_shared>> -> memref<10000x128xf32, #tpu.memory_space<vmem_shared>>
            tpu.wait_indirect_dma semaphore(%arg20 : memref<!tpu.dma_semaphore, #tpu.memory_space<semaphore_mem>>) src(%dma_wait3A_347 : memref<80x128xf32, #tpu.memory_space<vmem>>) dst(%dma_wait3A_353 : memref<10000x128xf32, #tpu.memory_space<vmem_shared>>)
          } else {
          }
          %dma_start3A_315 = arith.constant 1 : i32
          %dma_start3A_316 = arith.constant 1 : i32
          %dma_start3A_317 = arith.constant 0 : i32
          %dma_start3A_318 = arith.constant 0 : i32
          %dma_start3A_319 = tpu.memref_slice %arg10[%dma_start3A_316, %dma_start3A_317, %dma_start3A_318] : memref<2x80x128xf32, #tpu.memory_space<vmem>> -> memref<1x80x128xf32, #tpu.memory_space<vmem>>
          %dma_start3A_320 = tpu.memref_squeeze %dma_start3A_319 : memref<1x80x128xf32, #tpu.memory_space<vmem>> -> memref<80x128xf32, #tpu.memory_space<vmem>>
          %dma_start3A_321 = arith.constant 0 : i32
          %dma_start3A_322 = tpu.memref_slice %arg7[%dma_start3A_315, %dma_start3A_321] : memref<2x80xi32, #tpu.memory_space<vmem>> -> memref<1x80xi32, #tpu.memory_space<vmem>>
          %dma_start3A_323 = tpu.memref_squeeze %dma_start3A_322 : memref<1x80xi32, #tpu.memory_space<vmem>> -> memref<80xi32, #tpu.memory_space<vmem>>
          %dma_start3A_324 = arith.constant 0 : i32
          %dma_start3A_325 = arith.constant 0 : i32
          %dma_start3A_326 = tpu.memref_slice %arg2[%dma_start3A_324, %dma_start3A_325] : memref<10000x128xf32, #tpu.memory_space<hbm>> -> memref<10000x128xf32, #tpu.memory_space<hbm>>
          tpu.enqueue_indirect_dma source(%dma_start3A_326 : memref<10000x128xf32, #tpu.memory_space<hbm>>) target(%dma_start3A_320 : memref<80x128xf32, #tpu.memory_space<vmem>>) offsets(%dma_start3A_323 : memref<80xi32, #tpu.memory_space<vmem>>) semaphore(%arg16 : memref<!tpu.dma_semaphore, #tpu.memory_space<semaphore_mem>>)
          %mul3A_327 = arith.constant 80 : i32
          %mul3A_328 = arith.muli %add3A_182, %mul3A_327 : i32
          %dma_start3A_329 = arith.constant 1 : i32
          %dma_start3A_330 = arith.constant 0 : i32
          %dma_start3A_331 = arith.constant 0 : i32
          %dma_start3A_332 = tpu.memref_slice %arg11[%dma_start3A_329, %dma_start3A_330, %dma_start3A_331] : memref<2x80x128xf32, #tpu.memory_space<vmem>> -> memref<1x80x128xf32, #tpu.memory_space<vmem>>
          %dma_start3A_333 = tpu.memref_squeeze %dma_start3A_332 : memref<1x80x128xf32, #tpu.memory_space<vmem>> -> memref<80x128xf32, #tpu.memory_space<vmem>>
          %dma_start3A_334 = arith.constant 0 : i32
          %dma_start3A_335 = tpu.memref_slice %arg3[%mul3A_328, %dma_start3A_334] : memref<160000x128xf32, #tpu.memory_space<hbm>> -> memref<80x128xf32, #tpu.memory_space<hbm>>
          %dma_start3A_336 = arith.constant 0 : i32
          %dma_start3A_337 = arith.constant 0 : i32
          %dma_start3A_338 = tpu.memref_slice %arg11[%dma_start3A_329, %dma_start3A_336, %dma_start3A_337] : memref<2x80x128xf32, #tpu.memory_space<vmem>> -> memref<1x80x128xf32, #tpu.memory_space<vmem>>
          %dma_start3A_339 = tpu.memref_squeeze %dma_start3A_338 : memref<1x80x128xf32, #tpu.memory_space<vmem>> -> memref<80x128xf32, #tpu.memory_space<vmem>>
          %dma_start3A_340 = arith.constant 0 : i32
          %dma_start3A_341 = tpu.memref_slice %arg3[%mul3A_328, %dma_start3A_340] : memref<160000x128xf32, #tpu.memory_space<hbm>> -> memref<80x128xf32, #tpu.memory_space<hbm>>
          tpu.enqueue_dma source(%dma_start3A_341 : memref<80x128xf32, #tpu.memory_space<hbm>>) target(%dma_start3A_339 : memref<80x128xf32, #tpu.memory_space<vmem>>) target_semaphore(%arg18 : memref<!tpu.dma_semaphore, #tpu.memory_space<semaphore_mem>>)
        } else {
        }
        %lt3A_270 = arith.constant 2000 : i32
        %lt3A_271 = arith.cmpi slt, %add3A_184, %lt3A_270 : i32
        %convert_element_type3A_272 = arith.extui %lt3A_271 : i1 to i32
        %cond3A_273 = arith.constant 0 : i32
        %cond3A_274 = arith.cmpi ne, %convert_element_type3A_272, %cond3A_273 : i32
        scf.if %cond3A_274 {
          %mul3A_289 = arith.constant 80 : i32
          %mul3A_290 = arith.muli %add3A_184, %mul3A_289 : i32
          %dma_start3A_291 = arith.constant 0 : i32
          %dma_start3A_292 = arith.constant 0 : i32
          %dma_start3A_293 = tpu.memref_slice %arg7[%dma_start3A_291, %dma_start3A_292] : memref<2x80xi32, #tpu.memory_space<vmem>> -> memref<1x80xi32, #tpu.memory_space<vmem>>
          %dma_start3A_294 = tpu.memref_squeeze %dma_start3A_293 : memref<1x80xi32, #tpu.memory_space<vmem>> -> memref<80xi32, #tpu.memory_space<vmem>>
          %dma_start3A_295 = tpu.memref_slice %arg5[%mul3A_290] : memref<160000xi32, #tpu.memory_space<hbm>> -> memref<80xi32, #tpu.memory_space<hbm>>
          %dma_start3A_296 = arith.constant 0 : i32
          %dma_start3A_297 = tpu.memref_slice %arg7[%dma_start3A_291, %dma_start3A_296] : memref<2x80xi32, #tpu.memory_space<vmem>> -> memref<1x80xi32, #tpu.memory_space<vmem>>
          %dma_start3A_298 = tpu.memref_squeeze %dma_start3A_297 : memref<1x80xi32, #tpu.memory_space<vmem>> -> memref<80xi32, #tpu.memory_space<vmem>>
          %dma_start3A_299 = tpu.memref_slice %arg5[%mul3A_290] : memref<160000xi32, #tpu.memory_space<hbm>> -> memref<80xi32, #tpu.memory_space<hbm>>
          tpu.enqueue_dma source(%dma_start3A_299 : memref<80xi32, #tpu.memory_space<hbm>>) target(%dma_start3A_298 : memref<80xi32, #tpu.memory_space<vmem>>) target_semaphore(%arg13 : memref<!tpu.dma_semaphore, #tpu.memory_space<semaphore_mem>>)
          %mul3A_300 = arith.constant 80 : i32
          %mul3A_301 = arith.muli %add3A_184, %mul3A_300 : i32
          %dma_start3A_302 = arith.constant 0 : i32
          %dma_start3A_303 = arith.constant 0 : i32
          %dma_start3A_304 = tpu.memref_slice %arg8[%dma_start3A_302, %dma_start3A_303] : memref<2x80xi32, #tpu.memory_space<vmem>> -> memref<1x80xi32, #tpu.memory_space<vmem>>
          %dma_start3A_305 = tpu.memref_squeeze %dma_start3A_304 : memref<1x80xi32, #tpu.memory_space<vmem>> -> memref<80xi32, #tpu.memory_space<vmem>>
          %dma_start3A_306 = tpu.memref_slice %arg4[%mul3A_301] : memref<160000xi32, #tpu.memory_space<hbm>> -> memref<80xi32, #tpu.memory_space<hbm>>
          %dma_start3A_307 = arith.constant 0 : i32
          %dma_start3A_308 = tpu.memref_slice %arg8[%dma_start3A_302, %dma_start3A_307] : memref<2x80xi32, #tpu.memory_space<vmem>> -> memref<1x80xi32, #tpu.memory_space<vmem>>
          %dma_start3A_309 = tpu.memref_squeeze %dma_start3A_308 : memref<1x80xi32, #tpu.memory_space<vmem>> -> memref<80xi32, #tpu.memory_space<vmem>>
          %dma_start3A_310 = tpu.memref_slice %arg4[%mul3A_301] : memref<160000xi32, #tpu.memory_space<hbm>> -> memref<80xi32, #tpu.memory_space<hbm>>
          tpu.enqueue_dma source(%dma_start3A_310 : memref<80xi32, #tpu.memory_space<hbm>>) target(%dma_start3A_309 : memref<80xi32, #tpu.memory_space<vmem>>) target_semaphore(%arg13 : memref<!tpu.dma_semaphore, #tpu.memory_space<semaphore_mem>>)
        } else {
        }
        %parallel_loop3A = arith.constant 0 : i32
        %parallel_loop3A_275 = arith.constant 80 : i32
        %parallel_loop3A_276 = arith.constant 1 : i32
        scf.for %parallel_loop3A_289 = %parallel_loop3A to %parallel_loop3A_275 step %parallel_loop3A_276  : i32 {
          %parallel_loop3A_290 = arith.constant 0 : i32
          %parallel_loop3A_291 = arith.index_cast %parallel_loop3A_290 : i32 to index
          %parallel_loop3A_292 = arith.index_cast %parallel_loop3A_289 : i32 to index
          %parallel_loop3A_293 = arith.constant 0 : index
          %parallel_loop3A_294 = tpu.vector_load %arg11[%parallel_loop3A_291, %parallel_loop3A_292, %parallel_loop3A_293] {strides = array<i32>} : memref<2x80x128xf32, #tpu.memory_space<vmem>>, vector<1x1x16xf32>,
          %parallel_loop3A_295 = vector.shape_cast %parallel_loop3A_294 : vector<1x1x16xf32> to vector<16xf32>
          %parallel_loop3A_296 = arith.constant 0 : i32
          %parallel_loop3A_297 = arith.index_cast %parallel_loop3A_296 : i32 to index
          %parallel_loop3A_298 = arith.index_cast %parallel_loop3A_289 : i32 to index
          %parallel_loop3A_299 = arith.constant 0 : index
          %parallel_loop3A_300 = tpu.vector_load %arg10[%parallel_loop3A_297, %parallel_loop3A_298, %parallel_loop3A_299] {strides = array<i32>} : memref<2x80x128xf32, #tpu.memory_space<vmem>>, vector<1x1x16xf32>,
          %parallel_loop3A_301 = vector.shape_cast %parallel_loop3A_300 : vector<1x1x16xf32> to vector<16xf32>
          %parallel_loop3A_302 = arith.mulf %parallel_loop3A_295, %parallel_loop3A_301 : vector<16xf32>
          %parallel_loop3A_303 = arith.constant 0 : i32
          %parallel_loop3A_304 = arith.index_cast %parallel_loop3A_303 : i32 to index
          %parallel_loop3A_305 = arith.index_cast %parallel_loop3A_289 : i32 to index
          %parallel_loop3A_306 = arith.constant 0 : index
          %parallel_loop3A_307 = tpu.vector_load %arg11[%parallel_loop3A_304, %parallel_loop3A_305, %parallel_loop3A_306] {strides = array<i32>} : memref<2x80x128xf32, #tpu.memory_space<vmem>>, vector<1x1x16xf32>,
          %parallel_loop3A_308 = vector.shape_cast %parallel_loop3A_307 : vector<1x1x16xf32> to vector<16xf32>
          %parallel_loop3A_309 = vector.shape_cast %parallel_loop3A_302 : vector<16xf32> to vector<1x1x16xf32>
          tpu.vector_store %arg11[%parallel_loop3A_304, %parallel_loop3A_305, %parallel_loop3A_306], %parallel_loop3A_309 {strides = array<i32>} : memref<2x80x128xf32, #tpu.memory_space<vmem>>, vector<1x1x16xf32>,
          %parallel_loop3A_310 = arith.constant 0 : i32
          %parallel_loop3A_311 = arith.index_cast %parallel_loop3A_310 : i32 to index
          %parallel_loop3A_312 = arith.index_cast %parallel_loop3A_289 : i32 to index
          %parallel_loop3A_313 = arith.constant 16 : index
          %parallel_loop3A_314 = tpu.vector_load %arg11[%parallel_loop3A_311, %parallel_loop3A_312, %parallel_loop3A_313] {strides = array<i32>} : memref<2x80x128xf32, #tpu.memory_space<vmem>>, vector<1x1x16xf32>,
          %parallel_loop3A_315 = vector.shape_cast %parallel_loop3A_314 : vector<1x1x16xf32> to vector<16xf32>
          %parallel_loop3A_316 = arith.constant 0 : i32
          %parallel_loop3A_317 = arith.index_cast %parallel_loop3A_316 : i32 to index
          %parallel_loop3A_318 = arith.index_cast %parallel_loop3A_289 : i32 to index
          %parallel_loop3A_319 = arith.constant 16 : index
          %parallel_loop3A_320 = tpu.vector_load %arg10[%parallel_loop3A_317, %parallel_loop3A_318, %parallel_loop3A_319] {strides = array<i32>} : memref<2x80x128xf32, #tpu.memory_space<vmem>>, vector<1x1x16xf32>,
          %parallel_loop3A_321 = vector.shape_cast %parallel_loop3A_320 : vector<1x1x16xf32> to vector<16xf32>
          %parallel_loop3A_322 = arith.mulf %parallel_loop3A_315, %parallel_loop3A_321 : vector<16xf32>
          %parallel_loop3A_323 = arith.constant 0 : i32
          %parallel_loop3A_324 = arith.index_cast %parallel_loop3A_323 : i32 to index
          %parallel_loop3A_325 = arith.index_cast %parallel_loop3A_289 : i32 to index
          %parallel_loop3A_326 = arith.constant 16 : index
          %parallel_loop3A_327 = tpu.vector_load %arg11[%parallel_loop3A_324, %parallel_loop3A_325, %parallel_loop3A_326] {strides = array<i32>} : memref<2x80x128xf32, #tpu.memory_space<vmem>>, vector<1x1x16xf32>,
          %parallel_loop3A_328 = vector.shape_cast %parallel_loop3A_327 : vector<1x1x16xf32> to vector<16xf32>
          %parallel_loop3A_329 = vector.shape_cast %parallel_loop3A_322 : vector<16xf32> to vector<1x1x16xf32>
          tpu.vector_store %arg11[%parallel_loop3A_324, %parallel_loop3A_325, %parallel_loop3A_326], %parallel_loop3A_329 {strides = array<i32>} : memref<2x80x128xf32, #tpu.memory_space<vmem>>, vector<1x1x16xf32>,
          %parallel_loop3A_330 = arith.constant 0 : i32
          %parallel_loop3A_331 = arith.index_cast %parallel_loop3A_330 : i32 to index
          %parallel_loop3A_332 = arith.index_cast %parallel_loop3A_289 : i32 to index
          %parallel_loop3A_333 = arith.constant 32 : index
          %parallel_loop3A_334 = tpu.vector_load %arg11[%parallel_loop3A_331, %parallel_loop3A_332, %parallel_loop3A_333] {strides = array<i32>} : memref<2x80x128xf32, #tpu.memory_space<vmem>>, vector<1x1x16xf32>,
          %parallel_loop3A_335 = vector.shape_cast %parallel_loop3A_334 : vector<1x1x16xf32> to vector<16xf32>
          %parallel_loop3A_336 = arith.constant 0 : i32
          %parallel_loop3A_337 = arith.index_cast %parallel_loop3A_336 : i32 to index
          %parallel_loop3A_338 = arith.index_cast %parallel_loop3A_289 : i32 to index
          %parallel_loop3A_339 = arith.constant 32 : index
          %parallel_loop3A_340 = tpu.vector_load %arg10[%parallel_loop3A_337, %parallel_loop3A_338, %parallel_loop3A_339] {strides = array<i32>} : memref<2x80x128xf32, #tpu.memory_space<vmem>>, vector<1x1x16xf32>,
          %parallel_loop3A_341 = vector.shape_cast %parallel_loop3A_340 : vector<1x1x16xf32> to vector<16xf32>
          %parallel_loop3A_342 = arith.mulf %parallel_loop3A_335, %parallel_loop3A_341 : vector<16xf32>
          %parallel_loop3A_343 = arith.constant 0 : i32
          %parallel_loop3A_344 = arith.index_cast %parallel_loop3A_343 : i32 to index
          %parallel_loop3A_345 = arith.index_cast %parallel_loop3A_289 : i32 to index
          %parallel_loop3A_346 = arith.constant 32 : index
          %parallel_loop3A_347 = tpu.vector_load %arg11[%parallel_loop3A_344, %parallel_loop3A_345, %parallel_loop3A_346] {strides = array<i32>} : memref<2x80x128xf32, #tpu.memory_space<vmem>>, vector<1x1x16xf32>,
          %parallel_loop3A_348 = vector.shape_cast %parallel_loop3A_347 : vector<1x1x16xf32> to vector<16xf32>
          %parallel_loop3A_349 = vector.shape_cast %parallel_loop3A_342 : vector<16xf32> to vector<1x1x16xf32>
          tpu.vector_store %arg11[%parallel_loop3A_344, %parallel_loop3A_345, %parallel_loop3A_346], %parallel_loop3A_349 {strides = array<i32>} : memref<2x80x128xf32, #tpu.memory_space<vmem>>, vector<1x1x16xf32>,
          %parallel_loop3A_350 = arith.constant 0 : i32
          %parallel_loop3A_351 = arith.index_cast %parallel_loop3A_350 : i32 to index
          %parallel_loop3A_352 = arith.index_cast %parallel_loop3A_289 : i32 to index
          %parallel_loop3A_353 = arith.constant 48 : index
          %parallel_loop3A_354 = tpu.vector_load %arg11[%parallel_loop3A_351, %parallel_loop3A_352, %parallel_loop3A_353] {strides = array<i32>} : memref<2x80x128xf32, #tpu.memory_space<vmem>>, vector<1x1x16xf32>,
          %parallel_loop3A_355 = vector.shape_cast %parallel_loop3A_354 : vector<1x1x16xf32> to vector<16xf32>
          %parallel_loop3A_356 = arith.constant 0 : i32
          %parallel_loop3A_357 = arith.index_cast %parallel_loop3A_356 : i32 to index
          %parallel_loop3A_358 = arith.index_cast %parallel_loop3A_289 : i32 to index
          %parallel_loop3A_359 = arith.constant 48 : index
          %parallel_loop3A_360 = tpu.vector_load %arg10[%parallel_loop3A_357, %parallel_loop3A_358, %parallel_loop3A_359] {strides = array<i32>} : memref<2x80x128xf32, #tpu.memory_space<vmem>>, vector<1x1x16xf32>,
          %parallel_loop3A_361 = vector.shape_cast %parallel_loop3A_360 : vector<1x1x16xf32> to vector<16xf32>
          %parallel_loop3A_362 = arith.mulf %parallel_loop3A_355, %parallel_loop3A_361 : vector<16xf32>
          %parallel_loop3A_363 = arith.constant 0 : i32
          %parallel_loop3A_364 = arith.index_cast %parallel_loop3A_363 : i32 to index
          %parallel_loop3A_365 = arith.index_cast %parallel_loop3A_289 : i32 to index
          %parallel_loop3A_366 = arith.constant 48 : index
          %parallel_loop3A_367 = tpu.vector_load %arg11[%parallel_loop3A_364, %parallel_loop3A_365, %parallel_loop3A_366] {strides = array<i32>} : memref<2x80x128xf32, #tpu.memory_space<vmem>>, vector<1x1x16xf32>,
          %parallel_loop3A_368 = vector.shape_cast %parallel_loop3A_367 : vector<1x1x16xf32> to vector<16xf32>
          %parallel_loop3A_369 = vector.shape_cast %parallel_loop3A_362 : vector<16xf32> to vector<1x1x16xf32>
          tpu.vector_store %arg11[%parallel_loop3A_364, %parallel_loop3A_365, %parallel_loop3A_366], %parallel_loop3A_369 {strides = array<i32>} : memref<2x80x128xf32, #tpu.memory_space<vmem>>, vector<1x1x16xf32>,
          %parallel_loop3A_370 = arith.constant 0 : i32
          %parallel_loop3A_371 = arith.index_cast %parallel_loop3A_370 : i32 to index
          %parallel_loop3A_372 = arith.index_cast %parallel_loop3A_289 : i32 to index
          %parallel_loop3A_373 = arith.constant 64 : index
          %parallel_loop3A_374 = tpu.vector_load %arg11[%parallel_loop3A_371, %parallel_loop3A_372, %parallel_loop3A_373] {strides = array<i32>} : memref<2x80x128xf32, #tpu.memory_space<vmem>>, vector<1x1x16xf32>,
          %parallel_loop3A_375 = vector.shape_cast %parallel_loop3A_374 : vector<1x1x16xf32> to vector<16xf32>
          %parallel_loop3A_376 = arith.constant 0 : i32
          %parallel_loop3A_377 = arith.index_cast %parallel_loop3A_376 : i32 to index
          %parallel_loop3A_378 = arith.index_cast %parallel_loop3A_289 : i32 to index
          %parallel_loop3A_379 = arith.constant 64 : index
          %parallel_loop3A_380 = tpu.vector_load %arg10[%parallel_loop3A_377, %parallel_loop3A_378, %parallel_loop3A_379] {strides = array<i32>} : memref<2x80x128xf32, #tpu.memory_space<vmem>>, vector<1x1x16xf32>,
          %parallel_loop3A_381 = vector.shape_cast %parallel_loop3A_380 : vector<1x1x16xf32> to vector<16xf32>
          %parallel_loop3A_382 = arith.mulf %parallel_loop3A_375, %parallel_loop3A_381 : vector<16xf32>
          %parallel_loop3A_383 = arith.constant 0 : i32
          %parallel_loop3A_384 = arith.index_cast %parallel_loop3A_383 : i32 to index
          %parallel_loop3A_385 = arith.index_cast %parallel_loop3A_289 : i32 to index
          %parallel_loop3A_386 = arith.constant 64 : index
          %parallel_loop3A_387 = tpu.vector_load %arg11[%parallel_loop3A_384, %parallel_loop3A_385, %parallel_loop3A_386] {strides = array<i32>} : memref<2x80x128xf32, #tpu.memory_space<vmem>>, vector<1x1x16xf32>,
          %parallel_loop3A_388 = vector.shape_cast %parallel_loop3A_387 : vector<1x1x16xf32> to vector<16xf32>
          %parallel_loop3A_389 = vector.shape_cast %parallel_loop3A_382 : vector<16xf32> to vector<1x1x16xf32>
          tpu.vector_store %arg11[%parallel_loop3A_384, %parallel_loop3A_385, %parallel_loop3A_386], %parallel_loop3A_389 {strides = array<i32>} : memref<2x80x128xf32, #tpu.memory_space<vmem>>, vector<1x1x16xf32>,
          %parallel_loop3A_390 = arith.constant 0 : i32
          %parallel_loop3A_391 = arith.index_cast %parallel_loop3A_390 : i32 to index
          %parallel_loop3A_392 = arith.index_cast %parallel_loop3A_289 : i32 to index
          %parallel_loop3A_393 = arith.constant 80 : index
          %parallel_loop3A_394 = tpu.vector_load %arg11[%parallel_loop3A_391, %parallel_loop3A_392, %parallel_loop3A_393] {strides = array<i32>} : memref<2x80x128xf32, #tpu.memory_space<vmem>>, vector<1x1x16xf32>,
          %parallel_loop3A_395 = vector.shape_cast %parallel_loop3A_394 : vector<1x1x16xf32> to vector<16xf32>
          %parallel_loop3A_396 = arith.constant 0 : i32
          %parallel_loop3A_397 = arith.index_cast %parallel_loop3A_396 : i32 to index
          %parallel_loop3A_398 = arith.index_cast %parallel_loop3A_289 : i32 to index
          %parallel_loop3A_399 = arith.constant 80 : index
          %parallel_loop3A_400 = tpu.vector_load %arg10[%parallel_loop3A_397, %parallel_loop3A_398, %parallel_loop3A_399] {strides = array<i32>} : memref<2x80x128xf32, #tpu.memory_space<vmem>>, vector<1x1x16xf32>,
          %parallel_loop3A_401 = vector.shape_cast %parallel_loop3A_400 : vector<1x1x16xf32> to vector<16xf32>
          %parallel_loop3A_402 = arith.mulf %parallel_loop3A_395, %parallel_loop3A_401 : vector<16xf32>
          %parallel_loop3A_403 = arith.constant 0 : i32
          %parallel_loop3A_404 = arith.index_cast %parallel_loop3A_403 : i32 to index
          %parallel_loop3A_405 = arith.index_cast %parallel_loop3A_289 : i32 to index
          %parallel_loop3A_406 = arith.constant 80 : index
          %parallel_loop3A_407 = tpu.vector_load %arg11[%parallel_loop3A_404, %parallel_loop3A_405, %parallel_loop3A_406] {strides = array<i32>} : memref<2x80x128xf32, #tpu.memory_space<vmem>>, vector<1x1x16xf32>,
          %parallel_loop3A_408 = vector.shape_cast %parallel_loop3A_407 : vector<1x1x16xf32> to vector<16xf32>
          %parallel_loop3A_409 = vector.shape_cast %parallel_loop3A_402 : vector<16xf32> to vector<1x1x16xf32>
          tpu.vector_store %arg11[%parallel_loop3A_404, %parallel_loop3A_405, %parallel_loop3A_406], %parallel_loop3A_409 {strides = array<i32>} : memref<2x80x128xf32, #tpu.memory_space<vmem>>, vector<1x1x16xf32>,
          %parallel_loop3A_410 = arith.constant 0 : i32
          %parallel_loop3A_411 = arith.index_cast %parallel_loop3A_410 : i32 to index
          %parallel_loop3A_412 = arith.index_cast %parallel_loop3A_289 : i32 to index
          %parallel_loop3A_413 = arith.constant 96 : index
          %parallel_loop3A_414 = tpu.vector_load %arg11[%parallel_loop3A_411, %parallel_loop3A_412, %parallel_loop3A_413] {strides = array<i32>} : memref<2x80x128xf32, #tpu.memory_space<vmem>>, vector<1x1x16xf32>,
          %parallel_loop3A_415 = vector.shape_cast %parallel_loop3A_414 : vector<1x1x16xf32> to vector<16xf32>
          %parallel_loop3A_416 = arith.constant 0 : i32
          %parallel_loop3A_417 = arith.index_cast %parallel_loop3A_416 : i32 to index
          %parallel_loop3A_418 = arith.index_cast %parallel_loop3A_289 : i32 to index
          %parallel_loop3A_419 = arith.constant 96 : index
          %parallel_loop3A_420 = tpu.vector_load %arg10[%parallel_loop3A_417, %parallel_loop3A_418, %parallel_loop3A_419] {strides = array<i32>} : memref<2x80x128xf32, #tpu.memory_space<vmem>>, vector<1x1x16xf32>,
          %parallel_loop3A_421 = vector.shape_cast %parallel_loop3A_420 : vector<1x1x16xf32> to vector<16xf32>
          %parallel_loop3A_422 = arith.mulf %parallel_loop3A_415, %parallel_loop3A_421 : vector<16xf32>
          %parallel_loop3A_423 = arith.constant 0 : i32
          %parallel_loop3A_424 = arith.index_cast %parallel_loop3A_423 : i32 to index
          %parallel_loop3A_425 = arith.index_cast %parallel_loop3A_289 : i32 to index
          %parallel_loop3A_426 = arith.constant 96 : index
          %parallel_loop3A_427 = tpu.vector_load %arg11[%parallel_loop3A_424, %parallel_loop3A_425, %parallel_loop3A_426] {strides = array<i32>} : memref<2x80x128xf32, #tpu.memory_space<vmem>>, vector<1x1x16xf32>,
          %parallel_loop3A_428 = vector.shape_cast %parallel_loop3A_427 : vector<1x1x16xf32> to vector<16xf32>
          %parallel_loop3A_429 = vector.shape_cast %parallel_loop3A_422 : vector<16xf32> to vector<1x1x16xf32>
          tpu.vector_store %arg11[%parallel_loop3A_424, %parallel_loop3A_425, %parallel_loop3A_426], %parallel_loop3A_429 {strides = array<i32>} : memref<2x80x128xf32, #tpu.memory_space<vmem>>, vector<1x1x16xf32>,
          %parallel_loop3A_430 = arith.constant 0 : i32
          %parallel_loop3A_431 = arith.index_cast %parallel_loop3A_430 : i32 to index
          %parallel_loop3A_432 = arith.index_cast %parallel_loop3A_289 : i32 to index
          %parallel_loop3A_433 = arith.constant 112 : index
          %parallel_loop3A_434 = tpu.vector_load %arg11[%parallel_loop3A_431, %parallel_loop3A_432, %parallel_loop3A_433] {strides = array<i32>} : memref<2x80x128xf32, #tpu.memory_space<vmem>>, vector<1x1x16xf32>,
          %parallel_loop3A_435 = vector.shape_cast %parallel_loop3A_434 : vector<1x1x16xf32> to vector<16xf32>
          %parallel_loop3A_436 = arith.constant 0 : i32
          %parallel_loop3A_437 = arith.index_cast %parallel_loop3A_436 : i32 to index
          %parallel_loop3A_438 = arith.index_cast %parallel_loop3A_289 : i32 to index
          %parallel_loop3A_439 = arith.constant 112 : index
          %parallel_loop3A_440 = tpu.vector_load %arg10[%parallel_loop3A_437, %parallel_loop3A_438, %parallel_loop3A_439] {strides = array<i32>} : memref<2x80x128xf32, #tpu.memory_space<vmem>>, vector<1x1x16xf32>,
          %parallel_loop3A_441 = vector.shape_cast %parallel_loop3A_440 : vector<1x1x16xf32> to vector<16xf32>
          %parallel_loop3A_442 = arith.mulf %parallel_loop3A_435, %parallel_loop3A_441 : vector<16xf32>
          %parallel_loop3A_443 = arith.constant 0 : i32
          %parallel_loop3A_444 = arith.index_cast %parallel_loop3A_443 : i32 to index
          %parallel_loop3A_445 = arith.index_cast %parallel_loop3A_289 : i32 to index
          %parallel_loop3A_446 = arith.constant 112 : index
          %parallel_loop3A_447 = tpu.vector_load %arg11[%parallel_loop3A_444, %parallel_loop3A_445, %parallel_loop3A_446] {strides = array<i32>} : memref<2x80x128xf32, #tpu.memory_space<vmem>>, vector<1x1x16xf32>,
          %parallel_loop3A_448 = vector.shape_cast %parallel_loop3A_447 : vector<1x1x16xf32> to vector<16xf32>
          %parallel_loop3A_449 = vector.shape_cast %parallel_loop3A_442 : vector<16xf32> to vector<1x1x16xf32>
          tpu.vector_store %arg11[%parallel_loop3A_444, %parallel_loop3A_445, %parallel_loop3A_446], %parallel_loop3A_449 {strides = array<i32>} : memref<2x80x128xf32, #tpu.memory_space<vmem>>, vector<1x1x16xf32>,
        } {sc.loop_unroll_factor = 4 : i64, sc.parallel_access}
        %dma_start3A_277 = arith.constant 0 : i32
        %dma_start3A_278 = arith.constant 0 : i32
        %dma_start3A_279 = arith.constant 0 : i32
        %dma_start3A_280 = arith.constant 0 : i32
        %dma_start3A_281 = tpu.memref_slice %arg11[%dma_start3A_277, %dma_start3A_279, %dma_start3A_280] : memref<2x80x128xf32, #tpu.memory_space<vmem>> -> memref<1x80x128xf32, #tpu.memory_space<vmem>>
        %dma_start3A_282 = tpu.memref_squeeze %dma_start3A_281 : memref<1x80x128xf32, #tpu.memory_space<vmem>> -> memref<80x128xf32, #tpu.memory_space<vmem>>
        %dma_start3A_283 = arith.constant 0 : i32
        %dma_start3A_284 = tpu.memref_slice %arg9[%dma_start3A_278, %dma_start3A_283] : memref<2x80xi32, #tpu.memory_space<vmem>> -> memref<1x80xi32, #tpu.memory_space<vmem>>
        %dma_start3A_285 = tpu.memref_squeeze %dma_start3A_284 : memref<1x80xi32, #tpu.memory_space<vmem>> -> memref<80xi32, #tpu.memory_space<vmem>>
        %dma_start3A_286 = arith.constant 0 : i32
        %dma_start3A_287 = arith.constant 0 : i32
        %dma_start3A_288 = tpu.memref_slice %arg12[%dma_start3A_286, %dma_start3A_287] : memref<10000x128xf32, #tpu.memory_space<vmem_shared>> -> memref<10000x128xf32, #tpu.memory_space<vmem_shared>>
        tpu.enqueue_indirect_dma source(%dma_start3A_282 : memref<80x128xf32, #tpu.memory_space<vmem>>) target(%dma_start3A_288 : memref<10000x128xf32, #tpu.memory_space<vmem_shared>>) offsets(%dma_start3A_285 : memref<80xi32, #tpu.memory_space<vmem>>) semaphore(%arg19 : memref<!tpu.dma_semaphore, #tpu.memory_space<semaphore_mem>>) {add = true}
      } else {
      }
      %mul3A_169 = arith.constant 2 : i32
      %mul3A_170 = arith.muli %scan3A_158, %mul3A_169 : i32
      %add3A_171 = arith.constant 1 : i32
      %add3A_172 = arith.addi %mul3A_170, %add3A_171 : i32
      %mul3A_173 = arith.constant 32 : i32
      %mul3A_174 = arith.muli %add3A_172, %mul3A_173 : i32
      %add3A_175 = arith.addi %add3A, %mul3A_174 : i32
      %lt3A_176 = arith.constant 2000 : i32
      %lt3A_177 = arith.cmpi slt, %add3A_175, %lt3A_176 : i32
      %convert_element_type3A_178 = arith.extui %lt3A_177 : i1 to i32
      %cond3A_179 = arith.constant 0 : i32
      %cond3A_180 = arith.cmpi ne, %convert_element_type3A_178, %cond3A_179 : i32
      scf.if %cond3A_180 {
        %add3A_181 = arith.constant 32 : i32
        %add3A_182 = arith.addi %add3A_175, %add3A_181 : i32
        %add3A_183 = arith.constant 32 : i32
        %add3A_184 = arith.addi %add3A_182, %add3A_183 : i32
        %dma_wait3A_185 = arith.constant 1 : i32
        %dma_wait3A_186 = arith.constant 1 : i32
        %dma_wait3A_187 = arith.constant 0 : i32
        %dma_wait3A_188 = arith.constant 0 : i32
        %dma_wait3A_189 = tpu.memref_slice %arg10[%dma_wait3A_186, %dma_wait3A_187, %dma_wait3A_188] : memref<2x80x128xf32, #tpu.memory_space<vmem>> -> memref<1x80x128xf32, #tpu.memory_space<vmem>>
        %dma_wait3A_190 = tpu.memref_squeeze %dma_wait3A_189 : memref<1x80x128xf32, #tpu.memory_space<vmem>> -> memref<80x128xf32, #tpu.memory_space<vmem>>
        %dma_wait3A_191 = arith.constant 0 : i32
        %dma_wait3A_192 = tpu.memref_slice %arg7[%dma_wait3A_185, %dma_wait3A_191] : memref<2x80xi32, #tpu.memory_space<vmem>> -> memref<1x80xi32, #tpu.memory_space<vmem>>
        %dma_wait3A_193 = tpu.memref_squeeze %dma_wait3A_192 : memref<1x80xi32, #tpu.memory_space<vmem>> -> memref<80xi32, #tpu.memory_space<vmem>>
        %dma_wait3A_194 = arith.constant 0 : i32
        %dma_wait3A_195 = arith.constant 0 : i32
        %dma_wait3A_196 = tpu.memref_slice %arg2[%dma_wait3A_194, %dma_wait3A_195] : memref<10000x128xf32, #tpu.memory_space<hbm>> -> memref<10000x128xf32, #tpu.memory_space<hbm>>
        tpu.wait_indirect_dma semaphore(%arg16 : memref<!tpu.dma_semaphore, #tpu.memory_space<semaphore_mem>>) src(%dma_wait3A_196 : memref<10000x128xf32, #tpu.memory_space<hbm>>) dst(%dma_wait3A_190 : memref<80x128xf32, #tpu.memory_space<vmem>>)
        %mul3A_197 = arith.constant 80 : i32
        %mul3A_198 = arith.muli %add3A_175, %mul3A_197 : i32
        %dma_wait3A_199 = arith.constant 1 : i32
        %dma_wait3A_200 = arith.constant 0 : i32
        %dma_wait3A_201 = arith.constant 0 : i32
        %dma_wait3A_202 = tpu.memref_slice %arg11[%dma_wait3A_199, %dma_wait3A_200, %dma_wait3A_201] : memref<2x80x128xf32, #tpu.memory_space<vmem>> -> memref<1x80x128xf32, #tpu.memory_space<vmem>>
        %dma_wait3A_203 = tpu.memref_squeeze %dma_wait3A_202 : memref<1x80x128xf32, #tpu.memory_space<vmem>> -> memref<80x128xf32, #tpu.memory_space<vmem>>
        %dma_wait3A_204 = arith.constant 0 : i32
        %dma_wait3A_205 = tpu.memref_slice %arg3[%mul3A_198, %dma_wait3A_204] : memref<160000x128xf32, #tpu.memory_space<hbm>> -> memref<80x128xf32, #tpu.memory_space<hbm>>
        %dma_wait3A_206 = arith.constant 0 : i32
        %dma_wait3A_207 = arith.constant 0 : i32
        %dma_wait3A_208 = tpu.memref_slice %arg11[%dma_wait3A_199, %dma_wait3A_206, %dma_wait3A_207] : memref<2x80x128xf32, #tpu.memory_space<vmem>> -> memref<1x80x128xf32, #tpu.memory_space<vmem>>
        %dma_wait3A_209 = tpu.memref_squeeze %dma_wait3A_208 : memref<1x80x128xf32, #tpu.memory_space<vmem>> -> memref<80x128xf32, #tpu.memory_space<vmem>>
        %dma_wait3A_210 = arith.constant 0 : i32
        %dma_wait3A_211 = tpu.memref_slice %arg3[%mul3A_198, %dma_wait3A_210] : memref<160000x128xf32, #tpu.memory_space<hbm>> -> memref<80x128xf32, #tpu.memory_space<hbm>>
        tpu.wait_dma2 semaphore(%arg18 : memref<!tpu.dma_semaphore, #tpu.memory_space<semaphore_mem>>) src(%dma_wait3A_211 : memref<80x128xf32, #tpu.memory_space<hbm>>) dst(%dma_wait3A_209 : memref<80x128xf32, #tpu.memory_space<vmem>>)
        %get3A = arith.constant 1 : i32
        %get3A_212 = arith.index_cast %get3A : i32 to index
        %get3A_213 = arith.constant 0 : index
        %get3A_214 = tpu.vector_load %arg8[%get3A_212, %get3A_213] {strides = array<i32>} : memref<2x80xi32, #tpu.memory_space<vmem>>, vector<1x16xi32>,
        %get3A_215 = vector.shape_cast %get3A_214 : vector<1x16xi32> to vector<16xi32>
        %swap3A = arith.constant 1 : i32
        %swap3A_216 = arith.index_cast %swap3A : i32 to index
        %swap3A_217 = arith.constant 0 : index
        %swap3A_218 = tpu.vector_load %arg9[%swap3A_216, %swap3A_217] {strides = array<i32>} : memref<2x80xi32, #tpu.memory_space<vmem>>, vector<1x16xi32>,
        %swap3A_219 = vector.shape_cast %swap3A_218 : vector<1x16xi32> to vector<16xi32>
        %swap3A_220 = vector.shape_cast %get3A_215 : vector<16xi32> to vector<1x16xi32>
        tpu.vector_store %arg9[%swap3A_216, %swap3A_217], %swap3A_220 {strides = array<i32>} : memref<2x80xi32, #tpu.memory_space<vmem>>, vector<1x16xi32>,
        %get3A_221 = arith.constant 1 : i32
        %get3A_222 = arith.index_cast %get3A_221 : i32 to index
        %get3A_223 = arith.constant 16 : index
        %get3A_224 = tpu.vector_load %arg8[%get3A_222, %get3A_223] {strides = array<i32>} : memref<2x80xi32, #tpu.memory_space<vmem>>, vector<1x16xi32>,
        %get3A_225 = vector.shape_cast %get3A_224 : vector<1x16xi32> to vector<16xi32>
        %swap3A_226 = arith.constant 1 : i32
        %swap3A_227 = arith.index_cast %swap3A_226 : i32 to index
        %swap3A_228 = arith.constant 16 : index
        %swap3A_229 = tpu.vector_load %arg9[%swap3A_227, %swap3A_228] {strides = array<i32>} : memref<2x80xi32, #tpu.memory_space<vmem>>, vector<1x16xi32>,
        %swap3A_230 = vector.shape_cast %swap3A_229 : vector<1x16xi32> to vector<16xi32>
        %swap3A_231 = vector.shape_cast %get3A_225 : vector<16xi32> to vector<1x16xi32>
        tpu.vector_store %arg9[%swap3A_227, %swap3A_228], %swap3A_231 {strides = array<i32>} : memref<2x80xi32, #tpu.memory_space<vmem>>, vector<1x16xi32>,
        %get3A_232 = arith.constant 1 : i32
        %get3A_233 = arith.index_cast %get3A_232 : i32 to index
        %get3A_234 = arith.constant 32 : index
        %get3A_235 = tpu.vector_load %arg8[%get3A_233, %get3A_234] {strides = array<i32>} : memref<2x80xi32, #tpu.memory_space<vmem>>, vector<1x16xi32>,
        %get3A_236 = vector.shape_cast %get3A_235 : vector<1x16xi32> to vector<16xi32>
        %swap3A_237 = arith.constant 1 : i32
        %swap3A_238 = arith.index_cast %swap3A_237 : i32 to index
        %swap3A_239 = arith.constant 32 : index
        %swap3A_240 = tpu.vector_load %arg9[%swap3A_238, %swap3A_239] {strides = array<i32>} : memref<2x80xi32, #tpu.memory_space<vmem>>, vector<1x16xi32>,
        %swap3A_241 = vector.shape_cast %swap3A_240 : vector<1x16xi32> to vector<16xi32>
        %swap3A_242 = vector.shape_cast %get3A_236 : vector<16xi32> to vector<1x16xi32>
        tpu.vector_store %arg9[%swap3A_238, %swap3A_239], %swap3A_242 {strides = array<i32>} : memref<2x80xi32, #tpu.memory_space<vmem>>, vector<1x16xi32>,
        %get3A_243 = arith.constant 1 : i32
        %get3A_244 = arith.index_cast %get3A_243 : i32 to index
        %get3A_245 = arith.constant 48 : index
        %get3A_246 = tpu.vector_load %arg8[%get3A_244, %get3A_245] {strides = array<i32>} : memref<2x80xi32, #tpu.memory_space<vmem>>, vector<1x16xi32>,
        %get3A_247 = vector.shape_cast %get3A_246 : vector<1x16xi32> to vector<16xi32>
        %swap3A_248 = arith.constant 1 : i32
        %swap3A_249 = arith.index_cast %swap3A_248 : i32 to index
        %swap3A_250 = arith.constant 48 : index
        %swap3A_251 = tpu.vector_load %arg9[%swap3A_249, %swap3A_250] {strides = array<i32>} : memref<2x80xi32, #tpu.memory_space<vmem>>, vector<1x16xi32>,
        %swap3A_252 = vector.shape_cast %swap3A_251 : vector<1x16xi32> to vector<16xi32>
        %swap3A_253 = vector.shape_cast %get3A_247 : vector<16xi32> to vector<1x16xi32>
        tpu.vector_store %arg9[%swap3A_249, %swap3A_250], %swap3A_253 {strides = array<i32>} : memref<2x80xi32, #tpu.memory_space<vmem>>, vector<1x16xi32>,
        %get3A_254 = arith.constant 1 : i32
        %get3A_255 = arith.index_cast %get3A_254 : i32 to index
        %get3A_256 = arith.constant 64 : index
        %get3A_257 = tpu.vector_load %arg8[%get3A_255, %get3A_256] {strides = array<i32>} : memref<2x80xi32, #tpu.memory_space<vmem>>, vector<1x16xi32>,
        %get3A_258 = vector.shape_cast %get3A_257 : vector<1x16xi32> to vector<16xi32>
        %swap3A_259 = arith.constant 1 : i32
        %swap3A_260 = arith.index_cast %swap3A_259 : i32 to index
        %swap3A_261 = arith.constant 64 : index
        %swap3A_262 = tpu.vector_load %arg9[%swap3A_260, %swap3A_261] {strides = array<i32>} : memref<2x80xi32, #tpu.memory_space<vmem>>, vector<1x16xi32>,
        %swap3A_263 = vector.shape_cast %swap3A_262 : vector<1x16xi32> to vector<16xi32>
        %swap3A_264 = vector.shape_cast %get3A_258 : vector<16xi32> to vector<1x16xi32>
        tpu.vector_store %arg9[%swap3A_260, %swap3A_261], %swap3A_264 {strides = array<i32>} : memref<2x80xi32, #tpu.memory_space<vmem>>, vector<1x16xi32>,
        %lt3A_265 = arith.constant 2000 : i32
        %lt3A_266 = arith.cmpi slt, %add3A_182, %lt3A_265 : i32
        %convert_element_type3A_267 = arith.extui %lt3A_266 : i1 to i32
        %cond3A_268 = arith.constant 0 : i32
        %cond3A_269 = arith.cmpi ne, %convert_element_type3A_267, %cond3A_268 : i32
        scf.if %cond3A_269 {
          %mul3A_289 = arith.constant 80 : i32
          %mul3A_290 = arith.muli %add3A_182, %mul3A_289 : i32
          %dma_wait3A_291 = arith.constant 0 : i32
          %dma_wait3A_292 = arith.constant 0 : i32
          %dma_wait3A_293 = tpu.memref_slice %arg7[%dma_wait3A_291, %dma_wait3A_292] : memref<2x80xi32, #tpu.memory_space<vmem>> -> memref<1x80xi32, #tpu.memory_space<vmem>>
          %dma_wait3A_294 = tpu.memref_squeeze %dma_wait3A_293 : memref<1x80xi32, #tpu.memory_space<vmem>> -> memref<80xi32, #tpu.memory_space<vmem>>
          %dma_wait3A_295 = tpu.memref_slice %arg5[%mul3A_290] : memref<160000xi32, #tpu.memory_space<hbm>> -> memref<80xi32, #tpu.memory_space<hbm>>
          %dma_wait3A_296 = arith.constant 0 : i32
          %dma_wait3A_297 = tpu.memref_slice %arg7[%dma_wait3A_291, %dma_wait3A_296] : memref<2x80xi32, #tpu.memory_space<vmem>> -> memref<1x80xi32, #tpu.memory_space<vmem>>
          %dma_wait3A_298 = tpu.memref_squeeze %dma_wait3A_297 : memref<1x80xi32, #tpu.memory_space<vmem>> -> memref<80xi32, #tpu.memory_space<vmem>>
          %dma_wait3A_299 = tpu.memref_slice %arg5[%mul3A_290] : memref<160000xi32, #tpu.memory_space<hbm>> -> memref<80xi32, #tpu.memory_space<hbm>>
          tpu.wait_dma2 semaphore(%arg13 : memref<!tpu.dma_semaphore, #tpu.memory_space<semaphore_mem>>) src(%dma_wait3A_299 : memref<80xi32, #tpu.memory_space<hbm>>) dst(%dma_wait3A_298 : memref<80xi32, #tpu.memory_space<vmem>>)
          %mul3A_300 = arith.constant 80 : i32
          %mul3A_301 = arith.muli %add3A_182, %mul3A_300 : i32
          %dma_wait3A_302 = arith.constant 0 : i32
          %dma_wait3A_303 = arith.constant 0 : i32
          %dma_wait3A_304 = tpu.memref_slice %arg8[%dma_wait3A_302, %dma_wait3A_303] : memref<2x80xi32, #tpu.memory_space<vmem>> -> memref<1x80xi32, #tpu.memory_space<vmem>>
          %dma_wait3A_305 = tpu.memref_squeeze %dma_wait3A_304 : memref<1x80xi32, #tpu.memory_space<vmem>> -> memref<80xi32, #tpu.memory_space<vmem>>
          %dma_wait3A_306 = tpu.memref_slice %arg4[%mul3A_301] : memref<160000xi32, #tpu.memory_space<hbm>> -> memref<80xi32, #tpu.memory_space<hbm>>
          %dma_wait3A_307 = arith.constant 0 : i32
          %dma_wait3A_308 = tpu.memref_slice %arg8[%dma_wait3A_302, %dma_wait3A_307] : memref<2x80xi32, #tpu.memory_space<vmem>> -> memref<1x80xi32, #tpu.memory_space<vmem>>
          %dma_wait3A_309 = tpu.memref_squeeze %dma_wait3A_308 : memref<1x80xi32, #tpu.memory_space<vmem>> -> memref<80xi32, #tpu.memory_space<vmem>>
          %dma_wait3A_310 = tpu.memref_slice %arg4[%mul3A_301] : memref<160000xi32, #tpu.memory_space<hbm>> -> memref<80xi32, #tpu.memory_space<hbm>>
          tpu.wait_dma2 semaphore(%arg13 : memref<!tpu.dma_semaphore, #tpu.memory_space<semaphore_mem>>) src(%dma_wait3A_310 : memref<80xi32, #tpu.memory_space<hbm>>) dst(%dma_wait3A_309 : memref<80xi32, #tpu.memory_space<vmem>>)
          %ge3A = arith.constant 1 : i32
          %ge3A_311 = arith.cmpi sge, %add3A_172, %ge3A : i32
          %convert_element_type3A_312 = arith.extui %ge3A_311 : i1 to i32
          %cond3A_313 = arith.constant 0 : i32
          %cond3A_314 = arith.cmpi ne, %convert_element_type3A_312, %cond3A_313 : i32
          scf.if %cond3A_314 {
            %dma_wait3A_342 = arith.constant 0 : i32
            %dma_wait3A_343 = arith.constant 0 : i32
            %dma_wait3A_344 = arith.constant 0 : i32
            %dma_wait3A_345 = arith.constant 0 : i32
            %dma_wait3A_346 = tpu.memref_slice %arg11[%dma_wait3A_342, %dma_wait3A_344, %dma_wait3A_345] : memref<2x80x128xf32, #tpu.memory_space<vmem>> -> memref<1x80x128xf32, #tpu.memory_space<vmem>>
            %dma_wait3A_347 = tpu.memref_squeeze %dma_wait3A_346 : memref<1x80x128xf32, #tpu.memory_space<vmem>> -> memref<80x128xf32, #tpu.memory_space<vmem>>
            %dma_wait3A_348 = arith.constant 0 : i32
            %dma_wait3A_349 = tpu.memref_slice %arg9[%dma_wait3A_343, %dma_wait3A_348] : memref<2x80xi32, #tpu.memory_space<vmem>> -> memref<1x80xi32, #tpu.memory_space<vmem>>
            %dma_wait3A_350 = tpu.memref_squeeze %dma_wait3A_349 : memref<1x80xi32, #tpu.memory_space<vmem>> -> memref<80xi32, #tpu.memory_space<vmem>>
            %dma_wait3A_351 = arith.constant 0 : i32
            %dma_wait3A_352 = arith.constant 0 : i32
            %dma_wait3A_353 = tpu.memref_slice %arg12[%dma_wait3A_351, %dma_wait3A_352] : memref<10000x128xf32, #tpu.memory_space<vmem_shared>> -> memref<10000x128xf32, #tpu.memory_space<vmem_shared>>
            tpu.wait_indirect_dma semaphore(%arg19 : memref<!tpu.dma_semaphore, #tpu.memory_space<semaphore_mem>>) src(%dma_wait3A_347 : memref<80x128xf32, #tpu.memory_space<vmem>>) dst(%dma_wait3A_353 : memref<10000x128xf32, #tpu.memory_space<vmem_shared>>)
          } else {
          }
          %dma_start3A_315 = arith.constant 0 : i32
          %dma_start3A_316 = arith.constant 0 : i32
          %dma_start3A_317 = arith.constant 0 : i32
          %dma_start3A_318 = arith.constant 0 : i32
          %dma_start3A_319 = tpu.memref_slice %arg10[%dma_start3A_316, %dma_start3A_317, %dma_start3A_318] : memref<2x80x128xf32, #tpu.memory_space<vmem>> -> memref<1x80x128xf32, #tpu.memory_space<vmem>>
          %dma_start3A_320 = tpu.memref_squeeze %dma_start3A_319 : memref<1x80x128xf32, #tpu.memory_space<vmem>> -> memref<80x128xf32, #tpu.memory_space<vmem>>
          %dma_start3A_321 = arith.constant 0 : i32
          %dma_start3A_322 = tpu.memref_slice %arg7[%dma_start3A_315, %dma_start3A_321] : memref<2x80xi32, #tpu.memory_space<vmem>> -> memref<1x80xi32, #tpu.memory_space<vmem>>
          %dma_start3A_323 = tpu.memref_squeeze %dma_start3A_322 : memref<1x80xi32, #tpu.memory_space<vmem>> -> memref<80xi32, #tpu.memory_space<vmem>>
          %dma_start3A_324 = arith.constant 0 : i32
          %dma_start3A_325 = arith.constant 0 : i32
          %dma_start3A_326 = tpu.memref_slice %arg2[%dma_start3A_324, %dma_start3A_325] : memref<10000x128xf32, #tpu.memory_space<hbm>> -> memref<10000x128xf32, #tpu.memory_space<hbm>>
          tpu.enqueue_indirect_dma source(%dma_start3A_326 : memref<10000x128xf32, #tpu.memory_space<hbm>>) target(%dma_start3A_320 : memref<80x128xf32, #tpu.memory_space<vmem>>) offsets(%dma_start3A_323 : memref<80xi32, #tpu.memory_space<vmem>>) semaphore(%arg15 : memref<!tpu.dma_semaphore, #tpu.memory_space<semaphore_mem>>)
          %mul3A_327 = arith.constant 80 : i32
          %mul3A_328 = arith.muli %add3A_182, %mul3A_327 : i32
          %dma_start3A_329 = arith.constant 0 : i32
          %dma_start3A_330 = arith.constant 0 : i32
          %dma_start3A_331 = arith.constant 0 : i32
          %dma_start3A_332 = tpu.memref_slice %arg11[%dma_start3A_329, %dma_start3A_330, %dma_start3A_331] : memref<2x80x128xf32, #tpu.memory_space<vmem>> -> memref<1x80x128xf32, #tpu.memory_space<vmem>>
          %dma_start3A_333 = tpu.memref_squeeze %dma_start3A_332 : memref<1x80x128xf32, #tpu.memory_space<vmem>> -> memref<80x128xf32, #tpu.memory_space<vmem>>
          %dma_start3A_334 = arith.constant 0 : i32
          %dma_start3A_335 = tpu.memref_slice %arg3[%mul3A_328, %dma_start3A_334] : memref<160000x128xf32, #tpu.memory_space<hbm>> -> memref<80x128xf32, #tpu.memory_space<hbm>>
          %dma_start3A_336 = arith.constant 0 : i32
          %dma_start3A_337 = arith.constant 0 : i32
          %dma_start3A_338 = tpu.memref_slice %arg11[%dma_start3A_329, %dma_start3A_336, %dma_start3A_337] : memref<2x80x128xf32, #tpu.memory_space<vmem>> -> memref<1x80x128xf32, #tpu.memory_space<vmem>>
          %dma_start3A_339 = tpu.memref_squeeze %dma_start3A_338 : memref<1x80x128xf32, #tpu.memory_space<vmem>> -> memref<80x128xf32, #tpu.memory_space<vmem>>
          %dma_start3A_340 = arith.constant 0 : i32
          %dma_start3A_341 = tpu.memref_slice %arg3[%mul3A_328, %dma_start3A_340] : memref<160000x128xf32, #tpu.memory_space<hbm>> -> memref<80x128xf32, #tpu.memory_space<hbm>>
          tpu.enqueue_dma source(%dma_start3A_341 : memref<80x128xf32, #tpu.memory_space<hbm>>) target(%dma_start3A_339 : memref<80x128xf32, #tpu.memory_space<vmem>>) target_semaphore(%arg17 : memref<!tpu.dma_semaphore, #tpu.memory_space<semaphore_mem>>)
        } else {
        }
        %lt3A_270 = arith.constant 2000 : i32
        %lt3A_271 = arith.cmpi slt, %add3A_184, %lt3A_270 : i32
        %convert_element_type3A_272 = arith.extui %lt3A_271 : i1 to i32
        %cond3A_273 = arith.constant 0 : i32
        %cond3A_274 = arith.cmpi ne, %convert_element_type3A_272, %cond3A_273 : i32
        scf.if %cond3A_274 {
          %mul3A_289 = arith.constant 80 : i32
          %mul3A_290 = arith.muli %add3A_184, %mul3A_289 : i32
          %dma_start3A_291 = arith.constant 1 : i32
          %dma_start3A_292 = arith.constant 0 : i32
          %dma_start3A_293 = tpu.memref_slice %arg7[%dma_start3A_291, %dma_start3A_292] : memref<2x80xi32, #tpu.memory_space<vmem>> -> memref<1x80xi32, #tpu.memory_space<vmem>>
          %dma_start3A_294 = tpu.memref_squeeze %dma_start3A_293 : memref<1x80xi32, #tpu.memory_space<vmem>> -> memref<80xi32, #tpu.memory_space<vmem>>
          %dma_start3A_295 = tpu.memref_slice %arg5[%mul3A_290] : memref<160000xi32, #tpu.memory_space<hbm>> -> memref<80xi32, #tpu.memory_space<hbm>>
          %dma_start3A_296 = arith.constant 0 : i32
          %dma_start3A_297 = tpu.memref_slice %arg7[%dma_start3A_291, %dma_start3A_296] : memref<2x80xi32, #tpu.memory_space<vmem>> -> memref<1x80xi32, #tpu.memory_space<vmem>>
          %dma_start3A_298 = tpu.memref_squeeze %dma_start3A_297 : memref<1x80xi32, #tpu.memory_space<vmem>> -> memref<80xi32, #tpu.memory_space<vmem>>
          %dma_start3A_299 = tpu.memref_slice %arg5[%mul3A_290] : memref<160000xi32, #tpu.memory_space<hbm>> -> memref<80xi32, #tpu.memory_space<hbm>>
          tpu.enqueue_dma source(%dma_start3A_299 : memref<80xi32, #tpu.memory_space<hbm>>) target(%dma_start3A_298 : memref<80xi32, #tpu.memory_space<vmem>>) target_semaphore(%arg14 : memref<!tpu.dma_semaphore, #tpu.memory_space<semaphore_mem>>)
          %mul3A_300 = arith.constant 80 : i32
          %mul3A_301 = arith.muli %add3A_184, %mul3A_300 : i32
          %dma_start3A_302 = arith.constant 1 : i32
          %dma_start3A_303 = arith.constant 0 : i32
          %dma_start3A_304 = tpu.memref_slice %arg8[%dma_start3A_302, %dma_start3A_303] : memref<2x80xi32, #tpu.memory_space<vmem>> -> memref<1x80xi32, #tpu.memory_space<vmem>>
          %dma_start3A_305 = tpu.memref_squeeze %dma_start3A_304 : memref<1x80xi32, #tpu.memory_space<vmem>> -> memref<80xi32, #tpu.memory_space<vmem>>
          %dma_start3A_306 = tpu.memref_slice %arg4[%mul3A_301] : memref<160000xi32, #tpu.memory_space<hbm>> -> memref<80xi32, #tpu.memory_space<hbm>>
          %dma_start3A_307 = arith.constant 0 : i32
          %dma_start3A_308 = tpu.memref_slice %arg8[%dma_start3A_302, %dma_start3A_307] : memref<2x80xi32, #tpu.memory_space<vmem>> -> memref<1x80xi32, #tpu.memory_space<vmem>>
          %dma_start3A_309 = tpu.memref_squeeze %dma_start3A_308 : memref<1x80xi32, #tpu.memory_space<vmem>> -> memref<80xi32, #tpu.memory_space<vmem>>
          %dma_start3A_310 = tpu.memref_slice %arg4[%mul3A_301] : memref<160000xi32, #tpu.memory_space<hbm>> -> memref<80xi32, #tpu.memory_space<hbm>>
          tpu.enqueue_dma source(%dma_start3A_310 : memref<80xi32, #tpu.memory_space<hbm>>) target(%dma_start3A_309 : memref<80xi32, #tpu.memory_space<vmem>>) target_semaphore(%arg14 : memref<!tpu.dma_semaphore, #tpu.memory_space<semaphore_mem>>)
        } else {
        }
        %parallel_loop3A = arith.constant 0 : i32
        %parallel_loop3A_275 = arith.constant 80 : i32
        %parallel_loop3A_276 = arith.constant 1 : i32
        scf.for %parallel_loop3A_289 = %parallel_loop3A to %parallel_loop3A_275 step %parallel_loop3A_276  : i32 {
          %parallel_loop3A_290 = arith.constant 1 : i32
          %parallel_loop3A_291 = arith.index_cast %parallel_loop3A_290 : i32 to index
          %parallel_loop3A_292 = arith.index_cast %parallel_loop3A_289 : i32 to index
          %parallel_loop3A_293 = arith.constant 0 : index
          %parallel_loop3A_294 = tpu.vector_load %arg11[%parallel_loop3A_291, %parallel_loop3A_292, %parallel_loop3A_293] {strides = array<i32>} : memref<2x80x128xf32, #tpu.memory_space<vmem>>, vector<1x1x16xf32>,
          %parallel_loop3A_295 = vector.shape_cast %parallel_loop3A_294 : vector<1x1x16xf32> to vector<16xf32>
          %parallel_loop3A_296 = arith.constant 1 : i32
          %parallel_loop3A_297 = arith.index_cast %parallel_loop3A_296 : i32 to index
          %parallel_loop3A_298 = arith.index_cast %parallel_loop3A_289 : i32 to index
          %parallel_loop3A_299 = arith.constant 0 : index
          %parallel_loop3A_300 = tpu.vector_load %arg10[%parallel_loop3A_297, %parallel_loop3A_298, %parallel_loop3A_299] {strides = array<i32>} : memref<2x80x128xf32, #tpu.memory_space<vmem>>, vector<1x1x16xf32>,
          %parallel_loop3A_301 = vector.shape_cast %parallel_loop3A_300 : vector<1x1x16xf32> to vector<16xf32>
          %parallel_loop3A_302 = arith.mulf %parallel_loop3A_295, %parallel_loop3A_301 : vector<16xf32>
          %parallel_loop3A_303 = arith.constant 1 : i32
          %parallel_loop3A_304 = arith.index_cast %parallel_loop3A_303 : i32 to index
          %parallel_loop3A_305 = arith.index_cast %parallel_loop3A_289 : i32 to index
          %parallel_loop3A_306 = arith.constant 0 : index
          %parallel_loop3A_307 = tpu.vector_load %arg11[%parallel_loop3A_304, %parallel_loop3A_305, %parallel_loop3A_306] {strides = array<i32>} : memref<2x80x128xf32, #tpu.memory_space<vmem>>, vector<1x1x16xf32>,
          %parallel_loop3A_308 = vector.shape_cast %parallel_loop3A_307 : vector<1x1x16xf32> to vector<16xf32>
          %parallel_loop3A_309 = vector.shape_cast %parallel_loop3A_302 : vector<16xf32> to vector<1x1x16xf32>
          tpu.vector_store %arg11[%parallel_loop3A_304, %parallel_loop3A_305, %parallel_loop3A_306], %parallel_loop3A_309 {strides = array<i32>} : memref<2x80x128xf32, #tpu.memory_space<vmem>>, vector<1x1x16xf32>,
          %parallel_loop3A_310 = arith.constant 1 : i32
          %parallel_loop3A_311 = arith.index_cast %parallel_loop3A_310 : i32 to index
          %parallel_loop3A_312 = arith.index_cast %parallel_loop3A_289 : i32 to index
          %parallel_loop3A_313 = arith.constant 16 : index
          %parallel_loop3A_314 = tpu.vector_load %arg11[%parallel_loop3A_311, %parallel_loop3A_312, %parallel_loop3A_313] {strides = array<i32>} : memref<2x80x128xf32, #tpu.memory_space<vmem>>, vector<1x1x16xf32>,
          %parallel_loop3A_315 = vector.shape_cast %parallel_loop3A_314 : vector<1x1x16xf32> to vector<16xf32>
          %parallel_loop3A_316 = arith.constant 1 : i32
          %parallel_loop3A_317 = arith.index_cast %parallel_loop3A_316 : i32 to index
          %parallel_loop3A_318 = arith.index_cast %parallel_loop3A_289 : i32 to index
          %parallel_loop3A_319 = arith.constant 16 : index
          %parallel_loop3A_320 = tpu.vector_load %arg10[%parallel_loop3A_317, %parallel_loop3A_318, %parallel_loop3A_319] {strides = array<i32>} : memref<2x80x128xf32, #tpu.memory_space<vmem>>, vector<1x1x16xf32>,
          %parallel_loop3A_321 = vector.shape_cast %parallel_loop3A_320 : vector<1x1x16xf32> to vector<16xf32>
          %parallel_loop3A_322 = arith.mulf %parallel_loop3A_315, %parallel_loop3A_321 : vector<16xf32>
          %parallel_loop3A_323 = arith.constant 1 : i32
          %parallel_loop3A_324 = arith.index_cast %parallel_loop3A_323 : i32 to index
          %parallel_loop3A_325 = arith.index_cast %parallel_loop3A_289 : i32 to index
          %parallel_loop3A_326 = arith.constant 16 : index
          %parallel_loop3A_327 = tpu.vector_load %arg11[%parallel_loop3A_324, %parallel_loop3A_325, %parallel_loop3A_326] {strides = array<i32>} : memref<2x80x128xf32, #tpu.memory_space<vmem>>, vector<1x1x16xf32>,
          %parallel_loop3A_328 = vector.shape_cast %parallel_loop3A_327 : vector<1x1x16xf32> to vector<16xf32>
          %parallel_loop3A_329 = vector.shape_cast %parallel_loop3A_322 : vector<16xf32> to vector<1x1x16xf32>
          tpu.vector_store %arg11[%parallel_loop3A_324, %parallel_loop3A_325, %parallel_loop3A_326], %parallel_loop3A_329 {strides = array<i32>} : memref<2x80x128xf32, #tpu.memory_space<vmem>>, vector<1x1x16xf32>,
          %parallel_loop3A_330 = arith.constant 1 : i32
          %parallel_loop3A_331 = arith.index_cast %parallel_loop3A_330 : i32 to index
          %parallel_loop3A_332 = arith.index_cast %parallel_loop3A_289 : i32 to index
          %parallel_loop3A_333 = arith.constant 32 : index
          %parallel_loop3A_334 = tpu.vector_load %arg11[%parallel_loop3A_331, %parallel_loop3A_332, %parallel_loop3A_333] {strides = array<i32>} : memref<2x80x128xf32, #tpu.memory_space<vmem>>, vector<1x1x16xf32>,
          %parallel_loop3A_335 = vector.shape_cast %parallel_loop3A_334 : vector<1x1x16xf32> to vector<16xf32>
          %parallel_loop3A_336 = arith.constant 1 : i32
          %parallel_loop3A_337 = arith.index_cast %parallel_loop3A_336 : i32 to index
          %parallel_loop3A_338 = arith.index_cast %parallel_loop3A_289 : i32 to index
          %parallel_loop3A_339 = arith.constant 32 : index
          %parallel_loop3A_340 = tpu.vector_load %arg10[%parallel_loop3A_337, %parallel_loop3A_338, %parallel_loop3A_339] {strides = array<i32>} : memref<2x80x128xf32, #tpu.memory_space<vmem>>, vector<1x1x16xf32>,
          %parallel_loop3A_341 = vector.shape_cast %parallel_loop3A_340 : vector<1x1x16xf32> to vector<16xf32>
          %parallel_loop3A_342 = arith.mulf %parallel_loop3A_335, %parallel_loop3A_341 : vector<16xf32>
          %parallel_loop3A_343 = arith.constant 1 : i32
          %parallel_loop3A_344 = arith.index_cast %parallel_loop3A_343 : i32 to index
          %parallel_loop3A_345 = arith.index_cast %parallel_loop3A_289 : i32 to index
          %parallel_loop3A_346 = arith.constant 32 : index
          %parallel_loop3A_347 = tpu.vector_load %arg11[%parallel_loop3A_344, %parallel_loop3A_345, %parallel_loop3A_346] {strides = array<i32>} : memref<2x80x128xf32, #tpu.memory_space<vmem>>, vector<1x1x16xf32>,
          %parallel_loop3A_348 = vector.shape_cast %parallel_loop3A_347 : vector<1x1x16xf32> to vector<16xf32>
          %parallel_loop3A_349 = vector.shape_cast %parallel_loop3A_342 : vector<16xf32> to vector<1x1x16xf32>
          tpu.vector_store %arg11[%parallel_loop3A_344, %parallel_loop3A_345, %parallel_loop3A_346], %parallel_loop3A_349 {strides = array<i32>} : memref<2x80x128xf32, #tpu.memory_space<vmem>>, vector<1x1x16xf32>,
          %parallel_loop3A_350 = arith.constant 1 : i32
          %parallel_loop3A_351 = arith.index_cast %parallel_loop3A_350 : i32 to index
          %parallel_loop3A_352 = arith.index_cast %parallel_loop3A_289 : i32 to index
          %parallel_loop3A_353 = arith.constant 48 : index
          %parallel_loop3A_354 = tpu.vector_load %arg11[%parallel_loop3A_351, %parallel_loop3A_352, %parallel_loop3A_353] {strides = array<i32>} : memref<2x80x128xf32, #tpu.memory_space<vmem>>, vector<1x1x16xf32>,
          %parallel_loop3A_355 = vector.shape_cast %parallel_loop3A_354 : vector<1x1x16xf32> to vector<16xf32>
          %parallel_loop3A_356 = arith.constant 1 : i32
          %parallel_loop3A_357 = arith.index_cast %parallel_loop3A_356 : i32 to index
          %parallel_loop3A_358 = arith.index_cast %parallel_loop3A_289 : i32 to index
          %parallel_loop3A_359 = arith.constant 48 : index
          %parallel_loop3A_360 = tpu.vector_load %arg10[%parallel_loop3A_357, %parallel_loop3A_358, %parallel_loop3A_359] {strides = array<i32>} : memref<2x80x128xf32, #tpu.memory_space<vmem>>, vector<1x1x16xf32>,
          %parallel_loop3A_361 = vector.shape_cast %parallel_loop3A_360 : vector<1x1x16xf32> to vector<16xf32>
          %parallel_loop3A_362 = arith.mulf %parallel_loop3A_355, %parallel_loop3A_361 : vector<16xf32>
          %parallel_loop3A_363 = arith.constant 1 : i32
          %parallel_loop3A_364 = arith.index_cast %parallel_loop3A_363 : i32 to index
          %parallel_loop3A_365 = arith.index_cast %parallel_loop3A_289 : i32 to index
          %parallel_loop3A_366 = arith.constant 48 : index
          %parallel_loop3A_367 = tpu.vector_load %arg11[%parallel_loop3A_364, %parallel_loop3A_365, %parallel_loop3A_366] {strides = array<i32>} : memref<2x80x128xf32, #tpu.memory_space<vmem>>, vector<1x1x16xf32>,
          %parallel_loop3A_368 = vector.shape_cast %parallel_loop3A_367 : vector<1x1x16xf32> to vector<16xf32>
          %parallel_loop3A_369 = vector.shape_cast %parallel_loop3A_362 : vector<16xf32> to vector<1x1x16xf32>
          tpu.vector_store %arg11[%parallel_loop3A_364, %parallel_loop3A_365, %parallel_loop3A_366], %parallel_loop3A_369 {strides = array<i32>} : memref<2x80x128xf32, #tpu.memory_space<vmem>>, vector<1x1x16xf32>,
          %parallel_loop3A_370 = arith.constant 1 : i32
          %parallel_loop3A_371 = arith.index_cast %parallel_loop3A_370 : i32 to index
          %parallel_loop3A_372 = arith.index_cast %parallel_loop3A_289 : i32 to index
          %parallel_loop3A_373 = arith.constant 64 : index
          %parallel_loop3A_374 = tpu.vector_load %arg11[%parallel_loop3A_371, %parallel_loop3A_372, %parallel_loop3A_373] {strides = array<i32>} : memref<2x80x128xf32, #tpu.memory_space<vmem>>, vector<1x1x16xf32>,
          %parallel_loop3A_375 = vector.shape_cast %parallel_loop3A_374 : vector<1x1x16xf32> to vector<16xf32>
          %parallel_loop3A_376 = arith.constant 1 : i32
          %parallel_loop3A_377 = arith.index_cast %parallel_loop3A_376 : i32 to index
          %parallel_loop3A_378 = arith.index_cast %parallel_loop3A_289 : i32 to index
          %parallel_loop3A_379 = arith.constant 64 : index
          %parallel_loop3A_380 = tpu.vector_load %arg10[%parallel_loop3A_377, %parallel_loop3A_378, %parallel_loop3A_379] {strides = array<i32>} : memref<2x80x128xf32, #tpu.memory_space<vmem>>, vector<1x1x16xf32>,
          %parallel_loop3A_381 = vector.shape_cast %parallel_loop3A_380 : vector<1x1x16xf32> to vector<16xf32>
          %parallel_loop3A_382 = arith.mulf %parallel_loop3A_375, %parallel_loop3A_381 : vector<16xf32>
          %parallel_loop3A_383 = arith.constant 1 : i32
          %parallel_loop3A_384 = arith.index_cast %parallel_loop3A_383 : i32 to index
          %parallel_loop3A_385 = arith.index_cast %parallel_loop3A_289 : i32 to index
          %parallel_loop3A_386 = arith.constant 64 : index
          %parallel_loop3A_387 = tpu.vector_load %arg11[%parallel_loop3A_384, %parallel_loop3A_385, %parallel_loop3A_386] {strides = array<i32>} : memref<2x80x128xf32, #tpu.memory_space<vmem>>, vector<1x1x16xf32>,
          %parallel_loop3A_388 = vector.shape_cast %parallel_loop3A_387 : vector<1x1x16xf32> to vector<16xf32>
          %parallel_loop3A_389 = vector.shape_cast %parallel_loop3A_382 : vector<16xf32> to vector<1x1x16xf32>
          tpu.vector_store %arg11[%parallel_loop3A_384, %parallel_loop3A_385, %parallel_loop3A_386], %parallel_loop3A_389 {strides = array<i32>} : memref<2x80x128xf32, #tpu.memory_space<vmem>>, vector<1x1x16xf32>,
          %parallel_loop3A_390 = arith.constant 1 : i32
          %parallel_loop3A_391 = arith.index_cast %parallel_loop3A_390 : i32 to index
          %parallel_loop3A_392 = arith.index_cast %parallel_loop3A_289 : i32 to index
          %parallel_loop3A_393 = arith.constant 80 : index
          %parallel_loop3A_394 = tpu.vector_load %arg11[%parallel_loop3A_391, %parallel_loop3A_392, %parallel_loop3A_393] {strides = array<i32>} : memref<2x80x128xf32, #tpu.memory_space<vmem>>, vector<1x1x16xf32>,
          %parallel_loop3A_395 = vector.shape_cast %parallel_loop3A_394 : vector<1x1x16xf32> to vector<16xf32>
          %parallel_loop3A_396 = arith.constant 1 : i32
          %parallel_loop3A_397 = arith.index_cast %parallel_loop3A_396 : i32 to index
          %parallel_loop3A_398 = arith.index_cast %parallel_loop3A_289 : i32 to index
          %parallel_loop3A_399 = arith.constant 80 : index
          %parallel_loop3A_400 = tpu.vector_load %arg10[%parallel_loop3A_397, %parallel_loop3A_398, %parallel_loop3A_399] {strides = array<i32>} : memref<2x80x128xf32, #tpu.memory_space<vmem>>, vector<1x1x16xf32>,
          %parallel_loop3A_401 = vector.shape_cast %parallel_loop3A_400 : vector<1x1x16xf32> to vector<16xf32>
          %parallel_loop3A_402 = arith.mulf %parallel_loop3A_395, %parallel_loop3A_401 : vector<16xf32>
          %parallel_loop3A_403 = arith.constant 1 : i32
          %parallel_loop3A_404 = arith.index_cast %parallel_loop3A_403 : i32 to index
          %parallel_loop3A_405 = arith.index_cast %parallel_loop3A_289 : i32 to index
          %parallel_loop3A_406 = arith.constant 80 : index
          %parallel_loop3A_407 = tpu.vector_load %arg11[%parallel_loop3A_404, %parallel_loop3A_405, %parallel_loop3A_406] {strides = array<i32>} : memref<2x80x128xf32, #tpu.memory_space<vmem>>, vector<1x1x16xf32>,
          %parallel_loop3A_408 = vector.shape_cast %parallel_loop3A_407 : vector<1x1x16xf32> to vector<16xf32>
          %parallel_loop3A_409 = vector.shape_cast %parallel_loop3A_402 : vector<16xf32> to vector<1x1x16xf32>
          tpu.vector_store %arg11[%parallel_loop3A_404, %parallel_loop3A_405, %parallel_loop3A_406], %parallel_loop3A_409 {strides = array<i32>} : memref<2x80x128xf32, #tpu.memory_space<vmem>>, vector<1x1x16xf32>,
          %parallel_loop3A_410 = arith.constant 1 : i32
          %parallel_loop3A_411 = arith.index_cast %parallel_loop3A_410 : i32 to index
          %parallel_loop3A_412 = arith.index_cast %parallel_loop3A_289 : i32 to index
          %parallel_loop3A_413 = arith.constant 96 : index
          %parallel_loop3A_414 = tpu.vector_load %arg11[%parallel_loop3A_411, %parallel_loop3A_412, %parallel_loop3A_413] {strides = array<i32>} : memref<2x80x128xf32, #tpu.memory_space<vmem>>, vector<1x1x16xf32>,
          %parallel_loop3A_415 = vector.shape_cast %parallel_loop3A_414 : vector<1x1x16xf32> to vector<16xf32>
          %parallel_loop3A_416 = arith.constant 1 : i32
          %parallel_loop3A_417 = arith.index_cast %parallel_loop3A_416 : i32 to index
          %parallel_loop3A_418 = arith.index_cast %parallel_loop3A_289 : i32 to index
          %parallel_loop3A_419 = arith.constant 96 : index
          %parallel_loop3A_420 = tpu.vector_load %arg10[%parallel_loop3A_417, %parallel_loop3A_418, %parallel_loop3A_419] {strides = array<i32>} : memref<2x80x128xf32, #tpu.memory_space<vmem>>, vector<1x1x16xf32>,
          %parallel_loop3A_421 = vector.shape_cast %parallel_loop3A_420 : vector<1x1x16xf32> to vector<16xf32>
          %parallel_loop3A_422 = arith.mulf %parallel_loop3A_415, %parallel_loop3A_421 : vector<16xf32>
          %parallel_loop3A_423 = arith.constant 1 : i32
          %parallel_loop3A_424 = arith.index_cast %parallel_loop3A_423 : i32 to index
          %parallel_loop3A_425 = arith.index_cast %parallel_loop3A_289 : i32 to index
          %parallel_loop3A_426 = arith.constant 96 : index
          %parallel_loop3A_427 = tpu.vector_load %arg11[%parallel_loop3A_424, %parallel_loop3A_425, %parallel_loop3A_426] {strides = array<i32>} : memref<2x80x128xf32, #tpu.memory_space<vmem>>, vector<1x1x16xf32>,
          %parallel_loop3A_428 = vector.shape_cast %parallel_loop3A_427 : vector<1x1x16xf32> to vector<16xf32>
          %parallel_loop3A_429 = vector.shape_cast %parallel_loop3A_422 : vector<16xf32> to vector<1x1x16xf32>
          tpu.vector_store %arg11[%parallel_loop3A_424, %parallel_loop3A_425, %parallel_loop3A_426], %parallel_loop3A_429 {strides = array<i32>} : memref<2x80x128xf32, #tpu.memory_space<vmem>>, vector<1x1x16xf32>,
          %parallel_loop3A_430 = arith.constant 1 : i32
          %parallel_loop3A_431 = arith.index_cast %parallel_loop3A_430 : i32 to index
          %parallel_loop3A_432 = arith.index_cast %parallel_loop3A_289 : i32 to index
          %parallel_loop3A_433 = arith.constant 112 : index
          %parallel_loop3A_434 = tpu.vector_load %arg11[%parallel_loop3A_431, %parallel_loop3A_432, %parallel_loop3A_433] {strides = array<i32>} : memref<2x80x128xf32, #tpu.memory_space<vmem>>, vector<1x1x16xf32>,
          %parallel_loop3A_435 = vector.shape_cast %parallel_loop3A_434 : vector<1x1x16xf32> to vector<16xf32>
          %parallel_loop3A_436 = arith.constant 1 : i32
          %parallel_loop3A_437 = arith.index_cast %parallel_loop3A_436 : i32 to index
          %parallel_loop3A_438 = arith.index_cast %parallel_loop3A_289 : i32 to index
          %parallel_loop3A_439 = arith.constant 112 : index
          %parallel_loop3A_440 = tpu.vector_load %arg10[%parallel_loop3A_437, %parallel_loop3A_438, %parallel_loop3A_439] {strides = array<i32>} : memref<2x80x128xf32, #tpu.memory_space<vmem>>, vector<1x1x16xf32>,
          %parallel_loop3A_441 = vector.shape_cast %parallel_loop3A_440 : vector<1x1x16xf32> to vector<16xf32>
          %parallel_loop3A_442 = arith.mulf %parallel_loop3A_435, %parallel_loop3A_441 : vector<16xf32>
          %parallel_loop3A_443 = arith.constant 1 : i32
          %parallel_loop3A_444 = arith.index_cast %parallel_loop3A_443 : i32 to index
          %parallel_loop3A_445 = arith.index_cast %parallel_loop3A_289 : i32 to index
          %parallel_loop3A_446 = arith.constant 112 : index
          %parallel_loop3A_447 = tpu.vector_load %arg11[%parallel_loop3A_444, %parallel_loop3A_445, %parallel_loop3A_446] {strides = array<i32>} : memref<2x80x128xf32, #tpu.memory_space<vmem>>, vector<1x1x16xf32>,
          %parallel_loop3A_448 = vector.shape_cast %parallel_loop3A_447 : vector<1x1x16xf32> to vector<16xf32>
          %parallel_loop3A_449 = vector.shape_cast %parallel_loop3A_442 : vector<16xf32> to vector<1x1x16xf32>
          tpu.vector_store %arg11[%parallel_loop3A_444, %parallel_loop3A_445, %parallel_loop3A_446], %parallel_loop3A_449 {strides = array<i32>} : memref<2x80x128xf32, #tpu.memory_space<vmem>>, vector<1x1x16xf32>,
        } {sc.loop_unroll_factor = 4 : i64, sc.parallel_access}
        %dma_start3A_277 = arith.constant 1 : i32
        %dma_start3A_278 = arith.constant 1 : i32
        %dma_start3A_279 = arith.constant 0 : i32
        %dma_start3A_280 = arith.constant 0 : i32
        %dma_start3A_281 = tpu.memref_slice %arg11[%dma_start3A_277, %dma_start3A_279, %dma_start3A_280] : memref<2x80x128xf32, #tpu.memory_space<vmem>> -> memref<1x80x128xf32, #tpu.memory_space<vmem>>
        %dma_start3A_282 = tpu.memref_squeeze %dma_start3A_281 : memref<1x80x128xf32, #tpu.memory_space<vmem>> -> memref<80x128xf32, #tpu.memory_space<vmem>>
        %dma_start3A_283 = arith.constant 0 : i32
        %dma_start3A_284 = tpu.memref_slice %arg9[%dma_start3A_278, %dma_start3A_283] : memref<2x80xi32, #tpu.memory_space<vmem>> -> memref<1x80xi32, #tpu.memory_space<vmem>>
        %dma_start3A_285 = tpu.memref_squeeze %dma_start3A_284 : memref<1x80xi32, #tpu.memory_space<vmem>> -> memref<80xi32, #tpu.memory_space<vmem>>
        %dma_start3A_286 = arith.constant 0 : i32
        %dma_start3A_287 = arith.constant 0 : i32
        %dma_start3A_288 = tpu.memref_slice %arg12[%dma_start3A_286, %dma_start3A_287] : memref<10000x128xf32, #tpu.memory_space<vmem_shared>> -> memref<10000x128xf32, #tpu.memory_space<vmem_shared>>
        tpu.enqueue_indirect_dma source(%dma_start3A_282 : memref<80x128xf32, #tpu.memory_space<vmem>>) target(%dma_start3A_288 : memref<10000x128xf32, #tpu.memory_space<vmem_shared>>) offsets(%dma_start3A_285 : memref<80xi32, #tpu.memory_space<vmem>>) semaphore(%arg20 : memref<!tpu.dma_semaphore, #tpu.memory_space<semaphore_mem>>) {add = true}
      } else {
      }
    }
    %scan3A_91 = arith.constant 32 : i32
    %sub3A = arith.constant 1999 : i32
    %sub3A_92 = arith.subi %sub3A, %add3A : i32
    %jit3A = arith.constant 32 : i32
    %div3A = arith.divsi %sub3A_92, %jit3A : i32
    %sign3A = arith.constant 0 : i32
    %sign3A_93 = arith.cmpi sgt, %sub3A_92, %sign3A : i32
    %sign3A_94 = arith.extui %sign3A_93 : i1 to i32
    %sign3A_95 = arith.constant 0 : i32
    %sign3A_96 = arith.cmpi slt, %sub3A_92, %sign3A_95 : i32
    %sign3A_97 = arith.extui %sign3A_96 : i1 to i32
    %sign3A_98 = arith.subi %sign3A_94, %sign3A_97 : i32
    %sign3A_99 = arith.constant 0 : i32
    %sign3A_100 = arith.cmpi sgt, %jit3A, %sign3A_99 : i32
    %sign3A_101 = arith.extui %sign3A_100 : i1 to i32
    %sign3A_102 = arith.constant 0 : i32
    %sign3A_103 = arith.cmpi slt, %jit3A, %sign3A_102 : i32
    %sign3A_104 = arith.extui %sign3A_103 : i1 to i32
    %sign3A_105 = arith.subi %sign3A_101, %sign3A_104 : i32
    %ne3A = arith.cmpi ne, %sign3A_98, %sign3A_105 : i32
    %rem3A = arith.remsi %sub3A_92, %jit3A : i32
    %ne3A_106 = arith.constant 0 : i32
    %ne3A_107 = arith.cmpi ne, %rem3A, %ne3A_106 : i32
    %and3A = arith.andi %ne3A, %ne3A_107 : i1
    %sub3A_108 = arith.constant 1 : i32
    %sub3A_109 = arith.subi %div3A, %sub3A_108 : i32
    %select_n3A = arith.select %and3A, %sub3A_109, %div3A : i32
    %jit3A_110 = arith.constant 2 : i32
    %eq3A = arith.constant 0 : i32
    %eq3A_111 = arith.cmpi eq, %jit3A_110, %eq3A : i32
    %jit3A_112 = arith.constant 1 : i32
    %select_n3A_113 = arith.select %eq3A_111, %jit3A_112, %jit3A_110 : i32
    %rem3A_114 = arith.remsi %select_n3A, %select_n3A_113 : i32
    %ne3A_115 = arith.constant 0 : i32
    %ne3A_116 = arith.cmpi ne, %rem3A_114, %ne3A_115 : i32
    %lt3A_117 = arith.constant 0 : i32
    %lt3A_118 = arith.cmpi slt, %rem3A_114, %lt3A_117 : i32
    %lt3A_119 = arith.constant 0 : i32
    %lt3A_120 = arith.cmpi slt, %select_n3A_113, %lt3A_119 : i32
    %ne3A_121 = arith.xori %lt3A_118, %lt3A_120 : i1
    %and3A_122 = arith.andi %ne3A_121, %ne3A_116 : i1
    %add3A_123 = arith.addi %rem3A_114, %select_n3A_113 : i32
    %select_n3A_124 = arith.select %and3A_122, %add3A_123, %rem3A_114 : i32
    %eq3A_125 = arith.constant 0 : i32
    %eq3A_126 = arith.cmpi eq, %select_n3A_124, %eq3A_125 : i32
    %convert_element_type3A_127 = arith.extui %eq3A_126 : i1 to i32
    %cond3A_128 = arith.constant 0 : i32
    %cond3A_129 = arith.cmpi ne, %convert_element_type3A_127, %cond3A_128 : i32
    scf.if %cond3A_129 {
      %ge3A = arith.constant 1 : i32
      %ge3A_158 = arith.cmpi sge, %select_n3A, %ge3A : i32
      %convert_element_type3A_159 = arith.extui %ge3A_158 : i1 to i32
      %cond3A_160 = arith.constant 0 : i32
      %cond3A_161 = arith.cmpi ne, %convert_element_type3A_159, %cond3A_160 : i32
      scf.if %cond3A_161 {
        %dma_wait3A_174 = arith.constant 1 : i32
        %dma_wait3A_175 = arith.constant 1 : i32
        %dma_wait3A_176 = arith.constant 0 : i32
        %dma_wait3A_177 = arith.constant 0 : i32
        %dma_wait3A_178 = tpu.memref_slice %arg11[%dma_wait3A_174, %dma_wait3A_176, %dma_wait3A_177] : memref<2x80x128xf32, #tpu.memory_space<vmem>> -> memref<1x80x128xf32, #tpu.memory_space<vmem>>
        %dma_wait3A_179 = tpu.memref_squeeze %dma_wait3A_178 : memref<1x80x128xf32, #tpu.memory_space<vmem>> -> memref<80x128xf32, #tpu.memory_space<vmem>>
        %dma_wait3A_180 = arith.constant 0 : i32
        %dma_wait3A_181 = tpu.memref_slice %arg9[%dma_wait3A_175, %dma_wait3A_180] : memref<2x80xi32, #tpu.memory_space<vmem>> -> memref<1x80xi32, #tpu.memory_space<vmem>>
        %dma_wait3A_182 = tpu.memref_squeeze %dma_wait3A_181 : memref<1x80xi32, #tpu.memory_space<vmem>> -> memref<80xi32, #tpu.memory_space<vmem>>
        %dma_wait3A_183 = arith.constant 0 : i32
        %dma_wait3A_184 = arith.constant 0 : i32
        %dma_wait3A_185 = tpu.memref_slice %arg12[%dma_wait3A_183, %dma_wait3A_184] : memref<10000x128xf32, #tpu.memory_space<vmem_shared>> -> memref<10000x128xf32, #tpu.memory_space<vmem_shared>>
        tpu.wait_indirect_dma semaphore(%arg20 : memref<!tpu.dma_semaphore, #tpu.memory_space<semaphore_mem>>) src(%dma_wait3A_179 : memref<80x128xf32, #tpu.memory_space<vmem>>) dst(%dma_wait3A_185 : memref<10000x128xf32, #tpu.memory_space<vmem_shared>>)
      } else {
      }
      %dma_wait3A_162 = arith.constant 0 : i32
      %dma_wait3A_163 = arith.constant 0 : i32
      %dma_wait3A_164 = arith.constant 0 : i32
      %dma_wait3A_165 = arith.constant 0 : i32
      %dma_wait3A_166 = tpu.memref_slice %arg11[%dma_wait3A_162, %dma_wait3A_164, %dma_wait3A_165] : memref<2x80x128xf32, #tpu.memory_space<vmem>> -> memref<1x80x128xf32, #tpu.memory_space<vmem>>
      %dma_wait3A_167 = tpu.memref_squeeze %dma_wait3A_166 : memref<1x80x128xf32, #tpu.memory_space<vmem>> -> memref<80x128xf32, #tpu.memory_space<vmem>>
      %dma_wait3A_168 = arith.constant 0 : i32
      %dma_wait3A_169 = tpu.memref_slice %arg9[%dma_wait3A_163, %dma_wait3A_168] : memref<2x80xi32, #tpu.memory_space<vmem>> -> memref<1x80xi32, #tpu.memory_space<vmem>>
      %dma_wait3A_170 = tpu.memref_squeeze %dma_wait3A_169 : memref<1x80xi32, #tpu.memory_space<vmem>> -> memref<80xi32, #tpu.memory_space<vmem>>
      %dma_wait3A_171 = arith.constant 0 : i32
      %dma_wait3A_172 = arith.constant 0 : i32
      %dma_wait3A_173 = tpu.memref_slice %arg12[%dma_wait3A_171, %dma_wait3A_172] : memref<10000x128xf32, #tpu.memory_space<vmem_shared>> -> memref<10000x128xf32, #tpu.memory_space<vmem_shared>>
      tpu.wait_indirect_dma semaphore(%arg19 : memref<!tpu.dma_semaphore, #tpu.memory_space<semaphore_mem>>) src(%dma_wait3A_167 : memref<80x128xf32, #tpu.memory_space<vmem>>) dst(%dma_wait3A_173 : memref<10000x128xf32, #tpu.memory_space<vmem_shared>>)
    } else {
    }
    %jit3A_130 = arith.constant 2 : i32
    %eq3A_131 = arith.constant 0 : i32
    %eq3A_132 = arith.cmpi eq, %jit3A_130, %eq3A_131 : i32
    %jit3A_133 = arith.constant 1 : i32
    %select_n3A_134 = arith.select %eq3A_132, %jit3A_133, %jit3A_130 : i32
    %rem3A_135 = arith.remsi %select_n3A, %select_n3A_134 : i32
    %ne3A_136 = arith.constant 0 : i32
    %ne3A_137 = arith.cmpi ne, %rem3A_135, %ne3A_136 : i32
    %lt3A_138 = arith.constant 0 : i32
    %lt3A_139 = arith.cmpi slt, %rem3A_135, %lt3A_138 : i32
    %lt3A_140 = arith.constant 0 : i32
    %lt3A_141 = arith.cmpi slt, %select_n3A_134, %lt3A_140 : i32
    %ne3A_142 = arith.xori %lt3A_139, %lt3A_141 : i1
    %and3A_143 = arith.andi %ne3A_142, %ne3A_137 : i1
    %add3A_144 = arith.addi %rem3A_135, %select_n3A_134 : i32
    %select_n3A_145 = arith.select %and3A_143, %add3A_144, %rem3A_135 : i32
    %eq3A_146 = arith.constant 1 : i32
    %eq3A_147 = arith.cmpi eq, %select_n3A_145, %eq3A_146 : i32
    %convert_element_type3A_148 = arith.extui %eq3A_147 : i1 to i32
    %cond3A_149 = arith.constant 0 : i32
    %cond3A_150 = arith.cmpi ne, %convert_element_type3A_148, %cond3A_149 : i32
    scf.if %cond3A_150 {
      %dma_wait3A_158 = arith.constant 0 : i32
      %dma_wait3A_159 = arith.constant 0 : i32
      %dma_wait3A_160 = arith.constant 0 : i32
      %dma_wait3A_161 = arith.constant 0 : i32
      %dma_wait3A_162 = tpu.memref_slice %arg11[%dma_wait3A_158, %dma_wait3A_160, %dma_wait3A_161] : memref<2x80x128xf32, #tpu.memory_space<vmem>> -> memref<1x80x128xf32, #tpu.memory_space<vmem>>
      %dma_wait3A_163 = tpu.memref_squeeze %dma_wait3A_162 : memref<1x80x128xf32, #tpu.memory_space<vmem>> -> memref<80x128xf32, #tpu.memory_space<vmem>>
      %dma_wait3A_164 = arith.constant 0 : i32
      %dma_wait3A_165 = tpu.memref_slice %arg9[%dma_wait3A_159, %dma_wait3A_164] : memref<2x80xi32, #tpu.memory_space<vmem>> -> memref<1x80xi32, #tpu.memory_space<vmem>>
      %dma_wait3A_166 = tpu.memref_squeeze %dma_wait3A_165 : memref<1x80xi32, #tpu.memory_space<vmem>> -> memref<80xi32, #tpu.memory_space<vmem>>
      %dma_wait3A_167 = arith.constant 0 : i32
      %dma_wait3A_168 = arith.constant 0 : i32
      %dma_wait3A_169 = tpu.memref_slice %arg12[%dma_wait3A_167, %dma_wait3A_168] : memref<10000x128xf32, #tpu.memory_space<vmem_shared>> -> memref<10000x128xf32, #tpu.memory_space<vmem_shared>>
      tpu.wait_indirect_dma semaphore(%arg19 : memref<!tpu.dma_semaphore, #tpu.memory_space<semaphore_mem>>) src(%dma_wait3A_163 : memref<80x128xf32, #tpu.memory_space<vmem>>) dst(%dma_wait3A_169 : memref<10000x128xf32, #tpu.memory_space<vmem_shared>>)
      %dma_wait3A_170 = arith.constant 1 : i32
      %dma_wait3A_171 = arith.constant 1 : i32
      %dma_wait3A_172 = arith.constant 0 : i32
      %dma_wait3A_173 = arith.constant 0 : i32
      %dma_wait3A_174 = tpu.memref_slice %arg11[%dma_wait3A_170, %dma_wait3A_172, %dma_wait3A_173] : memref<2x80x128xf32, #tpu.memory_space<vmem>> -> memref<1x80x128xf32, #tpu.memory_space<vmem>>
      %dma_wait3A_175 = tpu.memref_squeeze %dma_wait3A_174 : memref<1x80x128xf32, #tpu.memory_space<vmem>> -> memref<80x128xf32, #tpu.memory_space<vmem>>
      %dma_wait3A_176 = arith.constant 0 : i32
      %dma_wait3A_177 = tpu.memref_slice %arg9[%dma_wait3A_171, %dma_wait3A_176] : memref<2x80xi32, #tpu.memory_space<vmem>> -> memref<1x80xi32, #tpu.memory_space<vmem>>
      %dma_wait3A_178 = tpu.memref_squeeze %dma_wait3A_177 : memref<1x80xi32, #tpu.memory_space<vmem>> -> memref<80xi32, #tpu.memory_space<vmem>>
      %dma_wait3A_179 = arith.constant 0 : i32
      %dma_wait3A_180 = arith.constant 0 : i32
      %dma_wait3A_181 = tpu.memref_slice %arg12[%dma_wait3A_179, %dma_wait3A_180] : memref<10000x128xf32, #tpu.memory_space<vmem_shared>> -> memref<10000x128xf32, #tpu.memory_space<vmem_shared>>
      tpu.wait_indirect_dma semaphore(%arg20 : memref<!tpu.dma_semaphore, #tpu.memory_space<semaphore_mem>>) src(%dma_wait3A_175 : memref<80x128xf32, #tpu.memory_space<vmem>>) dst(%dma_wait3A_181 : memref<10000x128xf32, #tpu.memory_space<vmem_shared>>)
    } else {
    }
    %barrier3A_151 = arith.constant 0 : index
    tpu.barrier barrier_id(%barrier3A_151)
    %scan3A_152 = arith.constant 0 : i32
    %scan3A_153 = arith.constant 0 : i32
    %scan3A_154 = arith.constant 8 : i32
    %scan3A_155 = arith.addi %scan3A_153, %scan3A_154 : i32
    %scan3A_156 = arith.constant 1 : i32
    scf.for %scan3A_158 = %scan3A_153 to %scan3A_155 step %scan3A_156  : i32 {
      %mul3A_159 = arith.constant 16 : i32
      %mul3A_160 = arith.muli %scan3A_158, %mul3A_159 : i32
      %add3A_161 = arith.addi %arg1, %mul3A_160 : i32
      %lt3A_162 = arith.constant 125 : i32
      %lt3A_163 = arith.cmpi slt, %add3A_161, %lt3A_162 : i32
      %convert_element_type3A_164 = arith.extui %lt3A_163 : i1 to i32
      %cond3A_165 = arith.constant 0 : i32
      %cond3A_166 = arith.cmpi ne, %convert_element_type3A_164, %cond3A_165 : i32
      scf.if %cond3A_166 {
        %mul3A_167 = arith.constant 80 : i32
        %mul3A_168 = arith.muli %add3A_161, %mul3A_167 : i32
        %mul3A_169 = arith.constant 80 : i32
        %mul3A_170 = arith.muli %add3A_161, %mul3A_169 : i32
        "tpu.region"() ({
          %run_scoped3A = tpu.sem_alloc : memref<!tpu.dma_semaphore, #tpu.memory_space<semaphore_mem>>
          %dma_start3A_171 = arith.constant 0 : i32
          %dma_start3A_172 = tpu.memref_slice %arg6[%arg0, %mul3A_170, %dma_start3A_171] : memref<2x10000x128xf32, #tpu.memory_space<hbm>> -> memref<1x80x128xf32, #tpu.memory_space<hbm>>
          %dma_start3A_173 = tpu.memref_squeeze %dma_start3A_172 : memref<1x80x128xf32, #tpu.memory_space<hbm>> -> memref<80x128xf32, #tpu.memory_space<hbm>>
          %dma_start3A_174 = arith.constant 0 : i32
          %dma_start3A_175 = tpu.memref_slice %arg12[%mul3A_168, %dma_start3A_174] : memref<10000x128xf32, #tpu.memory_space<vmem_shared>> -> memref<80x128xf32, #tpu.memory_space<vmem_shared>>
          tpu.enqueue_dma source(%dma_start3A_175 : memref<80x128xf32, #tpu.memory_space<vmem_shared>>) target(%dma_start3A_173 : memref<80x128xf32, #tpu.memory_space<hbm>>) target_semaphore(%run_scoped3A : memref<!tpu.dma_semaphore, #tpu.memory_space<semaphore_mem>>)
          %dma_wait3A_176 = arith.constant 0 : i32
          %dma_wait3A_177 = tpu.memref_slice %arg6[%arg0, %mul3A_170, %dma_wait3A_176] : memref<2x10000x128xf32, #tpu.memory_space<hbm>> -> memref<1x80x128xf32, #tpu.memory_space<hbm>>
          %dma_wait3A_178 = tpu.memref_squeeze %dma_wait3A_177 : memref<1x80x128xf32, #tpu.memory_space<hbm>> -> memref<80x128xf32, #tpu.memory_space<hbm>>
          %dma_wait3A_179 = arith.constant 0 : i32
          %dma_wait3A_180 = tpu.memref_slice %arg12[%mul3A_168, %dma_wait3A_179] : memref<10000x128xf32, #tpu.memory_space<vmem_shared>> -> memref<80x128xf32, #tpu.memory_space<vmem_shared>>
          tpu.wait_dma2 semaphore(%run_scoped3A : memref<!tpu.dma_semaphore, #tpu.memory_space<semaphore_mem>>) src(%dma_wait3A_180 : memref<80x128xf32, #tpu.memory_space<vmem_shared>>) dst(%dma_wait3A_178 : memref<80x128xf32, #tpu.memory_space<hbm>>)
          tpu.yield
        }) : () -> ()
      } else {
      }
    }
    %scan3A_157 = arith.constant 8 : i32
    return
  }
}

module attributes {stable_mosaic.version = 14 : i64} {
  func.func @_edge_weights_body(%arg0: i32, %arg1: memref<16x16000xf32, #tpu.memory_space<vmem>>, %arg2: memref<9x16000xf32, #tpu.memory_space<vmem>>, %arg3: memref<16x128xf32, #tpu.memory_space<vmem>>, %arg4: memref<9x128xf32, #tpu.memory_space<vmem>>, %arg5: memref<16000x128xf32, #tpu.memory_space<vmem>>) attributes {dimension_semantics = [#tpu.dimension_semantics<arbitrary>], iteration_bounds = array<i64: 10>, scalar_prefetch = 0 : i64, scratch_operands = 0 : i64, tpu.core_type = #tpu.core_type<tc>, window_params = [{transform_indices = @transform_0, window_bounds = array<i64: 16, 16000>}, {transform_indices = @transform_1, window_bounds = array<i64: 9, 16000>}, {pipeline_mode = #tpu.pipeline_mode<synchronous>, transform_indices = @transform_2, window_bounds = array<i64: 16, 128>}, {pipeline_mode = #tpu.pipeline_mode<synchronous>, transform_indices = @transform_3, window_bounds = array<i64: 9, 128>}, {transform_indices = @transform_4, window_bounds = array<i64: 16000, 128>}]} {
    %get3A = arith.constant 0 : index
    %get3A_0 = arith.constant 0 : index
    %get3A_1 = vector.load %arg1[%get3A, %get3A_0] : memref<16x16000xf32, #tpu.memory_space<vmem>>, vector<16x16000xf32>
    %get3A_2 = arith.constant 0 : index
    %get3A_3 = arith.constant 0 : index
    %get3A_4 = vector.load %arg3[%get3A_2, %get3A_3] : memref<16x128xf32, #tpu.memory_space<vmem>>, vector<16x128xf32>
    %dot_general3A = arith.constant dense<0.000000e+00> : vector<16000x128xf32>
    %dot_general3A_5 = tpu.matmul %get3A_1, %get3A_4, %dot_general3A {dimension_numbers = #tpu.dot_dimension_numbers<[0], [0], [1], [1], [0, 1, 1, 1], [], []>, transpose_lhs_hint = false} : vector<16x16000xf32>, vector<16x128xf32>, vector<16000x128xf32> -> vector<16000x128xf32>
    %get3A_6 = arith.constant 0 : index
    %get3A_7 = arith.constant 0 : index
    %get3A_8 = vector.load %arg2[%get3A_6, %get3A_7] : memref<9x16000xf32, #tpu.memory_space<vmem>>, vector<9x16000xf32>
    %get3A_9 = arith.constant 0 : index
    %get3A_10 = arith.constant 0 : index
    %get3A_11 = vector.load %arg4[%get3A_9, %get3A_10] : memref<9x128xf32, #tpu.memory_space<vmem>>, vector<9x128xf32>
    %dot_general3A_12 = arith.constant dense<0.000000e+00> : vector<16000x128xf32>
    %dot_general3A_13 = tpu.matmul %get3A_8, %get3A_11, %dot_general3A_12 {dimension_numbers = #tpu.dot_dimension_numbers<[0], [0], [1], [1], [0, 1, 1, 1], [], []>, transpose_lhs_hint = false} : vector<9x16000xf32>, vector<9x128xf32>, vector<16000x128xf32> -> vector<16000x128xf32>
    %mul3A = arith.mulf %dot_general3A_5, %dot_general3A_13 : vector<16000x128xf32>
    %swap3A = arith.constant 0 : index
    %swap3A_14 = arith.constant 0 : index
    %swap3A_15 = vector.load %arg5[%swap3A, %swap3A_14] : memref<16000x128xf32, #tpu.memory_space<vmem>>, vector<16000x128xf32>
    tpu.vector_store %arg5[%swap3A, %swap3A_14], %mul3A {strides = array<i32>} : memref<16000x128xf32, #tpu.memory_space<vmem>>, vector<16000x128xf32>,
    return
  }
  func.func @transform_0(%arg0: i32) -> (i32, i32) {
    %add3A = arith.constant 0 : i32
    %add3A_0 = arith.addi %add3A, %arg0 : i32
    %c0_i32 = arith.constant 0 : i32
    %c0_i32_1 = arith.constant 0 : i32
    return %c0_i32, %add3A_0 : i32, i32
  }
  func.func @transform_1(%arg0: i32) -> (i32, i32) {
    %add3A = arith.constant 0 : i32
    %add3A_0 = arith.addi %add3A, %arg0 : i32
    %c0_i32 = arith.constant 0 : i32
    %c0_i32_1 = arith.constant 0 : i32
    return %c0_i32, %add3A_0 : i32, i32
  }
  func.func @transform_2(%arg0: i32) -> (i32, i32) {
    %c0_i32 = arith.constant 0 : i32
    %c0_i32_0 = arith.constant 0 : i32
    %c0_i32_1 = arith.constant 0 : i32
    return %c0_i32, %c0_i32_0 : i32, i32
  }
  func.func @transform_3(%arg0: i32) -> (i32, i32) {
    %c0_i32 = arith.constant 0 : i32
    %c0_i32_0 = arith.constant 0 : i32
    %c0_i32_1 = arith.constant 0 : i32
    return %c0_i32, %c0_i32_0 : i32, i32
  }
  func.func @transform_4(%arg0: i32) -> (i32, i32) {
    %c0_i32 = arith.constant 0 : i32
    %c0_i32_0 = arith.constant 0 : i32
    return %arg0, %c0_i32 : i32, i32
  }
}

module attributes {stable_mosaic.version = 14 : i64} {
  func.func @_edge_weights_body(%arg0: i32, %arg1: memref<16x16000xf32, #tpu.memory_space<vmem>>, %arg2: memref<9x16000xf32, #tpu.memory_space<vmem>>, %arg3: memref<16x128xf32, #tpu.memory_space<vmem>>, %arg4: memref<9x128xf32, #tpu.memory_space<vmem>>, %arg5: memref<16000x128xf32, #tpu.memory_space<vmem>>) attributes {dimension_semantics = [#tpu.dimension_semantics<arbitrary>], iteration_bounds = array<i64: 10>, scalar_prefetch = 0 : i64, scratch_operands = 0 : i64, tpu.core_type = #tpu.core_type<tc>, window_params = [{transform_indices = @transform_0, window_bounds = array<i64: 16, 16000>}, {transform_indices = @transform_1, window_bounds = array<i64: 9, 16000>}, {pipeline_mode = #tpu.pipeline_mode<synchronous>, transform_indices = @transform_2, window_bounds = array<i64: 16, 128>}, {pipeline_mode = #tpu.pipeline_mode<synchronous>, transform_indices = @transform_3, window_bounds = array<i64: 9, 128>}, {transform_indices = @transform_4, window_bounds = array<i64: 16000, 128>}]} {
    %get3A = arith.constant 0 : index
    %get3A_0 = arith.constant 0 : index
    %get3A_1 = vector.load %arg1[%get3A, %get3A_0] : memref<16x16000xf32, #tpu.memory_space<vmem>>, vector<16x16000xf32>
    %get3A_2 = arith.constant 0 : index
    %get3A_3 = arith.constant 0 : index
    %get3A_4 = vector.load %arg3[%get3A_2, %get3A_3] : memref<16x128xf32, #tpu.memory_space<vmem>>, vector<16x128xf32>
    %dot_general3A = arith.constant dense<0.000000e+00> : vector<16000x128xf32>
    %dot_general3A_5 = tpu.matmul %get3A_1, %get3A_4, %dot_general3A {dimension_numbers = #tpu.dot_dimension_numbers<[0], [0], [1], [1], [0, 1, 1, 1], [], []>, transpose_lhs_hint = false} : vector<16x16000xf32>, vector<16x128xf32>, vector<16000x128xf32> -> vector<16000x128xf32>
    %get3A_6 = arith.constant 0 : index
    %get3A_7 = arith.constant 0 : index
    %get3A_8 = vector.load %arg2[%get3A_6, %get3A_7] : memref<9x16000xf32, #tpu.memory_space<vmem>>, vector<9x16000xf32>
    %get3A_9 = arith.constant 0 : index
    %get3A_10 = arith.constant 0 : index
    %get3A_11 = vector.load %arg4[%get3A_9, %get3A_10] : memref<9x128xf32, #tpu.memory_space<vmem>>, vector<9x128xf32>
    %dot_general3A_12 = arith.constant dense<0.000000e+00> : vector<16000x128xf32>
    %dot_general3A_13 = tpu.matmul %get3A_8, %get3A_11, %dot_general3A_12 {dimension_numbers = #tpu.dot_dimension_numbers<[0], [0], [1], [1], [0, 1, 1, 1], [], []>, transpose_lhs_hint = false} : vector<9x16000xf32>, vector<9x128xf32>, vector<16000x128xf32> -> vector<16000x128xf32>
    %mul3A = arith.mulf %dot_general3A_5, %dot_general3A_13 : vector<16000x128xf32>
    %swap3A = arith.constant 0 : index
    %swap3A_14 = arith.constant 0 : index
    %swap3A_15 = vector.load %arg5[%swap3A, %swap3A_14] : memref<16000x128xf32, #tpu.memory_space<vmem>>, vector<16000x128xf32>
    tpu.vector_store %arg5[%swap3A, %swap3A_14], %mul3A {strides = array<i32>} : memref<16000x128xf32, #tpu.memory_space<vmem>>, vector<16000x128xf32>,
    return
  }
  func.func @transform_0(%arg0: i32) -> (i32, i32) {
    %add3A = arith.constant 10 : i32
    %add3A_0 = arith.addi %add3A, %arg0 : i32
    %c0_i32 = arith.constant 0 : i32
    %c0_i32_1 = arith.constant 0 : i32
    return %c0_i32, %add3A_0 : i32, i32
  }
  func.func @transform_1(%arg0: i32) -> (i32, i32) {
    %add3A = arith.constant 10 : i32
    %add3A_0 = arith.addi %add3A, %arg0 : i32
    %c0_i32 = arith.constant 0 : i32
    %c0_i32_1 = arith.constant 0 : i32
    return %c0_i32, %add3A_0 : i32, i32
  }
  func.func @transform_2(%arg0: i32) -> (i32, i32) {
    %c0_i32 = arith.constant 0 : i32
    %c0_i32_0 = arith.constant 0 : i32
    %c0_i32_1 = arith.constant 0 : i32
    return %c0_i32, %c0_i32_0 : i32, i32
  }
  func.func @transform_3(%arg0: i32) -> (i32, i32) {
    %c0_i32 = arith.constant 0 : i32
    %c0_i32_0 = arith.constant 0 : i32
    %c0_i32_1 = arith.constant 0 : i32
    return %c0_i32, %c0_i32_0 : i32, i32
  }
  func.func @transform_4(%arg0: i32) -> (i32, i32) {
    %c0_i32 = arith.constant 0 : i32
    %c0_i32_0 = arith.constant 0 : i32
    return %arg0, %c0_i32 : i32, i32
  }
}

module attributes {stable_mosaic.version = 14 : i64} {
  func.func @_combine_body(%arg0: i32, %arg1: memref<2x1000x128xf32, #tpu.memory_space<vmem>>, %arg2: memref<2x1000x128xf32, #tpu.memory_space<vmem>>, %arg3: memref<1000x1xf32, #tpu.memory_space<vmem>>, %arg4: memref<1000x128xf32, #tpu.memory_space<vmem>>) attributes {dimension_semantics = [#tpu.dimension_semantics<arbitrary>], iteration_bounds = array<i64: 10>, scalar_prefetch = 0 : i64, scratch_operands = 0 : i64, tpu.core_type = #tpu.core_type<tc>, window_params = [{transform_indices = @transform_0, window_bounds = array<i64: 2, 1000, 128>}, {transform_indices = @transform_1, window_bounds = array<i64: 2, 1000, 128>}, {transform_indices = @transform_2, window_bounds = array<i64: 1000, 1>}, {transform_indices = @transform_3, window_bounds = array<i64: 1000, 128>}]} {
    %get3A = arith.constant 0 : index
    %get3A_0 = arith.constant 0 : index
    %get3A_1 = arith.constant 0 : index
    %get3A_2 = vector.load %arg1[%get3A, %get3A_0, %get3A_1] : memref<2x1000x128xf32, #tpu.memory_space<vmem>>, vector<1x1000x128xf32>
    %get3A_3 = vector.shape_cast %get3A_2 : vector<1x1000x128xf32> to vector<1000x128xf32>
    %get3A_4 = arith.constant 1 : index
    %get3A_5 = arith.constant 0 : index
    %get3A_6 = arith.constant 0 : index
    %get3A_7 = vector.load %arg1[%get3A_4, %get3A_5, %get3A_6] : memref<2x1000x128xf32, #tpu.memory_space<vmem>>, vector<1x1000x128xf32>
    %get3A_8 = vector.shape_cast %get3A_7 : vector<1x1000x128xf32> to vector<1000x128xf32>
    %add3A = arith.addf %get3A_3, %get3A_8 : vector<1000x128xf32>
    %get3A_9 = arith.constant 0 : index
    %get3A_10 = arith.constant 0 : index
    %get3A_11 = arith.constant 0 : index
    %get3A_12 = vector.load %arg2[%get3A_9, %get3A_10, %get3A_11] : memref<2x1000x128xf32, #tpu.memory_space<vmem>>, vector<1x1000x128xf32>
    %get3A_13 = vector.shape_cast %get3A_12 : vector<1x1000x128xf32> to vector<1000x128xf32>
    %add3A_14 = arith.addf %add3A, %get3A_13 : vector<1000x128xf32>
    %get3A_15 = arith.constant 1 : index
    %get3A_16 = arith.constant 0 : index
    %get3A_17 = arith.constant 0 : index
    %get3A_18 = vector.load %arg2[%get3A_15, %get3A_16, %get3A_17] : memref<2x1000x128xf32, #tpu.memory_space<vmem>>, vector<1x1000x128xf32>
    %get3A_19 = vector.shape_cast %get3A_18 : vector<1x1000x128xf32> to vector<1000x128xf32>
    %add3A_20 = arith.addf %add3A_14, %get3A_19 : vector<1000x128xf32>
    %get3A_21 = arith.constant 0 : index
    %get3A_22 = arith.constant 0 : index
    %get3A_23 = vector.load %arg3[%get3A_21, %get3A_22] : memref<1000x1xf32, #tpu.memory_space<vmem>>, vector<1000x1xf32>
    %mul3A = vector.broadcast %get3A_23 : vector<1000x1xf32> to vector<1000x128xf32>
    %mul3A_24 = arith.mulf %add3A_20, %mul3A : vector<1000x128xf32>
    %swap3A = arith.constant 0 : index
    %swap3A_25 = arith.constant 0 : index
    %swap3A_26 = vector.load %arg4[%swap3A, %swap3A_25] : memref<1000x128xf32, #tpu.memory_space<vmem>>, vector<1000x128xf32>
    tpu.vector_store %arg4[%swap3A, %swap3A_25], %mul3A_24 {strides = array<i32>} : memref<1000x128xf32, #tpu.memory_space<vmem>>, vector<1000x128xf32>,
    return
  }
  func.func @transform_0(%arg0: i32) -> (i32, i32, i32) {
    %c0_i32 = arith.constant 0 : i32
    %c0_i32_0 = arith.constant 0 : i32
    %c0_i32_1 = arith.constant 0 : i32
    return %c0_i32, %arg0, %c0_i32_0 : i32, i32, i32
  }
  func.func @transform_1(%arg0: i32) -> (i32, i32, i32) {
    %c0_i32 = arith.constant 0 : i32
    %c0_i32_0 = arith.constant 0 : i32
    %c0_i32_1 = arith.constant 0 : i32
    return %c0_i32, %arg0, %c0_i32_0 : i32, i32, i32
  }
  func.func @transform_2(%arg0: i32) -> (i32, i32) {
    %c0_i32 = arith.constant 0 : i32
    %c0_i32_0 = arith.constant 0 : i32
    return %arg0, %c0_i32 : i32, i32
  }
  func.func @transform_3(%arg0: i32) -> (i32, i32) {
    %c0_i32 = arith.constant 0 : i32
    %c0_i32_0 = arith.constant 0 : i32
    return %arg0, %c0_i32 : i32, i32
  }
}

</mosaic_0001>

<sc_bundles>
// kernel: kernel.10.cloned.1.call-start
scs
__scs_entry_jumppad:
0x0: {  	(pc) =	sbr.rel $0x88, $3  }
0x1: {  	(tag) =	ssettag $0x0;
	lr =	simm.s32 $0x1  }
0x2: {  	[smem:$0x3F99] =	sst lr;
	_ =	strace $0xD0000000  }
0x3: {  	_ = 	snop  }
0x4: {  	_ = 	snop  }
0x5: {  	_ = 	snop  }
0x6: {  	_ = 	snop  }
0x7: {  	_ = 	snop  }
__scs_overlays_trampoline_lowered:
0x8: {  	[smem:$0x3FA8] =	sst s0  }
0x9: {  	[smem:$0x3FA9] =	sst s1  }
0xa: {  	[smem:$0x3FAA] =	sst s2  }
0xb: {  	[smem:$0x3FAB] =	sst s3  }
0xc: {  	[smem:$0x3FAC] =	sst s4  }
0xd: {  	[smem:$0x3FAD] =	sst s5  }
0xe: {  	[smem:$0x3FAE] =	sst s6  }
0xf: {  	[smem:$0x3FAF] =	sst s7  }
0x10: {  	[smem:$0x3FB0] =	sst s8  }
0x11: {  	[smem:$0x3FB1] =	sst s9;
	s0 =	simm.s32 @!p0 $0x0  }
0x12: {  	s1 =	sld [smem:$0x3F97];
	s0 =	simm.s32 @p0 $0x1  }
0x13: {  	[smem:$0x3FB2] =	sst s0;
	s0 =	simm.s32 @!p1 $0x0  }
0x14: {  	s2 =	sld [smem:$0x3F96];
	s0 =	simm.s32 @p1 $0x1  }
0x15: {  	[smem:$0x3FB3] =	sst s0;
	s0 =	simm.s32 @!p2 $0x0  }
0x16: {  	s3 =	sld [smem:$0x3FDB];
	s0 =	simm.s32 @p2 $0x1  }
0x17: {  	s4 =	simm.s32 $0x1BF5;
	[smem:$0x3FB5] =	sst s0  }
0x18: {  	s0 =	sld [smem:$0x3F98];
	_ =	swait.ge [sflag:s4], $0x0  }
0x19: {  	s7 =	sld [smem:$0x3F99]  }
0x1a: {  	s8 =	sadd.s32 $0xFFFFE003, lr  }
0x1b: {  	s9 =	sadd.s32 $0xFFFFFEF7, lr;
	s5 =	simm.s32 $0xFFFFFFFF;
	p2 =	slt.u32 s8, $0xFFFFF086  }
0x1c: {  	p1 =	slt.u32 s9, $0xF7A;
	s5 =	simm.s32 @!p2 $0x0  }
0x1d: {  	s5 =	simm.s32 @p1 $0x1;
	p0 =	seq.s32 s7, s2  }
0x1e: {  	s7 =	smul.u32 @!p0 $0xF7A, s2;
	p2 =	seq.s32 @!p0 s5, $0x0  }
0x1f: {  	s9 =	smul.u32 $0xF7A, s1;
	s8 =	simm.s32 @!p0 $0x1BF5;
	p2 =	por !p2, p0  }
0x20: {  	[sflag:s8] =	ssyncset.s32 @!p0 $0xFFFFF086;
	s6 =	sadd.s32 @!p0 s3, s7;
	s7 =	simm.s32 @!p0 $0x108  }
0x21: {  	s3 =	sadd.s32 s3, s9;
	s6 =	sadd.s32 @!p0 $0x88, s6;
	s7 =	simm.s32 @p2 $0x1082  }
0x22: {  	[simem:s7], [sflag:s8] =	dma.local @!p0 [hbm:s6], $0xF7A  }
0x23: {  	s9 =	sor.u32 $0xD0000000, s2;
	s6 =	simm.s32 $0x108;
	_ =	swait.ge @!p0 [sflag:s8], $0x0  }
0x24: {  	s3 =	sadd.s32 $0x88, s3;
	s6 =	simm.s32 @!p1 $0x1082;
	[sflag:s4] =	ssyncset.s32 $0xFFFFF086  }
0x25: {  	[simem:s6], [sflag:s4] =	dma.local [hbm:s3], $0xF7A  }
0x26: {  	[smem:$0x3F99] =	sst s1;
	(tag) =	ssettag s2;
	_ =	strace s9  }
0x27: {  	s1 =	sld [smem:$0x3FA9]  }
0x28: {  	s2 =	sld [smem:$0x3FAA]  }
0x29: {  	s4 =	sld [smem:$0x3FAC]  }
0x2a: {  	p0 =	seq.s32 s5, $0x0;
	s5 =	sld [smem:$0x3FAD]  }
0x2b: {  	s6 =	sld [smem:$0x3FAE]  }
0x2c: {  	s7 =	sld [smem:$0x3FAF]  }
0x2d: {  	s3 =	simm.s32 $0x108;
	s8 =	sld [smem:$0x3FB0]  }
0x2e: {  	s3 =	simm.s32 @!p0 $0x1082;
	s9 =	sld [smem:$0x3FB1]  }
0x2f: {  	lr =	sadd.s32 s0, s3;
	s0 =	sld [smem:$0x3FA8]  }
0x30: {  	s3 =	sld [smem:$0x3FAB]  }
0x31: {  	[smem:$0x3FB4] =	sst s10  }
0x32: {  	s10 =	sld [smem:$0x3FB2];
	_ =	sdelay $0x3  }
0x33: {  	p0 =	seq.s32 s10, $0x1;
	s10 =	sld [smem:$0x3FB4];
	_ =	sdelay $0x3  }
0x34: {  	[smem:$0x3FB4] =	sst s10  }
0x35: {  	s10 =	sld [smem:$0x3FB3];
	_ =	sdelay $0x3  }
0x36: {  	p1 =	seq.s32 s10, $0x1;
	s10 =	sld [smem:$0x3FB4];
	_ =	sdelay $0x3  }
0x37: {  	[smem:$0x3FB4] =	sst s10  }
0x38: {  	s10 =	sld [smem:$0x3FB5]  }
0x39: {  	_ = 	snop;
	(pc) =	sbr.ind lr, $3  }
0x3a: {  	_ = 	snop  }
0x3b: {  	_ = 	snop  }
0x3c: {  	p2 =	seq.s32 s10, $0x1;
	s10 =	sld [smem:$0x3FB4]  }
0x3d: {  	_ =	shalt  }
0x3e: {  	_ =	shalt  }
0x3f: {  	_ =	shalt  }
0x40: {  	_ =	shalt  }
0x41: {  	_ =	shalt  }
0x42: {  	_ =	shalt  }
0x43: {  	_ =	shalt  }
0x44: {  	_ =	shalt  }
0x45: {  	_ =	shalt  }
0x46: {  	_ =	shalt  }
0x47: {  	_ =	shalt  }
0x48: {  	_ =	shalt  }
0x49: {  	_ =	shalt  }
0x4a: {  	_ =	shalt  }
0x4b: {  	_ =	shalt  }
0x4c: {  	_ =	shalt  }
0x4d: {  	_ =	shalt  }
0x4e: {  	_ =	shalt  }
0x4f: {  	_ =	shalt  }
0x50: {  	_ =	shalt  }
0x51: {  	_ =	shalt  }
0x52: {  	_ =	shalt  }
0x53: {  	_ =	shalt  }
0x54: {  	_ =	shalt  }
0x55: {  	_ =	shalt  }
0x56: {  	_ =	shalt  }
0x57: {  	_ =	shalt  }
0x58: {  	_ =	shalt  }
0x59: {  	_ =	shalt  }
0x5a: {  	_ =	shalt  }
0x5b: {  	_ =	shalt  }
0x5c: {  	_ =	shalt  }
0x5d: {  	_ =	shalt  }
0x5e: {  	_ =	shalt  }
0x5f: {  	_ =	shalt  }
0x60: {  	_ =	shalt  }
0x61: {  	_ =	shalt  }
0x62: {  	_ =	shalt  }
0x63: {  	_ =	shalt  }
0x64: {  	_ =	shalt  }
0x65: {  	_ =	shalt  }
0x66: {  	_ =	shalt  }
0x67: {  	_ =	shalt  }
0x68: {  	_ =	shalt  }
0x69: {  	_ =	shalt  }
0x6a: {  	_ =	shalt  }
0x6b: {  	_ =	shalt  }
0x6c: {  	_ =	shalt  }
0x6d: {  	_ =	shalt  }
0x6e: {  	_ =	shalt  }
0x6f: {  	_ =	shalt  }
0x70: {  	_ =	shalt  }
0x71: {  	_ =	shalt  }
0x72: {  	_ =	shalt  }
0x73: {  	_ =	shalt  }
0x74: {  	_ =	shalt  }
0x75: {  	_ =	shalt  }
0x76: {  	_ =	shalt  }
0x77: {  	_ =	shalt  }
0x78: {  	_ =	shalt  }
0x79: {  	_ =	shalt  }
0x7a: {  	_ =	shalt  }
0x7b: {  	_ =	shalt  }
0x7c: {  	_ =	shalt  }
0x7d: {  	_ =	shalt  }
0x7e: {  	_ =	shalt  }
0x7f: {  	_ =	shalt  }
0x80: {  	_ =	shalt  }
0x81: {  	_ =	shalt  }
0x82: {  	_ =	shalt  }
0x83: {  	_ =	shalt  }
0x84: {  	_ =	shalt  }
0x85: {  	_ =	shalt  }
0x86: {  	_ =	shalt  }
0x87: {  	_ =	shalt  }
.Lfunc_end0:
.L_simem_size_0:
called_computation.1_lowered:
.L_overlay_start_0:
0x88: {  	s2 =	sld [smem:$0x3FD9]  }
0x89: {  	s3 =	sld [smem:$0x3FFE];
	_ =	sdelay $0x1  }
0x8a: {  	s1 =	srdreg.scid  }
0x8b: {  	s0 =	sand.u32 $0x1, s1  }
0x8c: {  	s17 =	sshll.u32 s0, $0xA;
	s2 =	sadd.s32 s3, s2  }
0x8d: {  	s2 =	sadd.s32 s2, s17  }
0x8e: {  	[smem:$0x3FC0] =	sst s2  }
0x8f: {  	_ = 	snop  }
0x90: {  	s2 =	sld [smem:$0x3FC9]  }
0x91: {  	s18 =	sld [smem:$0x3FD0];
	(tm) =	ssettm $0x1  }
0x92: {  	s4 =	sld [smem:$0x3FFB];
	_ =	sdelay $0x3  }
0x93: {  	_ =	strace s4  }
0x94: {  	s4 =	sld [smem:$0x3FFC];
	_ =	sdelay $0x3  }
0x95: {  	_ =	strace s4  }
0x96: {  	s4 =	sld [smem:$0x3FFD];
	_ =	sdelay $0x3  }
0x97: {  	_ =	strace s4  }
0x98: {  	_ =	strace $0x8FFFFFFF  }
0x99: {  	s19 =	sld [smem:$0x3FDB];
	_ =	sdelay $0x1  }
0x9a: {  	s5 =	simm.s32 $_scs_section_size  }
0x9b: {  	s6 =	simm.s32 $_size__tile_overlayer_lowered;
	s7 =	simm.s32 $_tile_overlayer_lowered  }
0x9c: {  	s22 =	simm.s32 $0x1BFF;
	s21 =	sshll.u32 s7, $0x1;
	s4 =	sadd.s32 s5, s19  }
0x9d: {  	s8 =	simm.s32 $0x0;
	s20 =	sshll.u32 s6, $0x1;
	s6 =	sadd.s32 s21, s4  }
0x9e: {  	[timem:s8], [sflag:s22] =	dma.local [hbm:s6], s20  }
0x9f: {  	_ =	swait.ge [sflag:s22], s20  }
0xa0: {  	s5 =	ssub.s32 $0x0, s20;
	[sflag:s22] =	ssyncset.done $0x0  }
0xa1: {  	[sflag:s22] =	ssyncadd.s32 s5;
	_ =	sdelay $0x1  }
0xa2: {  	s23 =	simm.s32 $0x1B8B  }
0xa3: {  	_ =	swait.ge [sflag:s23], $0x1  }
0xa4: {  	[sflag:s23] =	ssyncset.done $0x0  }
0xa5: {  	s25 =	simm.s32 $0x1B8E;
	s24 =	sld [smem:$0x3FFE];
	[sflag:s23] =	ssyncadd.s32 $0xFFFFFFFF  }
0xa6: {  	s26 =	simm.s32 $execute0_lowered;
	[smem:$0x3FD2] =	sst s25  }
0xa7: {  	s6 =	sshll.u32 s26, $0x1;
	_ =	strace $0x80000046;
	[dreg:$0x1] =	wrdreg $0xFFFFFFFF  }
0xa8: {  	s28 =	simm.s32 $_size_execute0_lowered;
	s4 =	sadd.s32 s4, s6;
	[dreg:$0x0] =	wrdreg $0x0  }
0xa9: {  	s6 =	sshll.u32 s28, $0x1;
	[dreg:$0x2] =	wrdreg s4  }
0xaa: {  	[dreg:$0x3] =	wrdreg s6  }
0xab: {  	[dreg:$0x4] =	wrdreg $0xC0  }
0xac: {  	_ =	task [dreg:s8], $0x5FFFF  }
0xad: {  	[dreg:$0x1] =	wrdreg $0xFFFFFFFF  }
0xae: {  	[dreg:$0x0] =	wrdreg $0x60  }
0xaf: {  	[dreg:$0x2] =	wrdreg s2  }
0xb0: {  	[dreg:$0x3] =	wrdreg s24  }
0xb1: {  	[dreg:$0x4] =	wrdreg s18  }
0xb2: {  	[dreg:$0x5] =	wrdreg $0xA3000  }
0xb3: {  	[dreg:$0x6] =	wrdreg $0xA  }
0xb4: {  	_ =	task.clear_ibuf [dreg:s8], $0x7FFFF;
	_ =	strace $0x90000046  }
0xb5: {  	s29 =	simm.s32 $0xA;
	_ =	strace $0x80000048  }
0xb6: {  	_ =	swait.ge [sflag:s29], $0x1  }
0xb7: {  	[sflag:s29] =	ssyncadd.s32 $0xFFFFFFFF  }
0xb8: {  	_ =	strace $0x90000048  }
0xb9: {  	_ =	sfence  }
0xba: {  	s30 =	sld [smem:$0x0];
	_ =	sdelay $0x2  }
0xbb: {  	s31 =	sshll.u32 s1, $0xD;
	s1 =	sshrl.u32 s1, $0x2  }
0xbc: {  	s3 =	sand.u32 $0x4000, s31;
	s1 =	sadd.s32 s1, s30  }
0xbd: {  	s0 =	sor.u32 s3, s0;
	s1 =	sshll.u32 s1, $0x11  }
0xbe: {  	s0 =	sor.u32 s1, s0  }
0xbf: {  	s0 =	sadd.s32 $0x8F2B, s0  }
0xc0: {  	[sflag:s0] =	ssyncadd.remote.s32 $0x1  }
0xc1: {  	_ =	sfence.sel $0xFFFF  }
0xc2: {  	[dreg:$0x0] =	wrdreg $0xFFFFFFFF;
	(pc) =	sbr.abs _section_cstart, $3  }
0xc3: {  	[dreg:$0x1] =	wrdreg $0xFFFFFFFF  }
0xc4: {  	_ =	task.clear_ibuf [dreg:s8], $0x2FFFF;
	_ =	strace $0x9FFFFFFF  }
0xc5: {  	(tm) =	ssettm $0x7FFFFFFF  }
tec
execute0_lowered:
.L_overlay_start_1:
0x0: {  	(tag) =	ssettag $0x1  }
0x1: {  	s5 =	srdreg.scid;
	s24 =	stileid.u32  }
0x2: {  	s5 =	sand.u32 $0x1, s5;
	s11 =	smul.u32 $0x2800, s24  }
0x3: {  	s10 =	sor.u32 $0x10, s24;
	s9 =	smul.u32 $0x138800, s5  }
0x4: {  	s1 =	rddreg [dreg:$0x0];
	s12 =	sor.u32 $0x20, s24;
	s13 =	smul.u32 $0x2800, s10  }
0x5: {  	s0 =	rddreg [dreg:$0x1];
	s17 =	sor.u32 $0x40, s24;
	s14 =	smul.u32 $0x2800, s12  }
0x6: {  	s2 =	rddreg [dreg:$0x2];
	s18 =	sor.u32 $0x50, s24;
	s19 =	smul.u32 $0x2800, s17  }
0x7: {  	s3 =	rddreg [dreg:$0x3];
	s20 =	sor.u32 $0x60, s24;
	s29 =	smul.u32 $0x2800, s18  }
0x8: {  	s4 =	simm.s32 $0x0;
	s21 =	sor.u32 $0x70, s24;
	s22 =	smul.u32 $0x2800, s20  }
0x9: {  	[smem:$0x7FF] =	sst s4;
	s7 =	sadd.s32 $0x281400, s0;
	s23 =	smul.u32 $0x2800, s21  }
0xa: {  	_ =	strace $0x80000047;
	s6 =	ssub.s32 $0x2, s5;
	s12 =	smul.u32 $0xA000, s12  }
0xb: {  	s5 =	sshll.u32 s5, $0x4;
	s20 =	smul.u32 $0xA000, s20;
	s8 =	sshrl.u32 s6, $0x1  }
0xc: {  	s8 =	ssub.s32 s6, s8;
	s6 =	sor.u32 s24, s5;
	s5 =	sor.u32 $0x30, s24  }
0xd: {  	s11 =	sadd.s32 s9, s11;
	s13 =	sadd.s32 s9, s13;
	s14 =	sadd.s32 s9, s14  }
0xe: {  	s19 =	sadd.s32 s9, s19;
	s22 =	sadd.s32 s9, s22;
	s15 =	ssub.s32 $0xF, s6  }
0xf: {  	s16 =	smul.u32 $0x2800, s5;
	s11 =	sshrl.u32 s11, $0x3;
	s13 =	sshrl.u32 s13, $0x3  }
0x10: {  	s14 =	sshrl.u32 s14, $0x3;
	s26 =	sshrl.u32 s19, $0x3;
	s8 =	smax.u32 s8, $0x1  }
0x11: {  	s5 =	smul.u32 $0xA000, s5;
	s15 =	sand.u32 $0x20, s15;
	s11 =	sadd.s32 s7, s11  }
0x12: {  	[dreg:$0x12] =	wrdreg s8;
	s8 =	simm.s32 $0x9;
	p0 =	seq.s32 s15, $0x0  }
0x13: {  	s16 =	sadd.s32 s9, s16;
	s15 =	sadd.s32 s9, s29;
	s9 =	sadd.s32 s9, s23  }
0x14: {  	s23 =	smul.u32 $0xA, s6;
	[dreg:$0x5] =	wrdreg s11;
	s11 =	sadd.s32 s7, s13  }
0x15: {  	s29 =	sshrl.u32 s22, $0x3;
	s22 =	smul.u32 $0x500, s6;
	s5 =	sshrl.u32 s5, $0x2  }
0x16: {  	[dreg:$0x6] =	wrdreg s11;
	s16 =	sshrl.u32 s16, $0x3;
	s11 =	sadd.s32 s7, s14  }
0x17: {  	s28 =	sshrl.u32 s15, $0x3;
	s13 =	sadd.s32 s7, s29;
	s9 =	sshrl.u32 s9, $0x3  }
0x18: {  	s15 =	sadd.s32 $0x10400, s0;
	s14 =	smul.u32 $0x50, s6;
	[dreg:$0x7] =	wrdreg s11  }
0x19: {  	s29 =	smul.u32 $0xA000, s24;
	s25 =	sadd.s32 s7, s16;
	[dreg:$0xb] =	wrdreg s13  }
0x1a: {  	s11 =	sadd.s32 s7, s26;
	s16 =	sadd.s32 $0x1400, s0;
	[dreg:$0x8] =	wrdreg s25  }
0x1b: {  	s19 =	sadd.s32 s2, s23;
	s26 =	smul.u32 $0xA000, s10;
	[dreg:$0x9] =	wrdreg s11  }
0x1c: {  	s0 =	sadd.s32 s15, s22;
	s22 =	smul.u32 $0xA000, s21;
	[dreg:$0xd] =	wrdreg s19  }
0x1d: {  	s10 =	simm.s32 $0x50;
	s11 =	sadd.s32 s7, s28;
	[dreg:$0xf] =	wrdreg s0  }
0x1e: {  	s7 =	sadd.s32 s7, s9;
	s25 =	sadd.s32 s16, s23;
	[dreg:$0xa] =	wrdreg s11  }
0x1f: {  	s19 =	smul.u32 $0xA000, s18;
	s23 =	sadd.s32 s5, s3;
	[dreg:$0xc] =	wrdreg s7  }
0x20: {  	s9 =	simm.s32 $0x1;
	s18 =	simm.s32 $0x6;
	[dreg:$0xe] =	wrdreg s25  }
0x21: {  	s7 =	sshrl.u32 s14, $0x3;
	s13 =	sshrl.u32 s26, $0x2;
	s14 =	smul.u32 $0xA000, s17  }
0x22: {  	s25 =	simm.s32 $0x8;
	s26 =	simm.s32 $0x7;
	[dreg:$0x16] =	wrdreg s23  }
0x23: {  	s28 =	sadd.s32 $0x140, s7;
	s7 =	sshrl.u32 s29, $0x2;
	s25 =	simm.s32 @!p0 $0x7  }
0x24: {  	s26 =	simm.s32 @!p0 $0x8;
	p0 =	sgt.u32 s21, $0x7C;
	s24 =	sshrl.u32 s19, $0x2  }
0x25: {  	s29 =	sshrl.u32 s22, $0x2;
	s19 =	simm.s32 $0x280;
	s11 =	sadd.s32 s2, s28  }
0x26: {  	s0 =	sadd.s32 s16, s28;
	s7 =	sadd.s32 s7, s3;
	s17 =	sshrl.u32 s14, $0x2  }
0x27: {  	s28 =	sshrl.u32 s20, $0x2;
	s31 =	sadd.s32 s24, s3;
	[dreg:$0x10] =	wrdreg s11  }
0x28: {  	s5 =	sadd.s32 s29, s3;
	s14 =	simm.s32 $0x200;
	[dreg:$0x11] =	wrdreg s0  }
.Ltmp0:
0x29: {  	s20 =	simm.s32 $0x7B00;
	[dreg:$0x13] =	wrdreg s7;
	(pc) =	sbr.rel .LBB2_1-.Ltmp0, $4  }
0x2a: {  	s7 =	sadd.s32 s13, s3;
	s0 =	sshrl.u32 s12, $0x2;
	s30 =	sadd.s32 s17, s3  }
0x2b: {  	s11 =	simm.s32 $0x5300;
	s12 =	simm.s32 $0x3;
	s13 =	simm.s32 $0x5  }
0x2c: {  	s17 =	simm.s32 $0x4;
	[dreg:$0x14] =	wrdreg s7;
	s0 =	sadd.s32 s0, s3  }
0x2d: {  	v0 =	vimm.f32 $0.0e+00;
	s7 =	simm.s32 $0x300;
	[dreg:$0x15] =	wrdreg s0;
	s0 =	sadd.s32 s28, s3  }
.LBB2_12:
0x2e: {  	_ =	swait.ge [sflag:s25], $0x2800  }
0x2f: {  	[sflag:s25] =	ssyncset.done $0x0  }
0x30: {  	[sflag:s25] =	ssyncadd.s32 $0xFFFFD800  }
0x31: {  	_ =	swait.ge [sflag:s26], $0x2800  }
0x32: {  	[sflag:s26] =	ssyncset.done $0x0  }
0x33: {  	[sflag:s26] =	ssyncadd.s32 $0xFFFFD800  }
0x34: {  	s21 =	stileid.u32;
	[bflag:$0x0] =	sbarrier.arrive $0xFFFF  }
0x35: {  	s21 =	sshll.u32 s21, $0x6;
	s22 =	rddreg [dreg:$0x13]  }
0x36: {  	s21 =	sor.u32 $0x1C09, s21;
	s23 =	rddreg [dreg:$0x5];
	s22 =	sshrl.u32 s22, $0x3  }
0x37: {  	[hbm:s23], [sflag:s21] =	dma.local [spmem:s22], $0x500  }
0x38: {  	_ =	swait.ge [sflag:s8], $0x500  }
0x39: {  	[sflag:s8] =	ssyncset.done $0x0;
	s28 =	rddreg [dreg:$0x14]  }
0x3a: {  	s29 =	rddreg [dreg:$0x6];
	[sflag:s8] =	ssyncadd.s32 $0xFFFFFB00;
	s22 =	sshrl.u32 s28, $0x3  }
0x3b: {  	[hbm:s29], [sflag:s21] =	dma.local [spmem:s22], $0x500  }
0x3c: {  	_ =	swait.ge [sflag:s8], $0x500  }
0x3d: {  	[sflag:s8] =	ssyncset.done $0x0;
	s23 =	rddreg [dreg:$0x15]  }
0x3e: {  	s24 =	rddreg [dreg:$0x7];
	[sflag:s8] =	ssyncadd.s32 $0xFFFFFB00;
	s22 =	sshrl.u32 s23, $0x3  }
0x3f: {  	[hbm:s24], [sflag:s21] =	dma.local [spmem:s22], $0x500  }
0x40: {  	_ =	swait.ge [sflag:s8], $0x500  }
0x41: {  	[sflag:s8] =	ssyncset.done $0x0;
	s28 =	rddreg [dreg:$0x16]  }
0x42: {  	s29 =	rddreg [dreg:$0x8];
	[sflag:s8] =	ssyncadd.s32 $0xFFFFFB00;
	s22 =	sshrl.u32 s28, $0x3  }
0x43: {  	[hbm:s29], [sflag:s21] =	dma.local [spmem:s22], $0x500  }
0x44: {  	_ =	swait.ge [sflag:s8], $0x500  }
0x45: {  	[sflag:s8] =	ssyncset.done $0x0  }
0x46: {  	s23 =	sshrl.u32 s30, $0x3;
	s24 =	rddreg [dreg:$0x9];
	[sflag:s8] =	ssyncadd.s32 $0xFFFFFB00  }
0x47: {  	[hbm:s24], [sflag:s21] =	dma.local [spmem:s23], $0x500  }
0x48: {  	_ =	swait.ge [sflag:s8], $0x500  }
0x49: {  	[sflag:s8] =	ssyncset.done $0x0  }
0x4a: {  	s28 =	sshrl.u32 s31, $0x3;
	s29 =	rddreg [dreg:$0xa];
	[sflag:s8] =	ssyncadd.s32 $0xFFFFFB00  }
0x4b: {  	[hbm:s29], [sflag:s21] =	dma.local [spmem:s28], $0x500  }
0x4c: {  	_ =	swait.ge [sflag:s8], $0x500  }
0x4d: {  	[sflag:s8] =	ssyncset.done $0x0  }
0x4e: {  	s24 =	sshrl.u32 s0, $0x3;
	s28 =	rddreg [dreg:$0xb];
	[sflag:s8] =	ssyncadd.s32 $0xFFFFFB00  }
0x4f: {  	[hbm:s28], [sflag:s21] =	dma.local [spmem:s24], $0x500  }
0x50: {  	_ =	swait.ge [sflag:s8], $0x500  }
0x51: {  	[sflag:s8] =	ssyncset.done $0x0  }
0x52: {  	s22 =	sshrl.u32 @!p0 s5, $0x3;
	s23 =	rddreg [dreg:$0xc];
	[sflag:s8] =	ssyncadd.s32 $0xFFFFFB00  }
0x53: {  	[hbm:s23], [sflag:s21] =	dma.local @!p0 [spmem:s22], $0x500  }
0x54: {  	s21 =	simm.s32 @!p0 $0x9  }
0x55: {  	_ =	swait.ge @!p0 [sflag:s21], $0x500  }
0x56: {  	s4 =	sadd.s32 $0x1, s4;
	s29 =	rddreg [dreg:$0x12]  }
0x57: {  	p1 =	sne.s32 s4, s29  }
.Ltmp1:
0x58: {  	_ = 	snop;
	(pc) =	sbr.rel @!p1 .LBB2_13-.Ltmp1, $3  }
0x59: {  	_ =	sdelay $0x1  }
0x5a: {  	[sflag:s21] =	ssyncset.done @!p0 $0x0  }
0x5b: {  	[sflag:s21] =	ssyncadd.s32 @!p0 $0xFFFFFB00  }
.LBB2_1:
0x5c: {  	s21 =	simm.s32 $0x0;
	s22 =	simm.s32 $0x200  }
.LBB2_2:
0x5d: {  	p1 =	sne.s32 s22, $0x9E00;
	[tilespmem:s21+$0x370] =	vst v0  }
0x5e: {  	[tilespmem:s21+$0x300] =	vst v0  }
0x5f: {  	[tilespmem:s21+$0x310] =	vst v0  }
.Ltmp2:
0x60: {  	[tilespmem:s21+$0x320] =	vst v0;
	(pc) =	sbr.rel @p1 .LBB2_2-.Ltmp2, $4  }
0x61: {  	[tilespmem:s21+$0x330] =	vst v0  }
0x62: {  	[tilespmem:s21+$0x340] =	vst v0  }
0x63: {  	[tilespmem:s21+$0x350] =	vst v0  }
0x64: {  	[tilespmem:s21+$0x360] =	vst v0;
	s21 =	sshra.s32 s22, $0x2;
	s22 =	sadd.s32 $0x200, s22  }
0x65: {  	[tilespmem:s21+$0x370] =	vst v0  }
0x66: {  	[tilespmem:s21+$0x300] =	vst v0  }
0x67: {  	[tilespmem:s21+$0x310] =	vst v0  }
0x68: {  	[tilespmem:s21+$0x320] =	vst v0  }
0x69: {  	[tilespmem:s21+$0x330] =	vst v0  }
0x6a: {  	[tilespmem:s21+$0x340] =	vst v0  }
0x6b: {  	[tilespmem:s21+$0x350] =	vst v0  }
0x6c: {  	[tilespmem:s21+$0x360] =	vst v0;
	s29 =	rddreg [dreg:$0x13]  }
0x6d: {  	[spmem:s29] =	stream.linear.scatter [tilespmem:s7], [sflag:$0x9], $0x2800, $0x38;
	[tilespmem:$0x1DB80] =	vst v63  }
0x6e: {  	_ =	swait.ge [sflag:s8], $0x2800  }
0x6f: {  	[sflag:s8] =	ssyncset.done $0x0  }
0x70: {  	s22 =	rddreg [dreg:$0x14];
	[sflag:s8] =	ssyncadd.s32 $0xFFFFD800  }
0x71: {  	[spmem:s22] =	stream.linear.scatter [tilespmem:s7], [sflag:$0x9], $0x2800, $0x38;
	[tilespmem:$0x1DB80] =	vst v63  }
0x72: {  	_ =	swait.ge [sflag:s8], $0x2800  }
0x73: {  	[sflag:s8] =	ssyncset.done $0x0  }
0x74: {  	s23 =	rddreg [dreg:$0x15];
	[sflag:s8] =	ssyncadd.s32 $0xFFFFD800  }
0x75: {  	[spmem:s23] =	stream.linear.scatter [tilespmem:s7], [sflag:$0x9], $0x2800, $0x38;
	[tilespmem:$0x1DB80] =	vst v63  }
0x76: {  	_ =	swait.ge [sflag:s8], $0x2800  }
0x77: {  	[sflag:s8] =	ssyncset.done $0x0  }
0x78: {  	s24 =	rddreg [dreg:$0x16];
	[sflag:s8] =	ssyncadd.s32 $0xFFFFD800  }
0x79: {  	[spmem:s24] =	stream.linear.scatter [tilespmem:s7], [sflag:$0x9], $0x2800, $0x38;
	[tilespmem:$0x1DB80] =	vst v63  }
0x7a: {  	_ =	swait.ge [sflag:s8], $0x2800  }
0x7b: {  	[sflag:s8] =	ssyncset.done $0x0  }
0x7c: {  	[sflag:s8] =	ssyncadd.s32 $0xFFFFD800  }
0x7d: {  	[spmem:s30] =	stream.linear.scatter [tilespmem:s7], [sflag:$0x9], $0x2800, $0x38;
	[tilespmem:$0x1DB80] =	vst v63  }
0x7e: {  	_ =	swait.ge [sflag:s8], $0x2800  }
0x7f: {  	[sflag:s8] =	ssyncset.done $0x0  }
0x80: {  	[sflag:s8] =	ssyncadd.s32 $0xFFFFD800  }
0x81: {  	[spmem:s31] =	stream.linear.scatter [tilespmem:s7], [sflag:$0x9], $0x2800, $0x38;
	[tilespmem:$0x1DB80] =	vst v63  }
0x82: {  	_ =	swait.ge [sflag:s8], $0x2800  }
0x83: {  	[sflag:s8] =	ssyncset.done $0x0  }
0x84: {  	[sflag:s8] =	ssyncadd.s32 $0xFFFFD800  }
0x85: {  	[spmem:s0] =	stream.linear.scatter [tilespmem:s7], [sflag:$0x9], $0x2800, $0x38;
	[tilespmem:$0x1DB80] =	vst v63  }
0x86: {  	_ =	swait.ge [sflag:s8], $0x2800  }
0x87: {  	[sflag:s8] =	ssyncset.done $0x0  }
0x88: {  	s21 =	simm.s32 @!p0 $0x300;
	[sflag:s8] =	ssyncadd.s32 $0xFFFFD800  }
0x89: {  	[spmem:s5] =	stream.linear.scatter @!p0 [tilespmem:s21], [sflag:$0x9], $0x2800, $0x38;
	[tilespmem:$0x1DB80] =	vst v63  }
0x8a: {  	s21 =	simm.s32 @!p0 $0x9  }
0x8b: {  	_ =	swait.ge @!p0 [sflag:s21], $0x2800  }
0x8c: {  	[sflag:s21] =	ssyncset.done @!p0 $0x0  }
0x8d: {  	[sflag:s21] =	ssyncadd.s32 @!p0 $0xFFFFD800  }
0x8e: {  	[bflag:$0x0] =	sbarrier.arrive $0xFFFF  }
0x8f: {  	s21 =	simm.s32 $0x0;
	s22 =	rddreg [dreg:$0xd]  }
0x90: {  	[tilespmem:s21], [sflag:$0x1] =	stream.linear.gather [hbm4b:s22+s21], $0x50, $0x38;
	[tilespmem:$0x1DB80] =	vst v63  }
0x91: {  	s23 =	simm.s32 $0x100;
	s28 =	rddreg [dreg:$0xe]  }
0x92: {  	[tilespmem:s23], [sflag:$0x1] =	stream.linear.gather [hbm4b:s28+s21], $0x50, $0x38;
	[tilespmem:$0x1DB80] =	vst v63  }
0x93: {  	_ =	swait.ge [sflag:s9], $0x50  }
0x94: {  	[sflag:s9] =	ssyncset.done $0x0  }
0x95: {  	[sflag:s9] =	ssyncadd.s32 $0xFFFFFFB0  }
0x96: {  	_ =	swait.ge [sflag:s9], $0x50  }
0x97: {  	[sflag:s9] =	ssyncset.done $0x0  }
0x98: {  	[sflag:s9] =	ssyncadd.s32 $0xFFFFFFB0  }
0x99: {  	[tilespmem:s7], [sflag:$0x3] =	stream.indirect.gather [hbm4b:s1+s10], $0x80, s21, s10, $0xb8;
	[tilespmem:$0x1DB80] =	vst v63  }
0x9a: {  	s29 =	rddreg [dreg:$0xf]  }
0x9b: {  	[tilespmem:s11], [sflag:$0x5] =	stream.linear.gather [hbm4b:s29+s21], $0x2800, $0x38;
	[tilespmem:$0x1DB80] =	vst v63  }
.Ltmp3:
0x9c: {  	_ = 	snop;
	(pc) =	sbr.rel .LBB2_4-.Ltmp3, $4  }
0x9d: {  	s24 =	simm.s32 $0x80;
	s23 =	rddreg [dreg:$0x10]  }
0x9e: {  	[tilespmem:s24], [sflag:$0x2] =	stream.linear.gather [hbm4b:s23+s21], $0x50, $0x38;
	[tilespmem:$0x1DB80] =	vst v63  }
0x9f: {  	s28 =	rddreg [dreg:$0x11];
	s29 =	simm.s32 $0x180  }
0xa0: {  	[tilespmem:s29], [sflag:$0x2] =	stream.linear.gather [hbm4b:s28+s21], $0x50, $0x38;
	[tilespmem:$0x1DB80] =	vst v63  }
.LBB2_11:
0xa1: {  	s21 =	sadd.s32 $0x1, s21  }
0xa2: {  	p1 =	sne.s32 s21, $0x20  }
.Ltmp4:
0xa3: {  	_ = 	snop;
	(pc) =	sbr.rel @!p1 .LBB2_12-.Ltmp4, $1  }
0xa4: {  	_ =	sdelay $0x3  }
.LBB2_4:
0xa5: {  	s22 =	sshll.u32 s21, $0x6  }
0xa6: {  	s23 =	sor.u32 s6, s22  }
0xa7: {  	p1 =	sgt.u32 s23, $0x7CF  }
.Ltmp5:
0xa8: {  	_ = 	snop;
	(pc) =	sbr.rel @p1 .LBB2_11-.Ltmp5, $1  }
0xa9: {  	_ =	sdelay $0x3  }
0xaa: {  	_ =	swait.ge [sflag:s12], $0x2800  }
0xab: {  	[sflag:s12] =	ssyncset.done $0x0  }
0xac: {  	[sflag:s12] =	ssyncadd.s32 $0xFFFFD800  }
0xad: {  	_ =	swait.ge [sflag:s13], $0x2800  }
0xae: {  	[sflag:s13] =	ssyncset.done $0x0  }
0xaf: {  	[sflag:s13] =	ssyncadd.s32 $0xFFFFD800  }
0xb0: {  	v1 =	vld [tilespmem:$0x100]  }
0xb1: {  	v2 =	vld [tilespmem:$0x110]  }
0xb2: {  	v3 =	vld [tilespmem:$0x120]  }
0xb3: {  	v4 =	vld [tilespmem:$0x130]  }
0xb4: {  	v5 =	vld [tilespmem:$0x140]  }
0xb5: {  	[tilespmem:$0x200] =	vst v1  }
0xb6: {  	[tilespmem:$0x210] =	vst v2  }
0xb7: {  	s22 =	sor.u32 $0x20, s23;
	[tilespmem:$0x220] =	vst v3  }
0xb8: {  	p1 =	sgt.u32 s22, $0x7CF;
	[tilespmem:$0x230] =	vst v4  }
0xb9: {  	s24 =	simm.s32 @!p1 $0x2;
	[tilespmem:$0x240] =	vst v5  }
0xba: {  	_ =	swait.ge @!p1 [sflag:s24], $0x50  }
0xbb: {  	[sflag:s24] =	ssyncset.done @!p1 $0x0  }
0xbc: {  	[sflag:s24] =	ssyncadd.s32 @!p1 $0xFFFFFFB0  }
0xbd: {  	p2 =	seq.s32 @!p1 s21, $0x0;
	_ =	swait.ge @!p1 [sflag:s24], $0x50  }
0xbe: {  	p2 =	por p2, p1;
	[sflag:s24] =	ssyncset.done @!p1 $0x0  }
0xbf: {  	[sflag:s24] =	ssyncadd.s32 @!p1 $0xFFFFFFB0;
	s24 =	simm.s32 @!p2 $0x8  }
0xc0: {  	_ =	swait.ge @!p2 [sflag:s24], $0x2800  }
0xc1: {  	s28 =	simm.s32 @!p1 $0x80;
	[sflag:s24] =	ssyncset.done @!p2 $0x0  }
0xc2: {  	s29 =	simm.s32 @!p1 $0x2B00;
	[sflag:s24] =	ssyncadd.s32 @!p2 $0xFFFFD800;
	s24 =	simm.s32 @!p1 $0x50  }
0xc3: {  	[tilespmem:s29], [sflag:$0x4] =	stream.indirect.gather @!p1 [hbm4b:s1+s24], $0x80, s28, s24, $0xb8;
	[tilespmem:$0x1DB80] =	vst v63  }
0xc4: {  	p2 =	sgt.u32 @!p1 s23, $0x78F;
	s24 =	smul.u32 @!p1 $0x500, s22  }
0xc5: {  	p2 =	por p2, p1;
	s28 =	simm.s32 @!p1 $0x0  }
0xc6: {  	s29 =	simm.s32 @!p1 $0x7B00;
	s23 =	smul.u32 @!p2 $0x50, s23;
	s24 =	sadd.s32 @!p1 s15, s24  }
0xc7: {  	[tilespmem:s29], [sflag:$0x6] =	stream.linear.gather @!p1 [hbm4b:s24+s28], $0x2800, $0x38;
	[tilespmem:$0x1DB80] =	vst v63  }
0xc8: {  	s23 =	sshrl.u32 @!p2 s23, $0x3  }
0xc9: {  	s23 =	sadd.s32 @!p2 $0x280, s23  }
0xca: {  	s28 =	simm.s32 @!p2 $0x0;
	s24 =	sadd.s32 @!p2 s2, s23  }
0xcb: {  	[tilespmem:s28], [sflag:$0x1] =	stream.linear.gather @!p2 [hbm4b:s24+s28], $0x50, $0x38;
	[tilespmem:$0x1DB80] =	vst v63  }
0xcc: {  	s23 =	sadd.s32 @!p2 s16, s23;
	s24 =	simm.s32 @!p2 $0x100  }
0xcd: {  	[tilespmem:s24], [sflag:$0x1] =	stream.linear.gather @!p2 [hbm4b:s23+s28], $0x50, $0x38;
	[tilespmem:$0x1DB80] =	vst v63  }
0xce: {  	s23 =	simm.s32 $0x5400  }
0xcf: {  	s24 =	simm.s32 $0x400;
	v1 =	vld [tilespmem:s23+$0x80]  }
0xd0: {  	v2 =	vld [tilespmem:s24+$0x80]  }
0xd1: {  	v3 =	vld [tilespmem:s23+$0xFFFFFF80]  }
0xd2: {  	v4 =	vld [tilespmem:s24+$0xFFFFFF80]  }
0xd3: {  	v5 =	vld [tilespmem:s23+$0x0]  }
0xd4: {  	v6 =	vld [tilespmem:s24+$0x0]  }
0xd5: {  	v7 =	vld [tilespmem:s23+$0xFFFFFF00];
	v1 =	vmul.f32 v2, v1  }
0xd6: {  	v2 =	vld [tilespmem:s24+$0xFFFFFF00]  }
0xd7: {  	[tilespmem:s23+$0x80] =	vst v1;
	v1 =	vld [tilespmem:s23+$0x90]  }
0xd8: {  	v3 =	vmul.f32 v4, v3;
	v4 =	vld [tilespmem:s24+$0x90]  }
0xd9: {  	v8 =	vld [tilespmem:s23+$0xFFFFFF10]  }
0xda: {  	[tilespmem:s23+$0xFFFFFF80] =	vst v3;
	v3 =	vmul.f32 v6, v5;
	v5 =	vld [tilespmem:s23+$0xFFFFFF90]  }
0xdb: {  	v6 =	vld [tilespmem:s24+$0xFFFFFF90];
	v2 =	vmul.f32 v2, v7  }
0xdc: {  	[tilespmem:s23+$0x0] =	vst v3;
	v3 =	vld [tilespmem:s23+$0x10]  }
0xdd: {  	v7 =	vld [tilespmem:s24+$0x10];
	[tilespmem:s23+$0xFFFFFF00] =	vst v2;
	v1 =	vmul.f32 v4, v1  }
0xde: {  	v2 =	vld [tilespmem:s24+$0xFFFFFF10]  }
0xdf: {  	[tilespmem:s23+$0x90] =	vst v1;
	v1 =	vld [tilespmem:s23+$0xA0]  }
0xe0: {  	v4 =	vmul.f32 v6, v5;
	v5 =	vld [tilespmem:s24+$0xA0]  }
0xe1: {  	v6 =	vld [tilespmem:s23+$0xFFFFFF20]  }
0xe2: {  	[tilespmem:s23+$0xFFFFFF90] =	vst v4;
	v3 =	vmul.f32 v7, v3;
	v4 =	vld [tilespmem:s23+$0xFFFFFFA0]  }
0xe3: {  	v7 =	vld [tilespmem:s24+$0xFFFFFFA0];
	v2 =	vmul.f32 v2, v8  }
0xe4: {  	[tilespmem:s23+$0x10] =	vst v3;
	v3 =	vld [tilespmem:s23+$0x20]  }
0xe5: {  	v8 =	vld [tilespmem:s24+$0x20];
	[tilespmem:s23+$0xFFFFFF10] =	vst v2;
	v1 =	vmul.f32 v5, v1  }
0xe6: {  	v2 =	vld [tilespmem:s24+$0xFFFFFF20]  }
0xe7: {  	[tilespmem:s23+$0xA0] =	vst v1;
	v1 =	vld [tilespmem:s23+$0xB0]  }
0xe8: {  	v4 =	vmul.f32 v7, v4;
	v5 =	vld [tilespmem:s24+$0xB0]  }
0xe9: {  	v7 =	vld [tilespmem:s23+$0xFFFFFF30]  }
0xea: {  	[tilespmem:s23+$0xFFFFFFA0] =	vst v4;
	v3 =	vmul.f32 v8, v3;
	v4 =	vld [tilespmem:s23+$0xFFFFFFB0]  }
0xeb: {  	v8 =	vld [tilespmem:s24+$0xFFFFFFB0];
	v2 =	vmul.f32 v2, v6  }
0xec: {  	[tilespmem:s23+$0x20] =	vst v3;
	v3 =	vld [tilespmem:s23+$0x30]  }
0xed: {  	v6 =	vld [tilespmem:s24+$0x30];
	[tilespmem:s23+$0xFFFFFF20] =	vst v2;
	v1 =	vmul.f32 v5, v1  }
0xee: {  	v2 =	vld [tilespmem:s24+$0xFFFFFF30]  }
0xef: {  	[tilespmem:s23+$0xB0] =	vst v1;
	v1 =	vld [tilespmem:s23+$0xC0]  }
0xf0: {  	v4 =	vmul.f32 v8, v4;
	v5 =	vld [tilespmem:s24+$0xC0]  }
0xf1: {  	v8 =	vld [tilespmem:s23+$0xFFFFFF40]  }
0xf2: {  	[tilespmem:s23+$0xFFFFFFB0] =	vst v4;
	v3 =	vmul.f32 v6, v3;
	v4 =	vld [tilespmem:s23+$0xFFFFFFC0]  }
0xf3: {  	v6 =	vld [tilespmem:s24+$0xFFFFFFC0];
	v2 =	vmul.f32 v2, v7  }
0xf4: {  	[tilespmem:s23+$0x30] =	vst v3;
	v3 =	vld [tilespmem:s23+$0x40]  }
0xf5: {  	v7 =	vld [tilespmem:s24+$0x40];
	[tilespmem:s23+$0xFFFFFF30] =	vst v2;
	v1 =	vmul.f32 v5, v1  }
0xf6: {  	v2 =	vld [tilespmem:s24+$0xFFFFFF40]  }
0xf7: {  	[tilespmem:s23+$0xC0] =	vst v1;
	v1 =	vld [tilespmem:s23+$0xD0]  }
0xf8: {  	v4 =	vmul.f32 v6, v4;
	v5 =	vld [tilespmem:s24+$0xD0]  }
0xf9: {  	v6 =	vld [tilespmem:s23+$0xFFFFFF50]  }
0xfa: {  	[tilespmem:s23+$0xFFFFFFC0] =	vst v4;
	v3 =	vmul.f32 v7, v3;
	v4 =	vld [tilespmem:s23+$0xFFFFFFD0]  }
0xfb: {  	v7 =	vld [tilespmem:s24+$0xFFFFFFD0];
	v2 =	vmul.f32 v2, v8  }
0xfc: {  	[tilespmem:s23+$0x40] =	vst v3;
	v3 =	vld [tilespmem:s23+$0x50]  }
0xfd: {  	v8 =	vld [tilespmem:s24+$0x50];
	[tilespmem:s23+$0xFFFFFF40] =	vst v2;
	v1 =	vmul.f32 v5, v1  }
0xfe: {  	v2 =	vld [tilespmem:s24+$0xFFFFFF50]  }
0xff: {  	[tilespmem:s23+$0xD0] =	vst v1;
	v1 =	vld [tilespmem:s23+$0xE0]  }
0x100: {  	v4 =	vmul.f32 v7, v4;
	v5 =	vld [tilespmem:s24+$0xE0]  }
0x101: {  	v7 =	vld [tilespmem:s23+$0xFFFFFF60]  }
0x102: {  	[tilespmem:s23+$0xFFFFFFD0] =	vst v4;
	v3 =	vmul.f32 v8, v3;
	v4 =	vld [tilespmem:s23+$0xFFFFFFE0]  }
0x103: {  	v8 =	vld [tilespmem:s24+$0xFFFFFFE0];
	v2 =	vmul.f32 v2, v6  }
0x104: {  	[tilespmem:s23+$0x50] =	vst v3;
	v3 =	vld [tilespmem:s23+$0x60]  }
0x105: {  	v6 =	vld [tilespmem:s24+$0x60];
	[tilespmem:s23+$0xFFFFFF50] =	vst v2;
	v1 =	vmul.f32 v5, v1  }
0x106: {  	v5 =	vld [tilespmem:s24+$0xFFFFFF60]  }
0x107: {  	v9 =	vld [tilespmem:s23+$0xF0];
	[tilespmem:s23+$0xE0] =	vst v1  }
0x108: {  	v2 =	vmul.f32 v8, v4;
	v8 =	vld [tilespmem:s24+$0xF0]  }
0x109: {  	v1 =	vld [tilespmem:s23+$0xFFFFFF70]  }
0x10a: {  	[tilespmem:s23+$0xFFFFFFE0] =	vst v2;
	v3 =	vmul.f32 v6, v3;
	v2 =	vld [tilespmem:s23+$0xFFFFFFF0]  }
0x10b: {  	v4 =	vld [tilespmem:s24+$0xFFFFFFF0];
	v5 =	vmul.f32 v5, v7  }
0x10c: {  	[tilespmem:s23+$0x60] =	vst v3;
	v3 =	vld [tilespmem:s23+$0x70]  }
0x10d: {  	[tilespmem:s23+$0xFFFFFF60] =	vst v5;
	v5 =	vld [tilespmem:s24+$0x70];
	v7 =	vmul.f32 v8, v9  }
0x10e: {  	s29 =	simm.s32 $0x5600;
	s28 =	simm.s32 $0x0;
	v6 =	vld [tilespmem:s24+$0xFFFFFF70]  }
.LBB2_6:
0x10f: {  	v8 =	vld [tilespmem:s29+$0x80];
	[tilespmem:s23+$0xF0] =	vst v7;
	s24 =	sadd.s32 $0x200, s24  }
0x110: {  	s28 =	sadd.s32 $0x4, s28;
	v7 =	vld [tilespmem:s24+$0x80];
	v2 =	vmul.f32 v4, v2  }
0x111: {  	p2 =	slt.u32 s28, $0x4C;
	v4 =	vld [tilespmem:s24+$0xFFFFFF00]  }
0x112: {  	v9 =	vld [tilespmem:s29+$0xFFFFFF80];
	[tilespmem:s23+$0xFFFFFFF0] =	vst v2;
	v2 =	vmul.f32 v5, v3  }
0x113: {  	v3 =	vld [tilespmem:s24+$0xFFFFFF80];
	v1 =	vmul.f32 v6, v1  }
0x114: {  	v5 =	vld [tilespmem:s29+$0x0];
	[tilespmem:s23+$0x70] =	vst v2  }
0x115: {  	v2 =	vld [tilespmem:s24+$0x0];
	v6 =	vmul.f32 v7, v8;
	[tilespmem:s23+$0xFFFFFF70] =	vst v1;
	s23 =	smov.u32 s29  }
0x116: {  	v1 =	vld [tilespmem:s29+$0xFFFFFF00]  }
0x117: {  	[tilespmem:s29+$0x80] =	vst v6;
	v6 =	vld [tilespmem:s29+$0x90]  }
0x118: {  	v3 =	vmul.f32 v3, v9;
	v7 =	vld [tilespmem:s24+$0x90]  }
0x119: {  	v8 =	vld [tilespmem:s29+$0xFFFFFF10]  }
0x11a: {  	[tilespmem:s29+$0xFFFFFF80] =	vst v3;
	v3 =	vld [tilespmem:s29+$0xFFFFFF90];
	v2 =	vmul.f32 v2, v5  }
0x11b: {  	v1 =	vmul.f32 v4, v1;
	v4 =	vld [tilespmem:s24+$0xFFFFFF90]  }
0x11c: {  	[tilespmem:s29+$0x0] =	vst v2;
	v2 =	vld [tilespmem:s29+$0x10]  }
0x11d: {  	[tilespmem:s29+$0xFFFFFF00] =	vst v1;
	v1 =	vld [tilespmem:s24+$0x10];
	v5 =	vmul.f32 v7, v6  }
0x11e: {  	v6 =	vld [tilespmem:s24+$0xFFFFFF10]  }
0x11f: {  	[tilespmem:s29+$0x90] =	vst v5;
	v5 =	vld [tilespmem:s29+$0xA0]  }
0x120: {  	v3 =	vmul.f32 v4, v3;
	v4 =	vld [tilespmem:s24+$0xA0]  }
0x121: {  	v7 =	vld [tilespmem:s29+$0xFFFFFF20]  }
0x122: {  	[tilespmem:s29+$0xFFFFFF90] =	vst v3;
	v3 =	vld [tilespmem:s29+$0xFFFFFFA0];
	v1 =	vmul.f32 v1, v2  }
0x123: {  	v2 =	vmul.f32 v6, v8;
	v6 =	vld [tilespmem:s24+$0xFFFFFFA0]  }
0x124: {  	[tilespmem:s29+$0x10] =	vst v1;
	v1 =	vld [tilespmem:s29+$0x20]  }
0x125: {  	[tilespmem:s29+$0xFFFFFF10] =	vst v2;
	v2 =	vld [tilespmem:s24+$0x20];
	v4 =	vmul.f32 v4, v5  }
0x126: {  	v5 =	vld [tilespmem:s24+$0xFFFFFF20]  }
0x127: {  	[tilespmem:s29+$0xA0] =	vst v4;
	v4 =	vld [tilespmem:s29+$0xB0]  }
0x128: {  	v3 =	vmul.f32 v6, v3;
	v6 =	vld [tilespmem:s24+$0xB0]  }
0x129: {  	v8 =	vld [tilespmem:s29+$0xFFFFFF30]  }
0x12a: {  	[tilespmem:s29+$0xFFFFFFA0] =	vst v3;
	v3 =	vld [tilespmem:s29+$0xFFFFFFB0];
	v1 =	vmul.f32 v2, v1  }
0x12b: {  	v2 =	vmul.f32 v5, v7;
	v5 =	vld [tilespmem:s24+$0xFFFFFFB0]  }
0x12c: {  	[tilespmem:s29+$0x20] =	vst v1;
	v1 =	vld [tilespmem:s29+$0x30]  }
0x12d: {  	[tilespmem:s29+$0xFFFFFF20] =	vst v2;
	v2 =	vld [tilespmem:s24+$0x30];
	v4 =	vmul.f32 v6, v4  }
0x12e: {  	v6 =	vld [tilespmem:s24+$0xFFFFFF30]  }
0x12f: {  	[tilespmem:s29+$0xB0] =	vst v4;
	v4 =	vld [tilespmem:s29+$0xC0]  }
0x130: {  	v3 =	vmul.f32 v5, v3;
	v5 =	vld [tilespmem:s24+$0xC0]  }
0x131: {  	v7 =	vld [tilespmem:s29+$0xFFFFFF40]  }
0x132: {  	[tilespmem:s29+$0xFFFFFFB0] =	vst v3;
	v3 =	vld [tilespmem:s29+$0xFFFFFFC0];
	v1 =	vmul.f32 v2, v1  }
0x133: {  	v2 =	vmul.f32 v6, v8;
	v6 =	vld [tilespmem:s24+$0xFFFFFFC0]  }
0x134: {  	[tilespmem:s29+$0x30] =	vst v1;
	v1 =	vld [tilespmem:s29+$0x40]  }
0x135: {  	[tilespmem:s29+$0xFFFFFF30] =	vst v2;
	v2 =	vld [tilespmem:s24+$0x40];
	v4 =	vmul.f32 v5, v4  }
0x136: {  	v5 =	vld [tilespmem:s24+$0xFFFFFF40]  }
0x137: {  	[tilespmem:s29+$0xC0] =	vst v4;
	v4 =	vld [tilespmem:s29+$0xD0]  }
0x138: {  	v3 =	vmul.f32 v6, v3;
	v6 =	vld [tilespmem:s24+$0xD0]  }
0x139: {  	v8 =	vld [tilespmem:s29+$0xFFFFFF50]  }
0x13a: {  	[tilespmem:s29+$0xFFFFFFC0] =	vst v3;
	v3 =	vld [tilespmem:s29+$0xFFFFFFD0];
	v1 =	vmul.f32 v2, v1  }
0x13b: {  	v2 =	vmul.f32 v5, v7;
	v5 =	vld [tilespmem:s24+$0xFFFFFFD0]  }
0x13c: {  	[tilespmem:s29+$0x40] =	vst v1;
	v1 =	vld [tilespmem:s29+$0x50]  }
0x13d: {  	[tilespmem:s29+$0xFFFFFF40] =	vst v2;
	v2 =	vld [tilespmem:s24+$0x50];
	v4 =	vmul.f32 v6, v4  }
0x13e: {  	v6 =	vld [tilespmem:s24+$0xFFFFFF50]  }
0x13f: {  	[tilespmem:s29+$0xD0] =	vst v4;
	v4 =	vld [tilespmem:s29+$0xE0]  }
0x140: {  	v3 =	vmul.f32 v5, v3;
	v5 =	vld [tilespmem:s24+$0xE0]  }
0x141: {  	v7 =	vld [tilespmem:s29+$0xFFFFFF60]  }
0x142: {  	[tilespmem:s29+$0xFFFFFFD0] =	vst v3;
	v3 =	vld [tilespmem:s29+$0xFFFFFFE0];
	v1 =	vmul.f32 v2, v1  }
0x143: {  	v2 =	vmul.f32 v6, v8;
	v6 =	vld [tilespmem:s24+$0xFFFFFFE0]  }
0x144: {  	[tilespmem:s29+$0x50] =	vst v1;
	v8 =	vld [tilespmem:s29+$0x60]  }
0x145: {  	[tilespmem:s29+$0xFFFFFF50] =	vst v2;
	v9 =	vld [tilespmem:s24+$0x60];
	v1 =	vmul.f32 v5, v4  }
0x146: {  	v4 =	vld [tilespmem:s24+$0xFFFFFF60]  }
0x147: {  	[tilespmem:s29+$0xE0] =	vst v1;
	v10 =	vld [tilespmem:s29+$0xF0]  }
0x148: {  	v2 =	vmul.f32 v6, v3;
	v6 =	vld [tilespmem:s24+$0xF0]  }
0x149: {  	v1 =	vld [tilespmem:s29+$0xFFFFFF70]  }
.Ltmp6:
0x14a: {  	[tilespmem:s29+$0xFFFFFFE0] =	vst v2;
	v2 =	vld [tilespmem:s29+$0xFFFFFFF0];
	v3 =	vmul.f32 v9, v8;
	(pc) =	sbr.rel @p2 .LBB2_6-.Ltmp6, $4  }
0x14b: {  	v5 =	vmul.f32 v4, v7;
	v4 =	vld [tilespmem:s24+$0xFFFFFFF0]  }
0x14c: {  	[tilespmem:s29+$0x60] =	vst v3;
	v3 =	vld [tilespmem:s29+$0x70]  }
0x14d: {  	[tilespmem:s29+$0xFFFFFF60] =	vst v5;
	v5 =	vld [tilespmem:s24+$0x70];
	v7 =	vmul.f32 v6, v10  }
0x14e: {  	s29 =	sadd.s32 $0x200, s29;
	v6 =	vld [tilespmem:s24+$0xFFFFFF70]  }
0x14f: {  	_ =	sdelay $0x1  }
0x150: {  	v2 =	vmul.f32 v4, v2  }
.Ltmp7:
0x151: {  	[tilespmem:s23+$0xF0] =	vst v7;
	v3 =	vmul.f32 v5, v3;
	(pc) =	sbr.rel @p1 .LBB2_11-.Ltmp7, $4  }
0x152: {  	[tilespmem:s23+$0xFFFFFFF0] =	vst v2;
	v1 =	vmul.f32 v6, v1  }
0x153: {  	[tilespmem:s23+$0x70] =	vst v3  }
0x154: {  	[tilespmem:s23+$0xFFFFFF70] =	vst v1  }
0x155: {  	[spmem:s3] =	stream.indirect.scatter.add.f32 [tilespmem:s11], [sflag:$0x7], $0x80, s14, s10, $0xb8;
	[tilespmem:$0x1DB80] =	vst v63  }
0x156: {  	_ =	swait.ge [sflag:s17], $0x2800  }
0x157: {  	[sflag:s17] =	ssyncset.done $0x0  }
0x158: {  	[sflag:s17] =	ssyncadd.s32 $0xFFFFD800  }
0x159: {  	_ =	swait.ge [sflag:s18], $0x2800  }
0x15a: {  	[sflag:s18] =	ssyncset.done $0x0  }
0x15b: {  	[sflag:s18] =	ssyncadd.s32 $0xFFFFD800  }
0x15c: {  	v1 =	vld [tilespmem:$0x180]  }
0x15d: {  	v2 =	vld [tilespmem:$0x190]  }
0x15e: {  	v3 =	vld [tilespmem:$0x1A0]  }
0x15f: {  	v4 =	vld [tilespmem:$0x1B0]  }
0x160: {  	v5 =	vld [tilespmem:$0x1C0]  }
0x161: {  	[tilespmem:$0x280] =	vst v1  }
0x162: {  	[tilespmem:$0x290] =	vst v2  }
0x163: {  	[tilespmem:$0x2A0] =	vst v3  }
0x164: {  	p1 =	sgt.u32 s22, $0x7AF;
	[tilespmem:$0x2B0] =	vst v4  }
0x165: {  	s23 =	simm.s32 @!p1 $0x1;
	[tilespmem:$0x2C0] =	vst v5  }
0x166: {  	_ =	swait.ge @!p1 [sflag:s23], $0x50  }
0x167: {  	[sflag:s23] =	ssyncset.done @!p1 $0x0  }
0x168: {  	[sflag:s23] =	ssyncadd.s32 @!p1 $0xFFFFFFB0  }
0x169: {  	_ =	swait.ge @!p1 [sflag:s23], $0x50  }
0x16a: {  	[sflag:s23] =	ssyncset.done @!p1 $0x0  }
0x16b: {  	s24 =	simm.s32 @!p1 $0x0;
	[sflag:s23] =	ssyncadd.s32 @!p1 $0xFFFFFFB0;
	s23 =	simm.s32 @!p1 $0x7  }
0x16c: {  	s28 =	simm.s32 @!p1 $0x300;
	p2 =	sgt.u32 @!p1 s22, $0x78F;
	_ =	swait.ge @!p1 [sflag:s23], $0x2800  }
0x16d: {  	s29 =	smul.u32 @!p1 $0x2800, s22;
	p2 =	por p2, p1;
	[sflag:s23] =	ssyncset.done @!p1 $0x0  }
0x16e: {  	s22 =	smul.u32 @!p2 $0x50, s22;
	[sflag:s23] =	ssyncadd.s32 @!p1 $0xFFFFD800;
	s23 =	simm.s32 @!p1 $0x50  }
0x16f: {  	[tilespmem:s28], [sflag:$0x3] =	stream.indirect.gather @!p1 [hbm4b:s1+s23], $0x80, s24, s23, $0xb8;
	[tilespmem:$0x1DB80] =	vst v63  }
0x170: {  	s23 =	sshrl.u32 @!p1 s29, $0x3  }
0x171: {  	s22 =	sshrl.u32 @!p2 s22, $0x3;
	s23 =	sadd.s32 @!p1 s15, s23  }
0x172: {  	s22 =	sadd.s32 @!p2 $0x280, s22;
	s28 =	simm.s32 @!p1 $0x5300;
	s23 =	sadd.s32 @!p1 $0xA000, s23  }
0x173: {  	[tilespmem:s28], [sflag:$0x5] =	stream.linear.gather @!p1 [hbm4b:s23+s24], $0x2800, $0x38;
	[tilespmem:$0x1DB80] =	vst v63  }
0x174: {  	s23 =	sadd.s32 @!p2 s2, s22;
	s24 =	simm.s32 @!p2 $0x0;
	s28 =	simm.s32 @!p2 $0x80  }
0x175: {  	[tilespmem:s28], [sflag:$0x2] =	stream.linear.gather @!p2 [hbm4b:s23+s24], $0x50, $0x38;
	[tilespmem:$0x1DB80] =	vst v63  }
0x176: {  	s22 =	sadd.s32 @!p2 s16, s22;
	s23 =	simm.s32 @!p2 $0x180  }
0x177: {  	[tilespmem:s23], [sflag:$0x2] =	stream.linear.gather @!p2 [hbm4b:s22+s24], $0x50, $0x38;
	[tilespmem:$0x1DB80] =	vst v63  }
0x178: {  	s22 =	simm.s32 $0x7CF0  }
0x179: {  	s23 =	simm.s32 $0x2CF0;
	v1 =	vld [tilespmem:s22+$0xFFFFFF90]  }
0x17a: {  	v2 =	vld [tilespmem:s23+$0xFFFFFF90]  }
0x17b: {  	v3 =	vld [tilespmem:s22+$0xFFFFFE90]  }
0x17c: {  	v4 =	vld [tilespmem:s23+$0xFFFFFE90]  }
0x17d: {  	v5 =	vld [tilespmem:s22+$0xFFFFFF10]  }
0x17e: {  	v6 =	vld [tilespmem:s23+$0xFFFFFF10]  }
0x17f: {  	v7 =	vld [tilespmem:s22+$0xFFFFFE10];
	v1 =	vmul.f32 v2, v1  }
0x180: {  	v2 =	vld [tilespmem:s23+$0xFFFFFE10]  }
0x181: {  	[tilespmem:s22+$0xFFFFFF90] =	vst v1;
	v1 =	vld [tilespmem:s22+$0xFFFFFFA0]  }
0x182: {  	v3 =	vmul.f32 v4, v3;
	v4 =	vld [tilespmem:s23+$0xFFFFFFA0]  }
0x183: {  	v8 =	vld [tilespmem:s22+$0xFFFFFE20]  }
0x184: {  	[tilespmem:s22+$0xFFFFFE90] =	vst v3;
	v3 =	vmul.f32 v6, v5;
	v5 =	vld [tilespmem:s22+$0xFFFFFEA0]  }
0x185: {  	v6 =	vld [tilespmem:s23+$0xFFFFFEA0];
	v2 =	vmul.f32 v2, v7  }
0x186: {  	[tilespmem:s22+$0xFFFFFF10] =	vst v3;
	v3 =	vld [tilespmem:s22+$0xFFFFFF20]  }
0x187: {  	v7 =	vld [tilespmem:s23+$0xFFFFFF20];
	[tilespmem:s22+$0xFFFFFE10] =	vst v2;
	v1 =	vmul.f32 v4, v1  }
0x188: {  	v2 =	vld [tilespmem:s23+$0xFFFFFE20]  }
0x189: {  	[tilespmem:s22+$0xFFFFFFA0] =	vst v1;
	v1 =	vld [tilespmem:s22+$0xFFFFFFB0]  }
0x18a: {  	v4 =	vmul.f32 v6, v5;
	v5 =	vld [tilespmem:s23+$0xFFFFFFB0]  }
0x18b: {  	v6 =	vld [tilespmem:s22+$0xFFFFFE30]  }
0x18c: {  	[tilespmem:s22+$0xFFFFFEA0] =	vst v4;
	v3 =	vmul.f32 v7, v3;
	v4 =	vld [tilespmem:s22+$0xFFFFFEB0]  }
0x18d: {  	v7 =	vld [tilespmem:s23+$0xFFFFFEB0];
	v2 =	vmul.f32 v2, v8  }
0x18e: {  	[tilespmem:s22+$0xFFFFFF20] =	vst v3;
	v3 =	vld [tilespmem:s22+$0xFFFFFF30]  }
0x18f: {  	v8 =	vld [tilespmem:s23+$0xFFFFFF30];
	[tilespmem:s22+$0xFFFFFE20] =	vst v2;
	v1 =	vmul.f32 v5, v1  }
0x190: {  	v2 =	vld [tilespmem:s23+$0xFFFFFE30]  }
0x191: {  	[tilespmem:s22+$0xFFFFFFB0] =	vst v1;
	v1 =	vld [tilespmem:s22+$0xFFFFFFC0]  }
0x192: {  	v4 =	vmul.f32 v7, v4;
	v5 =	vld [tilespmem:s23+$0xFFFFFFC0]  }
0x193: {  	v7 =	vld [tilespmem:s22+$0xFFFFFE40]  }
0x194: {  	[tilespmem:s22+$0xFFFFFEB0] =	vst v4;
	v3 =	vmul.f32 v8, v3;
	v4 =	vld [tilespmem:s22+$0xFFFFFEC0]  }
0x195: {  	v8 =	vld [tilespmem:s23+$0xFFFFFEC0];
	v2 =	vmul.f32 v2, v6  }
0x196: {  	[tilespmem:s22+$0xFFFFFF30] =	vst v3;
	v3 =	vld [tilespmem:s22+$0xFFFFFF40]  }
0x197: {  	v6 =	vld [tilespmem:s23+$0xFFFFFF40];
	[tilespmem:s22+$0xFFFFFE30] =	vst v2;
	v1 =	vmul.f32 v5, v1  }
0x198: {  	v2 =	vld [tilespmem:s23+$0xFFFFFE40]  }
0x199: {  	[tilespmem:s22+$0xFFFFFFC0] =	vst v1;
	v1 =	vld [tilespmem:s22+$0xFFFFFFD0]  }
0x19a: {  	v4 =	vmul.f32 v8, v4;
	v5 =	vld [tilespmem:s23+$0xFFFFFFD0]  }
0x19b: {  	v8 =	vld [tilespmem:s22+$0xFFFFFE50]  }
0x19c: {  	[tilespmem:s22+$0xFFFFFEC0] =	vst v4;
	v3 =	vmul.f32 v6, v3;
	v4 =	vld [tilespmem:s22+$0xFFFFFED0]  }
0x19d: {  	v6 =	vld [tilespmem:s23+$0xFFFFFED0];
	v2 =	vmul.f32 v2, v7  }
0x19e: {  	[tilespmem:s22+$0xFFFFFF40] =	vst v3;
	v3 =	vld [tilespmem:s22+$0xFFFFFF50]  }
0x19f: {  	v7 =	vld [tilespmem:s23+$0xFFFFFF50];
	[tilespmem:s22+$0xFFFFFE40] =	vst v2;
	v1 =	vmul.f32 v5, v1  }
0x1a0: {  	v2 =	vld [tilespmem:s23+$0xFFFFFE50]  }
0x1a1: {  	[tilespmem:s22+$0xFFFFFFD0] =	vst v1;
	v1 =	vld [tilespmem:s22+$0xFFFFFFE0]  }
0x1a2: {  	v4 =	vmul.f32 v6, v4;
	v5 =	vld [tilespmem:s23+$0xFFFFFFE0]  }
0x1a3: {  	v6 =	vld [tilespmem:s22+$0xFFFFFE60]  }
0x1a4: {  	[tilespmem:s22+$0xFFFFFED0] =	vst v4;
	v3 =	vmul.f32 v7, v3;
	v4 =	vld [tilespmem:s22+$0xFFFFFEE0]  }
0x1a5: {  	v7 =	vld [tilespmem:s23+$0xFFFFFEE0];
	v2 =	vmul.f32 v2, v8  }
0x1a6: {  	[tilespmem:s22+$0xFFFFFF50] =	vst v3;
	v3 =	vld [tilespmem:s22+$0xFFFFFF60]  }
0x1a7: {  	v8 =	vld [tilespmem:s23+$0xFFFFFF60];
	[tilespmem:s22+$0xFFFFFE50] =	vst v2;
	v1 =	vmul.f32 v5, v1  }
0x1a8: {  	v2 =	vld [tilespmem:s23+$0xFFFFFE60]  }
0x1a9: {  	[tilespmem:s22+$0xFFFFFFE0] =	vst v1;
	v1 =	vld [tilespmem:s22+$0xFFFFFFF0]  }
0x1aa: {  	v4 =	vmul.f32 v7, v4;
	v5 =	vld [tilespmem:s23+$0xFFFFFFF0]  }
0x1ab: {  	v7 =	vld [tilespmem:s22+$0xFFFFFE70]  }
0x1ac: {  	[tilespmem:s22+$0xFFFFFEE0] =	vst v4;
	v3 =	vmul.f32 v8, v3;
	v4 =	vld [tilespmem:s22+$0xFFFFFEF0]  }
0x1ad: {  	v8 =	vld [tilespmem:s23+$0xFFFFFEF0];
	v2 =	vmul.f32 v2, v6  }
0x1ae: {  	[tilespmem:s22+$0xFFFFFF60] =	vst v3;
	v3 =	vld [tilespmem:s22+$0xFFFFFF70]  }
0x1af: {  	v6 =	vld [tilespmem:s23+$0xFFFFFF70];
	[tilespmem:s22+$0xFFFFFE60] =	vst v2;
	v1 =	vmul.f32 v5, v1  }
0x1b0: {  	v5 =	vld [tilespmem:s23+$0xFFFFFE70]  }
0x1b1: {  	v9 =	vld [tilespmem:s22+$0x0];
	[tilespmem:s22+$0xFFFFFFF0] =	vst v1  }
0x1b2: {  	v2 =	vmul.f32 v8, v4;
	v8 =	vld [tilespmem:s23+$0x0]  }
0x1b3: {  	v1 =	vld [tilespmem:s22+$0xFFFFFE80]  }
0x1b4: {  	[tilespmem:s22+$0xFFFFFEF0] =	vst v2;
	v3 =	vmul.f32 v6, v3;
	v2 =	vld [tilespmem:s22+$0xFFFFFF00]  }
0x1b5: {  	v4 =	vld [tilespmem:s23+$0xFFFFFF00];
	v5 =	vmul.f32 v5, v7  }
0x1b6: {  	[tilespmem:s22+$0xFFFFFF70] =	vst v3;
	v3 =	vld [tilespmem:s22+$0xFFFFFF80]  }
0x1b7: {  	[tilespmem:s22+$0xFFFFFE70] =	vst v5;
	v5 =	vld [tilespmem:s23+$0xFFFFFF80];
	v7 =	vmul.f32 v8, v9  }
0x1b8: {  	s28 =	simm.s32 $0x7EF0;
	s24 =	simm.s32 $0x0;
	v6 =	vld [tilespmem:s23+$0xFFFFFE80]  }
.LBB2_9:
0x1b9: {  	v8 =	vld [tilespmem:s28+$0xFFFFFF90];
	[tilespmem:s22+$0x0] =	vst v7;
	s23 =	sadd.s32 $0x200, s23  }
0x1ba: {  	s24 =	sadd.s32 $0x4, s24;
	v7 =	vld [tilespmem:s23+$0xFFFFFF90];
	v2 =	vmul.f32 v4, v2  }
0x1bb: {  	p1 =	slt.u32 s24, $0x4C;
	v4 =	vld [tilespmem:s23+$0xFFFFFE10]  }
0x1bc: {  	v9 =	vld [tilespmem:s28+$0xFFFFFE90];
	[tilespmem:s22+$0xFFFFFF00] =	vst v2;
	v2 =	vmul.f32 v5, v3  }
0x1bd: {  	v3 =	vld [tilespmem:s23+$0xFFFFFE90];
	v1 =	vmul.f32 v6, v1  }
0x1be: {  	v5 =	vld [tilespmem:s28+$0xFFFFFF10];
	[tilespmem:s22+$0xFFFFFF80] =	vst v2  }
0x1bf: {  	v2 =	vld [tilespmem:s23+$0xFFFFFF10];
	v6 =	vmul.f32 v7, v8;
	[tilespmem:s22+$0xFFFFFE80] =	vst v1;
	s22 =	smov.u32 s28  }
0x1c0: {  	v1 =	vld [tilespmem:s28+$0xFFFFFE10]  }
0x1c1: {  	[tilespmem:s28+$0xFFFFFF90] =	vst v6;
	v6 =	vld [tilespmem:s28+$0xFFFFFFA0]  }
0x1c2: {  	v3 =	vmul.f32 v3, v9;
	v7 =	vld [tilespmem:s23+$0xFFFFFFA0]  }
0x1c3: {  	v8 =	vld [tilespmem:s28+$0xFFFFFE20]  }
0x1c4: {  	[tilespmem:s28+$0xFFFFFE90] =	vst v3;
	v3 =	vld [tilespmem:s28+$0xFFFFFEA0];
	v2 =	vmul.f32 v2, v5  }
0x1c5: {  	v1 =	vmul.f32 v4, v1;
	v4 =	vld [tilespmem:s23+$0xFFFFFEA0]  }
0x1c6: {  	[tilespmem:s28+$0xFFFFFF10] =	vst v2;
	v2 =	vld [tilespmem:s28+$0xFFFFFF20]  }
0x1c7: {  	[tilespmem:s28+$0xFFFFFE10] =	vst v1;
	v1 =	vld [tilespmem:s23+$0xFFFFFF20];
	v5 =	vmul.f32 v7, v6  }
0x1c8: {  	v6 =	vld [tilespmem:s23+$0xFFFFFE20]  }
0x1c9: {  	[tilespmem:s28+$0xFFFFFFA0] =	vst v5;
	v5 =	vld [tilespmem:s28+$0xFFFFFFB0]  }
0x1ca: {  	v3 =	vmul.f32 v4, v3;
	v4 =	vld [tilespmem:s23+$0xFFFFFFB0]  }
0x1cb: {  	v7 =	vld [tilespmem:s28+$0xFFFFFE30]  }
0x1cc: {  	[tilespmem:s28+$0xFFFFFEA0] =	vst v3;
	v3 =	vld [tilespmem:s28+$0xFFFFFEB0];
	v1 =	vmul.f32 v1, v2  }
0x1cd: {  	v2 =	vmul.f32 v6, v8;
	v6 =	vld [tilespmem:s23+$0xFFFFFEB0]  }
0x1ce: {  	[tilespmem:s28+$0xFFFFFF20] =	vst v1;
	v1 =	vld [tilespmem:s28+$0xFFFFFF30]  }
0x1cf: {  	[tilespmem:s28+$0xFFFFFE20] =	vst v2;
	v2 =	vld [tilespmem:s23+$0xFFFFFF30];
	v4 =	vmul.f32 v4, v5  }
0x1d0: {  	v5 =	vld [tilespmem:s23+$0xFFFFFE30]  }
0x1d1: {  	[tilespmem:s28+$0xFFFFFFB0] =	vst v4;
	v4 =	vld [tilespmem:s28+$0xFFFFFFC0]  }
0x1d2: {  	v3 =	vmul.f32 v6, v3;
	v6 =	vld [tilespmem:s23+$0xFFFFFFC0]  }
0x1d3: {  	v8 =	vld [tilespmem:s28+$0xFFFFFE40]  }
0x1d4: {  	[tilespmem:s28+$0xFFFFFEB0] =	vst v3;
	v3 =	vld [tilespmem:s28+$0xFFFFFEC0];
	v1 =	vmul.f32 v2, v1  }
0x1d5: {  	v2 =	vmul.f32 v5, v7;
	v5 =	vld [tilespmem:s23+$0xFFFFFEC0]  }
0x1d6: {  	[tilespmem:s28+$0xFFFFFF30] =	vst v1;
	v1 =	vld [tilespmem:s28+$0xFFFFFF40]  }
0x1d7: {  	[tilespmem:s28+$0xFFFFFE30] =	vst v2;
	v2 =	vld [tilespmem:s23+$0xFFFFFF40];
	v4 =	vmul.f32 v6, v4  }
0x1d8: {  	v6 =	vld [tilespmem:s23+$0xFFFFFE40]  }
0x1d9: {  	[tilespmem:s28+$0xFFFFFFC0] =	vst v4;
	v4 =	vld [tilespmem:s28+$0xFFFFFFD0]  }
0x1da: {  	v3 =	vmul.f32 v5, v3;
	v5 =	vld [tilespmem:s23+$0xFFFFFFD0]  }
0x1db: {  	v7 =	vld [tilespmem:s28+$0xFFFFFE50]  }
0x1dc: {  	[tilespmem:s28+$0xFFFFFEC0] =	vst v3;
	v3 =	vld [tilespmem:s28+$0xFFFFFED0];
	v1 =	vmul.f32 v2, v1  }
0x1dd: {  	v2 =	vmul.f32 v6, v8;
	v6 =	vld [tilespmem:s23+$0xFFFFFED0]  }
0x1de: {  	[tilespmem:s28+$0xFFFFFF40] =	vst v1;
	v1 =	vld [tilespmem:s28+$0xFFFFFF50]  }
0x1df: {  	[tilespmem:s28+$0xFFFFFE40] =	vst v2;
	v2 =	vld [tilespmem:s23+$0xFFFFFF50];
	v4 =	vmul.f32 v5, v4  }
0x1e0: {  	v5 =	vld [tilespmem:s23+$0xFFFFFE50]  }
0x1e1: {  	[tilespmem:s28+$0xFFFFFFD0] =	vst v4;
	v4 =	vld [tilespmem:s28+$0xFFFFFFE0]  }
0x1e2: {  	v3 =	vmul.f32 v6, v3;
	v6 =	vld [tilespmem:s23+$0xFFFFFFE0]  }
0x1e3: {  	v8 =	vld [tilespmem:s28+$0xFFFFFE60]  }
0x1e4: {  	[tilespmem:s28+$0xFFFFFED0] =	vst v3;
	v3 =	vld [tilespmem:s28+$0xFFFFFEE0];
	v1 =	vmul.f32 v2, v1  }
0x1e5: {  	v2 =	vmul.f32 v5, v7;
	v5 =	vld [tilespmem:s23+$0xFFFFFEE0]  }
0x1e6: {  	[tilespmem:s28+$0xFFFFFF50] =	vst v1;
	v1 =	vld [tilespmem:s28+$0xFFFFFF60]  }
0x1e7: {  	[tilespmem:s28+$0xFFFFFE50] =	vst v2;
	v2 =	vld [tilespmem:s23+$0xFFFFFF60];
	v4 =	vmul.f32 v6, v4  }
0x1e8: {  	v6 =	vld [tilespmem:s23+$0xFFFFFE60]  }
0x1e9: {  	[tilespmem:s28+$0xFFFFFFE0] =	vst v4;
	v4 =	vld [tilespmem:s28+$0xFFFFFFF0]  }
0x1ea: {  	v3 =	vmul.f32 v5, v3;
	v5 =	vld [tilespmem:s23+$0xFFFFFFF0]  }
0x1eb: {  	v7 =	vld [tilespmem:s28+$0xFFFFFE70]  }
0x1ec: {  	[tilespmem:s28+$0xFFFFFEE0] =	vst v3;
	v3 =	vld [tilespmem:s28+$0xFFFFFEF0];
	v1 =	vmul.f32 v2, v1  }
0x1ed: {  	v2 =	vmul.f32 v6, v8;
	v6 =	vld [tilespmem:s23+$0xFFFFFEF0]  }
0x1ee: {  	[tilespmem:s28+$0xFFFFFF60] =	vst v1;
	v8 =	vld [tilespmem:s28+$0xFFFFFF70]  }
0x1ef: {  	[tilespmem:s28+$0xFFFFFE60] =	vst v2;
	v9 =	vld [tilespmem:s23+$0xFFFFFF70];
	v1 =	vmul.f32 v5, v4  }
0x1f0: {  	v4 =	vld [tilespmem:s23+$0xFFFFFE70]  }
0x1f1: {  	[tilespmem:s28+$0xFFFFFFF0] =	vst v1;
	v10 =	vld [tilespmem:s28+$0x0]  }
0x1f2: {  	v2 =	vmul.f32 v6, v3;
	v6 =	vld [tilespmem:s23+$0x0]  }
0x1f3: {  	v1 =	vld [tilespmem:s28+$0xFFFFFE80]  }
.Ltmp8:
0x1f4: {  	[tilespmem:s28+$0xFFFFFEF0] =	vst v2;
	v2 =	vld [tilespmem:s28+$0xFFFFFF00];
	v3 =	vmul.f32 v9, v8;
	(pc) =	sbr.rel @p1 .LBB2_9-.Ltmp8, $4  }
0x1f5: {  	v5 =	vmul.f32 v4, v7;
	v4 =	vld [tilespmem:s23+$0xFFFFFF00]  }
0x1f6: {  	[tilespmem:s28+$0xFFFFFF70] =	vst v3;
	v3 =	vld [tilespmem:s28+$0xFFFFFF80]  }
0x1f7: {  	[tilespmem:s28+$0xFFFFFE70] =	vst v5;
	v5 =	vld [tilespmem:s23+$0xFFFFFF80];
	v7 =	vmul.f32 v6, v10  }
0x1f8: {  	s28 =	sadd.s32 $0x200, s28;
	v6 =	vld [tilespmem:s23+$0xFFFFFE80]  }
0x1f9: {  	_ =	sdelay $0x1  }
0x1fa: {  	v2 =	vmul.f32 v4, v2  }
.Ltmp9:
0x1fb: {  	[tilespmem:s22+$0x0] =	vst v7;
	v3 =	vmul.f32 v5, v3;
	(pc) =	sbr.rel .LBB2_11-.Ltmp9, $4  }
0x1fc: {  	[tilespmem:s22+$0xFFFFFF00] =	vst v2;
	v1 =	vmul.f32 v6, v1  }
0x1fd: {  	[tilespmem:s22+$0xFFFFFF80] =	vst v3  }
0x1fe: {  	[tilespmem:s22+$0xFFFFFE80] =	vst v1  }
0x1ff: {  	[spmem:s3] =	stream.indirect.scatter.add.f32 [tilespmem:s20], [sflag:$0x8], $0x80, s19, s10, $0xb8;
	[tilespmem:$0x1DB80] =	vst v63  }
.LBB2_13:
0x200: {  	_ =	sfence.sel $0x180000  }
0x201: {  	[bflag:$0x0] =	sbarrier.arrive $0xFFFF  }
0x202: {  	_ =	strace $0x90000047  }
0x203: {  	s0 =	stileid.u32;
	[bflag:$0x2] =	sbarrier.arrive $0xFFFF  }
0x204: {  	p0 =	sne.s32 s0, $0x0;
	s0 =	rddreg [dreg:$0x4]  }
0x205: {  	s0 =	sadd.s32 @!p0 $0x100000, s0  }
0x206: {  	[sflag:s0] =	ssyncadd.tile.s32 @!p0 $0x1;
	_ =	shalt  }
.Lfunc_end2:
_tile_overlayer_lowered:
.L_overlay_start_2:
0x207: {  	(tag) =	ssettag $0x2  }
0x208: {  	s0 =	rddreg [dreg:$0x0];
	s2 =	stileid.u32  }
0x209: {  	s1 =	rddreg [dreg:$0x1];
	p0 =	sne.s32 s2, $0x0  }
0x20a: {  	s3 =	rddreg [dreg:$0x2];
	[bflag:$0x3] =	sbarrier.arrive $0xFFFF;
	s2 =	simm.s32 @!p0 $0x1C09  }
0x20b: {  	[timem:s3], [sflag:s2] =	dma.local @!p0 [hbm:s0], s1  }
0x20c: {  	s0 =	simm.s32 @!p0 $0x9  }
0x20d: {  	_ =	swait.ge @!p0 [sflag:s0], s1  }
0x20e: {  	s1 =	ssub.s32 @!p0 $0x0, s1;
	[sflag:s0] =	ssyncset.done @!p0 $0x0  }
0x20f: {  	[sflag:s0] =	ssyncadd.s32 @!p0 s1  }
0x210: {  	[bflag:$0x3] =	sbarrier.arrive $0xFFFF  }
0x211: {  	_ =	shalt  }

// kernel: kernel.7.cloned.1.call-start
scs
__scs_entry_jumppad:
0x0: {  	(pc) =	sbr.rel $0x88, $3  }
0x1: {  	(tag) =	ssettag $0x0;
	lr =	simm.s32 $0x1  }
0x2: {  	[smem:$0x3F99] =	sst lr;
	_ =	strace $0xD0000000  }
0x3: {  	_ = 	snop  }
0x4: {  	_ = 	snop  }
0x5: {  	_ = 	snop  }
0x6: {  	_ = 	snop  }
0x7: {  	_ = 	snop  }
__scs_overlays_trampoline_lowered:
0x8: {  	[smem:$0x3FA8] =	sst s0  }
0x9: {  	[smem:$0x3FA9] =	sst s1  }
0xa: {  	[smem:$0x3FAA] =	sst s2  }
0xb: {  	[smem:$0x3FAB] =	sst s3  }
0xc: {  	[smem:$0x3FAC] =	sst s4  }
0xd: {  	[smem:$0x3FAD] =	sst s5  }
0xe: {  	[smem:$0x3FAE] =	sst s6  }
0xf: {  	[smem:$0x3FAF] =	sst s7  }
0x10: {  	[smem:$0x3FB0] =	sst s8  }
0x11: {  	[smem:$0x3FB1] =	sst s9;
	s0 =	simm.s32 @!p0 $0x0  }
0x12: {  	s1 =	sld [smem:$0x3F97];
	s0 =	simm.s32 @p0 $0x1  }
0x13: {  	[smem:$0x3FB2] =	sst s0;
	s0 =	simm.s32 @!p1 $0x0  }
0x14: {  	s2 =	sld [smem:$0x3F96];
	s0 =	simm.s32 @p1 $0x1  }
0x15: {  	[smem:$0x3FB3] =	sst s0;
	s0 =	simm.s32 @!p2 $0x0  }
0x16: {  	s3 =	sld [smem:$0x3FDB];
	s0 =	simm.s32 @p2 $0x1  }
0x17: {  	s4 =	simm.s32 $0x1BF5;
	[smem:$0x3FB5] =	sst s0  }
0x18: {  	s0 =	sld [smem:$0x3F98];
	_ =	swait.ge [sflag:s4], $0x0  }
0x19: {  	s7 =	sld [smem:$0x3F99]  }
0x1a: {  	s8 =	sadd.s32 $0xFFFFE003, lr  }
0x1b: {  	s9 =	sadd.s32 $0xFFFFFEF7, lr;
	s5 =	simm.s32 $0xFFFFFFFF;
	p2 =	slt.u32 s8, $0xFFFFF086  }
0x1c: {  	p1 =	slt.u32 s9, $0xF7A;
	s5 =	simm.s32 @!p2 $0x0  }
0x1d: {  	s5 =	simm.s32 @p1 $0x1;
	p0 =	seq.s32 s7, s2  }
0x1e: {  	s7 =	smul.u32 @!p0 $0xF7A, s2;
	p2 =	seq.s32 @!p0 s5, $0x0  }
0x1f: {  	s9 =	smul.u32 $0xF7A, s1;
	s8 =	simm.s32 @!p0 $0x1BF5;
	p2 =	por !p2, p0  }
0x20: {  	[sflag:s8] =	ssyncset.s32 @!p0 $0xFFFFF086;
	s6 =	sadd.s32 @!p0 s3, s7;
	s7 =	simm.s32 @!p0 $0x108  }
0x21: {  	s3 =	sadd.s32 s3, s9;
	s6 =	sadd.s32 @!p0 $0x88, s6;
	s7 =	simm.s32 @p2 $0x1082  }
0x22: {  	[simem:s7], [sflag:s8] =	dma.local @!p0 [hbm:s6], $0xF7A  }
0x23: {  	s9 =	sor.u32 $0xD0000000, s2;
	s6 =	simm.s32 $0x108;
	_ =	swait.ge @!p0 [sflag:s8], $0x0  }
0x24: {  	s3 =	sadd.s32 $0x88, s3;
	s6 =	simm.s32 @!p1 $0x1082;
	[sflag:s4] =	ssyncset.s32 $0xFFFFF086  }
0x25: {  	[simem:s6], [sflag:s4] =	dma.local [hbm:s3], $0xF7A  }
0x26: {  	[smem:$0x3F99] =	sst s1;
	(tag) =	ssettag s2;
	_ =	strace s9  }
0x27: {  	s1 =	sld [smem:$0x3FA9]  }
0x28: {  	s2 =	sld [smem:$0x3FAA]  }
0x29: {  	s4 =	sld [smem:$0x3FAC]  }
0x2a: {  	p0 =	seq.s32 s5, $0x0;
	s5 =	sld [smem:$0x3FAD]  }
0x2b: {  	s6 =	sld [smem:$0x3FAE]  }
0x2c: {  	s7 =	sld [smem:$0x3FAF]  }
0x2d: {  	s3 =	simm.s32 $0x108;
	s8 =	sld [smem:$0x3FB0]  }
0x2e: {  	s3 =	simm.s32 @!p0 $0x1082;
	s9 =	sld [smem:$0x3FB1]  }
0x2f: {  	lr =	sadd.s32 s0, s3;
	s0 =	sld [smem:$0x3FA8]  }
0x30: {  	s3 =	sld [smem:$0x3FAB]  }
0x31: {  	[smem:$0x3FB4] =	sst s10  }
0x32: {  	s10 =	sld [smem:$0x3FB2];
	_ =	sdelay $0x3  }
0x33: {  	p0 =	seq.s32 s10, $0x1;
	s10 =	sld [smem:$0x3FB4];
	_ =	sdelay $0x3  }
0x34: {  	[smem:$0x3FB4] =	sst s10  }
0x35: {  	s10 =	sld [smem:$0x3FB3];
	_ =	sdelay $0x3  }
0x36: {  	p1 =	seq.s32 s10, $0x1;
	s10 =	sld [smem:$0x3FB4];
	_ =	sdelay $0x3  }
0x37: {  	[smem:$0x3FB4] =	sst s10  }
0x38: {  	s10 =	sld [smem:$0x3FB5]  }
0x39: {  	_ = 	snop;
	(pc) =	sbr.ind lr, $3  }
0x3a: {  	_ = 	snop  }
0x3b: {  	_ = 	snop  }
0x3c: {  	p2 =	seq.s32 s10, $0x1;
	s10 =	sld [smem:$0x3FB4]  }
0x3d: {  	_ =	shalt  }
0x3e: {  	_ =	shalt  }
0x3f: {  	_ =	shalt  }
0x40: {  	_ =	shalt  }
0x41: {  	_ =	shalt  }
0x42: {  	_ =	shalt  }
0x43: {  	_ =	shalt  }
0x44: {  	_ =	shalt  }
0x45: {  	_ =	shalt  }
0x46: {  	_ =	shalt  }
0x47: {  	_ =	shalt  }
0x48: {  	_ =	shalt  }
0x49: {  	_ =	shalt  }
0x4a: {  	_ =	shalt  }
0x4b: {  	_ =	shalt  }
0x4c: {  	_ =	shalt  }
0x4d: {  	_ =	shalt  }
0x4e: {  	_ =	shalt  }
0x4f: {  	_ =	shalt  }
0x50: {  	_ =	shalt  }
0x51: {  	_ =	shalt  }
0x52: {  	_ =	shalt  }
0x53: {  	_ =	shalt  }
0x54: {  	_ =	shalt  }
0x55: {  	_ =	shalt  }
0x56: {  	_ =	shalt  }
0x57: {  	_ =	shalt  }
0x58: {  	_ =	shalt  }
0x59: {  	_ =	shalt  }
0x5a: {  	_ =	shalt  }
0x5b: {  	_ =	shalt  }
0x5c: {  	_ =	shalt  }
0x5d: {  	_ =	shalt  }
0x5e: {  	_ =	shalt  }
0x5f: {  	_ =	shalt  }
0x60: {  	_ =	shalt  }
0x61: {  	_ =	shalt  }
0x62: {  	_ =	shalt  }
0x63: {  	_ =	shalt  }
0x64: {  	_ =	shalt  }
0x65: {  	_ =	shalt  }
0x66: {  	_ =	shalt  }
0x67: {  	_ =	shalt  }
0x68: {  	_ =	shalt  }
0x69: {  	_ =	shalt  }
0x6a: {  	_ =	shalt  }
0x6b: {  	_ =	shalt  }
0x6c: {  	_ =	shalt  }
0x6d: {  	_ =	shalt  }
0x6e: {  	_ =	shalt  }
0x6f: {  	_ =	shalt  }
0x70: {  	_ =	shalt  }
0x71: {  	_ =	shalt  }
0x72: {  	_ =	shalt  }
0x73: {  	_ =	shalt  }
0x74: {  	_ =	shalt  }
0x75: {  	_ =	shalt  }
0x76: {  	_ =	shalt  }
0x77: {  	_ =	shalt  }
0x78: {  	_ =	shalt  }
0x79: {  	_ =	shalt  }
0x7a: {  	_ =	shalt  }
0x7b: {  	_ =	shalt  }
0x7c: {  	_ =	shalt  }
0x7d: {  	_ =	shalt  }
0x7e: {  	_ =	shalt  }
0x7f: {  	_ =	shalt  }
0x80: {  	_ =	shalt  }
0x81: {  	_ =	shalt  }
0x82: {  	_ =	shalt  }
0x83: {  	_ =	shalt  }
0x84: {  	_ =	shalt  }
0x85: {  	_ =	shalt  }
0x86: {  	_ =	shalt  }
0x87: {  	_ =	shalt  }
.Lfunc_end0:
.L_simem_size_0:
called_computation_lowered:
.L_overlay_start_0:
0x88: {  	s2 =	sld [smem:$0x3FD9]  }
0x89: {  	s3 =	sld [smem:$0x3FFE];
	_ =	sdelay $0x1  }
0x8a: {  	s1 =	srdreg.scid  }
0x8b: {  	s0 =	sand.u32 $0x1, s1  }
0x8c: {  	s17 =	sshll.u32 s0, $0xA;
	s2 =	sadd.s32 s3, s2  }
0x8d: {  	s2 =	sadd.s32 s2, s17  }
0x8e: {  	[smem:$0x3FC0] =	sst s2  }
0x8f: {  	_ = 	snop  }
0x90: {  	s18 =	sld [smem:$0x3FC9];
	(tm) =	ssettm $0x1  }
0x91: {  	s19 =	sld [smem:$0x3FFB];
	_ =	sdelay $0x3  }
0x92: {  	_ =	strace s19  }
0x93: {  	s2 =	sld [smem:$0x3FFC];
	_ =	sdelay $0x3  }
0x94: {  	_ =	strace s2  }
0x95: {  	s2 =	sld [smem:$0x3FFD];
	_ =	sdelay $0x3  }
0x96: {  	_ =	strace s2  }
0x97: {  	_ =	strace $0x8FFFFFFF  }
0x98: {  	s20 =	sld [smem:$0x3FDB];
	_ =	sdelay $0x1  }
0x99: {  	s4 =	simm.s32 $_scs_section_size  }
0x9a: {  	s5 =	simm.s32 $_size__tile_overlayer_lowered;
	s6 =	simm.s32 $_tile_overlayer_lowered  }
0x9b: {  	s7 =	simm.s32 $0x1BFF;
	s21 =	sshll.u32 s6, $0x1;
	s4 =	sadd.s32 s4, s20  }
0x9c: {  	s22 =	simm.s32 $0x0;
	s5 =	sshll.u32 s5, $0x1;
	s6 =	sadd.s32 s21, s4  }
0x9d: {  	[timem:s22], [sflag:s7] =	dma.local [hbm:s6], s5  }
0x9e: {  	_ =	swait.ge [sflag:s7], s5  }
0x9f: {  	s5 =	ssub.s32 $0x0, s5;
	[sflag:s7] =	ssyncset.done $0x0  }
0xa0: {  	[sflag:s7] =	ssyncadd.s32 s5;
	_ =	sdelay $0x1  }
0xa1: {  	s23 =	simm.s32 $0x1B8B  }
0xa2: {  	_ =	swait.ge [sflag:s23], $0x1  }
0xa3: {  	[sflag:s23] =	ssyncset.done $0x0  }
0xa4: {  	[sflag:s23] =	ssyncadd.s32 $0xFFFFFFFF  }
0xa5: {  	s5 =	sld [smem:$0x0]  }
0xa6: {  	s6 =	sand.u32 $0xFFFFFFFE, s1  }
0xa7: {  	p0 =	sne.s32 s1, s6  }
0xa8: {  	s6 =	sshll.u32 @p0 s6, $0xE  }
0xa9: {  	s6 =	sadd.s32 @p0 $0x11B8D, s6;
	s7 =	sshll.u32 @p0 s5, $0x11  }
0xaa: {  	s6 =	sor.u32 @p0 s7, s6  }
0xab: {  	[sflag:s6] =	ssyncadd.remote.s32 @p0 $0x1;
	_ =	sdelay $0x1  }
0xac: {  	s6 =	simm.s32 @p0 $0x1B8D  }
0xad: {  	_ =	swait.eq @p0 [sflag:s6], $0x1  }
0xae: {  	[sflag:s6] =	ssyncadd.s32 @p0 $0xFFFFFFFF  }
0xaf: {  	s7 =	sshll.u32 @!p0 s1, $0xE  }
0xb0: {  	s7 =	sor.u32 @!p0 $0x4000, s7;
	s6 =	simm.s32 @!p0 $0x1B8D  }
0xb1: {  	s5 =	sshll.u32 @!p0 s5, $0x11;
	s7 =	sadd.s32 @!p0 $0x11B8D, s7;
	_ =	swait.eq @!p0 [sflag:s6], $0x1  }
0xb2: {  	s5 =	sor.u32 @!p0 s5, s7;
	[sflag:s6] =	ssyncadd.s32 @!p0 $0xFFFFFFFF  }
0xb3: {  	s25 =	simm.s32 $0x1B8E;
	s24 =	sld [smem:$0x3FFE];
	[sflag:s5] =	ssyncadd.remote.s32 @!p0 $0x1  }
0xb4: {  	s26 =	simm.s32 $execute0_lowered;
	[smem:$0x3FD2] =	sst s25  }
0xb5: {  	s6 =	sshll.u32 s26, $0x1;
	_ =	strace $0x80000049;
	[dreg:$0x1] =	wrdreg $0xFFFFFFFF  }
0xb6: {  	s28 =	simm.s32 $_size_execute0_lowered;
	s4 =	sadd.s32 s4, s6;
	[dreg:$0x0] =	wrdreg $0x0  }
0xb7: {  	s6 =	sshll.u32 s28, $0x1;
	[dreg:$0x2] =	wrdreg s4  }
0xb8: {  	[dreg:$0x3] =	wrdreg s6  }
0xb9: {  	[dreg:$0x4] =	wrdreg $0xC0  }
0xba: {  	_ =	task [dreg:s22], $0x5FFFF  }
0xbb: {  	[dreg:$0x1] =	wrdreg $0xFFFFFFFF  }
0xbc: {  	[dreg:$0x0] =	wrdreg $0x60  }
0xbd: {  	[dreg:$0x2] =	wrdreg s18  }
0xbe: {  	[dreg:$0x3] =	wrdreg s24  }
0xbf: {  	[dreg:$0x4] =	wrdreg $0xA3000  }
0xc0: {  	[dreg:$0x5] =	wrdreg $0x9  }
0xc1: {  	_ =	task.clear_ibuf [dreg:s22], $0x6FFFF;
	_ =	strace $0x90000049  }
0xc2: {  	s29 =	simm.s32 $0x9;
	_ =	strace $0x8000004B  }
0xc3: {  	_ =	swait.ge [sflag:s29], $0x1  }
0xc4: {  	[sflag:s29] =	ssyncadd.s32 $0xFFFFFFFF  }
0xc5: {  	_ =	strace $0x9000004B  }
0xc6: {  	_ =	sfence  }
0xc7: {  	s30 =	sld [smem:$0x0];
	_ =	sdelay $0x2  }
0xc8: {  	s31 =	sshll.u32 s1, $0xD;
	s1 =	sshrl.u32 s1, $0x2  }
0xc9: {  	s4 =	sand.u32 $0x4000, s31;
	s1 =	sadd.s32 s1, s30  }
0xca: {  	s0 =	sor.u32 s4, s0;
	s1 =	sshll.u32 s1, $0x11  }
0xcb: {  	s0 =	sor.u32 s1, s0  }
0xcc: {  	s0 =	sadd.s32 $0x8F2B, s0  }
0xcd: {  	[sflag:s0] =	ssyncadd.remote.s32 $0x1  }
0xce: {  	_ =	sfence.sel $0xFFFF  }
0xcf: {  	[dreg:$0x0] =	wrdreg $0xFFFFFFFF;
	(pc) =	sbr.abs _section_cstart, $3  }
0xd0: {  	[dreg:$0x1] =	wrdreg $0xFFFFFFFF  }
0xd1: {  	_ =	task.clear_ibuf [dreg:s22], $0x2FFFF;
	_ =	strace $0x9FFFFFFF  }
0xd2: {  	(tm) =	ssettm $0x7FFFFFFF  }
0xd3: {  	_ =	shalt  }
tec
execute0_lowered:
.L_overlay_start_1:
0x0: {  	(tag) =	ssettag $0x1  }
0x1: {  	s4 =	srdreg.scid;
	s24 =	stileid.u32  }
0x2: {  	s4 =	sand.u32 $0x1, s4;
	s11 =	smul.u32 $0x2800, s24  }
0x3: {  	s10 =	sor.u32 $0x10, s24;
	s9 =	smul.u32 $0x138800, s4  }
0x4: {  	s1 =	rddreg [dreg:$0x0];
	s12 =	sor.u32 $0x20, s24;
	s13 =	smul.u32 $0x2800, s10  }
0x5: {  	s0 =	rddreg [dreg:$0x1];
	s17 =	sor.u32 $0x40, s24;
	s14 =	smul.u32 $0x2800, s12  }
0x6: {  	s2 =	rddreg [dreg:$0x2];
	s18 =	sor.u32 $0x50, s24;
	s19 =	smul.u32 $0x2800, s17  }
0x7: {  	s3 =	simm.s32 $0x0;
	s20 =	sor.u32 $0x60, s24;
	s29 =	smul.u32 $0x2800, s18  }
0x8: {  	s5 =	sadd.s32 $0x2CF600, s0;
	s21 =	sor.u32 $0x70, s24;
	s22 =	smul.u32 $0x2800, s20  }
0x9: {  	[smem:$0x7FF] =	sst s3;
	s7 =	sadd.s32 $0x540600, s0;
	s23 =	smul.u32 $0x2800, s21  }
0xa: {  	_ =	strace $0x8000004A;
	s6 =	ssub.s32 $0x2, s4;
	s12 =	smul.u32 $0xA000, s12  }
0xb: {  	s4 =	sshll.u32 s4, $0x4;
	s20 =	smul.u32 $0xA000, s20;
	s8 =	sshrl.u32 s6, $0x1  }
0xc: {  	s8 =	ssub.s32 s6, s8;
	s6 =	sor.u32 s24, s4;
	s4 =	sor.u32 $0x30, s24  }
0xd: {  	s11 =	sadd.s32 s9, s11;
	s13 =	sadd.s32 s9, s13;
	s14 =	sadd.s32 s9, s14  }
0xe: {  	s19 =	sadd.s32 s9, s19;
	s22 =	sadd.s32 s9, s22;
	s15 =	ssub.s32 $0xF, s6  }
0xf: {  	s16 =	smul.u32 $0x2800, s4;
	s11 =	sshrl.u32 s11, $0x3;
	s13 =	sshrl.u32 s13, $0x3  }
0x10: {  	s14 =	sshrl.u32 s14, $0x3;
	s26 =	sshrl.u32 s19, $0x3;
	s8 =	smax.u32 s8, $0x1  }
0x11: {  	s4 =	smul.u32 $0xA000, s4;
	s15 =	sand.u32 $0x20, s15;
	s11 =	sadd.s32 s7, s11  }
0x12: {  	[dreg:$0x11] =	wrdreg s8;
	s8 =	simm.s32 $0x9;
	p0 =	seq.s32 s15, $0x0  }
0x13: {  	s16 =	sadd.s32 s9, s16;
	s15 =	sadd.s32 s9, s29;
	s9 =	sadd.s32 s9, s23  }
0x14: {  	s23 =	smul.u32 $0xA, s6;
	[dreg:$0x4] =	wrdreg s11;
	s11 =	sadd.s32 s7, s13  }
0x15: {  	s29 =	sshrl.u32 s22, $0x3;
	s22 =	smul.u32 $0x500, s6;
	s4 =	sshrl.u32 s4, $0x2  }
0x16: {  	[dreg:$0x5] =	wrdreg s11;
	s16 =	sshrl.u32 s16, $0x3;
	s11 =	sadd.s32 s7, s14  }
0x17: {  	s28 =	sshrl.u32 s15, $0x3;
	s13 =	sadd.s32 s7, s29;
	s9 =	sshrl.u32 s9, $0x3  }
0x18: {  	s15 =	sadd.s32 $0x6400, s0;
	s14 =	smul.u32 $0x50, s6;
	[dreg:$0x6] =	wrdreg s11  }
0x19: {  	s29 =	smul.u32 $0xA000, s24;
	s25 =	sadd.s32 s7, s16;
	[dreg:$0xa] =	wrdreg s13  }
0x1a: {  	s11 =	sadd.s32 s7, s26;
	s16 =	sadd.s32 $0xB400, s0;
	[dreg:$0x7] =	wrdreg s25  }
0x1b: {  	s19 =	sadd.s32 s15, s23;
	s26 =	smul.u32 $0xA000, s10;
	[dreg:$0x8] =	wrdreg s11  }
0x1c: {  	s0 =	sadd.s32 s5, s22;
	s22 =	smul.u32 $0xA000, s21;
	[dreg:$0xc] =	wrdreg s19  }
0x1d: {  	s10 =	simm.s32 $0x50;
	s11 =	sadd.s32 s7, s28;
	[dreg:$0xe] =	wrdreg s0  }
0x1e: {  	s7 =	sadd.s32 s7, s9;
	s25 =	sadd.s32 s16, s23;
	[dreg:$0x9] =	wrdreg s11  }
0x1f: {  	s19 =	smul.u32 $0xA000, s18;
	s23 =	sadd.s32 s4, s2;
	[dreg:$0xb] =	wrdreg s7  }
0x20: {  	s9 =	simm.s32 $0x1;
	s18 =	simm.s32 $0x6;
	[dreg:$0xd] =	wrdreg s25  }
0x21: {  	s7 =	sshrl.u32 s14, $0x3;
	s13 =	sshrl.u32 s26, $0x2;
	s14 =	smul.u32 $0xA000, s17  }
0x22: {  	s25 =	simm.s32 $0x8;
	s26 =	simm.s32 $0x7;
	[dreg:$0x15] =	wrdreg s23  }
0x23: {  	s28 =	sadd.s32 $0x140, s7;
	s7 =	sshrl.u32 s29, $0x2;
	s25 =	simm.s32 @!p0 $0x7  }
0x24: {  	s26 =	simm.s32 @!p0 $0x8;
	p0 =	sgt.u32 s21, $0x7C;
	s24 =	sshrl.u32 s19, $0x2  }
0x25: {  	s29 =	sshrl.u32 s22, $0x2;
	s19 =	simm.s32 $0x280;
	s11 =	sadd.s32 s15, s28  }
0x26: {  	s0 =	sadd.s32 s16, s28;
	s7 =	sadd.s32 s7, s2;
	s17 =	sshrl.u32 s14, $0x2  }
0x27: {  	s28 =	sshrl.u32 s20, $0x2;
	s31 =	sadd.s32 s24, s2;
	[dreg:$0xf] =	wrdreg s11  }
0x28: {  	s4 =	sadd.s32 s29, s2;
	s14 =	simm.s32 $0x200;
	[dreg:$0x10] =	wrdreg s0  }
.Ltmp0:
0x29: {  	s20 =	simm.s32 $0x7B00;
	[dreg:$0x12] =	wrdreg s7;
	(pc) =	sbr.rel .LBB2_1-.Ltmp0, $4  }
0x2a: {  	s7 =	sadd.s32 s13, s2;
	s0 =	sshrl.u32 s12, $0x2;
	s30 =	sadd.s32 s17, s2  }
0x2b: {  	s11 =	simm.s32 $0x5300;
	s12 =	simm.s32 $0x3;
	s13 =	simm.s32 $0x5  }
0x2c: {  	s17 =	simm.s32 $0x4;
	[dreg:$0x13] =	wrdreg s7;
	s0 =	sadd.s32 s0, s2  }
0x2d: {  	v0 =	vimm.f32 $0.0e+00;
	s7 =	simm.s32 $0x300;
	[dreg:$0x14] =	wrdreg s0;
	s0 =	sadd.s32 s28, s2  }
.LBB2_12:
0x2e: {  	_ =	swait.ge [sflag:s25], $0x2800  }
0x2f: {  	[sflag:s25] =	ssyncset.done $0x0  }
0x30: {  	[sflag:s25] =	ssyncadd.s32 $0xFFFFD800  }
0x31: {  	_ =	swait.ge [sflag:s26], $0x2800  }
0x32: {  	[sflag:s26] =	ssyncset.done $0x0  }
0x33: {  	[sflag:s26] =	ssyncadd.s32 $0xFFFFD800  }
0x34: {  	s21 =	stileid.u32;
	[bflag:$0x0] =	sbarrier.arrive $0xFFFF  }
0x35: {  	s21 =	sshll.u32 s21, $0x6;
	s22 =	rddreg [dreg:$0x12]  }
0x36: {  	s21 =	sor.u32 $0x1C09, s21;
	s23 =	rddreg [dreg:$0x4];
	s22 =	sshrl.u32 s22, $0x3  }
0x37: {  	[hbm:s23], [sflag:s21] =	dma.local [spmem:s22], $0x500  }
0x38: {  	_ =	swait.ge [sflag:s8], $0x500  }
0x39: {  	[sflag:s8] =	ssyncset.done $0x0;
	s28 =	rddreg [dreg:$0x13]  }
0x3a: {  	s29 =	rddreg [dreg:$0x5];
	[sflag:s8] =	ssyncadd.s32 $0xFFFFFB00;
	s22 =	sshrl.u32 s28, $0x3  }
0x3b: {  	[hbm:s29], [sflag:s21] =	dma.local [spmem:s22], $0x500  }
0x3c: {  	_ =	swait.ge [sflag:s8], $0x500  }
0x3d: {  	[sflag:s8] =	ssyncset.done $0x0;
	s23 =	rddreg [dreg:$0x14]  }
0x3e: {  	s24 =	rddreg [dreg:$0x6];
	[sflag:s8] =	ssyncadd.s32 $0xFFFFFB00;
	s22 =	sshrl.u32 s23, $0x3  }
0x3f: {  	[hbm:s24], [sflag:s21] =	dma.local [spmem:s22], $0x500  }
0x40: {  	_ =	swait.ge [sflag:s8], $0x500  }
0x41: {  	[sflag:s8] =	ssyncset.done $0x0;
	s28 =	rddreg [dreg:$0x15]  }
0x42: {  	s29 =	rddreg [dreg:$0x7];
	[sflag:s8] =	ssyncadd.s32 $0xFFFFFB00;
	s22 =	sshrl.u32 s28, $0x3  }
0x43: {  	[hbm:s29], [sflag:s21] =	dma.local [spmem:s22], $0x500  }
0x44: {  	_ =	swait.ge [sflag:s8], $0x500  }
0x45: {  	[sflag:s8] =	ssyncset.done $0x0  }
0x46: {  	s23 =	sshrl.u32 s30, $0x3;
	s24 =	rddreg [dreg:$0x8];
	[sflag:s8] =	ssyncadd.s32 $0xFFFFFB00  }
0x47: {  	[hbm:s24], [sflag:s21] =	dma.local [spmem:s23], $0x500  }
0x48: {  	_ =	swait.ge [sflag:s8], $0x500  }
0x49: {  	[sflag:s8] =	ssyncset.done $0x0  }
0x4a: {  	s28 =	sshrl.u32 s31, $0x3;
	s29 =	rddreg [dreg:$0x9];
	[sflag:s8] =	ssyncadd.s32 $0xFFFFFB00  }
0x4b: {  	[hbm:s29], [sflag:s21] =	dma.local [spmem:s28], $0x500  }
0x4c: {  	_ =	swait.ge [sflag:s8], $0x500  }
0x4d: {  	[sflag:s8] =	ssyncset.done $0x0  }
0x4e: {  	s24 =	sshrl.u32 s0, $0x3;
	s28 =	rddreg [dreg:$0xa];
	[sflag:s8] =	ssyncadd.s32 $0xFFFFFB00  }
0x4f: {  	[hbm:s28], [sflag:s21] =	dma.local [spmem:s24], $0x500  }
0x50: {  	_ =	swait.ge [sflag:s8], $0x500  }
0x51: {  	[sflag:s8] =	ssyncset.done $0x0  }
0x52: {  	s22 =	sshrl.u32 @!p0 s4, $0x3;
	s23 =	rddreg [dreg:$0xb];
	[sflag:s8] =	ssyncadd.s32 $0xFFFFFB00  }
0x53: {  	[hbm:s23], [sflag:s21] =	dma.local @!p0 [spmem:s22], $0x500  }
0x54: {  	s21 =	simm.s32 @!p0 $0x9  }
0x55: {  	_ =	swait.ge @!p0 [sflag:s21], $0x500  }
0x56: {  	s3 =	sadd.s32 $0x1, s3;
	s29 =	rddreg [dreg:$0x11]  }
0x57: {  	p1 =	sne.s32 s3, s29  }
.Ltmp1:
0x58: {  	_ = 	snop;
	(pc) =	sbr.rel @!p1 .LBB2_13-.Ltmp1, $3  }
0x59: {  	_ =	sdelay $0x1  }
0x5a: {  	[sflag:s21] =	ssyncset.done @!p0 $0x0  }
0x5b: {  	[sflag:s21] =	ssyncadd.s32 @!p0 $0xFFFFFB00  }
.LBB2_1:
0x5c: {  	s21 =	simm.s32 $0x0;
	s22 =	simm.s32 $0x200  }
.LBB2_2:
0x5d: {  	p1 =	sne.s32 s22, $0x9E00;
	[tilespmem:s21+$0x370] =	vst v0  }
0x5e: {  	[tilespmem:s21+$0x300] =	vst v0  }
0x5f: {  	[tilespmem:s21+$0x310] =	vst v0  }
.Ltmp2:
0x60: {  	[tilespmem:s21+$0x320] =	vst v0;
	(pc) =	sbr.rel @p1 .LBB2_2-.Ltmp2, $4  }
0x61: {  	[tilespmem:s21+$0x330] =	vst v0  }
0x62: {  	[tilespmem:s21+$0x340] =	vst v0  }
0x63: {  	[tilespmem:s21+$0x350] =	vst v0  }
0x64: {  	[tilespmem:s21+$0x360] =	vst v0;
	s21 =	sshra.s32 s22, $0x2;
	s22 =	sadd.s32 $0x200, s22  }
0x65: {  	[tilespmem:s21+$0x370] =	vst v0  }
0x66: {  	[tilespmem:s21+$0x300] =	vst v0  }
0x67: {  	[tilespmem:s21+$0x310] =	vst v0  }
0x68: {  	[tilespmem:s21+$0x320] =	vst v0  }
0x69: {  	[tilespmem:s21+$0x330] =	vst v0  }
0x6a: {  	[tilespmem:s21+$0x340] =	vst v0  }
0x6b: {  	[tilespmem:s21+$0x350] =	vst v0  }
0x6c: {  	[tilespmem:s21+$0x360] =	vst v0;
	s29 =	rddreg [dreg:$0x12]  }
0x6d: {  	[spmem:s29] =	stream.linear.scatter [tilespmem:s7], [sflag:$0x9], $0x2800, $0x38;
	[tilespmem:$0x1DB80] =	vst v63  }
0x6e: {  	_ =	swait.ge [sflag:s8], $0x2800  }
0x6f: {  	[sflag:s8] =	ssyncset.done $0x0  }
0x70: {  	s22 =	rddreg [dreg:$0x13];
	[sflag:s8] =	ssyncadd.s32 $0xFFFFD800  }
0x71: {  	[spmem:s22] =	stream.linear.scatter [tilespmem:s7], [sflag:$0x9], $0x2800, $0x38;
	[tilespmem:$0x1DB80] =	vst v63  }
0x72: {  	_ =	swait.ge [sflag:s8], $0x2800  }
0x73: {  	[sflag:s8] =	ssyncset.done $0x0  }
0x74: {  	s23 =	rddreg [dreg:$0x14];
	[sflag:s8] =	ssyncadd.s32 $0xFFFFD800  }
0x75: {  	[spmem:s23] =	stream.linear.scatter [tilespmem:s7], [sflag:$0x9], $0x2800, $0x38;
	[tilespmem:$0x1DB80] =	vst v63  }
0x76: {  	_ =	swait.ge [sflag:s8], $0x2800  }
0x77: {  	[sflag:s8] =	ssyncset.done $0x0  }
0x78: {  	s24 =	rddreg [dreg:$0x15];
	[sflag:s8] =	ssyncadd.s32 $0xFFFFD800  }
0x79: {  	[spmem:s24] =	stream.linear.scatter [tilespmem:s7], [sflag:$0x9], $0x2800, $0x38;
	[tilespmem:$0x1DB80] =	vst v63  }
0x7a: {  	_ =	swait.ge [sflag:s8], $0x2800  }
0x7b: {  	[sflag:s8] =	ssyncset.done $0x0  }
0x7c: {  	[sflag:s8] =	ssyncadd.s32 $0xFFFFD800  }
0x7d: {  	[spmem:s30] =	stream.linear.scatter [tilespmem:s7], [sflag:$0x9], $0x2800, $0x38;
	[tilespmem:$0x1DB80] =	vst v63  }
0x7e: {  	_ =	swait.ge [sflag:s8], $0x2800  }
0x7f: {  	[sflag:s8] =	ssyncset.done $0x0  }
0x80: {  	[sflag:s8] =	ssyncadd.s32 $0xFFFFD800  }
0x81: {  	[spmem:s31] =	stream.linear.scatter [tilespmem:s7], [sflag:$0x9], $0x2800, $0x38;
	[tilespmem:$0x1DB80] =	vst v63  }
0x82: {  	_ =	swait.ge [sflag:s8], $0x2800  }
0x83: {  	[sflag:s8] =	ssyncset.done $0x0  }
0x84: {  	[sflag:s8] =	ssyncadd.s32 $0xFFFFD800  }
0x85: {  	[spmem:s0] =	stream.linear.scatter [tilespmem:s7], [sflag:$0x9], $0x2800, $0x38;
	[tilespmem:$0x1DB80] =	vst v63  }
0x86: {  	_ =	swait.ge [sflag:s8], $0x2800  }
0x87: {  	[sflag:s8] =	ssyncset.done $0x0  }
0x88: {  	s21 =	simm.s32 @!p0 $0x300;
	[sflag:s8] =	ssyncadd.s32 $0xFFFFD800  }
0x89: {  	[spmem:s4] =	stream.linear.scatter @!p0 [tilespmem:s21], [sflag:$0x9], $0x2800, $0x38;
	[tilespmem:$0x1DB80] =	vst v63  }
0x8a: {  	s21 =	simm.s32 @!p0 $0x9  }
0x8b: {  	_ =	swait.ge @!p0 [sflag:s21], $0x2800  }
0x8c: {  	[sflag:s21] =	ssyncset.done @!p0 $0x0  }
0x8d: {  	[sflag:s21] =	ssyncadd.s32 @!p0 $0xFFFFD800  }
0x8e: {  	[bflag:$0x0] =	sbarrier.arrive $0xFFFF  }
0x8f: {  	s21 =	simm.s32 $0x0;
	s22 =	rddreg [dreg:$0xc]  }
0x90: {  	[tilespmem:s21], [sflag:$0x1] =	stream.linear.gather [hbm4b:s22+s21], $0x50, $0x38;
	[tilespmem:$0x1DB80] =	vst v63  }
0x91: {  	s23 =	simm.s32 $0x100;
	s28 =	rddreg [dreg:$0xd]  }
0x92: {  	[tilespmem:s23], [sflag:$0x1] =	stream.linear.gather [hbm4b:s28+s21], $0x50, $0x38;
	[tilespmem:$0x1DB80] =	vst v63  }
0x93: {  	_ =	swait.ge [sflag:s9], $0x50  }
0x94: {  	[sflag:s9] =	ssyncset.done $0x0  }
0x95: {  	[sflag:s9] =	ssyncadd.s32 $0xFFFFFFB0  }
0x96: {  	_ =	swait.ge [sflag:s9], $0x50  }
0x97: {  	[sflag:s9] =	ssyncset.done $0x0  }
0x98: {  	[sflag:s9] =	ssyncadd.s32 $0xFFFFFFB0  }
0x99: {  	[tilespmem:s7], [sflag:$0x3] =	stream.indirect.gather [hbm4b:s1+s10], $0x80, s21, s10, $0xb8;
	[tilespmem:$0x1DB80] =	vst v63  }
0x9a: {  	s29 =	rddreg [dreg:$0xe]  }
0x9b: {  	[tilespmem:s11], [sflag:$0x5] =	stream.linear.gather [hbm4b:s29+s21], $0x2800, $0x38;
	[tilespmem:$0x1DB80] =	vst v63  }
.Ltmp3:
0x9c: {  	_ = 	snop;
	(pc) =	sbr.rel .LBB2_4-.Ltmp3, $4  }
0x9d: {  	s24 =	simm.s32 $0x80;
	s23 =	rddreg [dreg:$0xf]  }
0x9e: {  	[tilespmem:s24], [sflag:$0x2] =	stream.linear.gather [hbm4b:s23+s21], $0x50, $0x38;
	[tilespmem:$0x1DB80] =	vst v63  }
0x9f: {  	s28 =	rddreg [dreg:$0x10];
	s29 =	simm.s32 $0x180  }
0xa0: {  	[tilespmem:s29], [sflag:$0x2] =	stream.linear.gather [hbm4b:s28+s21], $0x50, $0x38;
	[tilespmem:$0x1DB80] =	vst v63  }
.LBB2_11:
0xa1: {  	s21 =	sadd.s32 $0x1, s21  }
0xa2: {  	p1 =	sne.s32 s21, $0x20  }
.Ltmp4:
0xa3: {  	_ = 	snop;
	(pc) =	sbr.rel @!p1 .LBB2_12-.Ltmp4, $1  }
0xa4: {  	_ =	sdelay $0x3  }
.LBB2_4:
0xa5: {  	s22 =	sshll.u32 s21, $0x6  }
0xa6: {  	s23 =	sor.u32 s6, s22  }
0xa7: {  	p1 =	sgt.u32 s23, $0x7CF  }
.Ltmp5:
0xa8: {  	_ = 	snop;
	(pc) =	sbr.rel @p1 .LBB2_11-.Ltmp5, $1  }
0xa9: {  	_ =	sdelay $0x3  }
0xaa: {  	_ =	swait.ge [sflag:s12], $0x2800  }
0xab: {  	[sflag:s12] =	ssyncset.done $0x0  }
0xac: {  	[sflag:s12] =	ssyncadd.s32 $0xFFFFD800  }
0xad: {  	_ =	swait.ge [sflag:s13], $0x2800  }
0xae: {  	[sflag:s13] =	ssyncset.done $0x0  }
0xaf: {  	[sflag:s13] =	ssyncadd.s32 $0xFFFFD800  }
0xb0: {  	v1 =	vld [tilespmem:$0x100]  }
0xb1: {  	v2 =	vld [tilespmem:$0x110]  }
0xb2: {  	v3 =	vld [tilespmem:$0x120]  }
0xb3: {  	v4 =	vld [tilespmem:$0x130]  }
0xb4: {  	v5 =	vld [tilespmem:$0x140]  }
0xb5: {  	[tilespmem:$0x200] =	vst v1  }
0xb6: {  	[tilespmem:$0x210] =	vst v2  }
0xb7: {  	s22 =	sor.u32 $0x20, s23;
	[tilespmem:$0x220] =	vst v3  }
0xb8: {  	p1 =	sgt.u32 s22, $0x7CF;
	[tilespmem:$0x230] =	vst v4  }
0xb9: {  	s24 =	simm.s32 @!p1 $0x2;
	[tilespmem:$0x240] =	vst v5  }
0xba: {  	_ =	swait.ge @!p1 [sflag:s24], $0x50  }
0xbb: {  	[sflag:s24] =	ssyncset.done @!p1 $0x0  }
0xbc: {  	[sflag:s24] =	ssyncadd.s32 @!p1 $0xFFFFFFB0  }
0xbd: {  	p2 =	seq.s32 @!p1 s21, $0x0;
	_ =	swait.ge @!p1 [sflag:s24], $0x50  }
0xbe: {  	p2 =	por p2, p1;
	[sflag:s24] =	ssyncset.done @!p1 $0x0  }
0xbf: {  	[sflag:s24] =	ssyncadd.s32 @!p1 $0xFFFFFFB0;
	s24 =	simm.s32 @!p2 $0x8  }
0xc0: {  	_ =	swait.ge @!p2 [sflag:s24], $0x2800  }
0xc1: {  	s28 =	simm.s32 @!p1 $0x80;
	[sflag:s24] =	ssyncset.done @!p2 $0x0  }
0xc2: {  	s29 =	simm.s32 @!p1 $0x2B00;
	[sflag:s24] =	ssyncadd.s32 @!p2 $0xFFFFD800;
	s24 =	simm.s32 @!p1 $0x50  }
0xc3: {  	[tilespmem:s29], [sflag:$0x4] =	stream.indirect.gather @!p1 [hbm4b:s1+s24], $0x80, s28, s24, $0xb8;
	[tilespmem:$0x1DB80] =	vst v63  }
0xc4: {  	p2 =	sgt.u32 @!p1 s23, $0x78F;
	s24 =	smul.u32 @!p1 $0x500, s22  }
0xc5: {  	p2 =	por p2, p1;
	s28 =	simm.s32 @!p1 $0x0  }
0xc6: {  	s29 =	simm.s32 @!p1 $0x7B00;
	s23 =	smul.u32 @!p2 $0x50, s23;
	s24 =	sadd.s32 @!p1 s5, s24  }
0xc7: {  	[tilespmem:s29], [sflag:$0x6] =	stream.linear.gather @!p1 [hbm4b:s24+s28], $0x2800, $0x38;
	[tilespmem:$0x1DB80] =	vst v63  }
0xc8: {  	s23 =	sshrl.u32 @!p2 s23, $0x3  }
0xc9: {  	s23 =	sadd.s32 @!p2 $0x280, s23  }
0xca: {  	s28 =	simm.s32 @!p2 $0x0;
	s24 =	sadd.s32 @!p2 s15, s23  }
0xcb: {  	[tilespmem:s28], [sflag:$0x1] =	stream.linear.gather @!p2 [hbm4b:s24+s28], $0x50, $0x38;
	[tilespmem:$0x1DB80] =	vst v63  }
0xcc: {  	s23 =	sadd.s32 @!p2 s16, s23;
	s24 =	simm.s32 @!p2 $0x100  }
0xcd: {  	[tilespmem:s24], [sflag:$0x1] =	stream.linear.gather @!p2 [hbm4b:s23+s28], $0x50, $0x38;
	[tilespmem:$0x1DB80] =	vst v63  }
0xce: {  	s23 =	simm.s32 $0x5400  }
0xcf: {  	s24 =	simm.s32 $0x400;
	v1 =	vld [tilespmem:s23+$0x80]  }
0xd0: {  	v2 =	vld [tilespmem:s24+$0x80]  }
0xd1: {  	v3 =	vld [tilespmem:s23+$0xFFFFFF80]  }
0xd2: {  	v4 =	vld [tilespmem:s24+$0xFFFFFF80]  }
0xd3: {  	v5 =	vld [tilespmem:s23+$0x0]  }
0xd4: {  	v6 =	vld [tilespmem:s24+$0x0]  }
0xd5: {  	v7 =	vld [tilespmem:s23+$0xFFFFFF00];
	v1 =	vmul.f32 v2, v1  }
0xd6: {  	v2 =	vld [tilespmem:s24+$0xFFFFFF00]  }
0xd7: {  	[tilespmem:s23+$0x80] =	vst v1;
	v1 =	vld [tilespmem:s23+$0x90]  }
0xd8: {  	v3 =	vmul.f32 v4, v3;
	v4 =	vld [tilespmem:s24+$0x90]  }
0xd9: {  	v8 =	vld [tilespmem:s23+$0xFFFFFF10]  }
0xda: {  	[tilespmem:s23+$0xFFFFFF80] =	vst v3;
	v3 =	vmul.f32 v6, v5;
	v5 =	vld [tilespmem:s23+$0xFFFFFF90]  }
0xdb: {  	v6 =	vld [tilespmem:s24+$0xFFFFFF90];
	v2 =	vmul.f32 v2, v7  }
0xdc: {  	[tilespmem:s23+$0x0] =	vst v3;
	v3 =	vld [tilespmem:s23+$0x10]  }
0xdd: {  	v7 =	vld [tilespmem:s24+$0x10];
	[tilespmem:s23+$0xFFFFFF00] =	vst v2;
	v1 =	vmul.f32 v4, v1  }
0xde: {  	v2 =	vld [tilespmem:s24+$0xFFFFFF10]  }
0xdf: {  	[tilespmem:s23+$0x90] =	vst v1;
	v1 =	vld [tilespmem:s23+$0xA0]  }
0xe0: {  	v4 =	vmul.f32 v6, v5;
	v5 =	vld [tilespmem:s24+$0xA0]  }
0xe1: {  	v6 =	vld [tilespmem:s23+$0xFFFFFF20]  }
0xe2: {  	[tilespmem:s23+$0xFFFFFF90] =	vst v4;
	v3 =	vmul.f32 v7, v3;
	v4 =	vld [tilespmem:s23+$0xFFFFFFA0]  }
0xe3: {  	v7 =	vld [tilespmem:s24+$0xFFFFFFA0];
	v2 =	vmul.f32 v2, v8  }
0xe4: {  	[tilespmem:s23+$0x10] =	vst v3;
	v3 =	vld [tilespmem:s23+$0x20]  }
0xe5: {  	v8 =	vld [tilespmem:s24+$0x20];
	[tilespmem:s23+$0xFFFFFF10] =	vst v2;
	v1 =	vmul.f32 v5, v1  }
0xe6: {  	v2 =	vld [tilespmem:s24+$0xFFFFFF20]  }
0xe7: {  	[tilespmem:s23+$0xA0] =	vst v1;
	v1 =	vld [tilespmem:s23+$0xB0]  }
0xe8: {  	v4 =	vmul.f32 v7, v4;
	v5 =	vld [tilespmem:s24+$0xB0]  }
0xe9: {  	v7 =	vld [tilespmem:s23+$0xFFFFFF30]  }
0xea: {  	[tilespmem:s23+$0xFFFFFFA0] =	vst v4;
	v3 =	vmul.f32 v8, v3;
	v4 =	vld [tilespmem:s23+$0xFFFFFFB0]  }
0xeb: {  	v8 =	vld [tilespmem:s24+$0xFFFFFFB0];
	v2 =	vmul.f32 v2, v6  }
0xec: {  	[tilespmem:s23+$0x20] =	vst v3;
	v3 =	vld [tilespmem:s23+$0x30]  }
0xed: {  	v6 =	vld [tilespmem:s24+$0x30];
	[tilespmem:s23+$0xFFFFFF20] =	vst v2;
	v1 =	vmul.f32 v5, v1  }
0xee: {  	v2 =	vld [tilespmem:s24+$0xFFFFFF30]  }
0xef: {  	[tilespmem:s23+$0xB0] =	vst v1;
	v1 =	vld [tilespmem:s23+$0xC0]  }
0xf0: {  	v4 =	vmul.f32 v8, v4;
	v5 =	vld [tilespmem:s24+$0xC0]  }
0xf1: {  	v8 =	vld [tilespmem:s23+$0xFFFFFF40]  }
0xf2: {  	[tilespmem:s23+$0xFFFFFFB0] =	vst v4;
	v3 =	vmul.f32 v6, v3;
	v4 =	vld [tilespmem:s23+$0xFFFFFFC0]  }
0xf3: {  	v6 =	vld [tilespmem:s24+$0xFFFFFFC0];
	v2 =	vmul.f32 v2, v7  }
0xf4: {  	[tilespmem:s23+$0x30] =	vst v3;
	v3 =	vld [tilespmem:s23+$0x40]  }
0xf5: {  	v7 =	vld [tilespmem:s24+$0x40];
	[tilespmem:s23+$0xFFFFFF30] =	vst v2;
	v1 =	vmul.f32 v5, v1  }
0xf6: {  	v2 =	vld [tilespmem:s24+$0xFFFFFF40]  }
0xf7: {  	[tilespmem:s23+$0xC0] =	vst v1;
	v1 =	vld [tilespmem:s23+$0xD0]  }
0xf8: {  	v4 =	vmul.f32 v6, v4;
	v5 =	vld [tilespmem:s24+$0xD0]  }
0xf9: {  	v6 =	vld [tilespmem:s23+$0xFFFFFF50]  }
0xfa: {  	[tilespmem:s23+$0xFFFFFFC0] =	vst v4;
	v3 =	vmul.f32 v7, v3;
	v4 =	vld [tilespmem:s23+$0xFFFFFFD0]  }
0xfb: {  	v7 =	vld [tilespmem:s24+$0xFFFFFFD0];
	v2 =	vmul.f32 v2, v8  }
0xfc: {  	[tilespmem:s23+$0x40] =	vst v3;
	v3 =	vld [tilespmem:s23+$0x50]  }
0xfd: {  	v8 =	vld [tilespmem:s24+$0x50];
	[tilespmem:s23+$0xFFFFFF40] =	vst v2;
	v1 =	vmul.f32 v5, v1  }
0xfe: {  	v2 =	vld [tilespmem:s24+$0xFFFFFF50]  }
0xff: {  	[tilespmem:s23+$0xD0] =	vst v1;
	v1 =	vld [tilespmem:s23+$0xE0]  }
0x100: {  	v4 =	vmul.f32 v7, v4;
	v5 =	vld [tilespmem:s24+$0xE0]  }
0x101: {  	v7 =	vld [tilespmem:s23+$0xFFFFFF60]  }
0x102: {  	[tilespmem:s23+$0xFFFFFFD0] =	vst v4;
	v3 =	vmul.f32 v8, v3;
	v4 =	vld [tilespmem:s23+$0xFFFFFFE0]  }
0x103: {  	v8 =	vld [tilespmem:s24+$0xFFFFFFE0];
	v2 =	vmul.f32 v2, v6  }
0x104: {  	[tilespmem:s23+$0x50] =	vst v3;
	v3 =	vld [tilespmem:s23+$0x60]  }
0x105: {  	v6 =	vld [tilespmem:s24+$0x60];
	[tilespmem:s23+$0xFFFFFF50] =	vst v2;
	v1 =	vmul.f32 v5, v1  }
0x106: {  	v5 =	vld [tilespmem:s24+$0xFFFFFF60]  }
0x107: {  	v9 =	vld [tilespmem:s23+$0xF0];
	[tilespmem:s23+$0xE0] =	vst v1  }
0x108: {  	v2 =	vmul.f32 v8, v4;
	v8 =	vld [tilespmem:s24+$0xF0]  }
0x109: {  	v1 =	vld [tilespmem:s23+$0xFFFFFF70]  }
0x10a: {  	[tilespmem:s23+$0xFFFFFFE0] =	vst v2;
	v3 =	vmul.f32 v6, v3;
	v2 =	vld [tilespmem:s23+$0xFFFFFFF0]  }
0x10b: {  	v4 =	vld [tilespmem:s24+$0xFFFFFFF0];
	v5 =	vmul.f32 v5, v7  }
0x10c: {  	[tilespmem:s23+$0x60] =	vst v3;
	v3 =	vld [tilespmem:s23+$0x70]  }
0x10d: {  	[tilespmem:s23+$0xFFFFFF60] =	vst v5;
	v5 =	vld [tilespmem:s24+$0x70];
	v7 =	vmul.f32 v8, v9  }
0x10e: {  	s29 =	simm.s32 $0x5600;
	s28 =	simm.s32 $0x0;
	v6 =	vld [tilespmem:s24+$0xFFFFFF70]  }
.LBB2_6:
0x10f: {  	v8 =	vld [tilespmem:s29+$0x80];
	[tilespmem:s23+$0xF0] =	vst v7;
	s24 =	sadd.s32 $0x200, s24  }
0x110: {  	s28 =	sadd.s32 $0x4, s28;
	v7 =	vld [tilespmem:s24+$0x80];
	v2 =	vmul.f32 v4, v2  }
0x111: {  	p2 =	slt.u32 s28, $0x4C;
	v4 =	vld [tilespmem:s24+$0xFFFFFF00]  }
0x112: {  	v9 =	vld [tilespmem:s29+$0xFFFFFF80];
	[tilespmem:s23+$0xFFFFFFF0] =	vst v2;
	v2 =	vmul.f32 v5, v3  }
0x113: {  	v3 =	vld [tilespmem:s24+$0xFFFFFF80];
	v1 =	vmul.f32 v6, v1  }
0x114: {  	v5 =	vld [tilespmem:s29+$0x0];
	[tilespmem:s23+$0x70] =	vst v2  }
0x115: {  	v2 =	vld [tilespmem:s24+$0x0];
	v6 =	vmul.f32 v7, v8;
	[tilespmem:s23+$0xFFFFFF70] =	vst v1;
	s23 =	smov.u32 s29  }
0x116: {  	v1 =	vld [tilespmem:s29+$0xFFFFFF00]  }
0x117: {  	[tilespmem:s29+$0x80] =	vst v6;
	v6 =	vld [tilespmem:s29+$0x90]  }
0x118: {  	v3 =	vmul.f32 v3, v9;
	v7 =	vld [tilespmem:s24+$0x90]  }
0x119: {  	v8 =	vld [tilespmem:s29+$0xFFFFFF10]  }
0x11a: {  	[tilespmem:s29+$0xFFFFFF80] =	vst v3;
	v3 =	vld [tilespmem:s29+$0xFFFFFF90];
	v2 =	vmul.f32 v2, v5  }
0x11b: {  	v1 =	vmul.f32 v4, v1;
	v4 =	vld [tilespmem:s24+$0xFFFFFF90]  }
0x11c: {  	[tilespmem:s29+$0x0] =	vst v2;
	v2 =	vld [tilespmem:s29+$0x10]  }
0x11d: {  	[tilespmem:s29+$0xFFFFFF00] =	vst v1;
	v1 =	vld [tilespmem:s24+$0x10];
	v5 =	vmul.f32 v7, v6  }
0x11e: {  	v6 =	vld [tilespmem:s24+$0xFFFFFF10]  }
0x11f: {  	[tilespmem:s29+$0x90] =	vst v5;
	v5 =	vld [tilespmem:s29+$0xA0]  }
0x120: {  	v3 =	vmul.f32 v4, v3;
	v4 =	vld [tilespmem:s24+$0xA0]  }
0x121: {  	v7 =	vld [tilespmem:s29+$0xFFFFFF20]  }
0x122: {  	[tilespmem:s29+$0xFFFFFF90] =	vst v3;
	v3 =	vld [tilespmem:s29+$0xFFFFFFA0];
	v1 =	vmul.f32 v1, v2  }
0x123: {  	v2 =	vmul.f32 v6, v8;
	v6 =	vld [tilespmem:s24+$0xFFFFFFA0]  }
0x124: {  	[tilespmem:s29+$0x10] =	vst v1;
	v1 =	vld [tilespmem:s29+$0x20]  }
0x125: {  	[tilespmem:s29+$0xFFFFFF10] =	vst v2;
	v2 =	vld [tilespmem:s24+$0x20];
	v4 =	vmul.f32 v4, v5  }
0x126: {  	v5 =	vld [tilespmem:s24+$0xFFFFFF20]  }
0x127: {  	[tilespmem:s29+$0xA0] =	vst v4;
	v4 =	vld [tilespmem:s29+$0xB0]  }
0x128: {  	v3 =	vmul.f32 v6, v3;
	v6 =	vld [tilespmem:s24+$0xB0]  }
0x129: {  	v8 =	vld [tilespmem:s29+$0xFFFFFF30]  }
0x12a: {  	[tilespmem:s29+$0xFFFFFFA0] =	vst v3;
	v3 =	vld [tilespmem:s29+$0xFFFFFFB0];
	v1 =	vmul.f32 v2, v1  }
0x12b: {  	v2 =	vmul.f32 v5, v7;
	v5 =	vld [tilespmem:s24+$0xFFFFFFB0]  }
0x12c: {  	[tilespmem:s29+$0x20] =	vst v1;
	v1 =	vld [tilespmem:s29+$0x30]  }
0x12d: {  	[tilespmem:s29+$0xFFFFFF20] =	vst v2;
	v2 =	vld [tilespmem:s24+$0x30];
	v4 =	vmul.f32 v6, v4  }
0x12e: {  	v6 =	vld [tilespmem:s24+$0xFFFFFF30]  }
0x12f: {  	[tilespmem:s29+$0xB0] =	vst v4;
	v4 =	vld [tilespmem:s29+$0xC0]  }
0x130: {  	v3 =	vmul.f32 v5, v3;
	v5 =	vld [tilespmem:s24+$0xC0]  }
0x131: {  	v7 =	vld [tilespmem:s29+$0xFFFFFF40]  }
0x132: {  	[tilespmem:s29+$0xFFFFFFB0] =	vst v3;
	v3 =	vld [tilespmem:s29+$0xFFFFFFC0];
	v1 =	vmul.f32 v2, v1  }
0x133: {  	v2 =	vmul.f32 v6, v8;
	v6 =	vld [tilespmem:s24+$0xFFFFFFC0]  }
0x134: {  	[tilespmem:s29+$0x30] =	vst v1;
	v1 =	vld [tilespmem:s29+$0x40]  }
0x135: {  	[tilespmem:s29+$0xFFFFFF30] =	vst v2;
	v2 =	vld [tilespmem:s24+$0x40];
	v4 =	vmul.f32 v5, v4  }
0x136: {  	v5 =	vld [tilespmem:s24+$0xFFFFFF40]  }
0x137: {  	[tilespmem:s29+$0xC0] =	vst v4;
	v4 =	vld [tilespmem:s29+$0xD0]  }
0x138: {  	v3 =	vmul.f32 v6, v3;
	v6 =	vld [tilespmem:s24+$0xD0]  }
0x139: {  	v8 =	vld [tilespmem:s29+$0xFFFFFF50]  }
0x13a: {  	[tilespmem:s29+$0xFFFFFFC0] =	vst v3;
	v3 =	vld [tilespmem:s29+$0xFFFFFFD0];
	v1 =	vmul.f32 v2, v1  }
0x13b: {  	v2 =	vmul.f32 v5, v7;
	v5 =	vld [tilespmem:s24+$0xFFFFFFD0]  }
0x13c: {  	[tilespmem:s29+$0x40] =	vst v1;
	v1 =	vld [tilespmem:s29+$0x50]  }
0x13d: {  	[tilespmem:s29+$0xFFFFFF40] =	vst v2;
	v2 =	vld [tilespmem:s24+$0x50];
	v4 =	vmul.f32 v6, v4  }
0x13e: {  	v6 =	vld [tilespmem:s24+$0xFFFFFF50]  }
0x13f: {  	[tilespmem:s29+$0xD0] =	vst v4;
	v4 =	vld [tilespmem:s29+$0xE0]  }
0x140: {  	v3 =	vmul.f32 v5, v3;
	v5 =	vld [tilespmem:s24+$0xE0]  }
0x141: {  	v7 =	vld [tilespmem:s29+$0xFFFFFF60]  }
0x142: {  	[tilespmem:s29+$0xFFFFFFD0] =	vst v3;
	v3 =	vld [tilespmem:s29+$0xFFFFFFE0];
	v1 =	vmul.f32 v2, v1  }
0x143: {  	v2 =	vmul.f32 v6, v8;
	v6 =	vld [tilespmem:s24+$0xFFFFFFE0]  }
0x144: {  	[tilespmem:s29+$0x50] =	vst v1;
	v8 =	vld [tilespmem:s29+$0x60]  }
0x145: {  	[tilespmem:s29+$0xFFFFFF50] =	vst v2;
	v9 =	vld [tilespmem:s24+$0x60];
	v1 =	vmul.f32 v5, v4  }
0x146: {  	v4 =	vld [tilespmem:s24+$0xFFFFFF60]  }
0x147: {  	[tilespmem:s29+$0xE0] =	vst v1;
	v10 =	vld [tilespmem:s29+$0xF0]  }
0x148: {  	v2 =	vmul.f32 v6, v3;
	v6 =	vld [tilespmem:s24+$0xF0]  }
0x149: {  	v1 =	vld [tilespmem:s29+$0xFFFFFF70]  }
.Ltmp6:
0x14a: {  	[tilespmem:s29+$0xFFFFFFE0] =	vst v2;
	v2 =	vld [tilespmem:s29+$0xFFFFFFF0];
	v3 =	vmul.f32 v9, v8;
	(pc) =	sbr.rel @p2 .LBB2_6-.Ltmp6, $4  }
0x14b: {  	v5 =	vmul.f32 v4, v7;
	v4 =	vld [tilespmem:s24+$0xFFFFFFF0]  }
0x14c: {  	[tilespmem:s29+$0x60] =	vst v3;
	v3 =	vld [tilespmem:s29+$0x70]  }
0x14d: {  	[tilespmem:s29+$0xFFFFFF60] =	vst v5;
	v5 =	vld [tilespmem:s24+$0x70];
	v7 =	vmul.f32 v6, v10  }
0x14e: {  	s29 =	sadd.s32 $0x200, s29;
	v6 =	vld [tilespmem:s24+$0xFFFFFF70]  }
0x14f: {  	_ =	sdelay $0x1  }
0x150: {  	v2 =	vmul.f32 v4, v2  }
.Ltmp7:
0x151: {  	[tilespmem:s23+$0xF0] =	vst v7;
	v3 =	vmul.f32 v5, v3;
	(pc) =	sbr.rel @p1 .LBB2_11-.Ltmp7, $4  }
0x152: {  	[tilespmem:s23+$0xFFFFFFF0] =	vst v2;
	v1 =	vmul.f32 v6, v1  }
0x153: {  	[tilespmem:s23+$0x70] =	vst v3  }
0x154: {  	[tilespmem:s23+$0xFFFFFF70] =	vst v1  }
0x155: {  	[spmem:s2] =	stream.indirect.scatter.add.f32 [tilespmem:s11], [sflag:$0x7], $0x80, s14, s10, $0xb8;
	[tilespmem:$0x1DB80] =	vst v63  }
0x156: {  	_ =	swait.ge [sflag:s17], $0x2800  }
0x157: {  	[sflag:s17] =	ssyncset.done $0x0  }
0x158: {  	[sflag:s17] =	ssyncadd.s32 $0xFFFFD800  }
0x159: {  	_ =	swait.ge [sflag:s18], $0x2800  }
0x15a: {  	[sflag:s18] =	ssyncset.done $0x0  }
0x15b: {  	[sflag:s18] =	ssyncadd.s32 $0xFFFFD800  }
0x15c: {  	v1 =	vld [tilespmem:$0x180]  }
0x15d: {  	v2 =	vld [tilespmem:$0x190]  }
0x15e: {  	v3 =	vld [tilespmem:$0x1A0]  }
0x15f: {  	v4 =	vld [tilespmem:$0x1B0]  }
0x160: {  	v5 =	vld [tilespmem:$0x1C0]  }
0x161: {  	[tilespmem:$0x280] =	vst v1  }
0x162: {  	[tilespmem:$0x290] =	vst v2  }
0x163: {  	[tilespmem:$0x2A0] =	vst v3  }
0x164: {  	p1 =	sgt.u32 s22, $0x7AF;
	[tilespmem:$0x2B0] =	vst v4  }
0x165: {  	s23 =	simm.s32 @!p1 $0x1;
	[tilespmem:$0x2C0] =	vst v5  }
0x166: {  	_ =	swait.ge @!p1 [sflag:s23], $0x50  }
0x167: {  	[sflag:s23] =	ssyncset.done @!p1 $0x0  }
0x168: {  	[sflag:s23] =	ssyncadd.s32 @!p1 $0xFFFFFFB0  }
0x169: {  	_ =	swait.ge @!p1 [sflag:s23], $0x50  }
0x16a: {  	[sflag:s23] =	ssyncset.done @!p1 $0x0  }
0x16b: {  	s24 =	simm.s32 @!p1 $0x0;
	[sflag:s23] =	ssyncadd.s32 @!p1 $0xFFFFFFB0;
	s23 =	simm.s32 @!p1 $0x7  }
0x16c: {  	s28 =	simm.s32 @!p1 $0x300;
	p2 =	sgt.u32 @!p1 s22, $0x78F;
	_ =	swait.ge @!p1 [sflag:s23], $0x2800  }
0x16d: {  	s29 =	smul.u32 @!p1 $0x2800, s22;
	p2 =	por p2, p1;
	[sflag:s23] =	ssyncset.done @!p1 $0x0  }
0x16e: {  	s22 =	smul.u32 @!p2 $0x50, s22;
	[sflag:s23] =	ssyncadd.s32 @!p1 $0xFFFFD800;
	s23 =	simm.s32 @!p1 $0x50  }
0x16f: {  	[tilespmem:s28], [sflag:$0x3] =	stream.indirect.gather @!p1 [hbm4b:s1+s23], $0x80, s24, s23, $0xb8;
	[tilespmem:$0x1DB80] =	vst v63  }
0x170: {  	s23 =	sshrl.u32 @!p1 s29, $0x3  }
0x171: {  	s22 =	sshrl.u32 @!p2 s22, $0x3;
	s23 =	sadd.s32 @!p1 s5, s23  }
0x172: {  	s22 =	sadd.s32 @!p2 $0x280, s22;
	s28 =	simm.s32 @!p1 $0x5300;
	s23 =	sadd.s32 @!p1 $0xA000, s23  }
0x173: {  	[tilespmem:s28], [sflag:$0x5] =	stream.linear.gather @!p1 [hbm4b:s23+s24], $0x2800, $0x38;
	[tilespmem:$0x1DB80] =	vst v63  }
0x174: {  	s23 =	sadd.s32 @!p2 s15, s22;
	s24 =	simm.s32 @!p2 $0x0;
	s28 =	simm.s32 @!p2 $0x80  }
0x175: {  	[tilespmem:s28], [sflag:$0x2] =	stream.linear.gather @!p2 [hbm4b:s23+s24], $0x50, $0x38;
	[tilespmem:$0x1DB80] =	vst v63  }
0x176: {  	s22 =	sadd.s32 @!p2 s16, s22;
	s23 =	simm.s32 @!p2 $0x180  }
0x177: {  	[tilespmem:s23], [sflag:$0x2] =	stream.linear.gather @!p2 [hbm4b:s22+s24], $0x50, $0x38;
	[tilespmem:$0x1DB80] =	vst v63  }
0x178: {  	s22 =	simm.s32 $0x7CF0  }
0x179: {  	s23 =	simm.s32 $0x2CF0;
	v1 =	vld [tilespmem:s22+$0xFFFFFF90]  }
0x17a: {  	v2 =	vld [tilespmem:s23+$0xFFFFFF90]  }
0x17b: {  	v3 =	vld [tilespmem:s22+$0xFFFFFE90]  }
0x17c: {  	v4 =	vld [tilespmem:s23+$0xFFFFFE90]  }
0x17d: {  	v5 =	vld [tilespmem:s22+$0xFFFFFF10]  }
0x17e: {  	v6 =	vld [tilespmem:s23+$0xFFFFFF10]  }
0x17f: {  	v7 =	vld [tilespmem:s22+$0xFFFFFE10];
	v1 =	vmul.f32 v2, v1  }
0x180: {  	v2 =	vld [tilespmem:s23+$0xFFFFFE10]  }
0x181: {  	[tilespmem:s22+$0xFFFFFF90] =	vst v1;
	v1 =	vld [tilespmem:s22+$0xFFFFFFA0]  }
0x182: {  	v3 =	vmul.f32 v4, v3;
	v4 =	vld [tilespmem:s23+$0xFFFFFFA0]  }
0x183: {  	v8 =	vld [tilespmem:s22+$0xFFFFFE20]  }
0x184: {  	[tilespmem:s22+$0xFFFFFE90] =	vst v3;
	v3 =	vmul.f32 v6, v5;
	v5 =	vld [tilespmem:s22+$0xFFFFFEA0]  }
0x185: {  	v6 =	vld [tilespmem:s23+$0xFFFFFEA0];
	v2 =	vmul.f32 v2, v7  }
0x186: {  	[tilespmem:s22+$0xFFFFFF10] =	vst v3;
	v3 =	vld [tilespmem:s22+$0xFFFFFF20]  }
0x187: {  	v7 =	vld [tilespmem:s23+$0xFFFFFF20];
	[tilespmem:s22+$0xFFFFFE10] =	vst v2;
	v1 =	vmul.f32 v4, v1  }
0x188: {  	v2 =	vld [tilespmem:s23+$0xFFFFFE20]  }
0x189: {  	[tilespmem:s22+$0xFFFFFFA0] =	vst v1;
	v1 =	vld [tilespmem:s22+$0xFFFFFFB0]  }
0x18a: {  	v4 =	vmul.f32 v6, v5;
	v5 =	vld [tilespmem:s23+$0xFFFFFFB0]  }
0x18b: {  	v6 =	vld [tilespmem:s22+$0xFFFFFE30]  }
0x18c: {  	[tilespmem:s22+$0xFFFFFEA0] =	vst v4;
	v3 =	vmul.f32 v7, v3;
	v4 =	vld [tilespmem:s22+$0xFFFFFEB0]  }
0x18d: {  	v7 =	vld [tilespmem:s23+$0xFFFFFEB0];
	v2 =	vmul.f32 v2, v8  }
0x18e: {  	[tilespmem:s22+$0xFFFFFF20] =	vst v3;
	v3 =	vld [tilespmem:s22+$0xFFFFFF30]  }
0x18f: {  	v8 =	vld [tilespmem:s23+$0xFFFFFF30];
	[tilespmem:s22+$0xFFFFFE20] =	vst v2;
	v1 =	vmul.f32 v5, v1  }
0x190: {  	v2 =	vld [tilespmem:s23+$0xFFFFFE30]  }
0x191: {  	[tilespmem:s22+$0xFFFFFFB0] =	vst v1;
	v1 =	vld [tilespmem:s22+$0xFFFFFFC0]  }
0x192: {  	v4 =	vmul.f32 v7, v4;
	v5 =	vld [tilespmem:s23+$0xFFFFFFC0]  }
0x193: {  	v7 =	vld [tilespmem:s22+$0xFFFFFE40]  }
0x194: {  	[tilespmem:s22+$0xFFFFFEB0] =	vst v4;
	v3 =	vmul.f32 v8, v3;
	v4 =	vld [tilespmem:s22+$0xFFFFFEC0]  }
0x195: {  	v8 =	vld [tilespmem:s23+$0xFFFFFEC0];
	v2 =	vmul.f32 v2, v6  }
0x196: {  	[tilespmem:s22+$0xFFFFFF30] =	vst v3;
	v3 =	vld [tilespmem:s22+$0xFFFFFF40]  }
0x197: {  	v6 =	vld [tilespmem:s23+$0xFFFFFF40];
	[tilespmem:s22+$0xFFFFFE30] =	vst v2;
	v1 =	vmul.f32 v5, v1  }
0x198: {  	v2 =	vld [tilespmem:s23+$0xFFFFFE40]  }
0x199: {  	[tilespmem:s22+$0xFFFFFFC0] =	vst v1;
	v1 =	vld [tilespmem:s22+$0xFFFFFFD0]  }
0x19a: {  	v4 =	vmul.f32 v8, v4;
	v5 =	vld [tilespmem:s23+$0xFFFFFFD0]  }
0x19b: {  	v8 =	vld [tilespmem:s22+$0xFFFFFE50]  }
0x19c: {  	[tilespmem:s22+$0xFFFFFEC0] =	vst v4;
	v3 =	vmul.f32 v6, v3;
	v4 =	vld [tilespmem:s22+$0xFFFFFED0]  }
0x19d: {  	v6 =	vld [tilespmem:s23+$0xFFFFFED0];
	v2 =	vmul.f32 v2, v7  }
0x19e: {  	[tilespmem:s22+$0xFFFFFF40] =	vst v3;
	v3 =	vld [tilespmem:s22+$0xFFFFFF50]  }
0x19f: {  	v7 =	vld [tilespmem:s23+$0xFFFFFF50];
	[tilespmem:s22+$0xFFFFFE40] =	vst v2;
	v1 =	vmul.f32 v5, v1  }
0x1a0: {  	v2 =	vld [tilespmem:s23+$0xFFFFFE50]  }
0x1a1: {  	[tilespmem:s22+$0xFFFFFFD0] =	vst v1;
	v1 =	vld [tilespmem:s22+$0xFFFFFFE0]  }
0x1a2: {  	v4 =	vmul.f32 v6, v4;
	v5 =	vld [tilespmem:s23+$0xFFFFFFE0]  }
0x1a3: {  	v6 =	vld [tilespmem:s22+$0xFFFFFE60]  }
0x1a4: {  	[tilespmem:s22+$0xFFFFFED0] =	vst v4;
	v3 =	vmul.f32 v7, v3;
	v4 =	vld [tilespmem:s22+$0xFFFFFEE0]  }
0x1a5: {  	v7 =	vld [tilespmem:s23+$0xFFFFFEE0];
	v2 =	vmul.f32 v2, v8  }
0x1a6: {  	[tilespmem:s22+$0xFFFFFF50] =	vst v3;
	v3 =	vld [tilespmem:s22+$0xFFFFFF60]  }
0x1a7: {  	v8 =	vld [tilespmem:s23+$0xFFFFFF60];
	[tilespmem:s22+$0xFFFFFE50] =	vst v2;
	v1 =	vmul.f32 v5, v1  }
0x1a8: {  	v2 =	vld [tilespmem:s23+$0xFFFFFE60]  }
0x1a9: {  	[tilespmem:s22+$0xFFFFFFE0] =	vst v1;
	v1 =	vld [tilespmem:s22+$0xFFFFFFF0]  }
0x1aa: {  	v4 =	vmul.f32 v7, v4;
	v5 =	vld [tilespmem:s23+$0xFFFFFFF0]  }
0x1ab: {  	v7 =	vld [tilespmem:s22+$0xFFFFFE70]  }
0x1ac: {  	[tilespmem:s22+$0xFFFFFEE0] =	vst v4;
	v3 =	vmul.f32 v8, v3;
	v4 =	vld [tilespmem:s22+$0xFFFFFEF0]  }
0x1ad: {  	v8 =	vld [tilespmem:s23+$0xFFFFFEF0];
	v2 =	vmul.f32 v2, v6  }
0x1ae: {  	[tilespmem:s22+$0xFFFFFF60] =	vst v3;
	v3 =	vld [tilespmem:s22+$0xFFFFFF70]  }
0x1af: {  	v6 =	vld [tilespmem:s23+$0xFFFFFF70];
	[tilespmem:s22+$0xFFFFFE60] =	vst v2;
	v1 =	vmul.f32 v5, v1  }
0x1b0: {  	v5 =	vld [tilespmem:s23+$0xFFFFFE70]  }
0x1b1: {  	v9 =	vld [tilespmem:s22+$0x0];
	[tilespmem:s22+$0xFFFFFFF0] =	vst v1  }
0x1b2: {  	v2 =	vmul.f32 v8, v4;
	v8 =	vld [tilespmem:s23+$0x0]  }
0x1b3: {  	v1 =	vld [tilespmem:s22+$0xFFFFFE80]  }
0x1b4: {  	[tilespmem:s22+$0xFFFFFEF0] =	vst v2;
	v3 =	vmul.f32 v6, v3;
	v2 =	vld [tilespmem:s22+$0xFFFFFF00]  }
0x1b5: {  	v4 =	vld [tilespmem:s23+$0xFFFFFF00];
	v5 =	vmul.f32 v5, v7  }
0x1b6: {  	[tilespmem:s22+$0xFFFFFF70] =	vst v3;
	v3 =	vld [tilespmem:s22+$0xFFFFFF80]  }
0x1b7: {  	[tilespmem:s22+$0xFFFFFE70] =	vst v5;
	v5 =	vld [tilespmem:s23+$0xFFFFFF80];
	v7 =	vmul.f32 v8, v9  }
0x1b8: {  	s28 =	simm.s32 $0x7EF0;
	s24 =	simm.s32 $0x0;
	v6 =	vld [tilespmem:s23+$0xFFFFFE80]  }
.LBB2_9:
0x1b9: {  	v8 =	vld [tilespmem:s28+$0xFFFFFF90];
	[tilespmem:s22+$0x0] =	vst v7;
	s23 =	sadd.s32 $0x200, s23  }
0x1ba: {  	s24 =	sadd.s32 $0x4, s24;
	v7 =	vld [tilespmem:s23+$0xFFFFFF90];
	v2 =	vmul.f32 v4, v2  }
0x1bb: {  	p1 =	slt.u32 s24, $0x4C;
	v4 =	vld [tilespmem:s23+$0xFFFFFE10]  }
0x1bc: {  	v9 =	vld [tilespmem:s28+$0xFFFFFE90];
	[tilespmem:s22+$0xFFFFFF00] =	vst v2;
	v2 =	vmul.f32 v5, v3  }
0x1bd: {  	v3 =	vld [tilespmem:s23+$0xFFFFFE90];
	v1 =	vmul.f32 v6, v1  }
0x1be: {  	v5 =	vld [tilespmem:s28+$0xFFFFFF10];
	[tilespmem:s22+$0xFFFFFF80] =	vst v2  }
0x1bf: {  	v2 =	vld [tilespmem:s23+$0xFFFFFF10];
	v6 =	vmul.f32 v7, v8;
	[tilespmem:s22+$0xFFFFFE80] =	vst v1;
	s22 =	smov.u32 s28  }
0x1c0: {  	v1 =	vld [tilespmem:s28+$0xFFFFFE10]  }
0x1c1: {  	[tilespmem:s28+$0xFFFFFF90] =	vst v6;
	v6 =	vld [tilespmem:s28+$0xFFFFFFA0]  }
0x1c2: {  	v3 =	vmul.f32 v3, v9;
	v7 =	vld [tilespmem:s23+$0xFFFFFFA0]  }
0x1c3: {  	v8 =	vld [tilespmem:s28+$0xFFFFFE20]  }
0x1c4: {  	[tilespmem:s28+$0xFFFFFE90] =	vst v3;
	v3 =	vld [tilespmem:s28+$0xFFFFFEA0];
	v2 =	vmul.f32 v2, v5  }
0x1c5: {  	v1 =	vmul.f32 v4, v1;
	v4 =	vld [tilespmem:s23+$0xFFFFFEA0]  }
0x1c6: {  	[tilespmem:s28+$0xFFFFFF10] =	vst v2;
	v2 =	vld [tilespmem:s28+$0xFFFFFF20]  }
0x1c7: {  	[tilespmem:s28+$0xFFFFFE10] =	vst v1;
	v1 =	vld [tilespmem:s23+$0xFFFFFF20];
	v5 =	vmul.f32 v7, v6  }
0x1c8: {  	v6 =	vld [tilespmem:s23+$0xFFFFFE20]  }
0x1c9: {  	[tilespmem:s28+$0xFFFFFFA0] =	vst v5;
	v5 =	vld [tilespmem:s28+$0xFFFFFFB0]  }
0x1ca: {  	v3 =	vmul.f32 v4, v3;
	v4 =	vld [tilespmem:s23+$0xFFFFFFB0]  }
0x1cb: {  	v7 =	vld [tilespmem:s28+$0xFFFFFE30]  }
0x1cc: {  	[tilespmem:s28+$0xFFFFFEA0] =	vst v3;
	v3 =	vld [tilespmem:s28+$0xFFFFFEB0];
	v1 =	vmul.f32 v1, v2  }
0x1cd: {  	v2 =	vmul.f32 v6, v8;
	v6 =	vld [tilespmem:s23+$0xFFFFFEB0]  }
0x1ce: {  	[tilespmem:s28+$0xFFFFFF20] =	vst v1;
	v1 =	vld [tilespmem:s28+$0xFFFFFF30]  }
0x1cf: {  	[tilespmem:s28+$0xFFFFFE20] =	vst v2;
	v2 =	vld [tilespmem:s23+$0xFFFFFF30];
	v4 =	vmul.f32 v4, v5  }
0x1d0: {  	v5 =	vld [tilespmem:s23+$0xFFFFFE30]  }
0x1d1: {  	[tilespmem:s28+$0xFFFFFFB0] =	vst v4;
	v4 =	vld [tilespmem:s28+$0xFFFFFFC0]  }
0x1d2: {  	v3 =	vmul.f32 v6, v3;
	v6 =	vld [tilespmem:s23+$0xFFFFFFC0]  }
0x1d3: {  	v8 =	vld [tilespmem:s28+$0xFFFFFE40]  }
0x1d4: {  	[tilespmem:s28+$0xFFFFFEB0] =	vst v3;
	v3 =	vld [tilespmem:s28+$0xFFFFFEC0];
	v1 =	vmul.f32 v2, v1  }
0x1d5: {  	v2 =	vmul.f32 v5, v7;
	v5 =	vld [tilespmem:s23+$0xFFFFFEC0]  }
0x1d6: {  	[tilespmem:s28+$0xFFFFFF30] =	vst v1;
	v1 =	vld [tilespmem:s28+$0xFFFFFF40]  }
0x1d7: {  	[tilespmem:s28+$0xFFFFFE30] =	vst v2;
	v2 =	vld [tilespmem:s23+$0xFFFFFF40];
	v4 =	vmul.f32 v6, v4  }
0x1d8: {  	v6 =	vld [tilespmem:s23+$0xFFFFFE40]  }
0x1d9: {  	[tilespmem:s28+$0xFFFFFFC0] =	vst v4;
	v4 =	vld [tilespmem:s28+$0xFFFFFFD0]  }
0x1da: {  	v3 =	vmul.f32 v5, v3;
	v5 =	vld [tilespmem:s23+$0xFFFFFFD0]  }
0x1db: {  	v7 =	vld [tilespmem:s28+$0xFFFFFE50]  }
0x1dc: {  	[tilespmem:s28+$0xFFFFFEC0] =	vst v3;
	v3 =	vld [tilespmem:s28+$0xFFFFFED0];
	v1 =	vmul.f32 v2, v1  }
0x1dd: {  	v2 =	vmul.f32 v6, v8;
	v6 =	vld [tilespmem:s23+$0xFFFFFED0]  }
0x1de: {  	[tilespmem:s28+$0xFFFFFF40] =	vst v1;
	v1 =	vld [tilespmem:s28+$0xFFFFFF50]  }
0x1df: {  	[tilespmem:s28+$0xFFFFFE40] =	vst v2;
	v2 =	vld [tilespmem:s23+$0xFFFFFF50];
	v4 =	vmul.f32 v5, v4  }
0x1e0: {  	v5 =	vld [tilespmem:s23+$0xFFFFFE50]  }
0x1e1: {  	[tilespmem:s28+$0xFFFFFFD0] =	vst v4;
	v4 =	vld [tilespmem:s28+$0xFFFFFFE0]  }
0x1e2: {  	v3 =	vmul.f32 v6, v3;
	v6 =	vld [tilespmem:s23+$0xFFFFFFE0]  }
0x1e3: {  	v8 =	vld [tilespmem:s28+$0xFFFFFE60]  }
0x1e4: {  	[tilespmem:s28+$0xFFFFFED0] =	vst v3;
	v3 =	vld [tilespmem:s28+$0xFFFFFEE0];
	v1 =	vmul.f32 v2, v1  }
0x1e5: {  	v2 =	vmul.f32 v5, v7;
	v5 =	vld [tilespmem:s23+$0xFFFFFEE0]  }
0x1e6: {  	[tilespmem:s28+$0xFFFFFF50] =	vst v1;
	v1 =	vld [tilespmem:s28+$0xFFFFFF60]  }
0x1e7: {  	[tilespmem:s28+$0xFFFFFE50] =	vst v2;
	v2 =	vld [tilespmem:s23+$0xFFFFFF60];
	v4 =	vmul.f32 v6, v4  }
0x1e8: {  	v6 =	vld [tilespmem:s23+$0xFFFFFE60]  }
0x1e9: {  	[tilespmem:s28+$0xFFFFFFE0] =	vst v4;
	v4 =	vld [tilespmem:s28+$0xFFFFFFF0]  }
0x1ea: {  	v3 =	vmul.f32 v5, v3;
	v5 =	vld [tilespmem:s23+$0xFFFFFFF0]  }
0x1eb: {  	v7 =	vld [tilespmem:s28+$0xFFFFFE70]  }
0x1ec: {  	[tilespmem:s28+$0xFFFFFEE0] =	vst v3;
	v3 =	vld [tilespmem:s28+$0xFFFFFEF0];
	v1 =	vmul.f32 v2, v1  }
0x1ed: {  	v2 =	vmul.f32 v6, v8;
	v6 =	vld [tilespmem:s23+$0xFFFFFEF0]  }
0x1ee: {  	[tilespmem:s28+$0xFFFFFF60] =	vst v1;
	v8 =	vld [tilespmem:s28+$0xFFFFFF70]  }
0x1ef: {  	[tilespmem:s28+$0xFFFFFE60] =	vst v2;
	v9 =	vld [tilespmem:s23+$0xFFFFFF70];
	v1 =	vmul.f32 v5, v4  }
0x1f0: {  	v4 =	vld [tilespmem:s23+$0xFFFFFE70]  }
0x1f1: {  	[tilespmem:s28+$0xFFFFFFF0] =	vst v1;
	v10 =	vld [tilespmem:s28+$0x0]  }
0x1f2: {  	v2 =	vmul.f32 v6, v3;
	v6 =	vld [tilespmem:s23+$0x0]  }
0x1f3: {  	v1 =	vld [tilespmem:s28+$0xFFFFFE80]  }
.Ltmp8:
0x1f4: {  	[tilespmem:s28+$0xFFFFFEF0] =	vst v2;
	v2 =	vld [tilespmem:s28+$0xFFFFFF00];
	v3 =	vmul.f32 v9, v8;
	(pc) =	sbr.rel @p1 .LBB2_9-.Ltmp8, $4  }
0x1f5: {  	v5 =	vmul.f32 v4, v7;
	v4 =	vld [tilespmem:s23+$0xFFFFFF00]  }
0x1f6: {  	[tilespmem:s28+$0xFFFFFF70] =	vst v3;
	v3 =	vld [tilespmem:s28+$0xFFFFFF80]  }
0x1f7: {  	[tilespmem:s28+$0xFFFFFE70] =	vst v5;
	v5 =	vld [tilespmem:s23+$0xFFFFFF80];
	v7 =	vmul.f32 v6, v10  }
0x1f8: {  	s28 =	sadd.s32 $0x200, s28;
	v6 =	vld [tilespmem:s23+$0xFFFFFE80]  }
0x1f9: {  	_ =	sdelay $0x1  }
0x1fa: {  	v2 =	vmul.f32 v4, v2  }
.Ltmp9:
0x1fb: {  	[tilespmem:s22+$0x0] =	vst v7;
	v3 =	vmul.f32 v5, v3;
	(pc) =	sbr.rel .LBB2_11-.Ltmp9, $4  }
0x1fc: {  	[tilespmem:s22+$0xFFFFFF00] =	vst v2;
	v1 =	vmul.f32 v6, v1  }
0x1fd: {  	[tilespmem:s22+$0xFFFFFF80] =	vst v3  }
0x1fe: {  	[tilespmem:s22+$0xFFFFFE80] =	vst v1  }
0x1ff: {  	[spmem:s2] =	stream.indirect.scatter.add.f32 [tilespmem:s20], [sflag:$0x8], $0x80, s19, s10, $0xb8;
	[tilespmem:$0x1DB80] =	vst v63  }
.LBB2_13:
0x200: {  	_ =	sfence.sel $0x180000  }
0x201: {  	[bflag:$0x0] =	sbarrier.arrive $0xFFFF  }
0x202: {  	_ =	strace $0x9000004A  }
0x203: {  	s0 =	stileid.u32;
	[bflag:$0x2] =	sbarrier.arrive $0xFFFF  }
0x204: {  	p0 =	sne.s32 s0, $0x0;
	s0 =	rddreg [dreg:$0x3]  }
0x205: {  	s0 =	sadd.s32 @!p0 $0x100000, s0  }
0x206: {  	[sflag:s0] =	ssyncadd.tile.s32 @!p0 $0x1;
	_ =	shalt  }
.Lfunc_end2:
_tile_overlayer_lowered:
.L_overlay_start_2:
0x207: {  	(tag) =	ssettag $0x2  }
0x208: {  	s0 =	rddreg [dreg:$0x0];
	s2 =	stileid.u32  }
0x209: {  	s1 =	rddreg [dreg:$0x1];
	p0 =	sne.s32 s2, $0x0  }
0x20a: {  	s3 =	rddreg [dreg:$0x2];
	[bflag:$0x3] =	sbarrier.arrive $0xFFFF;
	s2 =	simm.s32 @!p0 $0x1C09  }
0x20b: {  	[timem:s3], [sflag:s2] =	dma.local @!p0 [hbm:s0], s1  }
0x20c: {  	s0 =	simm.s32 @!p0 $0x9  }
0x20d: {  	_ =	swait.ge @!p0 [sflag:s0], s1  }
0x20e: {  	s1 =	ssub.s32 @!p0 $0x0, s1;
	[sflag:s0] =	ssyncset.done @!p0 $0x0  }
0x20f: {  	[sflag:s0] =	ssyncadd.s32 @!p0 s1  }
0x210: {  	[bflag:$0x3] =	sbarrier.arrive $0xFFFF  }
0x211: {  	_ =	shalt  }

</sc_bundles>
